<compile_context>
chip_gen: v7x
topology: tpu7x:2x2x1
jax: 0.10.2.dev20260603
libtpu: 0.0.44.dev20260713+nightly
codegen_flags: <defaults>
</compile_context>

<pallas_src>
import functools

import jax
import jax.numpy as jnp
from jax import lax
from jax.experimental import pallas as pl
from jax.experimental.pallas import tpu as pltpu
from jax.experimental.pallas import tpu_sc as plsc

_N = 10000
_E = 320000
_NPAD = 10240
_D_IN = 128
_D_H = 128
_D3 = 128
_NC = 2
_NS = 16
_NW = _NC * _NS
_EPW = _E // _NW
_CH = 80
_NIT = _EPW // _CH
_RPT = _NPAD // _NS
_BLK = 1280


def _sc_mesh():
    return plsc.VectorSubcoreMesh(core_axis_name="c", subcore_axis_name="s")



@functools.partial(
    pl.kernel,
    out_type=jax.ShapeDtypeStruct((_NC, 2, _NPAD), jnp.float32),
    mesh=_sc_mesh(),
    scratch_types=[
        pltpu.VMEM((_CH,), jnp.int32),
        pltpu.VMEM((_CH,), jnp.float32),
        pltpu.VMEM((_RPT,), jnp.float32),
        pltpu.VMEM_SHARED((_NPAD,), jnp.float32),
        pltpu.VMEM_SHARED((_NPAD,), jnp.float32),
    ],
)
def _degree_hist(src_hbm, dst_hbm, out_hbm, idx_v, ones_v, zbuf, acc_s, acc_d):
    c = lax.axis_index("c")
    s = lax.axis_index("s")
    wid = c * _NS + s

    def _fill_z(i, _):
        zbuf[pl.ds(i * 16, 16)] = jnp.zeros((16,), jnp.float32)
        return 0

    lax.fori_loop(0, _RPT // 16, _fill_z, 0)

    def _fill_o(i, _):
        ones_v[pl.ds(i * 16, 16)] = jnp.ones((16,), jnp.float32)
        return 0

    lax.fori_loop(0, _CH // 16, _fill_o, 0)

    row0 = s * _RPT
    pltpu.sync_copy(zbuf, acc_s.at[pl.ds(row0, _RPT)])
    pltpu.sync_copy(zbuf, acc_d.at[pl.ds(row0, _RPT)])
    plsc.subcore_barrier()

    def _body(j, _):
        base = wid * _EPW + j * _CH
        pltpu.sync_copy(src_hbm.at[pl.ds(base, _CH)], idx_v)
        pltpu.sync_copy(ones_v, acc_s.at[idx_v], add=True)
        pltpu.sync_copy(dst_hbm.at[pl.ds(base, _CH)], idx_v)
        pltpu.sync_copy(ones_v, acc_d.at[idx_v], add=True)
        return 0

    lax.fori_loop(0, _NIT, _body, 0)

    plsc.subcore_barrier()
    pltpu.sync_copy(acc_s.at[pl.ds(row0, _RPT)], out_hbm.at[c, 0, pl.ds(row0, _RPT)])
    pltpu.sync_copy(acc_d.at[pl.ds(row0, _RPT)], out_hbm.at[c, 1, pl.ds(row0, _RPT)])


def _make_edge_pass(D):
    @functools.partial(
        pl.kernel,
        out_type=jax.ShapeDtypeStruct((_NC, _NPAD, D), jnp.float32),
        mesh=_sc_mesh(),
        scratch_types=[
            pltpu.VMEM((_CH,), jnp.int32),
            pltpu.VMEM((_CH,), jnp.int32),
            pltpu.VMEM((_CH,), jnp.int32),
            pltpu.VMEM((_CH,), jnp.int32),
            pltpu.VMEM((_CH, D), jnp.float32),
            pltpu.VMEM((_CH, D), jnp.float32),
            pltpu.VMEM_SHARED((_NPAD, D), jnp.float32),
            pltpu.SemaphoreType.DMA,
            pltpu.SemaphoreType.DMA,
        ],
    )
    def _edge_pass(t_hbm, src_hbm, dst_hbm, out_hbm, s0, d0, s1, d1, r0, r1,
                   acc, gsem, ssem):
        c = lax.axis_index("c")
        s = lax.axis_index("s")
        wid = c * _NS + s

        def _zrow(r, _):
            for k in range(D // 16):
                r0[r, pl.ds(k * 16, 16)] = jnp.zeros((16,), jnp.float32)
            return 0

        lax.fori_loop(0, _CH, _zrow, 0)
        row0 = s * _RPT
        for k in range(_RPT // _CH):
            pltpu.sync_copy(r0, acc.at[pl.ds(row0 + k * _CH, _CH)])
        plsc.subcore_barrier()

        def _load_idx(j, sv, dv):
            base = wid * _EPW + j * _CH
            pltpu.sync_copy(src_hbm.at[pl.ds(base, _CH)], sv)
            pltpu.sync_copy(dst_hbm.at[pl.ds(base, _CH)], dv)

        _load_idx(0, s0, d0)
        pltpu.async_copy(t_hbm.at[s0], r0, gsem)
        _load_idx(1, s1, d1)
        pltpu.make_async_copy(t_hbm.at[s0], r0, gsem).wait()
        pltpu.async_copy(r0, acc.at[d0], ssem, add=True)
        pltpu.async_copy(t_hbm.at[s1], r1, gsem)

        def _body(j, sa, da, ra, sb, db, rb, more):
            pltpu.make_async_copy(rb, acc.at[db], ssem).wait()

            def _prefetch():
                _load_idx(j + 1, sb, db)

            if more is True:
                _prefetch()
            else:
                pl.when(more)(_prefetch)
            pltpu.make_async_copy(t_hbm.at[sa], ra, gsem).wait()
            pltpu.async_copy(ra, acc.at[da], ssem, add=True)

            def _next_gather():
                pltpu.async_copy(t_hbm.at[sb], rb, gsem)

            if more is True:
                _next_gather()
            else:
                pl.when(more)(_next_gather)

        def _pair(i, _):
            j0 = 2 * i + 1
            j1 = j0 + 1
            _body(j0, s1, d1, r1, s0, d0, r0, True)
            _body(j1, s0, d0, r0, s1, d1, r1, j1 + 1 < _NIT)
            return 0

        lax.fori_loop(0, (_NIT - 1) // 2, _pair, 0)

        pltpu.make_async_copy(r0, acc.at[d0], ssem).wait()
        plsc.subcore_barrier()

        for k in range(_RPT // _CH):
            r = row0 + k * _CH
            pltpu.sync_copy(acc.at[pl.ds(r, _CH)], out_hbm.at[c, pl.ds(r, _CH)])

    return _edge_pass


_edge_pass_h = _make_edge_pass(_D_H)



def _stage_a_body(hist_ref, x_ref, w1_ref, ns_ref, nd_ref, t1_ref):
    h = hist_ref[...]
    deg_out = h[0, 0] + h[1, 0]
    deg_in = h[0, 1] + h[1, 1]
    ns = lax.rsqrt(jnp.maximum(deg_out, 1.0))
    nd = lax.rsqrt(jnp.maximum(deg_in, 1.0))
    ns_ref[...] = ns
    nd_ref[...] = nd
    t1_ref[...] = jnp.dot(x_ref[...] * ns, w1_ref[...],
                          preferred_element_type=jnp.float32)


def _stage_mid_body(p_ref, nd_ref, b_ref, hprev_ref, ns_ref, w_ref,
                    hnew_ref, tnext_ref):
    p = p_ref[...]
    agg = (p[0] + p[1]) * nd_ref[...] + b_ref[...]
    hnew = jnp.maximum(agg, 0.0) + hprev_ref[...]
    hnew_ref[...] = hnew
    tnext_ref[...] = jnp.dot(hnew * ns_ref[...], w_ref[...],
                             preferred_element_type=jnp.float32)


def _stage_d_body(p_ref, nd_ref, b_ref, out_ref):
    p = p_ref[...]
    out_ref[...] = (p[0, :, :40] + p[1, :, :40]) * nd_ref[...] + b_ref[...]


def _row_spec(d):
    return pl.BlockSpec((_BLK, d), lambda i: (i, 0))


def _stage_a(hist4, x_pad, W1):
    return pl.pallas_call(
        _stage_a_body,
        grid=(_NPAD // _BLK,),
        in_specs=[
            pl.BlockSpec((_NC, 2, _BLK, 1), lambda i: (0, 0, i, 0)),
            _row_spec(_D_IN),
            pl.BlockSpec((_D_IN, _D_H), lambda i: (0, 0)),
        ],
        out_specs=[_row_spec(1), _row_spec(1), _row_spec(_D_H)],
        out_shape=[
            jax.ShapeDtypeStruct((_NPAD, 1), jnp.float32),
            jax.ShapeDtypeStruct((_NPAD, 1), jnp.float32),
            jax.ShapeDtypeStruct((_NPAD, _D_H), jnp.float32),
        ],
    )(hist4, x_pad, W1)


def _stage_mid(P, nd, b, h_prev, ns, W_next, d_next):
    return pl.pallas_call(
        _stage_mid_body,
        grid=(_NPAD // _BLK,),
        in_specs=[
            pl.BlockSpec((_NC, _BLK, _D_H), lambda i: (0, i, 0)),
            _row_spec(1),
            pl.BlockSpec((1, _D_H), lambda i: (0, 0)),
            _row_spec(_D_H),
            _row_spec(1),
            pl.BlockSpec((_D_H, d_next), lambda i: (0, 0)),
        ],
        out_specs=[_row_spec(_D_H), _row_spec(d_next)],
        out_shape=[
            jax.ShapeDtypeStruct((_NPAD, _D_H), jnp.float32),
            jax.ShapeDtypeStruct((_NPAD, d_next), jnp.float32),
        ],
    )(P, nd, b, h_prev, ns, W_next)


def _stage_d(P, nd, b3):
    return pl.pallas_call(
        _stage_d_body,
        grid=(_NPAD // _BLK,),
        in_specs=[
            pl.BlockSpec((_NC, _BLK, _D3), lambda i: (0, i, 0)),
            _row_spec(1),
            pl.BlockSpec((1, 40), lambda i: (0, 0)),
        ],
        out_specs=_row_spec(40),
        out_shape=jax.ShapeDtypeStruct((_NPAD, 40), jnp.float32),
    )(P, nd, b3)



def kernel(x, edge_index, W1, b1, W2, b2, W3, b3):
    src = edge_index[0]
    dst = edge_index[1]
    x_pad = jnp.pad(x, ((0, _NPAD - _N), (0, 0)))
    W3p = jnp.pad(W3, ((0, 0), (0, _D3 - 40)))
    b1r = b1.reshape(1, _D_H)
    b2r = b2.reshape(1, _D_H)
    b3r = b3.reshape(1, 40)

    hist = _degree_hist(src, dst)
    hist4 = hist.reshape(_NC, 2, _NPAD, 1)
    ns, nd, t1 = _stage_a(hist4, x_pad, W1)

    P1 = _edge_pass_h(t1, src, dst)
    h1, t2 = _stage_mid(P1, nd, b1r, x_pad, ns, W2, _D_H)

    P2 = _edge_pass_h(t2, src, dst)
    _, t3 = _stage_mid(P2, nd, b2r, h1, ns, W3p, _D3)

    P3 = _edge_pass_h(t3, src, dst)
    out = _stage_d(P3, nd, b3r)
    return out[:_N]

# --- scband reference (transcript-rebuilt; emitter-appended) ---
"""Pipeline reference for scband-gcn-48198122995861 (READ-ONLY COPY).

The authoritative reference and input builder live on the scoring server;
editing this copy changes nothing except your own understanding.
"""

import jax, jax.numpy as jnp
import numpy as np

N = 10000
E = 320000
D_IN = 128
D_H = 128
D_OUT = 40


def setup_inputs(seed: int = 0) -> dict:
    key = jax.random.key(seed)
    ks = jax.random.split(key, 9)
    x = jax.random.normal(ks[0], (N, D_IN), dtype=jnp.float32)
    edge_index = jax.random.randint(ks[1], (2, E), 0, N, dtype=jnp.int32)
    W1 = jax.random.normal(ks[2], (D_IN, D_H), dtype=jnp.float32) * (1.0 / np.sqrt(D_IN))
    b1 = jnp.zeros((D_H,), dtype=jnp.float32)
    W2 = jax.random.normal(ks[3], (D_H, D_H), dtype=jnp.float32) * (1.0 / np.sqrt(D_H))
    b2 = jnp.zeros((D_H,), dtype=jnp.float32)
    W3 = jax.random.normal(ks[4], (D_H, D_OUT), dtype=jnp.float32) * (1.0 / np.sqrt(D_H))
    b3 = jnp.zeros((D_OUT,), dtype=jnp.float32)
    return {"x": x, "edge_index": edge_index, "W1": W1, "b1": b1,
            "W2": W2, "b2": b2, "W3": W3, "b3": b3}


def _gcn_layer(h, src, dst, norm_src, norm_dst, W, b):
    # DGL GraphConv with norm='both': D^{-1/2} A D^{-1/2} X W + b
    h = h * norm_src[:, None]
    m = jnp.take(h, src, axis=0)              # gather per-edge messages
    agg = jax.ops.segment_sum(m, dst, num_segments=N)  # scatter-add to dst nodes
    agg = agg * norm_dst[:, None]
    return agg @ W + b


def reference(x, edge_index, W1, b1, W2, b2, W3, b3):
    src = edge_index[0]
    dst = edge_index[1]
    ones = jnp.ones((E,), dtype=jnp.float32)
    deg_out = jax.ops.segment_sum(ones, src, num_segments=N)
    deg_in = jax.ops.segment_sum(ones, dst, num_segments=N)
    norm_src = jnp.where(deg_out > 0, deg_out, 1.0) ** -0.5
    norm_dst = jnp.where(deg_in > 0, deg_in, 1.0) ** -0.5

    h = x
    # layer 1: GraphConv + relu, residual (128 -> 128, shapes match)
    h1 = jax.nn.relu(_gcn_layer(h, src, dst, norm_src, norm_dst, W1, b1))
    h1 = h1 + h
    # layer 2: GraphConv + relu, residual
    h2 = jax.nn.relu(_gcn_layer(h1, src, dst, norm_src, norm_dst, W2, b2))
    h2 = h2 + h1
    # layer 3: GraphConv, no activation, no residual (128 -> 40)
    h3 = _gcn_layer(h2, src, dst, norm_src, norm_dst, W3, b3)
    return h3

if __name__ == "__main__":
    import jax
    _d = setup_inputs()
    print(jax.jit(kernel)(*tuple(_d.values())))

</pallas_src>

<mosaic_0001>
#map = affine_map<(d0, d1) -> (0)>
#map1 = affine_map<(d0, d1) -> (0, 0, 0)>
module attributes {stable_mosaic.version = 14 : i64} {
  func.func @_degree_hist(%arg0: i32, %arg1: i32, %arg2: memref<320000xi32, #tpu.memory_space<hbm>>, %arg3: memref<320000xi32, #tpu.memory_space<hbm>>, %arg4: memref<2x2x10240xf32, #tpu.memory_space<hbm>>, %arg5: memref<80xi32, #tpu.memory_space<vmem>>, %arg6: memref<80xf32, #tpu.memory_space<vmem>>, %arg7: memref<640xf32, #tpu.memory_space<vmem>>, %arg8: memref<10240xf32, #tpu.memory_space<vmem_shared>>, %arg9: memref<10240xf32, #tpu.memory_space<vmem_shared>>) attributes {dimension_semantics = [#tpu.dimension_semantics<core_parallel>, #tpu.dimension_semantics<subcore_parallel>], iteration_bounds = array<i64: 2, 16>, scalar_prefetch = 0 : i64, scratch_operands = 5 : i64, tpu.core_type = #tpu.core_type<sc_vector_subcore>, window_params = [{transform_indices = #map}, {transform_indices = #map}, {transform_indices = #map1}]} {
    %mul3A = arith.constant 16 : i32
    %mul3A_0 = arith.muli %arg0, %mul3A : i32
    %add3A = arith.addi %mul3A_0, %arg1 : i32
    %scan3A = arith.constant 0 : i32
    %scan3A_1 = arith.constant 0 : i32
    %scan3A_2 = arith.constant 40 : i32
    %scan3A_3 = arith.addi %scan3A_1, %scan3A_2 : i32
    %scan3A_4 = arith.constant 1 : i32
    %scan3A_5 = scf.for %scan3A_25 = %scan3A_1 to %scan3A_3 step %scan3A_4 iter_args(%scan3A_26 = %scan3A) -> (i32)  : i32 {
      %broadcast_in_dim3A = arith.constant 0.000000e+00 : f32
      %broadcast_in_dim3A_27 = vector.broadcast %broadcast_in_dim3A : f32 to vector<16xf32>
      %mul3A_28 = arith.constant 16 : i32
      %mul3A_29 = arith.muli %scan3A_25, %mul3A_28 : i32
      %swap3A = arith.index_cast %mul3A_29 : i32 to index
      %swap3A_30 = tpu.vector_load %arg7[%swap3A] {strides = array<i32>} : memref<640xf32, #tpu.memory_space<vmem>>, vector<16xf32>,
      %swap3A_31 = vector.shape_cast %swap3A_30 : vector<16xf32> to vector<16xf32>
      %swap3A_32 = vector.shape_cast %broadcast_in_dim3A_27 : vector<16xf32> to vector<16xf32>
      tpu.vector_store %arg7[%swap3A], %swap3A_32 {strides = array<i32>} : memref<640xf32, #tpu.memory_space<vmem>>, vector<16xf32>,
      %scan3A_33 = arith.constant 0 : i32
      scf.yield %scan3A_33 : i32
    }
    %scan3A_6 = arith.constant 40 : i32
    %scan3A_7 = arith.constant 0 : i32
    %scan3A_8 = arith.constant 0 : i32
    %scan3A_9 = arith.constant 5 : i32
    %scan3A_10 = arith.addi %scan3A_8, %scan3A_9 : i32
    %scan3A_11 = arith.constant 1 : i32
    %scan3A_12 = scf.for %scan3A_25 = %scan3A_8 to %scan3A_10 step %scan3A_11 iter_args(%scan3A_26 = %scan3A_7) -> (i32)  : i32 {
      %broadcast_in_dim3A = arith.constant 1.000000e+00 : f32
      %broadcast_in_dim3A_27 = vector.broadcast %broadcast_in_dim3A : f32 to vector<16xf32>
      %mul3A_28 = arith.constant 16 : i32
      %mul3A_29 = arith.muli %scan3A_25, %mul3A_28 : i32
      %swap3A = arith.index_cast %mul3A_29 : i32 to index
      %swap3A_30 = tpu.vector_load %arg6[%swap3A] {strides = array<i32>} : memref<80xf32, #tpu.memory_space<vmem>>, vector<16xf32>,
      %swap3A_31 = vector.shape_cast %swap3A_30 : vector<16xf32> to vector<16xf32>
      %swap3A_32 = vector.shape_cast %broadcast_in_dim3A_27 : vector<16xf32> to vector<16xf32>
      tpu.vector_store %arg6[%swap3A], %swap3A_32 {strides = array<i32>} : memref<80xf32, #tpu.memory_space<vmem>>, vector<16xf32>,
      %scan3A_33 = arith.constant 0 : i32
      scf.yield %scan3A_33 : i32
    }
    %scan3A_13 = arith.constant 5 : i32
    %mul3A_14 = arith.constant 640 : i32
    %mul3A_15 = arith.muli %arg1, %mul3A_14 : i32
    "tpu.region"() ({
      %run_scoped3A_25 = tpu.sem_alloc : memref<!tpu.dma_semaphore, #tpu.memory_space<semaphore_mem>>
      %dma_start3A = tpu.memref_slice %arg8[%mul3A_15] : memref<10240xf32, #tpu.memory_space<vmem_shared>> -> memref<640xf32, #tpu.memory_space<vmem_shared>>
      %dma_start3A_26 = tpu.memref_slice %arg8[%mul3A_15] : memref<10240xf32, #tpu.memory_space<vmem_shared>> -> memref<640xf32, #tpu.memory_space<vmem_shared>>
      tpu.enqueue_dma source(%arg7 : memref<640xf32, #tpu.memory_space<vmem>>) target(%dma_start3A_26 : memref<640xf32, #tpu.memory_space<vmem_shared>>) target_semaphore(%run_scoped3A_25 : memref<!tpu.dma_semaphore, #tpu.memory_space<semaphore_mem>>)
      %dma_wait3A = tpu.memref_slice %arg8[%mul3A_15] : memref<10240xf32, #tpu.memory_space<vmem_shared>> -> memref<640xf32, #tpu.memory_space<vmem_shared>>
      %dma_wait3A_27 = tpu.memref_slice %arg8[%mul3A_15] : memref<10240xf32, #tpu.memory_space<vmem_shared>> -> memref<640xf32, #tpu.memory_space<vmem_shared>>
      tpu.wait_dma2 semaphore(%run_scoped3A_25 : memref<!tpu.dma_semaphore, #tpu.memory_space<semaphore_mem>>) src(%arg7 : memref<640xf32, #tpu.memory_space<vmem>>) dst(%dma_wait3A_27 : memref<640xf32, #tpu.memory_space<vmem_shared>>)
      tpu.yield
    }) : () -> ()
    "tpu.region"() ({
      %run_scoped3A_25 = tpu.sem_alloc : memref<!tpu.dma_semaphore, #tpu.memory_space<semaphore_mem>>
      %dma_start3A = tpu.memref_slice %arg9[%mul3A_15] : memref<10240xf32, #tpu.memory_space<vmem_shared>> -> memref<640xf32, #tpu.memory_space<vmem_shared>>
      %dma_start3A_26 = tpu.memref_slice %arg9[%mul3A_15] : memref<10240xf32, #tpu.memory_space<vmem_shared>> -> memref<640xf32, #tpu.memory_space<vmem_shared>>
      tpu.enqueue_dma source(%arg7 : memref<640xf32, #tpu.memory_space<vmem>>) target(%dma_start3A_26 : memref<640xf32, #tpu.memory_space<vmem_shared>>) target_semaphore(%run_scoped3A_25 : memref<!tpu.dma_semaphore, #tpu.memory_space<semaphore_mem>>)
      %dma_wait3A = tpu.memref_slice %arg9[%mul3A_15] : memref<10240xf32, #tpu.memory_space<vmem_shared>> -> memref<640xf32, #tpu.memory_space<vmem_shared>>
      %dma_wait3A_27 = tpu.memref_slice %arg9[%mul3A_15] : memref<10240xf32, #tpu.memory_space<vmem_shared>> -> memref<640xf32, #tpu.memory_space<vmem_shared>>
      tpu.wait_dma2 semaphore(%run_scoped3A_25 : memref<!tpu.dma_semaphore, #tpu.memory_space<semaphore_mem>>) src(%arg7 : memref<640xf32, #tpu.memory_space<vmem>>) dst(%dma_wait3A_27 : memref<640xf32, #tpu.memory_space<vmem_shared>>)
      tpu.yield
    }) : () -> ()
    %barrier3A = arith.constant 0 : index
    tpu.barrier barrier_id(%barrier3A)
    %scan3A_16 = arith.constant 0 : i32
    %scan3A_17 = arith.constant 0 : i32
    %scan3A_18 = arith.constant 125 : i32
    %scan3A_19 = arith.addi %scan3A_17, %scan3A_18 : i32
    %scan3A_20 = arith.constant 1 : i32
    %scan3A_21 = scf.for %scan3A_25 = %scan3A_17 to %scan3A_19 step %scan3A_20 iter_args(%scan3A_26 = %scan3A_16) -> (i32)  : i32 {
      %mul3A_27 = arith.constant 10000 : i32
      %mul3A_28 = arith.muli %add3A, %mul3A_27 : i32
      %mul3A_29 = arith.constant 80 : i32
      %mul3A_30 = arith.muli %scan3A_25, %mul3A_29 : i32
      %add3A_31 = arith.addi %mul3A_28, %mul3A_30 : i32
      "tpu.region"() ({
        %run_scoped3A_33 = tpu.sem_alloc : memref<!tpu.dma_semaphore, #tpu.memory_space<semaphore_mem>>
        %dma_start3A = tpu.memref_slice %arg2[%add3A_31] : memref<320000xi32, #tpu.memory_space<hbm>> -> memref<80xi32, #tpu.memory_space<hbm>>
        %dma_start3A_34 = tpu.memref_slice %arg2[%add3A_31] : memref<320000xi32, #tpu.memory_space<hbm>> -> memref<80xi32, #tpu.memory_space<hbm>>
        tpu.enqueue_dma source(%dma_start3A_34 : memref<80xi32, #tpu.memory_space<hbm>>) target(%arg5 : memref<80xi32, #tpu.memory_space<vmem>>) target_semaphore(%run_scoped3A_33 : memref<!tpu.dma_semaphore, #tpu.memory_space<semaphore_mem>>)
        %dma_wait3A = tpu.memref_slice %arg2[%add3A_31] : memref<320000xi32, #tpu.memory_space<hbm>> -> memref<80xi32, #tpu.memory_space<hbm>>
        %dma_wait3A_35 = tpu.memref_slice %arg2[%add3A_31] : memref<320000xi32, #tpu.memory_space<hbm>> -> memref<80xi32, #tpu.memory_space<hbm>>
        tpu.wait_dma2 semaphore(%run_scoped3A_33 : memref<!tpu.dma_semaphore, #tpu.memory_space<semaphore_mem>>) src(%dma_wait3A_35 : memref<80xi32, #tpu.memory_space<hbm>>) dst(%arg5 : memref<80xi32, #tpu.memory_space<vmem>>)
        tpu.yield
      }) : () -> ()
      "tpu.region"() ({
        %run_scoped3A_33 = tpu.sem_alloc : memref<!tpu.dma_semaphore, #tpu.memory_space<semaphore_mem>>
        %dma_start3A = arith.constant 0 : i32
        %dma_start3A_34 = tpu.memref_slice %arg8[%dma_start3A] : memref<10240xf32, #tpu.memory_space<vmem_shared>> -> memref<10240xf32, #tpu.memory_space<vmem_shared>>
        tpu.enqueue_indirect_dma source(%arg6 : memref<80xf32, #tpu.memory_space<vmem>>) target(%dma_start3A_34 : memref<10240xf32, #tpu.memory_space<vmem_shared>>) offsets(%arg5 : memref<80xi32, #tpu.memory_space<vmem>>) semaphore(%run_scoped3A_33 : memref<!tpu.dma_semaphore, #tpu.memory_space<semaphore_mem>>) {add = true}
        %dma_wait3A = arith.constant 0 : i32
        %dma_wait3A_35 = tpu.memref_slice %arg8[%dma_wait3A] : memref<10240xf32, #tpu.memory_space<vmem_shared>> -> memref<10240xf32, #tpu.memory_space<vmem_shared>>
        tpu.wait_indirect_dma semaphore(%run_scoped3A_33 : memref<!tpu.dma_semaphore, #tpu.memory_space<semaphore_mem>>) src(%arg6 : memref<80xf32, #tpu.memory_space<vmem>>) dst(%dma_wait3A_35 : memref<10240xf32, #tpu.memory_space<vmem_shared>>)
        tpu.yield
      }) : () -> ()
      "tpu.region"() ({
        %run_scoped3A_33 = tpu.sem_alloc : memref<!tpu.dma_semaphore, #tpu.memory_space<semaphore_mem>>
        %dma_start3A = tpu.memref_slice %arg3[%add3A_31] : memref<320000xi32, #tpu.memory_space<hbm>> -> memref<80xi32, #tpu.memory_space<hbm>>
        %dma_start3A_34 = tpu.memref_slice %arg3[%add3A_31] : memref<320000xi32, #tpu.memory_space<hbm>> -> memref<80xi32, #tpu.memory_space<hbm>>
        tpu.enqueue_dma source(%dma_start3A_34 : memref<80xi32, #tpu.memory_space<hbm>>) target(%arg5 : memref<80xi32, #tpu.memory_space<vmem>>) target_semaphore(%run_scoped3A_33 : memref<!tpu.dma_semaphore, #tpu.memory_space<semaphore_mem>>)
        %dma_wait3A = tpu.memref_slice %arg3[%add3A_31] : memref<320000xi32, #tpu.memory_space<hbm>> -> memref<80xi32, #tpu.memory_space<hbm>>
        %dma_wait3A_35 = tpu.memref_slice %arg3[%add3A_31] : memref<320000xi32, #tpu.memory_space<hbm>> -> memref<80xi32, #tpu.memory_space<hbm>>
        tpu.wait_dma2 semaphore(%run_scoped3A_33 : memref<!tpu.dma_semaphore, #tpu.memory_space<semaphore_mem>>) src(%dma_wait3A_35 : memref<80xi32, #tpu.memory_space<hbm>>) dst(%arg5 : memref<80xi32, #tpu.memory_space<vmem>>)
        tpu.yield
      }) : () -> ()
      "tpu.region"() ({
        %run_scoped3A_33 = tpu.sem_alloc : memref<!tpu.dma_semaphore, #tpu.memory_space<semaphore_mem>>
        %dma_start3A = arith.constant 0 : i32
        %dma_start3A_34 = tpu.memref_slice %arg9[%dma_start3A] : memref<10240xf32, #tpu.memory_space<vmem_shared>> -> memref<10240xf32, #tpu.memory_space<vmem_shared>>
        tpu.enqueue_indirect_dma source(%arg6 : memref<80xf32, #tpu.memory_space<vmem>>) target(%dma_start3A_34 : memref<10240xf32, #tpu.memory_space<vmem_shared>>) offsets(%arg5 : memref<80xi32, #tpu.memory_space<vmem>>) semaphore(%run_scoped3A_33 : memref<!tpu.dma_semaphore, #tpu.memory_space<semaphore_mem>>) {add = true}
        %dma_wait3A = arith.constant 0 : i32
        %dma_wait3A_35 = tpu.memref_slice %arg9[%dma_wait3A] : memref<10240xf32, #tpu.memory_space<vmem_shared>> -> memref<10240xf32, #tpu.memory_space<vmem_shared>>
        tpu.wait_indirect_dma semaphore(%run_scoped3A_33 : memref<!tpu.dma_semaphore, #tpu.memory_space<semaphore_mem>>) src(%arg6 : memref<80xf32, #tpu.memory_space<vmem>>) dst(%dma_wait3A_35 : memref<10240xf32, #tpu.memory_space<vmem_shared>>)
        tpu.yield
      }) : () -> ()
      %scan3A_32 = arith.constant 0 : i32
      scf.yield %scan3A_32 : i32
    }
    %scan3A_22 = arith.constant 125 : i32
    %barrier3A_23 = arith.constant 0 : index
    tpu.barrier barrier_id(%barrier3A_23)
    %run_scoped3A = arith.constant 0 : i32
    "tpu.region"() ({
      %run_scoped3A_25 = tpu.sem_alloc : memref<!tpu.dma_semaphore, #tpu.memory_space<semaphore_mem>>
      %dma_start3A = tpu.memref_slice %arg4[%arg0, %run_scoped3A, %mul3A_15] : memref<2x2x10240xf32, #tpu.memory_space<hbm>> -> memref<1x1x640xf32, #tpu.memory_space<hbm>>
      %dma_start3A_26 = tpu.memref_squeeze %dma_start3A : memref<1x1x640xf32, #tpu.memory_space<hbm>> -> memref<640xf32, #tpu.memory_space<hbm>>
      %dma_start3A_27 = tpu.memref_slice %arg8[%mul3A_15] : memref<10240xf32, #tpu.memory_space<vmem_shared>> -> memref<640xf32, #tpu.memory_space<vmem_shared>>
      tpu.enqueue_dma source(%dma_start3A_27 : memref<640xf32, #tpu.memory_space<vmem_shared>>) target(%dma_start3A_26 : memref<640xf32, #tpu.memory_space<hbm>>) target_semaphore(%run_scoped3A_25 : memref<!tpu.dma_semaphore, #tpu.memory_space<semaphore_mem>>)
      %dma_wait3A = tpu.memref_slice %arg4[%arg0, %run_scoped3A, %mul3A_15] : memref<2x2x10240xf32, #tpu.memory_space<hbm>> -> memref<1x1x640xf32, #tpu.memory_space<hbm>>
      %dma_wait3A_28 = tpu.memref_squeeze %dma_wait3A : memref<1x1x640xf32, #tpu.memory_space<hbm>> -> memref<640xf32, #tpu.memory_space<hbm>>
      %dma_wait3A_29 = tpu.memref_slice %arg8[%mul3A_15] : memref<10240xf32, #tpu.memory_space<vmem_shared>> -> memref<640xf32, #tpu.memory_space<vmem_shared>>
      tpu.wait_dma2 semaphore(%run_scoped3A_25 : memref<!tpu.dma_semaphore, #tpu.memory_space<semaphore_mem>>) src(%dma_wait3A_29 : memref<640xf32, #tpu.memory_space<vmem_shared>>) dst(%dma_wait3A_28 : memref<640xf32, #tpu.memory_space<hbm>>)
      tpu.yield
    }) : () -> ()
    %run_scoped3A_24 = arith.constant 1 : i32
    "tpu.region"() ({
      %run_scoped3A_25 = tpu.sem_alloc : memref<!tpu.dma_semaphore, #tpu.memory_space<semaphore_mem>>
      %dma_start3A = tpu.memref_slice %arg4[%arg0, %run_scoped3A_24, %mul3A_15] : memref<2x2x10240xf32, #tpu.memory_space<hbm>> -> memref<1x1x640xf32, #tpu.memory_space<hbm>>
      %dma_start3A_26 = tpu.memref_squeeze %dma_start3A : memref<1x1x640xf32, #tpu.memory_space<hbm>> -> memref<640xf32, #tpu.memory_space<hbm>>
      %dma_start3A_27 = tpu.memref_slice %arg9[%mul3A_15] : memref<10240xf32, #tpu.memory_space<vmem_shared>> -> memref<640xf32, #tpu.memory_space<vmem_shared>>
      tpu.enqueue_dma source(%dma_start3A_27 : memref<640xf32, #tpu.memory_space<vmem_shared>>) target(%dma_start3A_26 : memref<640xf32, #tpu.memory_space<hbm>>) target_semaphore(%run_scoped3A_25 : memref<!tpu.dma_semaphore, #tpu.memory_space<semaphore_mem>>)
      %dma_wait3A = tpu.memref_slice %arg4[%arg0, %run_scoped3A_24, %mul3A_15] : memref<2x2x10240xf32, #tpu.memory_space<hbm>> -> memref<1x1x640xf32, #tpu.memory_space<hbm>>
      %dma_wait3A_28 = tpu.memref_squeeze %dma_wait3A : memref<1x1x640xf32, #tpu.memory_space<hbm>> -> memref<640xf32, #tpu.memory_space<hbm>>
      %dma_wait3A_29 = tpu.memref_slice %arg9[%mul3A_15] : memref<10240xf32, #tpu.memory_space<vmem_shared>> -> memref<640xf32, #tpu.memory_space<vmem_shared>>
      tpu.wait_dma2 semaphore(%run_scoped3A_25 : memref<!tpu.dma_semaphore, #tpu.memory_space<semaphore_mem>>) src(%dma_wait3A_29 : memref<640xf32, #tpu.memory_space<vmem_shared>>) dst(%dma_wait3A_28 : memref<640xf32, #tpu.memory_space<hbm>>)
      tpu.yield
    }) : () -> ()
    return
  }
}

#map = affine_map<(d0, d1) -> (0, 0)>
#map1 = affine_map<(d0, d1) -> (0)>
#map2 = affine_map<(d0, d1) -> (0, 0, 0)>
module attributes {stable_mosaic.version = 14 : i64} {
  func.func @_edge_pass(%arg0: i32, %arg1: i32, %arg2: memref<10240x128xf32, #tpu.memory_space<hbm>>, %arg3: memref<320000xi32, #tpu.memory_space<hbm>>, %arg4: memref<320000xi32, #tpu.memory_space<hbm>>, %arg5: memref<2x10240x128xf32, #tpu.memory_space<hbm>>, %arg6: memref<80xi32, #tpu.memory_space<vmem>>, %arg7: memref<80xi32, #tpu.memory_space<vmem>>, %arg8: memref<80xi32, #tpu.memory_space<vmem>>, %arg9: memref<80xi32, #tpu.memory_space<vmem>>, %arg10: memref<80x128xf32, #tpu.memory_space<vmem>>, %arg11: memref<80x128xf32, #tpu.memory_space<vmem>>, %arg12: memref<10240x128xf32, #tpu.memory_space<vmem_shared>>, %arg13: memref<!tpu.dma_semaphore, #tpu.memory_space<semaphore_mem>>, %arg14: memref<!tpu.dma_semaphore, #tpu.memory_space<semaphore_mem>>) attributes {dimension_semantics = [#tpu.dimension_semantics<core_parallel>, #tpu.dimension_semantics<subcore_parallel>], iteration_bounds = array<i64: 2, 16>, scalar_prefetch = 0 : i64, scratch_operands = 9 : i64, tpu.core_type = #tpu.core_type<sc_vector_subcore>, window_params = [{transform_indices = #map}, {transform_indices = #map1}, {transform_indices = #map1}, {transform_indices = #map2}]} {
    %mul3A = arith.constant 16 : i32
    %mul3A_0 = arith.muli %arg0, %mul3A : i32
    %add3A = arith.addi %mul3A_0, %arg1 : i32
    %scan3A = arith.constant 0 : i32
    %scan3A_1 = arith.constant 0 : i32
    %scan3A_2 = arith.constant 80 : i32
    %scan3A_3 = arith.addi %scan3A_1, %scan3A_2 : i32
    %scan3A_4 = arith.constant 1 : i32
    %scan3A_5 = scf.for %scan3A_70 = %scan3A_1 to %scan3A_3 step %scan3A_4 iter_args(%scan3A_71 = %scan3A) -> (i32)  : i32 {
      %broadcast_in_dim3A = arith.constant 0.000000e+00 : f32
      %broadcast_in_dim3A_72 = vector.broadcast %broadcast_in_dim3A : f32 to vector<16xf32>
      %swap3A = arith.index_cast %scan3A_70 : i32 to index
      %swap3A_73 = arith.constant 0 : index
      %swap3A_74 = tpu.vector_load %arg10[%swap3A, %swap3A_73] {strides = array<i32>} : memref<80x128xf32, #tpu.memory_space<vmem>>, vector<1x16xf32>,
      %swap3A_75 = vector.shape_cast %swap3A_74 : vector<1x16xf32> to vector<16xf32>
      %swap3A_76 = vector.shape_cast %broadcast_in_dim3A_72 : vector<16xf32> to vector<1x16xf32>
      tpu.vector_store %arg10[%swap3A, %swap3A_73], %swap3A_76 {strides = array<i32>} : memref<80x128xf32, #tpu.memory_space<vmem>>, vector<1x16xf32>,
      %broadcast_in_dim3A_77 = arith.constant 0.000000e+00 : f32
      %broadcast_in_dim3A_78 = vector.broadcast %broadcast_in_dim3A_77 : f32 to vector<16xf32>
      %swap3A_79 = arith.index_cast %scan3A_70 : i32 to index
      %swap3A_80 = arith.constant 16 : index
      %swap3A_81 = tpu.vector_load %arg10[%swap3A_79, %swap3A_80] {strides = array<i32>} : memref<80x128xf32, #tpu.memory_space<vmem>>, vector<1x16xf32>,
      %swap3A_82 = vector.shape_cast %swap3A_81 : vector<1x16xf32> to vector<16xf32>
      %swap3A_83 = vector.shape_cast %broadcast_in_dim3A_78 : vector<16xf32> to vector<1x16xf32>
      tpu.vector_store %arg10[%swap3A_79, %swap3A_80], %swap3A_83 {strides = array<i32>} : memref<80x128xf32, #tpu.memory_space<vmem>>, vector<1x16xf32>,
      %broadcast_in_dim3A_84 = arith.constant 0.000000e+00 : f32
      %broadcast_in_dim3A_85 = vector.broadcast %broadcast_in_dim3A_84 : f32 to vector<16xf32>
      %swap3A_86 = arith.index_cast %scan3A_70 : i32 to index
      %swap3A_87 = arith.constant 32 : index
      %swap3A_88 = tpu.vector_load %arg10[%swap3A_86, %swap3A_87] {strides = array<i32>} : memref<80x128xf32, #tpu.memory_space<vmem>>, vector<1x16xf32>,
      %swap3A_89 = vector.shape_cast %swap3A_88 : vector<1x16xf32> to vector<16xf32>
      %swap3A_90 = vector.shape_cast %broadcast_in_dim3A_85 : vector<16xf32> to vector<1x16xf32>
      tpu.vector_store %arg10[%swap3A_86, %swap3A_87], %swap3A_90 {strides = array<i32>} : memref<80x128xf32, #tpu.memory_space<vmem>>, vector<1x16xf32>,
      %broadcast_in_dim3A_91 = arith.constant 0.000000e+00 : f32
      %broadcast_in_dim3A_92 = vector.broadcast %broadcast_in_dim3A_91 : f32 to vector<16xf32>
      %swap3A_93 = arith.index_cast %scan3A_70 : i32 to index
      %swap3A_94 = arith.constant 48 : index
      %swap3A_95 = tpu.vector_load %arg10[%swap3A_93, %swap3A_94] {strides = array<i32>} : memref<80x128xf32, #tpu.memory_space<vmem>>, vector<1x16xf32>,
      %swap3A_96 = vector.shape_cast %swap3A_95 : vector<1x16xf32> to vector<16xf32>
      %swap3A_97 = vector.shape_cast %broadcast_in_dim3A_92 : vector<16xf32> to vector<1x16xf32>
      tpu.vector_store %arg10[%swap3A_93, %swap3A_94], %swap3A_97 {strides = array<i32>} : memref<80x128xf32, #tpu.memory_space<vmem>>, vector<1x16xf32>,
      %broadcast_in_dim3A_98 = arith.constant 0.000000e+00 : f32
      %broadcast_in_dim3A_99 = vector.broadcast %broadcast_in_dim3A_98 : f32 to vector<16xf32>
      %swap3A_100 = arith.index_cast %scan3A_70 : i32 to index
      %swap3A_101 = arith.constant 64 : index
      %swap3A_102 = tpu.vector_load %arg10[%swap3A_100, %swap3A_101] {strides = array<i32>} : memref<80x128xf32, #tpu.memory_space<vmem>>, vector<1x16xf32>,
      %swap3A_103 = vector.shape_cast %swap3A_102 : vector<1x16xf32> to vector<16xf32>
      %swap3A_104 = vector.shape_cast %broadcast_in_dim3A_99 : vector<16xf32> to vector<1x16xf32>
      tpu.vector_store %arg10[%swap3A_100, %swap3A_101], %swap3A_104 {strides = array<i32>} : memref<80x128xf32, #tpu.memory_space<vmem>>, vector<1x16xf32>,
      %broadcast_in_dim3A_105 = arith.constant 0.000000e+00 : f32
      %broadcast_in_dim3A_106 = vector.broadcast %broadcast_in_dim3A_105 : f32 to vector<16xf32>
      %swap3A_107 = arith.index_cast %scan3A_70 : i32 to index
      %swap3A_108 = arith.constant 80 : index
      %swap3A_109 = tpu.vector_load %arg10[%swap3A_107, %swap3A_108] {strides = array<i32>} : memref<80x128xf32, #tpu.memory_space<vmem>>, vector<1x16xf32>,
      %swap3A_110 = vector.shape_cast %swap3A_109 : vector<1x16xf32> to vector<16xf32>
      %swap3A_111 = vector.shape_cast %broadcast_in_dim3A_106 : vector<16xf32> to vector<1x16xf32>
      tpu.vector_store %arg10[%swap3A_107, %swap3A_108], %swap3A_111 {strides = array<i32>} : memref<80x128xf32, #tpu.memory_space<vmem>>, vector<1x16xf32>,
      %broadcast_in_dim3A_112 = arith.constant 0.000000e+00 : f32
      %broadcast_in_dim3A_113 = vector.broadcast %broadcast_in_dim3A_112 : f32 to vector<16xf32>
      %swap3A_114 = arith.index_cast %scan3A_70 : i32 to index
      %swap3A_115 = arith.constant 96 : index
      %swap3A_116 = tpu.vector_load %arg10[%swap3A_114, %swap3A_115] {strides = array<i32>} : memref<80x128xf32, #tpu.memory_space<vmem>>, vector<1x16xf32>,
      %swap3A_117 = vector.shape_cast %swap3A_116 : vector<1x16xf32> to vector<16xf32>
      %swap3A_118 = vector.shape_cast %broadcast_in_dim3A_113 : vector<16xf32> to vector<1x16xf32>
      tpu.vector_store %arg10[%swap3A_114, %swap3A_115], %swap3A_118 {strides = array<i32>} : memref<80x128xf32, #tpu.memory_space<vmem>>, vector<1x16xf32>,
      %broadcast_in_dim3A_119 = arith.constant 0.000000e+00 : f32
      %broadcast_in_dim3A_120 = vector.broadcast %broadcast_in_dim3A_119 : f32 to vector<16xf32>
      %swap3A_121 = arith.index_cast %scan3A_70 : i32 to index
      %swap3A_122 = arith.constant 112 : index
      %swap3A_123 = tpu.vector_load %arg10[%swap3A_121, %swap3A_122] {strides = array<i32>} : memref<80x128xf32, #tpu.memory_space<vmem>>, vector<1x16xf32>,
      %swap3A_124 = vector.shape_cast %swap3A_123 : vector<1x16xf32> to vector<16xf32>
      %swap3A_125 = vector.shape_cast %broadcast_in_dim3A_120 : vector<16xf32> to vector<1x16xf32>
      tpu.vector_store %arg10[%swap3A_121, %swap3A_122], %swap3A_125 {strides = array<i32>} : memref<80x128xf32, #tpu.memory_space<vmem>>, vector<1x16xf32>,
      %scan3A_126 = arith.constant 0 : i32
      scf.yield %scan3A_126 : i32
    }
    %scan3A_6 = arith.constant 80 : i32
    %mul3A_7 = arith.constant 640 : i32
    %mul3A_8 = arith.muli %arg1, %mul3A_7 : i32
    %add3A_9 = arith.constant 0 : i32
    %add3A_10 = arith.addi %mul3A_8, %add3A_9 : i32
    "tpu.region"() ({
      %run_scoped3A = tpu.sem_alloc : memref<!tpu.dma_semaphore, #tpu.memory_space<semaphore_mem>>
      %dma_start3A_70 = arith.constant 0 : i32
      %dma_start3A_71 = tpu.memref_slice %arg12[%add3A_10, %dma_start3A_70] : memref<10240x128xf32, #tpu.memory_space<vmem_shared>> -> memref<80x128xf32, #tpu.memory_space<vmem_shared>>
      %dma_start3A_72 = arith.constant 0 : i32
      %dma_start3A_73 = tpu.memref_slice %arg12[%add3A_10, %dma_start3A_72] : memref<10240x128xf32, #tpu.memory_space<vmem_shared>> -> memref<80x128xf32, #tpu.memory_space<vmem_shared>>
      tpu.enqueue_dma source(%arg10 : memref<80x128xf32, #tpu.memory_space<vmem>>) target(%dma_start3A_73 : memref<80x128xf32, #tpu.memory_space<vmem_shared>>) target_semaphore(%run_scoped3A : memref<!tpu.dma_semaphore, #tpu.memory_space<semaphore_mem>>)
      %dma_wait3A_74 = arith.constant 0 : i32
      %dma_wait3A_75 = tpu.memref_slice %arg12[%add3A_10, %dma_wait3A_74] : memref<10240x128xf32, #tpu.memory_space<vmem_shared>> -> memref<80x128xf32, #tpu.memory_space<vmem_shared>>
      %dma_wait3A_76 = arith.constant 0 : i32
      %dma_wait3A_77 = tpu.memref_slice %arg12[%add3A_10, %dma_wait3A_76] : memref<10240x128xf32, #tpu.memory_space<vmem_shared>> -> memref<80x128xf32, #tpu.memory_space<vmem_shared>>
      tpu.wait_dma2 semaphore(%run_scoped3A : memref<!tpu.dma_semaphore, #tpu.memory_space<semaphore_mem>>) src(%arg10 : memref<80x128xf32, #tpu.memory_space<vmem>>) dst(%dma_wait3A_77 : memref<80x128xf32, #tpu.memory_space<vmem_shared>>)
      tpu.yield
    }) : () -> ()
    %add3A_11 = arith.constant 80 : i32
    %add3A_12 = arith.addi %mul3A_8, %add3A_11 : i32
    "tpu.region"() ({
      %run_scoped3A = tpu.sem_alloc : memref<!tpu.dma_semaphore, #tpu.memory_space<semaphore_mem>>
      %dma_start3A_70 = arith.constant 0 : i32
      %dma_start3A_71 = tpu.memref_slice %arg12[%add3A_12, %dma_start3A_70] : memref<10240x128xf32, #tpu.memory_space<vmem_shared>> -> memref<80x128xf32, #tpu.memory_space<vmem_shared>>
      %dma_start3A_72 = arith.constant 0 : i32
      %dma_start3A_73 = tpu.memref_slice %arg12[%add3A_12, %dma_start3A_72] : memref<10240x128xf32, #tpu.memory_space<vmem_shared>> -> memref<80x128xf32, #tpu.memory_space<vmem_shared>>
      tpu.enqueue_dma source(%arg10 : memref<80x128xf32, #tpu.memory_space<vmem>>) target(%dma_start3A_73 : memref<80x128xf32, #tpu.memory_space<vmem_shared>>) target_semaphore(%run_scoped3A : memref<!tpu.dma_semaphore, #tpu.memory_space<semaphore_mem>>)
      %dma_wait3A_74 = arith.constant 0 : i32
      %dma_wait3A_75 = tpu.memref_slice %arg12[%add3A_12, %dma_wait3A_74] : memref<10240x128xf32, #tpu.memory_space<vmem_shared>> -> memref<80x128xf32, #tpu.memory_space<vmem_shared>>
      %dma_wait3A_76 = arith.constant 0 : i32
      %dma_wait3A_77 = tpu.memref_slice %arg12[%add3A_12, %dma_wait3A_76] : memref<10240x128xf32, #tpu.memory_space<vmem_shared>> -> memref<80x128xf32, #tpu.memory_space<vmem_shared>>
      tpu.wait_dma2 semaphore(%run_scoped3A : memref<!tpu.dma_semaphore, #tpu.memory_space<semaphore_mem>>) src(%arg10 : memref<80x128xf32, #tpu.memory_space<vmem>>) dst(%dma_wait3A_77 : memref<80x128xf32, #tpu.memory_space<vmem_shared>>)
      tpu.yield
    }) : () -> ()
    %add3A_13 = arith.constant 160 : i32
    %add3A_14 = arith.addi %mul3A_8, %add3A_13 : i32
    "tpu.region"() ({
      %run_scoped3A = tpu.sem_alloc : memref<!tpu.dma_semaphore, #tpu.memory_space<semaphore_mem>>
      %dma_start3A_70 = arith.constant 0 : i32
      %dma_start3A_71 = tpu.memref_slice %arg12[%add3A_14, %dma_start3A_70] : memref<10240x128xf32, #tpu.memory_space<vmem_shared>> -> memref<80x128xf32, #tpu.memory_space<vmem_shared>>
      %dma_start3A_72 = arith.constant 0 : i32
      %dma_start3A_73 = tpu.memref_slice %arg12[%add3A_14, %dma_start3A_72] : memref<10240x128xf32, #tpu.memory_space<vmem_shared>> -> memref<80x128xf32, #tpu.memory_space<vmem_shared>>
      tpu.enqueue_dma source(%arg10 : memref<80x128xf32, #tpu.memory_space<vmem>>) target(%dma_start3A_73 : memref<80x128xf32, #tpu.memory_space<vmem_shared>>) target_semaphore(%run_scoped3A : memref<!tpu.dma_semaphore, #tpu.memory_space<semaphore_mem>>)
      %dma_wait3A_74 = arith.constant 0 : i32
      %dma_wait3A_75 = tpu.memref_slice %arg12[%add3A_14, %dma_wait3A_74] : memref<10240x128xf32, #tpu.memory_space<vmem_shared>> -> memref<80x128xf32, #tpu.memory_space<vmem_shared>>
      %dma_wait3A_76 = arith.constant 0 : i32
      %dma_wait3A_77 = tpu.memref_slice %arg12[%add3A_14, %dma_wait3A_76] : memref<10240x128xf32, #tpu.memory_space<vmem_shared>> -> memref<80x128xf32, #tpu.memory_space<vmem_shared>>
      tpu.wait_dma2 semaphore(%run_scoped3A : memref<!tpu.dma_semaphore, #tpu.memory_space<semaphore_mem>>) src(%arg10 : memref<80x128xf32, #tpu.memory_space<vmem>>) dst(%dma_wait3A_77 : memref<80x128xf32, #tpu.memory_space<vmem_shared>>)
      tpu.yield
    }) : () -> ()
    %add3A_15 = arith.constant 240 : i32
    %add3A_16 = arith.addi %mul3A_8, %add3A_15 : i32
    "tpu.region"() ({
      %run_scoped3A = tpu.sem_alloc : memref<!tpu.dma_semaphore, #tpu.memory_space<semaphore_mem>>
      %dma_start3A_70 = arith.constant 0 : i32
      %dma_start3A_71 = tpu.memref_slice %arg12[%add3A_16, %dma_start3A_70] : memref<10240x128xf32, #tpu.memory_space<vmem_shared>> -> memref<80x128xf32, #tpu.memory_space<vmem_shared>>
      %dma_start3A_72 = arith.constant 0 : i32
      %dma_start3A_73 = tpu.memref_slice %arg12[%add3A_16, %dma_start3A_72] : memref<10240x128xf32, #tpu.memory_space<vmem_shared>> -> memref<80x128xf32, #tpu.memory_space<vmem_shared>>
      tpu.enqueue_dma source(%arg10 : memref<80x128xf32, #tpu.memory_space<vmem>>) target(%dma_start3A_73 : memref<80x128xf32, #tpu.memory_space<vmem_shared>>) target_semaphore(%run_scoped3A : memref<!tpu.dma_semaphore, #tpu.memory_space<semaphore_mem>>)
      %dma_wait3A_74 = arith.constant 0 : i32
      %dma_wait3A_75 = tpu.memref_slice %arg12[%add3A_16, %dma_wait3A_74] : memref<10240x128xf32, #tpu.memory_space<vmem_shared>> -> memref<80x128xf32, #tpu.memory_space<vmem_shared>>
      %dma_wait3A_76 = arith.constant 0 : i32
      %dma_wait3A_77 = tpu.memref_slice %arg12[%add3A_16, %dma_wait3A_76] : memref<10240x128xf32, #tpu.memory_space<vmem_shared>> -> memref<80x128xf32, #tpu.memory_space<vmem_shared>>
      tpu.wait_dma2 semaphore(%run_scoped3A : memref<!tpu.dma_semaphore, #tpu.memory_space<semaphore_mem>>) src(%arg10 : memref<80x128xf32, #tpu.memory_space<vmem>>) dst(%dma_wait3A_77 : memref<80x128xf32, #tpu.memory_space<vmem_shared>>)
      tpu.yield
    }) : () -> ()
    %add3A_17 = arith.constant 320 : i32
    %add3A_18 = arith.addi %mul3A_8, %add3A_17 : i32
    "tpu.region"() ({
      %run_scoped3A = tpu.sem_alloc : memref<!tpu.dma_semaphore, #tpu.memory_space<semaphore_mem>>
      %dma_start3A_70 = arith.constant 0 : i32
      %dma_start3A_71 = tpu.memref_slice %arg12[%add3A_18, %dma_start3A_70] : memref<10240x128xf32, #tpu.memory_space<vmem_shared>> -> memref<80x128xf32, #tpu.memory_space<vmem_shared>>
      %dma_start3A_72 = arith.constant 0 : i32
      %dma_start3A_73 = tpu.memref_slice %arg12[%add3A_18, %dma_start3A_72] : memref<10240x128xf32, #tpu.memory_space<vmem_shared>> -> memref<80x128xf32, #tpu.memory_space<vmem_shared>>
      tpu.enqueue_dma source(%arg10 : memref<80x128xf32, #tpu.memory_space<vmem>>) target(%dma_start3A_73 : memref<80x128xf32, #tpu.memory_space<vmem_shared>>) target_semaphore(%run_scoped3A : memref<!tpu.dma_semaphore, #tpu.memory_space<semaphore_mem>>)
      %dma_wait3A_74 = arith.constant 0 : i32
      %dma_wait3A_75 = tpu.memref_slice %arg12[%add3A_18, %dma_wait3A_74] : memref<10240x128xf32, #tpu.memory_space<vmem_shared>> -> memref<80x128xf32, #tpu.memory_space<vmem_shared>>
      %dma_wait3A_76 = arith.constant 0 : i32
      %dma_wait3A_77 = tpu.memref_slice %arg12[%add3A_18, %dma_wait3A_76] : memref<10240x128xf32, #tpu.memory_space<vmem_shared>> -> memref<80x128xf32, #tpu.memory_space<vmem_shared>>
      tpu.wait_dma2 semaphore(%run_scoped3A : memref<!tpu.dma_semaphore, #tpu.memory_space<semaphore_mem>>) src(%arg10 : memref<80x128xf32, #tpu.memory_space<vmem>>) dst(%dma_wait3A_77 : memref<80x128xf32, #tpu.memory_space<vmem_shared>>)
      tpu.yield
    }) : () -> ()
    %add3A_19 = arith.constant 400 : i32
    %add3A_20 = arith.addi %mul3A_8, %add3A_19 : i32
    "tpu.region"() ({
      %run_scoped3A = tpu.sem_alloc : memref<!tpu.dma_semaphore, #tpu.memory_space<semaphore_mem>>
      %dma_start3A_70 = arith.constant 0 : i32
      %dma_start3A_71 = tpu.memref_slice %arg12[%add3A_20, %dma_start3A_70] : memref<10240x128xf32, #tpu.memory_space<vmem_shared>> -> memref<80x128xf32, #tpu.memory_space<vmem_shared>>
      %dma_start3A_72 = arith.constant 0 : i32
      %dma_start3A_73 = tpu.memref_slice %arg12[%add3A_20, %dma_start3A_72] : memref<10240x128xf32, #tpu.memory_space<vmem_shared>> -> memref<80x128xf32, #tpu.memory_space<vmem_shared>>
      tpu.enqueue_dma source(%arg10 : memref<80x128xf32, #tpu.memory_space<vmem>>) target(%dma_start3A_73 : memref<80x128xf32, #tpu.memory_space<vmem_shared>>) target_semaphore(%run_scoped3A : memref<!tpu.dma_semaphore, #tpu.memory_space<semaphore_mem>>)
      %dma_wait3A_74 = arith.constant 0 : i32
      %dma_wait3A_75 = tpu.memref_slice %arg12[%add3A_20, %dma_wait3A_74] : memref<10240x128xf32, #tpu.memory_space<vmem_shared>> -> memref<80x128xf32, #tpu.memory_space<vmem_shared>>
      %dma_wait3A_76 = arith.constant 0 : i32
      %dma_wait3A_77 = tpu.memref_slice %arg12[%add3A_20, %dma_wait3A_76] : memref<10240x128xf32, #tpu.memory_space<vmem_shared>> -> memref<80x128xf32, #tpu.memory_space<vmem_shared>>
      tpu.wait_dma2 semaphore(%run_scoped3A : memref<!tpu.dma_semaphore, #tpu.memory_space<semaphore_mem>>) src(%arg10 : memref<80x128xf32, #tpu.memory_space<vmem>>) dst(%dma_wait3A_77 : memref<80x128xf32, #tpu.memory_space<vmem_shared>>)
      tpu.yield
    }) : () -> ()
    %add3A_21 = arith.constant 480 : i32
    %add3A_22 = arith.addi %mul3A_8, %add3A_21 : i32
    "tpu.region"() ({
      %run_scoped3A = tpu.sem_alloc : memref<!tpu.dma_semaphore, #tpu.memory_space<semaphore_mem>>
      %dma_start3A_70 = arith.constant 0 : i32
      %dma_start3A_71 = tpu.memref_slice %arg12[%add3A_22, %dma_start3A_70] : memref<10240x128xf32, #tpu.memory_space<vmem_shared>> -> memref<80x128xf32, #tpu.memory_space<vmem_shared>>
      %dma_start3A_72 = arith.constant 0 : i32
      %dma_start3A_73 = tpu.memref_slice %arg12[%add3A_22, %dma_start3A_72] : memref<10240x128xf32, #tpu.memory_space<vmem_shared>> -> memref<80x128xf32, #tpu.memory_space<vmem_shared>>
      tpu.enqueue_dma source(%arg10 : memref<80x128xf32, #tpu.memory_space<vmem>>) target(%dma_start3A_73 : memref<80x128xf32, #tpu.memory_space<vmem_shared>>) target_semaphore(%run_scoped3A : memref<!tpu.dma_semaphore, #tpu.memory_space<semaphore_mem>>)
      %dma_wait3A_74 = arith.constant 0 : i32
      %dma_wait3A_75 = tpu.memref_slice %arg12[%add3A_22, %dma_wait3A_74] : memref<10240x128xf32, #tpu.memory_space<vmem_shared>> -> memref<80x128xf32, #tpu.memory_space<vmem_shared>>
      %dma_wait3A_76 = arith.constant 0 : i32
      %dma_wait3A_77 = tpu.memref_slice %arg12[%add3A_22, %dma_wait3A_76] : memref<10240x128xf32, #tpu.memory_space<vmem_shared>> -> memref<80x128xf32, #tpu.memory_space<vmem_shared>>
      tpu.wait_dma2 semaphore(%run_scoped3A : memref<!tpu.dma_semaphore, #tpu.memory_space<semaphore_mem>>) src(%arg10 : memref<80x128xf32, #tpu.memory_space<vmem>>) dst(%dma_wait3A_77 : memref<80x128xf32, #tpu.memory_space<vmem_shared>>)
      tpu.yield
    }) : () -> ()
    %add3A_23 = arith.constant 560 : i32
    %add3A_24 = arith.addi %mul3A_8, %add3A_23 : i32
    "tpu.region"() ({
      %run_scoped3A = tpu.sem_alloc : memref<!tpu.dma_semaphore, #tpu.memory_space<semaphore_mem>>
      %dma_start3A_70 = arith.constant 0 : i32
      %dma_start3A_71 = tpu.memref_slice %arg12[%add3A_24, %dma_start3A_70] : memref<10240x128xf32, #tpu.memory_space<vmem_shared>> -> memref<80x128xf32, #tpu.memory_space<vmem_shared>>
      %dma_start3A_72 = arith.constant 0 : i32
      %dma_start3A_73 = tpu.memref_slice %arg12[%add3A_24, %dma_start3A_72] : memref<10240x128xf32, #tpu.memory_space<vmem_shared>> -> memref<80x128xf32, #tpu.memory_space<vmem_shared>>
      tpu.enqueue_dma source(%arg10 : memref<80x128xf32, #tpu.memory_space<vmem>>) target(%dma_start3A_73 : memref<80x128xf32, #tpu.memory_space<vmem_shared>>) target_semaphore(%run_scoped3A : memref<!tpu.dma_semaphore, #tpu.memory_space<semaphore_mem>>)
      %dma_wait3A_74 = arith.constant 0 : i32
      %dma_wait3A_75 = tpu.memref_slice %arg12[%add3A_24, %dma_wait3A_74] : memref<10240x128xf32, #tpu.memory_space<vmem_shared>> -> memref<80x128xf32, #tpu.memory_space<vmem_shared>>
      %dma_wait3A_76 = arith.constant 0 : i32
      %dma_wait3A_77 = tpu.memref_slice %arg12[%add3A_24, %dma_wait3A_76] : memref<10240x128xf32, #tpu.memory_space<vmem_shared>> -> memref<80x128xf32, #tpu.memory_space<vmem_shared>>
      tpu.wait_dma2 semaphore(%run_scoped3A : memref<!tpu.dma_semaphore, #tpu.memory_space<semaphore_mem>>) src(%arg10 : memref<80x128xf32, #tpu.memory_space<vmem>>) dst(%dma_wait3A_77 : memref<80x128xf32, #tpu.memory_space<vmem_shared>>)
      tpu.yield
    }) : () -> ()
    %barrier3A = arith.constant 0 : index
    tpu.barrier barrier_id(%barrier3A)
    %mul3A_25 = arith.constant 10000 : i32
    %mul3A_26 = arith.muli %add3A, %mul3A_25 : i32
    %add3A_27 = arith.constant 0 : i32
    %add3A_28 = arith.addi %mul3A_26, %add3A_27 : i32
    "tpu.region"() ({
      %run_scoped3A = tpu.sem_alloc : memref<!tpu.dma_semaphore, #tpu.memory_space<semaphore_mem>>
      %dma_start3A_70 = tpu.memref_slice %arg3[%add3A_28] : memref<320000xi32, #tpu.memory_space<hbm>> -> memref<80xi32, #tpu.memory_space<hbm>>
      %dma_start3A_71 = tpu.memref_slice %arg3[%add3A_28] : memref<320000xi32, #tpu.memory_space<hbm>> -> memref<80xi32, #tpu.memory_space<hbm>>
      tpu.enqueue_dma source(%dma_start3A_71 : memref<80xi32, #tpu.memory_space<hbm>>) target(%arg6 : memref<80xi32, #tpu.memory_space<vmem>>) target_semaphore(%run_scoped3A : memref<!tpu.dma_semaphore, #tpu.memory_space<semaphore_mem>>)
      %dma_wait3A_72 = tpu.memref_slice %arg3[%add3A_28] : memref<320000xi32, #tpu.memory_space<hbm>> -> memref<80xi32, #tpu.memory_space<hbm>>
      %dma_wait3A_73 = tpu.memref_slice %arg3[%add3A_28] : memref<320000xi32, #tpu.memory_space<hbm>> -> memref<80xi32, #tpu.memory_space<hbm>>
      tpu.wait_dma2 semaphore(%run_scoped3A : memref<!tpu.dma_semaphore, #tpu.memory_space<semaphore_mem>>) src(%dma_wait3A_73 : memref<80xi32, #tpu.memory_space<hbm>>) dst(%arg6 : memref<80xi32, #tpu.memory_space<vmem>>)
      tpu.yield
    }) : () -> ()
    "tpu.region"() ({
      %run_scoped3A = tpu.sem_alloc : memref<!tpu.dma_semaphore, #tpu.memory_space<semaphore_mem>>
      %dma_start3A_70 = tpu.memref_slice %arg4[%add3A_28] : memref<320000xi32, #tpu.memory_space<hbm>> -> memref<80xi32, #tpu.memory_space<hbm>>
      %dma_start3A_71 = tpu.memref_slice %arg4[%add3A_28] : memref<320000xi32, #tpu.memory_space<hbm>> -> memref<80xi32, #tpu.memory_space<hbm>>
      tpu.enqueue_dma source(%dma_start3A_71 : memref<80xi32, #tpu.memory_space<hbm>>) target(%arg7 : memref<80xi32, #tpu.memory_space<vmem>>) target_semaphore(%run_scoped3A : memref<!tpu.dma_semaphore, #tpu.memory_space<semaphore_mem>>)
      %dma_wait3A_72 = tpu.memref_slice %arg4[%add3A_28] : memref<320000xi32, #tpu.memory_space<hbm>> -> memref<80xi32, #tpu.memory_space<hbm>>
      %dma_wait3A_73 = tpu.memref_slice %arg4[%add3A_28] : memref<320000xi32, #tpu.memory_space<hbm>> -> memref<80xi32, #tpu.memory_space<hbm>>
      tpu.wait_dma2 semaphore(%run_scoped3A : memref<!tpu.dma_semaphore, #tpu.memory_space<semaphore_mem>>) src(%dma_wait3A_73 : memref<80xi32, #tpu.memory_space<hbm>>) dst(%arg7 : memref<80xi32, #tpu.memory_space<vmem>>)
      tpu.yield
    }) : () -> ()
    %dma_start3A = arith.constant 0 : i32
    %dma_start3A_29 = arith.constant 0 : i32
    %dma_start3A_30 = tpu.memref_slice %arg2[%dma_start3A, %dma_start3A_29] : memref<10240x128xf32, #tpu.memory_space<hbm>> -> memref<10240x128xf32, #tpu.memory_space<hbm>>
    tpu.enqueue_indirect_dma source(%dma_start3A_30 : memref<10240x128xf32, #tpu.memory_space<hbm>>) target(%arg10 : memref<80x128xf32, #tpu.memory_space<vmem>>) offsets(%arg6 : memref<80xi32, #tpu.memory_space<vmem>>) semaphore(%arg13 : memref<!tpu.dma_semaphore, #tpu.memory_space<semaphore_mem>>)
    %mul3A_31 = arith.constant 10000 : i32
    %mul3A_32 = arith.muli %add3A, %mul3A_31 : i32
    %add3A_33 = arith.constant 80 : i32
    %add3A_34 = arith.addi %mul3A_32, %add3A_33 : i32
    "tpu.region"() ({
      %run_scoped3A = tpu.sem_alloc : memref<!tpu.dma_semaphore, #tpu.memory_space<semaphore_mem>>
      %dma_start3A_70 = tpu.memref_slice %arg3[%add3A_34] : memref<320000xi32, #tpu.memory_space<hbm>> -> memref<80xi32, #tpu.memory_space<hbm>>
      %dma_start3A_71 = tpu.memref_slice %arg3[%add3A_34] : memref<320000xi32, #tpu.memory_space<hbm>> -> memref<80xi32, #tpu.memory_space<hbm>>
      tpu.enqueue_dma source(%dma_start3A_71 : memref<80xi32, #tpu.memory_space<hbm>>) target(%arg8 : memref<80xi32, #tpu.memory_space<vmem>>) target_semaphore(%run_scoped3A : memref<!tpu.dma_semaphore, #tpu.memory_space<semaphore_mem>>)
      %dma_wait3A_72 = tpu.memref_slice %arg3[%add3A_34] : memref<320000xi32, #tpu.memory_space<hbm>> -> memref<80xi32, #tpu.memory_space<hbm>>
      %dma_wait3A_73 = tpu.memref_slice %arg3[%add3A_34] : memref<320000xi32, #tpu.memory_space<hbm>> -> memref<80xi32, #tpu.memory_space<hbm>>
      tpu.wait_dma2 semaphore(%run_scoped3A : memref<!tpu.dma_semaphore, #tpu.memory_space<semaphore_mem>>) src(%dma_wait3A_73 : memref<80xi32, #tpu.memory_space<hbm>>) dst(%arg8 : memref<80xi32, #tpu.memory_space<vmem>>)
      tpu.yield
    }) : () -> ()
    "tpu.region"() ({
      %run_scoped3A = tpu.sem_alloc : memref<!tpu.dma_semaphore, #tpu.memory_space<semaphore_mem>>
      %dma_start3A_70 = tpu.memref_slice %arg4[%add3A_34] : memref<320000xi32, #tpu.memory_space<hbm>> -> memref<80xi32, #tpu.memory_space<hbm>>
      %dma_start3A_71 = tpu.memref_slice %arg4[%add3A_34] : memref<320000xi32, #tpu.memory_space<hbm>> -> memref<80xi32, #tpu.memory_space<hbm>>
      tpu.enqueue_dma source(%dma_start3A_71 : memref<80xi32, #tpu.memory_space<hbm>>) target(%arg9 : memref<80xi32, #tpu.memory_space<vmem>>) target_semaphore(%run_scoped3A : memref<!tpu.dma_semaphore, #tpu.memory_space<semaphore_mem>>)
      %dma_wait3A_72 = tpu.memref_slice %arg4[%add3A_34] : memref<320000xi32, #tpu.memory_space<hbm>> -> memref<80xi32, #tpu.memory_space<hbm>>
      %dma_wait3A_73 = tpu.memref_slice %arg4[%add3A_34] : memref<320000xi32, #tpu.memory_space<hbm>> -> memref<80xi32, #tpu.memory_space<hbm>>
      tpu.wait_dma2 semaphore(%run_scoped3A : memref<!tpu.dma_semaphore, #tpu.memory_space<semaphore_mem>>) src(%dma_wait3A_73 : memref<80xi32, #tpu.memory_space<hbm>>) dst(%arg9 : memref<80xi32, #tpu.memory_space<vmem>>)
      tpu.yield
    }) : () -> ()
    %dma_wait3A = arith.constant 0 : i32
    %dma_wait3A_35 = arith.constant 0 : i32
    %dma_wait3A_36 = tpu.memref_slice %arg2[%dma_wait3A, %dma_wait3A_35] : memref<10240x128xf32, #tpu.memory_space<hbm>> -> memref<10240x128xf32, #tpu.memory_space<hbm>>
    tpu.wait_indirect_dma semaphore(%arg13 : memref<!tpu.dma_semaphore, #tpu.memory_space<semaphore_mem>>) src(%dma_wait3A_36 : memref<10240x128xf32, #tpu.memory_space<hbm>>) dst(%arg10 : memref<80x128xf32, #tpu.memory_space<vmem>>)
    %dma_start3A_37 = arith.constant 0 : i32
    %dma_start3A_38 = arith.constant 0 : i32
    %dma_start3A_39 = tpu.memref_slice %arg12[%dma_start3A_37, %dma_start3A_38] : memref<10240x128xf32, #tpu.memory_space<vmem_shared>> -> memref<10240x128xf32, #tpu.memory_space<vmem_shared>>
    tpu.enqueue_indirect_dma source(%arg10 : memref<80x128xf32, #tpu.memory_space<vmem>>) target(%dma_start3A_39 : memref<10240x128xf32, #tpu.memory_space<vmem_shared>>) offsets(%arg7 : memref<80xi32, #tpu.memory_space<vmem>>) semaphore(%arg14 : memref<!tpu.dma_semaphore, #tpu.memory_space<semaphore_mem>>) {add = true}
    %dma_start3A_40 = arith.constant 0 : i32
    %dma_start3A_41 = arith.constant 0 : i32
    %dma_start3A_42 = tpu.memref_slice %arg2[%dma_start3A_40, %dma_start3A_41] : memref<10240x128xf32, #tpu.memory_space<hbm>> -> memref<10240x128xf32, #tpu.memory_space<hbm>>
    tpu.enqueue_indirect_dma source(%dma_start3A_42 : memref<10240x128xf32, #tpu.memory_space<hbm>>) target(%arg11 : memref<80x128xf32, #tpu.memory_space<vmem>>) offsets(%arg8 : memref<80xi32, #tpu.memory_space<vmem>>) semaphore(%arg13 : memref<!tpu.dma_semaphore, #tpu.memory_space<semaphore_mem>>)
    %scan3A_43 = arith.constant 0 : i32
    %scan3A_44 = arith.constant 0 : i32
    %scan3A_45 = arith.constant 62 : i32
    %scan3A_46 = arith.addi %scan3A_44, %scan3A_45 : i32
    %scan3A_47 = arith.constant 1 : i32
    %scan3A_48 = scf.for %scan3A_70 = %scan3A_44 to %scan3A_46 step %scan3A_47 iter_args(%scan3A_71 = %scan3A_43) -> (i32)  : i32 {
      %mul3A_72 = arith.constant 2 : i32
      %mul3A_73 = arith.muli %mul3A_72, %scan3A_70 : i32
      %add3A_74 = arith.constant 1 : i32
      %add3A_75 = arith.addi %mul3A_73, %add3A_74 : i32
      %add3A_76 = arith.constant 1 : i32
      %add3A_77 = arith.addi %add3A_75, %add3A_76 : i32
      %dma_wait3A_78 = arith.constant 0 : i32
      %dma_wait3A_79 = arith.constant 0 : i32
      %dma_wait3A_80 = tpu.memref_slice %arg12[%dma_wait3A_78, %dma_wait3A_79] : memref<10240x128xf32, #tpu.memory_space<vmem_shared>> -> memref<10240x128xf32, #tpu.memory_space<vmem_shared>>
      tpu.wait_indirect_dma semaphore(%arg14 : memref<!tpu.dma_semaphore, #tpu.memory_space<semaphore_mem>>) src(%arg10 : memref<80x128xf32, #tpu.memory_space<vmem>>) dst(%dma_wait3A_80 : memref<10240x128xf32, #tpu.memory_space<vmem_shared>>)
      %add3A_81 = arith.constant 1 : i32
      %add3A_82 = arith.addi %add3A_75, %add3A_81 : i32
      %mul3A_83 = arith.constant 10000 : i32
      %mul3A_84 = arith.muli %add3A, %mul3A_83 : i32
      %mul3A_85 = arith.constant 80 : i32
      %mul3A_86 = arith.muli %add3A_82, %mul3A_85 : i32
      %add3A_87 = arith.addi %mul3A_84, %mul3A_86 : i32
      "tpu.region"() ({
        %run_scoped3A = tpu.sem_alloc : memref<!tpu.dma_semaphore, #tpu.memory_space<semaphore_mem>>
        %dma_start3A_114 = tpu.memref_slice %arg3[%add3A_87] : memref<320000xi32, #tpu.memory_space<hbm>> -> memref<80xi32, #tpu.memory_space<hbm>>
        %dma_start3A_115 = tpu.memref_slice %arg3[%add3A_87] : memref<320000xi32, #tpu.memory_space<hbm>> -> memref<80xi32, #tpu.memory_space<hbm>>
        tpu.enqueue_dma source(%dma_start3A_115 : memref<80xi32, #tpu.memory_space<hbm>>) target(%arg6 : memref<80xi32, #tpu.memory_space<vmem>>) target_semaphore(%run_scoped3A : memref<!tpu.dma_semaphore, #tpu.memory_space<semaphore_mem>>)
        %dma_wait3A_116 = tpu.memref_slice %arg3[%add3A_87] : memref<320000xi32, #tpu.memory_space<hbm>> -> memref<80xi32, #tpu.memory_space<hbm>>
        %dma_wait3A_117 = tpu.memref_slice %arg3[%add3A_87] : memref<320000xi32, #tpu.memory_space<hbm>> -> memref<80xi32, #tpu.memory_space<hbm>>
        tpu.wait_dma2 semaphore(%run_scoped3A : memref<!tpu.dma_semaphore, #tpu.memory_space<semaphore_mem>>) src(%dma_wait3A_117 : memref<80xi32, #tpu.memory_space<hbm>>) dst(%arg6 : memref<80xi32, #tpu.memory_space<vmem>>)
        tpu.yield
      }) : () -> ()
      "tpu.region"() ({
        %run_scoped3A = tpu.sem_alloc : memref<!tpu.dma_semaphore, #tpu.memory_space<semaphore_mem>>
        %dma_start3A_114 = tpu.memref_slice %arg4[%add3A_87] : memref<320000xi32, #tpu.memory_space<hbm>> -> memref<80xi32, #tpu.memory_space<hbm>>
        %dma_start3A_115 = tpu.memref_slice %arg4[%add3A_87] : memref<320000xi32, #tpu.memory_space<hbm>> -> memref<80xi32, #tpu.memory_space<hbm>>
        tpu.enqueue_dma source(%dma_start3A_115 : memref<80xi32, #tpu.memory_space<hbm>>) target(%arg7 : memref<80xi32, #tpu.memory_space<vmem>>) target_semaphore(%run_scoped3A : memref<!tpu.dma_semaphore, #tpu.memory_space<semaphore_mem>>)
        %dma_wait3A_116 = tpu.memref_slice %arg4[%add3A_87] : memref<320000xi32, #tpu.memory_space<hbm>> -> memref<80xi32, #tpu.memory_space<hbm>>
        %dma_wait3A_117 = tpu.memref_slice %arg4[%add3A_87] : memref<320000xi32, #tpu.memory_space<hbm>> -> memref<80xi32, #tpu.memory_space<hbm>>
        tpu.wait_dma2 semaphore(%run_scoped3A : memref<!tpu.dma_semaphore, #tpu.memory_space<semaphore_mem>>) src(%dma_wait3A_117 : memref<80xi32, #tpu.memory_space<hbm>>) dst(%arg7 : memref<80xi32, #tpu.memory_space<vmem>>)
        tpu.yield
      }) : () -> ()
      %dma_wait3A_88 = arith.constant 0 : i32
      %dma_wait3A_89 = arith.constant 0 : i32
      %dma_wait3A_90 = tpu.memref_slice %arg2[%dma_wait3A_88, %dma_wait3A_89] : memref<10240x128xf32, #tpu.memory_space<hbm>> -> memref<10240x128xf32, #tpu.memory_space<hbm>>
      tpu.wait_indirect_dma semaphore(%arg13 : memref<!tpu.dma_semaphore, #tpu.memory_space<semaphore_mem>>) src(%dma_wait3A_90 : memref<10240x128xf32, #tpu.memory_space<hbm>>) dst(%arg11 : memref<80x128xf32, #tpu.memory_space<vmem>>)
      %dma_start3A_91 = arith.constant 0 : i32
      %dma_start3A_92 = arith.constant 0 : i32
      %dma_start3A_93 = tpu.memref_slice %arg12[%dma_start3A_91, %dma_start3A_92] : memref<10240x128xf32, #tpu.memory_space<vmem_shared>> -> memref<10240x128xf32, #tpu.memory_space<vmem_shared>>
      tpu.enqueue_indirect_dma source(%arg11 : memref<80x128xf32, #tpu.memory_space<vmem>>) target(%dma_start3A_93 : memref<10240x128xf32, #tpu.memory_space<vmem_shared>>) offsets(%arg9 : memref<80xi32, #tpu.memory_space<vmem>>) semaphore(%arg14 : memref<!tpu.dma_semaphore, #tpu.memory_space<semaphore_mem>>) {add = true}
      %dma_start3A_94 = arith.constant 0 : i32
      %dma_start3A_95 = arith.constant 0 : i32
      %dma_start3A_96 = tpu.memref_slice %arg2[%dma_start3A_94, %dma_start3A_95] : memref<10240x128xf32, #tpu.memory_space<hbm>> -> memref<10240x128xf32, #tpu.memory_space<hbm>>
      tpu.enqueue_indirect_dma source(%dma_start3A_96 : memref<10240x128xf32, #tpu.memory_space<hbm>>) target(%arg10 : memref<80x128xf32, #tpu.memory_space<vmem>>) offsets(%arg6 : memref<80xi32, #tpu.memory_space<vmem>>) semaphore(%arg13 : memref<!tpu.dma_semaphore, #tpu.memory_space<semaphore_mem>>)
      %add3A_97 = arith.constant 1 : i32
      %add3A_98 = arith.addi %add3A_77, %add3A_97 : i32
      %lt3A = arith.constant 125 : i32
      %lt3A_99 = arith.cmpi slt, %add3A_98, %lt3A : i32
      %dma_wait3A_100 = arith.constant 0 : i32
      %dma_wait3A_101 = arith.constant 0 : i32
      %dma_wait3A_102 = tpu.memref_slice %arg12[%dma_wait3A_100, %dma_wait3A_101] : memref<10240x128xf32, #tpu.memory_space<vmem_shared>> -> memref<10240x128xf32, #tpu.memory_space<vmem_shared>>
      tpu.wait_indirect_dma semaphore(%arg14 : memref<!tpu.dma_semaphore, #tpu.memory_space<semaphore_mem>>) src(%arg11 : memref<80x128xf32, #tpu.memory_space<vmem>>) dst(%dma_wait3A_102 : memref<10240x128xf32, #tpu.memory_space<vmem_shared>>)
      %convert_element_type3A = arith.extui %lt3A_99 : i1 to i32
      %cond3A = arith.constant 0 : i32
      %cond3A_103 = arith.cmpi ne, %convert_element_type3A, %cond3A : i32
      scf.if %cond3A_103 {
        %add3A_114 = arith.constant 1 : i32
        %add3A_115 = arith.addi %add3A_77, %add3A_114 : i32
        %mul3A_116 = arith.constant 10000 : i32
        %mul3A_117 = arith.muli %add3A, %mul3A_116 : i32
        %mul3A_118 = arith.constant 80 : i32
        %mul3A_119 = arith.muli %add3A_115, %mul3A_118 : i32
        %add3A_120 = arith.addi %mul3A_117, %mul3A_119 : i32
        "tpu.region"() ({
          %run_scoped3A = tpu.sem_alloc : memref<!tpu.dma_semaphore, #tpu.memory_space<semaphore_mem>>
          %dma_start3A_121 = tpu.memref_slice %arg3[%add3A_120] : memref<320000xi32, #tpu.memory_space<hbm>> -> memref<80xi32, #tpu.memory_space<hbm>>
          %dma_start3A_122 = tpu.memref_slice %arg3[%add3A_120] : memref<320000xi32, #tpu.memory_space<hbm>> -> memref<80xi32, #tpu.memory_space<hbm>>
          tpu.enqueue_dma source(%dma_start3A_122 : memref<80xi32, #tpu.memory_space<hbm>>) target(%arg8 : memref<80xi32, #tpu.memory_space<vmem>>) target_semaphore(%run_scoped3A : memref<!tpu.dma_semaphore, #tpu.memory_space<semaphore_mem>>)
          %dma_wait3A_123 = tpu.memref_slice %arg3[%add3A_120] : memref<320000xi32, #tpu.memory_space<hbm>> -> memref<80xi32, #tpu.memory_space<hbm>>
          %dma_wait3A_124 = tpu.memref_slice %arg3[%add3A_120] : memref<320000xi32, #tpu.memory_space<hbm>> -> memref<80xi32, #tpu.memory_space<hbm>>
          tpu.wait_dma2 semaphore(%run_scoped3A : memref<!tpu.dma_semaphore, #tpu.memory_space<semaphore_mem>>) src(%dma_wait3A_124 : memref<80xi32, #tpu.memory_space<hbm>>) dst(%arg8 : memref<80xi32, #tpu.memory_space<vmem>>)
          tpu.yield
        }) : () -> ()
        "tpu.region"() ({
          %run_scoped3A = tpu.sem_alloc : memref<!tpu.dma_semaphore, #tpu.memory_space<semaphore_mem>>
          %dma_start3A_121 = tpu.memref_slice %arg4[%add3A_120] : memref<320000xi32, #tpu.memory_space<hbm>> -> memref<80xi32, #tpu.memory_space<hbm>>
          %dma_start3A_122 = tpu.memref_slice %arg4[%add3A_120] : memref<320000xi32, #tpu.memory_space<hbm>> -> memref<80xi32, #tpu.memory_space<hbm>>
          tpu.enqueue_dma source(%dma_start3A_122 : memref<80xi32, #tpu.memory_space<hbm>>) target(%arg9 : memref<80xi32, #tpu.memory_space<vmem>>) target_semaphore(%run_scoped3A : memref<!tpu.dma_semaphore, #tpu.memory_space<semaphore_mem>>)
          %dma_wait3A_123 = tpu.memref_slice %arg4[%add3A_120] : memref<320000xi32, #tpu.memory_space<hbm>> -> memref<80xi32, #tpu.memory_space<hbm>>
          %dma_wait3A_124 = tpu.memref_slice %arg4[%add3A_120] : memref<320000xi32, #tpu.memory_space<hbm>> -> memref<80xi32, #tpu.memory_space<hbm>>
          tpu.wait_dma2 semaphore(%run_scoped3A : memref<!tpu.dma_semaphore, #tpu.memory_space<semaphore_mem>>) src(%dma_wait3A_124 : memref<80xi32, #tpu.memory_space<hbm>>) dst(%arg9 : memref<80xi32, #tpu.memory_space<vmem>>)
          tpu.yield
        }) : () -> ()
      } else {
      }
      %dma_wait3A_104 = arith.constant 0 : i32
      %dma_wait3A_105 = arith.constant 0 : i32
      %dma_wait3A_106 = tpu.memref_slice %arg2[%dma_wait3A_104, %dma_wait3A_105] : memref<10240x128xf32, #tpu.memory_space<hbm>> -> memref<10240x128xf32, #tpu.memory_space<hbm>>
      tpu.wait_indirect_dma semaphore(%arg13 : memref<!tpu.dma_semaphore, #tpu.memory_space<semaphore_mem>>) src(%dma_wait3A_106 : memref<10240x128xf32, #tpu.memory_space<hbm>>) dst(%arg10 : memref<80x128xf32, #tpu.memory_space<vmem>>)
      %dma_start3A_107 = arith.constant 0 : i32
      %dma_start3A_108 = arith.constant 0 : i32
      %dma_start3A_109 = tpu.memref_slice %arg12[%dma_start3A_107, %dma_start3A_108] : memref<10240x128xf32, #tpu.memory_space<vmem_shared>> -> memref<10240x128xf32, #tpu.memory_space<vmem_shared>>
      tpu.enqueue_indirect_dma source(%arg10 : memref<80x128xf32, #tpu.memory_space<vmem>>) target(%dma_start3A_109 : memref<10240x128xf32, #tpu.memory_space<vmem_shared>>) offsets(%arg7 : memref<80xi32, #tpu.memory_space<vmem>>) semaphore(%arg14 : memref<!tpu.dma_semaphore, #tpu.memory_space<semaphore_mem>>) {add = true}
      %convert_element_type3A_110 = arith.extui %lt3A_99 : i1 to i32
      %cond3A_111 = arith.constant 0 : i32
      %cond3A_112 = arith.cmpi ne, %convert_element_type3A_110, %cond3A_111 : i32
      scf.if %cond3A_112 {
        %dma_start3A_114 = arith.constant 0 : i32
        %dma_start3A_115 = arith.constant 0 : i32
        %dma_start3A_116 = tpu.memref_slice %arg2[%dma_start3A_114, %dma_start3A_115] : memref<10240x128xf32, #tpu.memory_space<hbm>> -> memref<10240x128xf32, #tpu.memory_space<hbm>>
        tpu.enqueue_indirect_dma source(%dma_start3A_116 : memref<10240x128xf32, #tpu.memory_space<hbm>>) target(%arg11 : memref<80x128xf32, #tpu.memory_space<vmem>>) offsets(%arg8 : memref<80xi32, #tpu.memory_space<vmem>>) semaphore(%arg13 : memref<!tpu.dma_semaphore, #tpu.memory_space<semaphore_mem>>)
      } else {
      }
      %scan3A_113 = arith.constant 0 : i32
      scf.yield %scan3A_113 : i32
    }
    %scan3A_49 = arith.constant 62 : i32
    %dma_wait3A_50 = arith.constant 0 : i32
    %dma_wait3A_51 = arith.constant 0 : i32
    %dma_wait3A_52 = tpu.memref_slice %arg12[%dma_wait3A_50, %dma_wait3A_51] : memref<10240x128xf32, #tpu.memory_space<vmem_shared>> -> memref<10240x128xf32, #tpu.memory_space<vmem_shared>>
    tpu.wait_indirect_dma semaphore(%arg14 : memref<!tpu.dma_semaphore, #tpu.memory_space<semaphore_mem>>) src(%arg10 : memref<80x128xf32, #tpu.memory_space<vmem>>) dst(%dma_wait3A_52 : memref<10240x128xf32, #tpu.memory_space<vmem_shared>>)
    %barrier3A_53 = arith.constant 0 : index
    tpu.barrier barrier_id(%barrier3A_53)
    %add3A_54 = arith.constant 0 : i32
    %add3A_55 = arith.addi %mul3A_8, %add3A_54 : i32
    "tpu.region"() ({
      %run_scoped3A = tpu.sem_alloc : memref<!tpu.dma_semaphore, #tpu.memory_space<semaphore_mem>>
      %dma_start3A_70 = arith.constant 0 : i32
      %dma_start3A_71 = tpu.memref_slice %arg5[%arg0, %add3A_55, %dma_start3A_70] : memref<2x10240x128xf32, #tpu.memory_space<hbm>> -> memref<1x80x128xf32, #tpu.memory_space<hbm>>
      %dma_start3A_72 = tpu.memref_squeeze %dma_start3A_71 : memref<1x80x128xf32, #tpu.memory_space<hbm>> -> memref<80x128xf32, #tpu.memory_space<hbm>>
      %dma_start3A_73 = arith.constant 0 : i32
      %dma_start3A_74 = tpu.memref_slice %arg12[%add3A_55, %dma_start3A_73] : memref<10240x128xf32, #tpu.memory_space<vmem_shared>> -> memref<80x128xf32, #tpu.memory_space<vmem_shared>>
      tpu.enqueue_dma source(%dma_start3A_74 : memref<80x128xf32, #tpu.memory_space<vmem_shared>>) target(%dma_start3A_72 : memref<80x128xf32, #tpu.memory_space<hbm>>) target_semaphore(%run_scoped3A : memref<!tpu.dma_semaphore, #tpu.memory_space<semaphore_mem>>)
      %dma_wait3A_75 = arith.constant 0 : i32
      %dma_wait3A_76 = tpu.memref_slice %arg5[%arg0, %add3A_55, %dma_wait3A_75] : memref<2x10240x128xf32, #tpu.memory_space<hbm>> -> memref<1x80x128xf32, #tpu.memory_space<hbm>>
      %dma_wait3A_77 = tpu.memref_squeeze %dma_wait3A_76 : memref<1x80x128xf32, #tpu.memory_space<hbm>> -> memref<80x128xf32, #tpu.memory_space<hbm>>
      %dma_wait3A_78 = arith.constant 0 : i32
      %dma_wait3A_79 = tpu.memref_slice %arg12[%add3A_55, %dma_wait3A_78] : memref<10240x128xf32, #tpu.memory_space<vmem_shared>> -> memref<80x128xf32, #tpu.memory_space<vmem_shared>>
      tpu.wait_dma2 semaphore(%run_scoped3A : memref<!tpu.dma_semaphore, #tpu.memory_space<semaphore_mem>>) src(%dma_wait3A_79 : memref<80x128xf32, #tpu.memory_space<vmem_shared>>) dst(%dma_wait3A_77 : memref<80x128xf32, #tpu.memory_space<hbm>>)
      tpu.yield
    }) : () -> ()
    %add3A_56 = arith.constant 80 : i32
    %add3A_57 = arith.addi %mul3A_8, %add3A_56 : i32
    "tpu.region"() ({
      %run_scoped3A = tpu.sem_alloc : memref<!tpu.dma_semaphore, #tpu.memory_space<semaphore_mem>>
      %dma_start3A_70 = arith.constant 0 : i32
      %dma_start3A_71 = tpu.memref_slice %arg5[%arg0, %add3A_57, %dma_start3A_70] : memref<2x10240x128xf32, #tpu.memory_space<hbm>> -> memref<1x80x128xf32, #tpu.memory_space<hbm>>
      %dma_start3A_72 = tpu.memref_squeeze %dma_start3A_71 : memref<1x80x128xf32, #tpu.memory_space<hbm>> -> memref<80x128xf32, #tpu.memory_space<hbm>>
      %dma_start3A_73 = arith.constant 0 : i32
      %dma_start3A_74 = tpu.memref_slice %arg12[%add3A_57, %dma_start3A_73] : memref<10240x128xf32, #tpu.memory_space<vmem_shared>> -> memref<80x128xf32, #tpu.memory_space<vmem_shared>>
      tpu.enqueue_dma source(%dma_start3A_74 : memref<80x128xf32, #tpu.memory_space<vmem_shared>>) target(%dma_start3A_72 : memref<80x128xf32, #tpu.memory_space<hbm>>) target_semaphore(%run_scoped3A : memref<!tpu.dma_semaphore, #tpu.memory_space<semaphore_mem>>)
      %dma_wait3A_75 = arith.constant 0 : i32
      %dma_wait3A_76 = tpu.memref_slice %arg5[%arg0, %add3A_57, %dma_wait3A_75] : memref<2x10240x128xf32, #tpu.memory_space<hbm>> -> memref<1x80x128xf32, #tpu.memory_space<hbm>>
      %dma_wait3A_77 = tpu.memref_squeeze %dma_wait3A_76 : memref<1x80x128xf32, #tpu.memory_space<hbm>> -> memref<80x128xf32, #tpu.memory_space<hbm>>
      %dma_wait3A_78 = arith.constant 0 : i32
      %dma_wait3A_79 = tpu.memref_slice %arg12[%add3A_57, %dma_wait3A_78] : memref<10240x128xf32, #tpu.memory_space<vmem_shared>> -> memref<80x128xf32, #tpu.memory_space<vmem_shared>>
      tpu.wait_dma2 semaphore(%run_scoped3A : memref<!tpu.dma_semaphore, #tpu.memory_space<semaphore_mem>>) src(%dma_wait3A_79 : memref<80x128xf32, #tpu.memory_space<vmem_shared>>) dst(%dma_wait3A_77 : memref<80x128xf32, #tpu.memory_space<hbm>>)
      tpu.yield
    }) : () -> ()
    %add3A_58 = arith.constant 160 : i32
    %add3A_59 = arith.addi %mul3A_8, %add3A_58 : i32
    "tpu.region"() ({
      %run_scoped3A = tpu.sem_alloc : memref<!tpu.dma_semaphore, #tpu.memory_space<semaphore_mem>>
      %dma_start3A_70 = arith.constant 0 : i32
      %dma_start3A_71 = tpu.memref_slice %arg5[%arg0, %add3A_59, %dma_start3A_70] : memref<2x10240x128xf32, #tpu.memory_space<hbm>> -> memref<1x80x128xf32, #tpu.memory_space<hbm>>
      %dma_start3A_72 = tpu.memref_squeeze %dma_start3A_71 : memref<1x80x128xf32, #tpu.memory_space<hbm>> -> memref<80x128xf32, #tpu.memory_space<hbm>>
      %dma_start3A_73 = arith.constant 0 : i32
      %dma_start3A_74 = tpu.memref_slice %arg12[%add3A_59, %dma_start3A_73] : memref<10240x128xf32, #tpu.memory_space<vmem_shared>> -> memref<80x128xf32, #tpu.memory_space<vmem_shared>>
      tpu.enqueue_dma source(%dma_start3A_74 : memref<80x128xf32, #tpu.memory_space<vmem_shared>>) target(%dma_start3A_72 : memref<80x128xf32, #tpu.memory_space<hbm>>) target_semaphore(%run_scoped3A : memref<!tpu.dma_semaphore, #tpu.memory_space<semaphore_mem>>)
      %dma_wait3A_75 = arith.constant 0 : i32
      %dma_wait3A_76 = tpu.memref_slice %arg5[%arg0, %add3A_59, %dma_wait3A_75] : memref<2x10240x128xf32, #tpu.memory_space<hbm>> -> memref<1x80x128xf32, #tpu.memory_space<hbm>>
      %dma_wait3A_77 = tpu.memref_squeeze %dma_wait3A_76 : memref<1x80x128xf32, #tpu.memory_space<hbm>> -> memref<80x128xf32, #tpu.memory_space<hbm>>
      %dma_wait3A_78 = arith.constant 0 : i32
      %dma_wait3A_79 = tpu.memref_slice %arg12[%add3A_59, %dma_wait3A_78] : memref<10240x128xf32, #tpu.memory_space<vmem_shared>> -> memref<80x128xf32, #tpu.memory_space<vmem_shared>>
      tpu.wait_dma2 semaphore(%run_scoped3A : memref<!tpu.dma_semaphore, #tpu.memory_space<semaphore_mem>>) src(%dma_wait3A_79 : memref<80x128xf32, #tpu.memory_space<vmem_shared>>) dst(%dma_wait3A_77 : memref<80x128xf32, #tpu.memory_space<hbm>>)
      tpu.yield
    }) : () -> ()
    %add3A_60 = arith.constant 240 : i32
    %add3A_61 = arith.addi %mul3A_8, %add3A_60 : i32
    "tpu.region"() ({
      %run_scoped3A = tpu.sem_alloc : memref<!tpu.dma_semaphore, #tpu.memory_space<semaphore_mem>>
      %dma_start3A_70 = arith.constant 0 : i32
      %dma_start3A_71 = tpu.memref_slice %arg5[%arg0, %add3A_61, %dma_start3A_70] : memref<2x10240x128xf32, #tpu.memory_space<hbm>> -> memref<1x80x128xf32, #tpu.memory_space<hbm>>
      %dma_start3A_72 = tpu.memref_squeeze %dma_start3A_71 : memref<1x80x128xf32, #tpu.memory_space<hbm>> -> memref<80x128xf32, #tpu.memory_space<hbm>>
      %dma_start3A_73 = arith.constant 0 : i32
      %dma_start3A_74 = tpu.memref_slice %arg12[%add3A_61, %dma_start3A_73] : memref<10240x128xf32, #tpu.memory_space<vmem_shared>> -> memref<80x128xf32, #tpu.memory_space<vmem_shared>>
      tpu.enqueue_dma source(%dma_start3A_74 : memref<80x128xf32, #tpu.memory_space<vmem_shared>>) target(%dma_start3A_72 : memref<80x128xf32, #tpu.memory_space<hbm>>) target_semaphore(%run_scoped3A : memref<!tpu.dma_semaphore, #tpu.memory_space<semaphore_mem>>)
      %dma_wait3A_75 = arith.constant 0 : i32
      %dma_wait3A_76 = tpu.memref_slice %arg5[%arg0, %add3A_61, %dma_wait3A_75] : memref<2x10240x128xf32, #tpu.memory_space<hbm>> -> memref<1x80x128xf32, #tpu.memory_space<hbm>>
      %dma_wait3A_77 = tpu.memref_squeeze %dma_wait3A_76 : memref<1x80x128xf32, #tpu.memory_space<hbm>> -> memref<80x128xf32, #tpu.memory_space<hbm>>
      %dma_wait3A_78 = arith.constant 0 : i32
      %dma_wait3A_79 = tpu.memref_slice %arg12[%add3A_61, %dma_wait3A_78] : memref<10240x128xf32, #tpu.memory_space<vmem_shared>> -> memref<80x128xf32, #tpu.memory_space<vmem_shared>>
      tpu.wait_dma2 semaphore(%run_scoped3A : memref<!tpu.dma_semaphore, #tpu.memory_space<semaphore_mem>>) src(%dma_wait3A_79 : memref<80x128xf32, #tpu.memory_space<vmem_shared>>) dst(%dma_wait3A_77 : memref<80x128xf32, #tpu.memory_space<hbm>>)
      tpu.yield
    }) : () -> ()
    %add3A_62 = arith.constant 320 : i32
    %add3A_63 = arith.addi %mul3A_8, %add3A_62 : i32
    "tpu.region"() ({
      %run_scoped3A = tpu.sem_alloc : memref<!tpu.dma_semaphore, #tpu.memory_space<semaphore_mem>>
      %dma_start3A_70 = arith.constant 0 : i32
      %dma_start3A_71 = tpu.memref_slice %arg5[%arg0, %add3A_63, %dma_start3A_70] : memref<2x10240x128xf32, #tpu.memory_space<hbm>> -> memref<1x80x128xf32, #tpu.memory_space<hbm>>
      %dma_start3A_72 = tpu.memref_squeeze %dma_start3A_71 : memref<1x80x128xf32, #tpu.memory_space<hbm>> -> memref<80x128xf32, #tpu.memory_space<hbm>>
      %dma_start3A_73 = arith.constant 0 : i32
      %dma_start3A_74 = tpu.memref_slice %arg12[%add3A_63, %dma_start3A_73] : memref<10240x128xf32, #tpu.memory_space<vmem_shared>> -> memref<80x128xf32, #tpu.memory_space<vmem_shared>>
      tpu.enqueue_dma source(%dma_start3A_74 : memref<80x128xf32, #tpu.memory_space<vmem_shared>>) target(%dma_start3A_72 : memref<80x128xf32, #tpu.memory_space<hbm>>) target_semaphore(%run_scoped3A : memref<!tpu.dma_semaphore, #tpu.memory_space<semaphore_mem>>)
      %dma_wait3A_75 = arith.constant 0 : i32
      %dma_wait3A_76 = tpu.memref_slice %arg5[%arg0, %add3A_63, %dma_wait3A_75] : memref<2x10240x128xf32, #tpu.memory_space<hbm>> -> memref<1x80x128xf32, #tpu.memory_space<hbm>>
      %dma_wait3A_77 = tpu.memref_squeeze %dma_wait3A_76 : memref<1x80x128xf32, #tpu.memory_space<hbm>> -> memref<80x128xf32, #tpu.memory_space<hbm>>
      %dma_wait3A_78 = arith.constant 0 : i32
      %dma_wait3A_79 = tpu.memref_slice %arg12[%add3A_63, %dma_wait3A_78] : memref<10240x128xf32, #tpu.memory_space<vmem_shared>> -> memref<80x128xf32, #tpu.memory_space<vmem_shared>>
      tpu.wait_dma2 semaphore(%run_scoped3A : memref<!tpu.dma_semaphore, #tpu.memory_space<semaphore_mem>>) src(%dma_wait3A_79 : memref<80x128xf32, #tpu.memory_space<vmem_shared>>) dst(%dma_wait3A_77 : memref<80x128xf32, #tpu.memory_space<hbm>>)
      tpu.yield
    }) : () -> ()
    %add3A_64 = arith.constant 400 : i32
    %add3A_65 = arith.addi %mul3A_8, %add3A_64 : i32
    "tpu.region"() ({
      %run_scoped3A = tpu.sem_alloc : memref<!tpu.dma_semaphore, #tpu.memory_space<semaphore_mem>>
      %dma_start3A_70 = arith.constant 0 : i32
      %dma_start3A_71 = tpu.memref_slice %arg5[%arg0, %add3A_65, %dma_start3A_70] : memref<2x10240x128xf32, #tpu.memory_space<hbm>> -> memref<1x80x128xf32, #tpu.memory_space<hbm>>
      %dma_start3A_72 = tpu.memref_squeeze %dma_start3A_71 : memref<1x80x128xf32, #tpu.memory_space<hbm>> -> memref<80x128xf32, #tpu.memory_space<hbm>>
      %dma_start3A_73 = arith.constant 0 : i32
      %dma_start3A_74 = tpu.memref_slice %arg12[%add3A_65, %dma_start3A_73] : memref<10240x128xf32, #tpu.memory_space<vmem_shared>> -> memref<80x128xf32, #tpu.memory_space<vmem_shared>>
      tpu.enqueue_dma source(%dma_start3A_74 : memref<80x128xf32, #tpu.memory_space<vmem_shared>>) target(%dma_start3A_72 : memref<80x128xf32, #tpu.memory_space<hbm>>) target_semaphore(%run_scoped3A : memref<!tpu.dma_semaphore, #tpu.memory_space<semaphore_mem>>)
      %dma_wait3A_75 = arith.constant 0 : i32
      %dma_wait3A_76 = tpu.memref_slice %arg5[%arg0, %add3A_65, %dma_wait3A_75] : memref<2x10240x128xf32, #tpu.memory_space<hbm>> -> memref<1x80x128xf32, #tpu.memory_space<hbm>>
      %dma_wait3A_77 = tpu.memref_squeeze %dma_wait3A_76 : memref<1x80x128xf32, #tpu.memory_space<hbm>> -> memref<80x128xf32, #tpu.memory_space<hbm>>
      %dma_wait3A_78 = arith.constant 0 : i32
      %dma_wait3A_79 = tpu.memref_slice %arg12[%add3A_65, %dma_wait3A_78] : memref<10240x128xf32, #tpu.memory_space<vmem_shared>> -> memref<80x128xf32, #tpu.memory_space<vmem_shared>>
      tpu.wait_dma2 semaphore(%run_scoped3A : memref<!tpu.dma_semaphore, #tpu.memory_space<semaphore_mem>>) src(%dma_wait3A_79 : memref<80x128xf32, #tpu.memory_space<vmem_shared>>) dst(%dma_wait3A_77 : memref<80x128xf32, #tpu.memory_space<hbm>>)
      tpu.yield
    }) : () -> ()
    %add3A_66 = arith.constant 480 : i32
    %add3A_67 = arith.addi %mul3A_8, %add3A_66 : i32
    "tpu.region"() ({
      %run_scoped3A = tpu.sem_alloc : memref<!tpu.dma_semaphore, #tpu.memory_space<semaphore_mem>>
      %dma_start3A_70 = arith.constant 0 : i32
      %dma_start3A_71 = tpu.memref_slice %arg5[%arg0, %add3A_67, %dma_start3A_70] : memref<2x10240x128xf32, #tpu.memory_space<hbm>> -> memref<1x80x128xf32, #tpu.memory_space<hbm>>
      %dma_start3A_72 = tpu.memref_squeeze %dma_start3A_71 : memref<1x80x128xf32, #tpu.memory_space<hbm>> -> memref<80x128xf32, #tpu.memory_space<hbm>>
      %dma_start3A_73 = arith.constant 0 : i32
      %dma_start3A_74 = tpu.memref_slice %arg12[%add3A_67, %dma_start3A_73] : memref<10240x128xf32, #tpu.memory_space<vmem_shared>> -> memref<80x128xf32, #tpu.memory_space<vmem_shared>>
      tpu.enqueue_dma source(%dma_start3A_74 : memref<80x128xf32, #tpu.memory_space<vmem_shared>>) target(%dma_start3A_72 : memref<80x128xf32, #tpu.memory_space<hbm>>) target_semaphore(%run_scoped3A : memref<!tpu.dma_semaphore, #tpu.memory_space<semaphore_mem>>)
      %dma_wait3A_75 = arith.constant 0 : i32
      %dma_wait3A_76 = tpu.memref_slice %arg5[%arg0, %add3A_67, %dma_wait3A_75] : memref<2x10240x128xf32, #tpu.memory_space<hbm>> -> memref<1x80x128xf32, #tpu.memory_space<hbm>>
      %dma_wait3A_77 = tpu.memref_squeeze %dma_wait3A_76 : memref<1x80x128xf32, #tpu.memory_space<hbm>> -> memref<80x128xf32, #tpu.memory_space<hbm>>
      %dma_wait3A_78 = arith.constant 0 : i32
      %dma_wait3A_79 = tpu.memref_slice %arg12[%add3A_67, %dma_wait3A_78] : memref<10240x128xf32, #tpu.memory_space<vmem_shared>> -> memref<80x128xf32, #tpu.memory_space<vmem_shared>>
      tpu.wait_dma2 semaphore(%run_scoped3A : memref<!tpu.dma_semaphore, #tpu.memory_space<semaphore_mem>>) src(%dma_wait3A_79 : memref<80x128xf32, #tpu.memory_space<vmem_shared>>) dst(%dma_wait3A_77 : memref<80x128xf32, #tpu.memory_space<hbm>>)
      tpu.yield
    }) : () -> ()
    %add3A_68 = arith.constant 560 : i32
    %add3A_69 = arith.addi %mul3A_8, %add3A_68 : i32
    "tpu.region"() ({
      %run_scoped3A = tpu.sem_alloc : memref<!tpu.dma_semaphore, #tpu.memory_space<semaphore_mem>>
      %dma_start3A_70 = arith.constant 0 : i32
      %dma_start3A_71 = tpu.memref_slice %arg5[%arg0, %add3A_69, %dma_start3A_70] : memref<2x10240x128xf32, #tpu.memory_space<hbm>> -> memref<1x80x128xf32, #tpu.memory_space<hbm>>
      %dma_start3A_72 = tpu.memref_squeeze %dma_start3A_71 : memref<1x80x128xf32, #tpu.memory_space<hbm>> -> memref<80x128xf32, #tpu.memory_space<hbm>>
      %dma_start3A_73 = arith.constant 0 : i32
      %dma_start3A_74 = tpu.memref_slice %arg12[%add3A_69, %dma_start3A_73] : memref<10240x128xf32, #tpu.memory_space<vmem_shared>> -> memref<80x128xf32, #tpu.memory_space<vmem_shared>>
      tpu.enqueue_dma source(%dma_start3A_74 : memref<80x128xf32, #tpu.memory_space<vmem_shared>>) target(%dma_start3A_72 : memref<80x128xf32, #tpu.memory_space<hbm>>) target_semaphore(%run_scoped3A : memref<!tpu.dma_semaphore, #tpu.memory_space<semaphore_mem>>)
      %dma_wait3A_75 = arith.constant 0 : i32
      %dma_wait3A_76 = tpu.memref_slice %arg5[%arg0, %add3A_69, %dma_wait3A_75] : memref<2x10240x128xf32, #tpu.memory_space<hbm>> -> memref<1x80x128xf32, #tpu.memory_space<hbm>>
      %dma_wait3A_77 = tpu.memref_squeeze %dma_wait3A_76 : memref<1x80x128xf32, #tpu.memory_space<hbm>> -> memref<80x128xf32, #tpu.memory_space<hbm>>
      %dma_wait3A_78 = arith.constant 0 : i32
      %dma_wait3A_79 = tpu.memref_slice %arg12[%add3A_69, %dma_wait3A_78] : memref<10240x128xf32, #tpu.memory_space<vmem_shared>> -> memref<80x128xf32, #tpu.memory_space<vmem_shared>>
      tpu.wait_dma2 semaphore(%run_scoped3A : memref<!tpu.dma_semaphore, #tpu.memory_space<semaphore_mem>>) src(%dma_wait3A_79 : memref<80x128xf32, #tpu.memory_space<vmem_shared>>) dst(%dma_wait3A_77 : memref<80x128xf32, #tpu.memory_space<hbm>>)
      tpu.yield
    }) : () -> ()
    return
  }
}

#map = affine_map<(d0, d1) -> (0, 0)>
#map1 = affine_map<(d0, d1) -> (0)>
#map2 = affine_map<(d0, d1) -> (0, 0, 0)>
module attributes {stable_mosaic.version = 14 : i64} {
  func.func @_edge_pass(%arg0: i32, %arg1: i32, %arg2: memref<10240x128xf32, #tpu.memory_space<hbm>>, %arg3: memref<320000xi32, #tpu.memory_space<hbm>>, %arg4: memref<320000xi32, #tpu.memory_space<hbm>>, %arg5: memref<2x10240x128xf32, #tpu.memory_space<hbm>>, %arg6: memref<80xi32, #tpu.memory_space<vmem>>, %arg7: memref<80xi32, #tpu.memory_space<vmem>>, %arg8: memref<80xi32, #tpu.memory_space<vmem>>, %arg9: memref<80xi32, #tpu.memory_space<vmem>>, %arg10: memref<80x128xf32, #tpu.memory_space<vmem>>, %arg11: memref<80x128xf32, #tpu.memory_space<vmem>>, %arg12: memref<10240x128xf32, #tpu.memory_space<vmem_shared>>, %arg13: memref<!tpu.dma_semaphore, #tpu.memory_space<semaphore_mem>>, %arg14: memref<!tpu.dma_semaphore, #tpu.memory_space<semaphore_mem>>) attributes {dimension_semantics = [#tpu.dimension_semantics<core_parallel>, #tpu.dimension_semantics<subcore_parallel>], iteration_bounds = array<i64: 2, 16>, scalar_prefetch = 0 : i64, scratch_operands = 9 : i64, tpu.core_type = #tpu.core_type<sc_vector_subcore>, window_params = [{transform_indices = #map}, {transform_indices = #map1}, {transform_indices = #map1}, {transform_indices = #map2}]} {
    %mul3A = arith.constant 16 : i32
    %mul3A_0 = arith.muli %arg0, %mul3A : i32
    %add3A = arith.addi %mul3A_0, %arg1 : i32
    %scan3A = arith.constant 0 : i32
    %scan3A_1 = arith.constant 0 : i32
    %scan3A_2 = arith.constant 80 : i32
    %scan3A_3 = arith.addi %scan3A_1, %scan3A_2 : i32
    %scan3A_4 = arith.constant 1 : i32
    %scan3A_5 = scf.for %scan3A_70 = %scan3A_1 to %scan3A_3 step %scan3A_4 iter_args(%scan3A_71 = %scan3A) -> (i32)  : i32 {
      %broadcast_in_dim3A = arith.constant 0.000000e+00 : f32
      %broadcast_in_dim3A_72 = vector.broadcast %broadcast_in_dim3A : f32 to vector<16xf32>
      %swap3A = arith.index_cast %scan3A_70 : i32 to index
      %swap3A_73 = arith.constant 0 : index
      %swap3A_74 = tpu.vector_load %arg10[%swap3A, %swap3A_73] {strides = array<i32>} : memref<80x128xf32, #tpu.memory_space<vmem>>, vector<1x16xf32>,
      %swap3A_75 = vector.shape_cast %swap3A_74 : vector<1x16xf32> to vector<16xf32>
      %swap3A_76 = vector.shape_cast %broadcast_in_dim3A_72 : vector<16xf32> to vector<1x16xf32>
      tpu.vector_store %arg10[%swap3A, %swap3A_73], %swap3A_76 {strides = array<i32>} : memref<80x128xf32, #tpu.memory_space<vmem>>, vector<1x16xf32>,
      %broadcast_in_dim3A_77 = arith.constant 0.000000e+00 : f32
      %broadcast_in_dim3A_78 = vector.broadcast %broadcast_in_dim3A_77 : f32 to vector<16xf32>
      %swap3A_79 = arith.index_cast %scan3A_70 : i32 to index
      %swap3A_80 = arith.constant 16 : index
      %swap3A_81 = tpu.vector_load %arg10[%swap3A_79, %swap3A_80] {strides = array<i32>} : memref<80x128xf32, #tpu.memory_space<vmem>>, vector<1x16xf32>,
      %swap3A_82 = vector.shape_cast %swap3A_81 : vector<1x16xf32> to vector<16xf32>
      %swap3A_83 = vector.shape_cast %broadcast_in_dim3A_78 : vector<16xf32> to vector<1x16xf32>
      tpu.vector_store %arg10[%swap3A_79, %swap3A_80], %swap3A_83 {strides = array<i32>} : memref<80x128xf32, #tpu.memory_space<vmem>>, vector<1x16xf32>,
      %broadcast_in_dim3A_84 = arith.constant 0.000000e+00 : f32
      %broadcast_in_dim3A_85 = vector.broadcast %broadcast_in_dim3A_84 : f32 to vector<16xf32>
      %swap3A_86 = arith.index_cast %scan3A_70 : i32 to index
      %swap3A_87 = arith.constant 32 : index
      %swap3A_88 = tpu.vector_load %arg10[%swap3A_86, %swap3A_87] {strides = array<i32>} : memref<80x128xf32, #tpu.memory_space<vmem>>, vector<1x16xf32>,
      %swap3A_89 = vector.shape_cast %swap3A_88 : vector<1x16xf32> to vector<16xf32>
      %swap3A_90 = vector.shape_cast %broadcast_in_dim3A_85 : vector<16xf32> to vector<1x16xf32>
      tpu.vector_store %arg10[%swap3A_86, %swap3A_87], %swap3A_90 {strides = array<i32>} : memref<80x128xf32, #tpu.memory_space<vmem>>, vector<1x16xf32>,
      %broadcast_in_dim3A_91 = arith.constant 0.000000e+00 : f32
      %broadcast_in_dim3A_92 = vector.broadcast %broadcast_in_dim3A_91 : f32 to vector<16xf32>
      %swap3A_93 = arith.index_cast %scan3A_70 : i32 to index
      %swap3A_94 = arith.constant 48 : index
      %swap3A_95 = tpu.vector_load %arg10[%swap3A_93, %swap3A_94] {strides = array<i32>} : memref<80x128xf32, #tpu.memory_space<vmem>>, vector<1x16xf32>,
      %swap3A_96 = vector.shape_cast %swap3A_95 : vector<1x16xf32> to vector<16xf32>
      %swap3A_97 = vector.shape_cast %broadcast_in_dim3A_92 : vector<16xf32> to vector<1x16xf32>
      tpu.vector_store %arg10[%swap3A_93, %swap3A_94], %swap3A_97 {strides = array<i32>} : memref<80x128xf32, #tpu.memory_space<vmem>>, vector<1x16xf32>,
      %broadcast_in_dim3A_98 = arith.constant 0.000000e+00 : f32
      %broadcast_in_dim3A_99 = vector.broadcast %broadcast_in_dim3A_98 : f32 to vector<16xf32>
      %swap3A_100 = arith.index_cast %scan3A_70 : i32 to index
      %swap3A_101 = arith.constant 64 : index
      %swap3A_102 = tpu.vector_load %arg10[%swap3A_100, %swap3A_101] {strides = array<i32>} : memref<80x128xf32, #tpu.memory_space<vmem>>, vector<1x16xf32>,
      %swap3A_103 = vector.shape_cast %swap3A_102 : vector<1x16xf32> to vector<16xf32>
      %swap3A_104 = vector.shape_cast %broadcast_in_dim3A_99 : vector<16xf32> to vector<1x16xf32>
      tpu.vector_store %arg10[%swap3A_100, %swap3A_101], %swap3A_104 {strides = array<i32>} : memref<80x128xf32, #tpu.memory_space<vmem>>, vector<1x16xf32>,
      %broadcast_in_dim3A_105 = arith.constant 0.000000e+00 : f32
      %broadcast_in_dim3A_106 = vector.broadcast %broadcast_in_dim3A_105 : f32 to vector<16xf32>
      %swap3A_107 = arith.index_cast %scan3A_70 : i32 to index
      %swap3A_108 = arith.constant 80 : index
      %swap3A_109 = tpu.vector_load %arg10[%swap3A_107, %swap3A_108] {strides = array<i32>} : memref<80x128xf32, #tpu.memory_space<vmem>>, vector<1x16xf32>,
      %swap3A_110 = vector.shape_cast %swap3A_109 : vector<1x16xf32> to vector<16xf32>
      %swap3A_111 = vector.shape_cast %broadcast_in_dim3A_106 : vector<16xf32> to vector<1x16xf32>
      tpu.vector_store %arg10[%swap3A_107, %swap3A_108], %swap3A_111 {strides = array<i32>} : memref<80x128xf32, #tpu.memory_space<vmem>>, vector<1x16xf32>,
      %broadcast_in_dim3A_112 = arith.constant 0.000000e+00 : f32
      %broadcast_in_dim3A_113 = vector.broadcast %broadcast_in_dim3A_112 : f32 to vector<16xf32>
      %swap3A_114 = arith.index_cast %scan3A_70 : i32 to index
      %swap3A_115 = arith.constant 96 : index
      %swap3A_116 = tpu.vector_load %arg10[%swap3A_114, %swap3A_115] {strides = array<i32>} : memref<80x128xf32, #tpu.memory_space<vmem>>, vector<1x16xf32>,
      %swap3A_117 = vector.shape_cast %swap3A_116 : vector<1x16xf32> to vector<16xf32>
      %swap3A_118 = vector.shape_cast %broadcast_in_dim3A_113 : vector<16xf32> to vector<1x16xf32>
      tpu.vector_store %arg10[%swap3A_114, %swap3A_115], %swap3A_118 {strides = array<i32>} : memref<80x128xf32, #tpu.memory_space<vmem>>, vector<1x16xf32>,
      %broadcast_in_dim3A_119 = arith.constant 0.000000e+00 : f32
      %broadcast_in_dim3A_120 = vector.broadcast %broadcast_in_dim3A_119 : f32 to vector<16xf32>
      %swap3A_121 = arith.index_cast %scan3A_70 : i32 to index
      %swap3A_122 = arith.constant 112 : index
      %swap3A_123 = tpu.vector_load %arg10[%swap3A_121, %swap3A_122] {strides = array<i32>} : memref<80x128xf32, #tpu.memory_space<vmem>>, vector<1x16xf32>,
      %swap3A_124 = vector.shape_cast %swap3A_123 : vector<1x16xf32> to vector<16xf32>
      %swap3A_125 = vector.shape_cast %broadcast_in_dim3A_120 : vector<16xf32> to vector<1x16xf32>
      tpu.vector_store %arg10[%swap3A_121, %swap3A_122], %swap3A_125 {strides = array<i32>} : memref<80x128xf32, #tpu.memory_space<vmem>>, vector<1x16xf32>,
      %scan3A_126 = arith.constant 0 : i32
      scf.yield %scan3A_126 : i32
    }
    %scan3A_6 = arith.constant 80 : i32
    %mul3A_7 = arith.constant 640 : i32
    %mul3A_8 = arith.muli %arg1, %mul3A_7 : i32
    %add3A_9 = arith.constant 0 : i32
    %add3A_10 = arith.addi %mul3A_8, %add3A_9 : i32
    "tpu.region"() ({
      %run_scoped3A = tpu.sem_alloc : memref<!tpu.dma_semaphore, #tpu.memory_space<semaphore_mem>>
      %dma_start3A_70 = arith.constant 0 : i32
      %dma_start3A_71 = tpu.memref_slice %arg12[%add3A_10, %dma_start3A_70] : memref<10240x128xf32, #tpu.memory_space<vmem_shared>> -> memref<80x128xf32, #tpu.memory_space<vmem_shared>>
      %dma_start3A_72 = arith.constant 0 : i32
      %dma_start3A_73 = tpu.memref_slice %arg12[%add3A_10, %dma_start3A_72] : memref<10240x128xf32, #tpu.memory_space<vmem_shared>> -> memref<80x128xf32, #tpu.memory_space<vmem_shared>>
      tpu.enqueue_dma source(%arg10 : memref<80x128xf32, #tpu.memory_space<vmem>>) target(%dma_start3A_73 : memref<80x128xf32, #tpu.memory_space<vmem_shared>>) target_semaphore(%run_scoped3A : memref<!tpu.dma_semaphore, #tpu.memory_space<semaphore_mem>>)
      %dma_wait3A_74 = arith.constant 0 : i32
      %dma_wait3A_75 = tpu.memref_slice %arg12[%add3A_10, %dma_wait3A_74] : memref<10240x128xf32, #tpu.memory_space<vmem_shared>> -> memref<80x128xf32, #tpu.memory_space<vmem_shared>>
      %dma_wait3A_76 = arith.constant 0 : i32
      %dma_wait3A_77 = tpu.memref_slice %arg12[%add3A_10, %dma_wait3A_76] : memref<10240x128xf32, #tpu.memory_space<vmem_shared>> -> memref<80x128xf32, #tpu.memory_space<vmem_shared>>
      tpu.wait_dma2 semaphore(%run_scoped3A : memref<!tpu.dma_semaphore, #tpu.memory_space<semaphore_mem>>) src(%arg10 : memref<80x128xf32, #tpu.memory_space<vmem>>) dst(%dma_wait3A_77 : memref<80x128xf32, #tpu.memory_space<vmem_shared>>)
      tpu.yield
    }) : () -> ()
    %add3A_11 = arith.constant 80 : i32
    %add3A_12 = arith.addi %mul3A_8, %add3A_11 : i32
    "tpu.region"() ({
      %run_scoped3A = tpu.sem_alloc : memref<!tpu.dma_semaphore, #tpu.memory_space<semaphore_mem>>
      %dma_start3A_70 = arith.constant 0 : i32
      %dma_start3A_71 = tpu.memref_slice %arg12[%add3A_12, %dma_start3A_70] : memref<10240x128xf32, #tpu.memory_space<vmem_shared>> -> memref<80x128xf32, #tpu.memory_space<vmem_shared>>
      %dma_start3A_72 = arith.constant 0 : i32
      %dma_start3A_73 = tpu.memref_slice %arg12[%add3A_12, %dma_start3A_72] : memref<10240x128xf32, #tpu.memory_space<vmem_shared>> -> memref<80x128xf32, #tpu.memory_space<vmem_shared>>
      tpu.enqueue_dma source(%arg10 : memref<80x128xf32, #tpu.memory_space<vmem>>) target(%dma_start3A_73 : memref<80x128xf32, #tpu.memory_space<vmem_shared>>) target_semaphore(%run_scoped3A : memref<!tpu.dma_semaphore, #tpu.memory_space<semaphore_mem>>)
      %dma_wait3A_74 = arith.constant 0 : i32
      %dma_wait3A_75 = tpu.memref_slice %arg12[%add3A_12, %dma_wait3A_74] : memref<10240x128xf32, #tpu.memory_space<vmem_shared>> -> memref<80x128xf32, #tpu.memory_space<vmem_shared>>
      %dma_wait3A_76 = arith.constant 0 : i32
      %dma_wait3A_77 = tpu.memref_slice %arg12[%add3A_12, %dma_wait3A_76] : memref<10240x128xf32, #tpu.memory_space<vmem_shared>> -> memref<80x128xf32, #tpu.memory_space<vmem_shared>>
      tpu.wait_dma2 semaphore(%run_scoped3A : memref<!tpu.dma_semaphore, #tpu.memory_space<semaphore_mem>>) src(%arg10 : memref<80x128xf32, #tpu.memory_space<vmem>>) dst(%dma_wait3A_77 : memref<80x128xf32, #tpu.memory_space<vmem_shared>>)
      tpu.yield
    }) : () -> ()
    %add3A_13 = arith.constant 160 : i32
    %add3A_14 = arith.addi %mul3A_8, %add3A_13 : i32
    "tpu.region"() ({
      %run_scoped3A = tpu.sem_alloc : memref<!tpu.dma_semaphore, #tpu.memory_space<semaphore_mem>>
      %dma_start3A_70 = arith.constant 0 : i32
      %dma_start3A_71 = tpu.memref_slice %arg12[%add3A_14, %dma_start3A_70] : memref<10240x128xf32, #tpu.memory_space<vmem_shared>> -> memref<80x128xf32, #tpu.memory_space<vmem_shared>>
      %dma_start3A_72 = arith.constant 0 : i32
      %dma_start3A_73 = tpu.memref_slice %arg12[%add3A_14, %dma_start3A_72] : memref<10240x128xf32, #tpu.memory_space<vmem_shared>> -> memref<80x128xf32, #tpu.memory_space<vmem_shared>>
      tpu.enqueue_dma source(%arg10 : memref<80x128xf32, #tpu.memory_space<vmem>>) target(%dma_start3A_73 : memref<80x128xf32, #tpu.memory_space<vmem_shared>>) target_semaphore(%run_scoped3A : memref<!tpu.dma_semaphore, #tpu.memory_space<semaphore_mem>>)
      %dma_wait3A_74 = arith.constant 0 : i32
      %dma_wait3A_75 = tpu.memref_slice %arg12[%add3A_14, %dma_wait3A_74] : memref<10240x128xf32, #tpu.memory_space<vmem_shared>> -> memref<80x128xf32, #tpu.memory_space<vmem_shared>>
      %dma_wait3A_76 = arith.constant 0 : i32
      %dma_wait3A_77 = tpu.memref_slice %arg12[%add3A_14, %dma_wait3A_76] : memref<10240x128xf32, #tpu.memory_space<vmem_shared>> -> memref<80x128xf32, #tpu.memory_space<vmem_shared>>
      tpu.wait_dma2 semaphore(%run_scoped3A : memref<!tpu.dma_semaphore, #tpu.memory_space<semaphore_mem>>) src(%arg10 : memref<80x128xf32, #tpu.memory_space<vmem>>) dst(%dma_wait3A_77 : memref<80x128xf32, #tpu.memory_space<vmem_shared>>)
      tpu.yield
    }) : () -> ()
    %add3A_15 = arith.constant 240 : i32
    %add3A_16 = arith.addi %mul3A_8, %add3A_15 : i32
    "tpu.region"() ({
      %run_scoped3A = tpu.sem_alloc : memref<!tpu.dma_semaphore, #tpu.memory_space<semaphore_mem>>
      %dma_start3A_70 = arith.constant 0 : i32
      %dma_start3A_71 = tpu.memref_slice %arg12[%add3A_16, %dma_start3A_70] : memref<10240x128xf32, #tpu.memory_space<vmem_shared>> -> memref<80x128xf32, #tpu.memory_space<vmem_shared>>
      %dma_start3A_72 = arith.constant 0 : i32
      %dma_start3A_73 = tpu.memref_slice %arg12[%add3A_16, %dma_start3A_72] : memref<10240x128xf32, #tpu.memory_space<vmem_shared>> -> memref<80x128xf32, #tpu.memory_space<vmem_shared>>
      tpu.enqueue_dma source(%arg10 : memref<80x128xf32, #tpu.memory_space<vmem>>) target(%dma_start3A_73 : memref<80x128xf32, #tpu.memory_space<vmem_shared>>) target_semaphore(%run_scoped3A : memref<!tpu.dma_semaphore, #tpu.memory_space<semaphore_mem>>)
      %dma_wait3A_74 = arith.constant 0 : i32
      %dma_wait3A_75 = tpu.memref_slice %arg12[%add3A_16, %dma_wait3A_74] : memref<10240x128xf32, #tpu.memory_space<vmem_shared>> -> memref<80x128xf32, #tpu.memory_space<vmem_shared>>
      %dma_wait3A_76 = arith.constant 0 : i32
      %dma_wait3A_77 = tpu.memref_slice %arg12[%add3A_16, %dma_wait3A_76] : memref<10240x128xf32, #tpu.memory_space<vmem_shared>> -> memref<80x128xf32, #tpu.memory_space<vmem_shared>>
      tpu.wait_dma2 semaphore(%run_scoped3A : memref<!tpu.dma_semaphore, #tpu.memory_space<semaphore_mem>>) src(%arg10 : memref<80x128xf32, #tpu.memory_space<vmem>>) dst(%dma_wait3A_77 : memref<80x128xf32, #tpu.memory_space<vmem_shared>>)
      tpu.yield
    }) : () -> ()
    %add3A_17 = arith.constant 320 : i32
    %add3A_18 = arith.addi %mul3A_8, %add3A_17 : i32
    "tpu.region"() ({
      %run_scoped3A = tpu.sem_alloc : memref<!tpu.dma_semaphore, #tpu.memory_space<semaphore_mem>>
      %dma_start3A_70 = arith.constant 0 : i32
      %dma_start3A_71 = tpu.memref_slice %arg12[%add3A_18, %dma_start3A_70] : memref<10240x128xf32, #tpu.memory_space<vmem_shared>> -> memref<80x128xf32, #tpu.memory_space<vmem_shared>>
      %dma_start3A_72 = arith.constant 0 : i32
      %dma_start3A_73 = tpu.memref_slice %arg12[%add3A_18, %dma_start3A_72] : memref<10240x128xf32, #tpu.memory_space<vmem_shared>> -> memref<80x128xf32, #tpu.memory_space<vmem_shared>>
      tpu.enqueue_dma source(%arg10 : memref<80x128xf32, #tpu.memory_space<vmem>>) target(%dma_start3A_73 : memref<80x128xf32, #tpu.memory_space<vmem_shared>>) target_semaphore(%run_scoped3A : memref<!tpu.dma_semaphore, #tpu.memory_space<semaphore_mem>>)
      %dma_wait3A_74 = arith.constant 0 : i32
      %dma_wait3A_75 = tpu.memref_slice %arg12[%add3A_18, %dma_wait3A_74] : memref<10240x128xf32, #tpu.memory_space<vmem_shared>> -> memref<80x128xf32, #tpu.memory_space<vmem_shared>>
      %dma_wait3A_76 = arith.constant 0 : i32
      %dma_wait3A_77 = tpu.memref_slice %arg12[%add3A_18, %dma_wait3A_76] : memref<10240x128xf32, #tpu.memory_space<vmem_shared>> -> memref<80x128xf32, #tpu.memory_space<vmem_shared>>
      tpu.wait_dma2 semaphore(%run_scoped3A : memref<!tpu.dma_semaphore, #tpu.memory_space<semaphore_mem>>) src(%arg10 : memref<80x128xf32, #tpu.memory_space<vmem>>) dst(%dma_wait3A_77 : memref<80x128xf32, #tpu.memory_space<vmem_shared>>)
      tpu.yield
    }) : () -> ()
    %add3A_19 = arith.constant 400 : i32
    %add3A_20 = arith.addi %mul3A_8, %add3A_19 : i32
    "tpu.region"() ({
      %run_scoped3A = tpu.sem_alloc : memref<!tpu.dma_semaphore, #tpu.memory_space<semaphore_mem>>
      %dma_start3A_70 = arith.constant 0 : i32
      %dma_start3A_71 = tpu.memref_slice %arg12[%add3A_20, %dma_start3A_70] : memref<10240x128xf32, #tpu.memory_space<vmem_shared>> -> memref<80x128xf32, #tpu.memory_space<vmem_shared>>
      %dma_start3A_72 = arith.constant 0 : i32
      %dma_start3A_73 = tpu.memref_slice %arg12[%add3A_20, %dma_start3A_72] : memref<10240x128xf32, #tpu.memory_space<vmem_shared>> -> memref<80x128xf32, #tpu.memory_space<vmem_shared>>
      tpu.enqueue_dma source(%arg10 : memref<80x128xf32, #tpu.memory_space<vmem>>) target(%dma_start3A_73 : memref<80x128xf32, #tpu.memory_space<vmem_shared>>) target_semaphore(%run_scoped3A : memref<!tpu.dma_semaphore, #tpu.memory_space<semaphore_mem>>)
      %dma_wait3A_74 = arith.constant 0 : i32
      %dma_wait3A_75 = tpu.memref_slice %arg12[%add3A_20, %dma_wait3A_74] : memref<10240x128xf32, #tpu.memory_space<vmem_shared>> -> memref<80x128xf32, #tpu.memory_space<vmem_shared>>
      %dma_wait3A_76 = arith.constant 0 : i32
      %dma_wait3A_77 = tpu.memref_slice %arg12[%add3A_20, %dma_wait3A_76] : memref<10240x128xf32, #tpu.memory_space<vmem_shared>> -> memref<80x128xf32, #tpu.memory_space<vmem_shared>>
      tpu.wait_dma2 semaphore(%run_scoped3A : memref<!tpu.dma_semaphore, #tpu.memory_space<semaphore_mem>>) src(%arg10 : memref<80x128xf32, #tpu.memory_space<vmem>>) dst(%dma_wait3A_77 : memref<80x128xf32, #tpu.memory_space<vmem_shared>>)
      tpu.yield
    }) : () -> ()
    %add3A_21 = arith.constant 480 : i32
    %add3A_22 = arith.addi %mul3A_8, %add3A_21 : i32
    "tpu.region"() ({
      %run_scoped3A = tpu.sem_alloc : memref<!tpu.dma_semaphore, #tpu.memory_space<semaphore_mem>>
      %dma_start3A_70 = arith.constant 0 : i32
      %dma_start3A_71 = tpu.memref_slice %arg12[%add3A_22, %dma_start3A_70] : memref<10240x128xf32, #tpu.memory_space<vmem_shared>> -> memref<80x128xf32, #tpu.memory_space<vmem_shared>>
      %dma_start3A_72 = arith.constant 0 : i32
      %dma_start3A_73 = tpu.memref_slice %arg12[%add3A_22, %dma_start3A_72] : memref<10240x128xf32, #tpu.memory_space<vmem_shared>> -> memref<80x128xf32, #tpu.memory_space<vmem_shared>>
      tpu.enqueue_dma source(%arg10 : memref<80x128xf32, #tpu.memory_space<vmem>>) target(%dma_start3A_73 : memref<80x128xf32, #tpu.memory_space<vmem_shared>>) target_semaphore(%run_scoped3A : memref<!tpu.dma_semaphore, #tpu.memory_space<semaphore_mem>>)
      %dma_wait3A_74 = arith.constant 0 : i32
      %dma_wait3A_75 = tpu.memref_slice %arg12[%add3A_22, %dma_wait3A_74] : memref<10240x128xf32, #tpu.memory_space<vmem_shared>> -> memref<80x128xf32, #tpu.memory_space<vmem_shared>>
      %dma_wait3A_76 = arith.constant 0 : i32
      %dma_wait3A_77 = tpu.memref_slice %arg12[%add3A_22, %dma_wait3A_76] : memref<10240x128xf32, #tpu.memory_space<vmem_shared>> -> memref<80x128xf32, #tpu.memory_space<vmem_shared>>
      tpu.wait_dma2 semaphore(%run_scoped3A : memref<!tpu.dma_semaphore, #tpu.memory_space<semaphore_mem>>) src(%arg10 : memref<80x128xf32, #tpu.memory_space<vmem>>) dst(%dma_wait3A_77 : memref<80x128xf32, #tpu.memory_space<vmem_shared>>)
      tpu.yield
    }) : () -> ()
    %add3A_23 = arith.constant 560 : i32
    %add3A_24 = arith.addi %mul3A_8, %add3A_23 : i32
    "tpu.region"() ({
      %run_scoped3A = tpu.sem_alloc : memref<!tpu.dma_semaphore, #tpu.memory_space<semaphore_mem>>
      %dma_start3A_70 = arith.constant 0 : i32
      %dma_start3A_71 = tpu.memref_slice %arg12[%add3A_24, %dma_start3A_70] : memref<10240x128xf32, #tpu.memory_space<vmem_shared>> -> memref<80x128xf32, #tpu.memory_space<vmem_shared>>
      %dma_start3A_72 = arith.constant 0 : i32
      %dma_start3A_73 = tpu.memref_slice %arg12[%add3A_24, %dma_start3A_72] : memref<10240x128xf32, #tpu.memory_space<vmem_shared>> -> memref<80x128xf32, #tpu.memory_space<vmem_shared>>
      tpu.enqueue_dma source(%arg10 : memref<80x128xf32, #tpu.memory_space<vmem>>) target(%dma_start3A_73 : memref<80x128xf32, #tpu.memory_space<vmem_shared>>) target_semaphore(%run_scoped3A : memref<!tpu.dma_semaphore, #tpu.memory_space<semaphore_mem>>)
      %dma_wait3A_74 = arith.constant 0 : i32
      %dma_wait3A_75 = tpu.memref_slice %arg12[%add3A_24, %dma_wait3A_74] : memref<10240x128xf32, #tpu.memory_space<vmem_shared>> -> memref<80x128xf32, #tpu.memory_space<vmem_shared>>
      %dma_wait3A_76 = arith.constant 0 : i32
      %dma_wait3A_77 = tpu.memref_slice %arg12[%add3A_24, %dma_wait3A_76] : memref<10240x128xf32, #tpu.memory_space<vmem_shared>> -> memref<80x128xf32, #tpu.memory_space<vmem_shared>>
      tpu.wait_dma2 semaphore(%run_scoped3A : memref<!tpu.dma_semaphore, #tpu.memory_space<semaphore_mem>>) src(%arg10 : memref<80x128xf32, #tpu.memory_space<vmem>>) dst(%dma_wait3A_77 : memref<80x128xf32, #tpu.memory_space<vmem_shared>>)
      tpu.yield
    }) : () -> ()
    %barrier3A = arith.constant 0 : index
    tpu.barrier barrier_id(%barrier3A)
    %mul3A_25 = arith.constant 10000 : i32
    %mul3A_26 = arith.muli %add3A, %mul3A_25 : i32
    %add3A_27 = arith.constant 0 : i32
    %add3A_28 = arith.addi %mul3A_26, %add3A_27 : i32
    "tpu.region"() ({
      %run_scoped3A = tpu.sem_alloc : memref<!tpu.dma_semaphore, #tpu.memory_space<semaphore_mem>>
      %dma_start3A_70 = tpu.memref_slice %arg3[%add3A_28] : memref<320000xi32, #tpu.memory_space<hbm>> -> memref<80xi32, #tpu.memory_space<hbm>>
      %dma_start3A_71 = tpu.memref_slice %arg3[%add3A_28] : memref<320000xi32, #tpu.memory_space<hbm>> -> memref<80xi32, #tpu.memory_space<hbm>>
      tpu.enqueue_dma source(%dma_start3A_71 : memref<80xi32, #tpu.memory_space<hbm>>) target(%arg6 : memref<80xi32, #tpu.memory_space<vmem>>) target_semaphore(%run_scoped3A : memref<!tpu.dma_semaphore, #tpu.memory_space<semaphore_mem>>)
      %dma_wait3A_72 = tpu.memref_slice %arg3[%add3A_28] : memref<320000xi32, #tpu.memory_space<hbm>> -> memref<80xi32, #tpu.memory_space<hbm>>
      %dma_wait3A_73 = tpu.memref_slice %arg3[%add3A_28] : memref<320000xi32, #tpu.memory_space<hbm>> -> memref<80xi32, #tpu.memory_space<hbm>>
      tpu.wait_dma2 semaphore(%run_scoped3A : memref<!tpu.dma_semaphore, #tpu.memory_space<semaphore_mem>>) src(%dma_wait3A_73 : memref<80xi32, #tpu.memory_space<hbm>>) dst(%arg6 : memref<80xi32, #tpu.memory_space<vmem>>)
      tpu.yield
    }) : () -> ()
    "tpu.region"() ({
      %run_scoped3A = tpu.sem_alloc : memref<!tpu.dma_semaphore, #tpu.memory_space<semaphore_mem>>
      %dma_start3A_70 = tpu.memref_slice %arg4[%add3A_28] : memref<320000xi32, #tpu.memory_space<hbm>> -> memref<80xi32, #tpu.memory_space<hbm>>
      %dma_start3A_71 = tpu.memref_slice %arg4[%add3A_28] : memref<320000xi32, #tpu.memory_space<hbm>> -> memref<80xi32, #tpu.memory_space<hbm>>
      tpu.enqueue_dma source(%dma_start3A_71 : memref<80xi32, #tpu.memory_space<hbm>>) target(%arg7 : memref<80xi32, #tpu.memory_space<vmem>>) target_semaphore(%run_scoped3A : memref<!tpu.dma_semaphore, #tpu.memory_space<semaphore_mem>>)
      %dma_wait3A_72 = tpu.memref_slice %arg4[%add3A_28] : memref<320000xi32, #tpu.memory_space<hbm>> -> memref<80xi32, #tpu.memory_space<hbm>>
      %dma_wait3A_73 = tpu.memref_slice %arg4[%add3A_28] : memref<320000xi32, #tpu.memory_space<hbm>> -> memref<80xi32, #tpu.memory_space<hbm>>
      tpu.wait_dma2 semaphore(%run_scoped3A : memref<!tpu.dma_semaphore, #tpu.memory_space<semaphore_mem>>) src(%dma_wait3A_73 : memref<80xi32, #tpu.memory_space<hbm>>) dst(%arg7 : memref<80xi32, #tpu.memory_space<vmem>>)
      tpu.yield
    }) : () -> ()
    %dma_start3A = arith.constant 0 : i32
    %dma_start3A_29 = arith.constant 0 : i32
    %dma_start3A_30 = tpu.memref_slice %arg2[%dma_start3A, %dma_start3A_29] : memref<10240x128xf32, #tpu.memory_space<hbm>> -> memref<10240x128xf32, #tpu.memory_space<hbm>>
    tpu.enqueue_indirect_dma source(%dma_start3A_30 : memref<10240x128xf32, #tpu.memory_space<hbm>>) target(%arg10 : memref<80x128xf32, #tpu.memory_space<vmem>>) offsets(%arg6 : memref<80xi32, #tpu.memory_space<vmem>>) semaphore(%arg13 : memref<!tpu.dma_semaphore, #tpu.memory_space<semaphore_mem>>)
    %mul3A_31 = arith.constant 10000 : i32
    %mul3A_32 = arith.muli %add3A, %mul3A_31 : i32
    %add3A_33 = arith.constant 80 : i32
    %add3A_34 = arith.addi %mul3A_32, %add3A_33 : i32
    "tpu.region"() ({
      %run_scoped3A = tpu.sem_alloc : memref<!tpu.dma_semaphore, #tpu.memory_space<semaphore_mem>>
      %dma_start3A_70 = tpu.memref_slice %arg3[%add3A_34] : memref<320000xi32, #tpu.memory_space<hbm>> -> memref<80xi32, #tpu.memory_space<hbm>>
      %dma_start3A_71 = tpu.memref_slice %arg3[%add3A_34] : memref<320000xi32, #tpu.memory_space<hbm>> -> memref<80xi32, #tpu.memory_space<hbm>>
      tpu.enqueue_dma source(%dma_start3A_71 : memref<80xi32, #tpu.memory_space<hbm>>) target(%arg8 : memref<80xi32, #tpu.memory_space<vmem>>) target_semaphore(%run_scoped3A : memref<!tpu.dma_semaphore, #tpu.memory_space<semaphore_mem>>)
      %dma_wait3A_72 = tpu.memref_slice %arg3[%add3A_34] : memref<320000xi32, #tpu.memory_space<hbm>> -> memref<80xi32, #tpu.memory_space<hbm>>
      %dma_wait3A_73 = tpu.memref_slice %arg3[%add3A_34] : memref<320000xi32, #tpu.memory_space<hbm>> -> memref<80xi32, #tpu.memory_space<hbm>>
      tpu.wait_dma2 semaphore(%run_scoped3A : memref<!tpu.dma_semaphore, #tpu.memory_space<semaphore_mem>>) src(%dma_wait3A_73 : memref<80xi32, #tpu.memory_space<hbm>>) dst(%arg8 : memref<80xi32, #tpu.memory_space<vmem>>)
      tpu.yield
    }) : () -> ()
    "tpu.region"() ({
      %run_scoped3A = tpu.sem_alloc : memref<!tpu.dma_semaphore, #tpu.memory_space<semaphore_mem>>
      %dma_start3A_70 = tpu.memref_slice %arg4[%add3A_34] : memref<320000xi32, #tpu.memory_space<hbm>> -> memref<80xi32, #tpu.memory_space<hbm>>
      %dma_start3A_71 = tpu.memref_slice %arg4[%add3A_34] : memref<320000xi32, #tpu.memory_space<hbm>> -> memref<80xi32, #tpu.memory_space<hbm>>
      tpu.enqueue_dma source(%dma_start3A_71 : memref<80xi32, #tpu.memory_space<hbm>>) target(%arg9 : memref<80xi32, #tpu.memory_space<vmem>>) target_semaphore(%run_scoped3A : memref<!tpu.dma_semaphore, #tpu.memory_space<semaphore_mem>>)
      %dma_wait3A_72 = tpu.memref_slice %arg4[%add3A_34] : memref<320000xi32, #tpu.memory_space<hbm>> -> memref<80xi32, #tpu.memory_space<hbm>>
      %dma_wait3A_73 = tpu.memref_slice %arg4[%add3A_34] : memref<320000xi32, #tpu.memory_space<hbm>> -> memref<80xi32, #tpu.memory_space<hbm>>
      tpu.wait_dma2 semaphore(%run_scoped3A : memref<!tpu.dma_semaphore, #tpu.memory_space<semaphore_mem>>) src(%dma_wait3A_73 : memref<80xi32, #tpu.memory_space<hbm>>) dst(%arg9 : memref<80xi32, #tpu.memory_space<vmem>>)
      tpu.yield
    }) : () -> ()
    %dma_wait3A = arith.constant 0 : i32
    %dma_wait3A_35 = arith.constant 0 : i32
    %dma_wait3A_36 = tpu.memref_slice %arg2[%dma_wait3A, %dma_wait3A_35] : memref<10240x128xf32, #tpu.memory_space<hbm>> -> memref<10240x128xf32, #tpu.memory_space<hbm>>
    tpu.wait_indirect_dma semaphore(%arg13 : memref<!tpu.dma_semaphore, #tpu.memory_space<semaphore_mem>>) src(%dma_wait3A_36 : memref<10240x128xf32, #tpu.memory_space<hbm>>) dst(%arg10 : memref<80x128xf32, #tpu.memory_space<vmem>>)
    %dma_start3A_37 = arith.constant 0 : i32
    %dma_start3A_38 = arith.constant 0 : i32
    %dma_start3A_39 = tpu.memref_slice %arg12[%dma_start3A_37, %dma_start3A_38] : memref<10240x128xf32, #tpu.memory_space<vmem_shared>> -> memref<10240x128xf32, #tpu.memory_space<vmem_shared>>
    tpu.enqueue_indirect_dma source(%arg10 : memref<80x128xf32, #tpu.memory_space<vmem>>) target(%dma_start3A_39 : memref<10240x128xf32, #tpu.memory_space<vmem_shared>>) offsets(%arg7 : memref<80xi32, #tpu.memory_space<vmem>>) semaphore(%arg14 : memref<!tpu.dma_semaphore, #tpu.memory_space<semaphore_mem>>) {add = true}
    %dma_start3A_40 = arith.constant 0 : i32
    %dma_start3A_41 = arith.constant 0 : i32
    %dma_start3A_42 = tpu.memref_slice %arg2[%dma_start3A_40, %dma_start3A_41] : memref<10240x128xf32, #tpu.memory_space<hbm>> -> memref<10240x128xf32, #tpu.memory_space<hbm>>
    tpu.enqueue_indirect_dma source(%dma_start3A_42 : memref<10240x128xf32, #tpu.memory_space<hbm>>) target(%arg11 : memref<80x128xf32, #tpu.memory_space<vmem>>) offsets(%arg8 : memref<80xi32, #tpu.memory_space<vmem>>) semaphore(%arg13 : memref<!tpu.dma_semaphore, #tpu.memory_space<semaphore_mem>>)
    %scan3A_43 = arith.constant 0 : i32
    %scan3A_44 = arith.constant 0 : i32
    %scan3A_45 = arith.constant 62 : i32
    %scan3A_46 = arith.addi %scan3A_44, %scan3A_45 : i32
    %scan3A_47 = arith.constant 1 : i32
    %scan3A_48 = scf.for %scan3A_70 = %scan3A_44 to %scan3A_46 step %scan3A_47 iter_args(%scan3A_71 = %scan3A_43) -> (i32)  : i32 {
      %mul3A_72 = arith.constant 2 : i32
      %mul3A_73 = arith.muli %mul3A_72, %scan3A_70 : i32
      %add3A_74 = arith.constant 1 : i32
      %add3A_75 = arith.addi %mul3A_73, %add3A_74 : i32
      %add3A_76 = arith.constant 1 : i32
      %add3A_77 = arith.addi %add3A_75, %add3A_76 : i32
      %dma_wait3A_78 = arith.constant 0 : i32
      %dma_wait3A_79 = arith.constant 0 : i32
      %dma_wait3A_80 = tpu.memref_slice %arg12[%dma_wait3A_78, %dma_wait3A_79] : memref<10240x128xf32, #tpu.memory_space<vmem_shared>> -> memref<10240x128xf32, #tpu.memory_space<vmem_shared>>
      tpu.wait_indirect_dma semaphore(%arg14 : memref<!tpu.dma_semaphore, #tpu.memory_space<semaphore_mem>>) src(%arg10 : memref<80x128xf32, #tpu.memory_space<vmem>>) dst(%dma_wait3A_80 : memref<10240x128xf32, #tpu.memory_space<vmem_shared>>)
      %add3A_81 = arith.constant 1 : i32
      %add3A_82 = arith.addi %add3A_75, %add3A_81 : i32
      %mul3A_83 = arith.constant 10000 : i32
      %mul3A_84 = arith.muli %add3A, %mul3A_83 : i32
      %mul3A_85 = arith.constant 80 : i32
      %mul3A_86 = arith.muli %add3A_82, %mul3A_85 : i32
      %add3A_87 = arith.addi %mul3A_84, %mul3A_86 : i32
      "tpu.region"() ({
        %run_scoped3A = tpu.sem_alloc : memref<!tpu.dma_semaphore, #tpu.memory_space<semaphore_mem>>
        %dma_start3A_114 = tpu.memref_slice %arg3[%add3A_87] : memref<320000xi32, #tpu.memory_space<hbm>> -> memref<80xi32, #tpu.memory_space<hbm>>
        %dma_start3A_115 = tpu.memref_slice %arg3[%add3A_87] : memref<320000xi32, #tpu.memory_space<hbm>> -> memref<80xi32, #tpu.memory_space<hbm>>
        tpu.enqueue_dma source(%dma_start3A_115 : memref<80xi32, #tpu.memory_space<hbm>>) target(%arg6 : memref<80xi32, #tpu.memory_space<vmem>>) target_semaphore(%run_scoped3A : memref<!tpu.dma_semaphore, #tpu.memory_space<semaphore_mem>>)
        %dma_wait3A_116 = tpu.memref_slice %arg3[%add3A_87] : memref<320000xi32, #tpu.memory_space<hbm>> -> memref<80xi32, #tpu.memory_space<hbm>>
        %dma_wait3A_117 = tpu.memref_slice %arg3[%add3A_87] : memref<320000xi32, #tpu.memory_space<hbm>> -> memref<80xi32, #tpu.memory_space<hbm>>
        tpu.wait_dma2 semaphore(%run_scoped3A : memref<!tpu.dma_semaphore, #tpu.memory_space<semaphore_mem>>) src(%dma_wait3A_117 : memref<80xi32, #tpu.memory_space<hbm>>) dst(%arg6 : memref<80xi32, #tpu.memory_space<vmem>>)
        tpu.yield
      }) : () -> ()
      "tpu.region"() ({
        %run_scoped3A = tpu.sem_alloc : memref<!tpu.dma_semaphore, #tpu.memory_space<semaphore_mem>>
        %dma_start3A_114 = tpu.memref_slice %arg4[%add3A_87] : memref<320000xi32, #tpu.memory_space<hbm>> -> memref<80xi32, #tpu.memory_space<hbm>>
        %dma_start3A_115 = tpu.memref_slice %arg4[%add3A_87] : memref<320000xi32, #tpu.memory_space<hbm>> -> memref<80xi32, #tpu.memory_space<hbm>>
        tpu.enqueue_dma source(%dma_start3A_115 : memref<80xi32, #tpu.memory_space<hbm>>) target(%arg7 : memref<80xi32, #tpu.memory_space<vmem>>) target_semaphore(%run_scoped3A : memref<!tpu.dma_semaphore, #tpu.memory_space<semaphore_mem>>)
        %dma_wait3A_116 = tpu.memref_slice %arg4[%add3A_87] : memref<320000xi32, #tpu.memory_space<hbm>> -> memref<80xi32, #tpu.memory_space<hbm>>
        %dma_wait3A_117 = tpu.memref_slice %arg4[%add3A_87] : memref<320000xi32, #tpu.memory_space<hbm>> -> memref<80xi32, #tpu.memory_space<hbm>>
        tpu.wait_dma2 semaphore(%run_scoped3A : memref<!tpu.dma_semaphore, #tpu.memory_space<semaphore_mem>>) src(%dma_wait3A_117 : memref<80xi32, #tpu.memory_space<hbm>>) dst(%arg7 : memref<80xi32, #tpu.memory_space<vmem>>)
        tpu.yield
      }) : () -> ()
      %dma_wait3A_88 = arith.constant 0 : i32
      %dma_wait3A_89 = arith.constant 0 : i32
      %dma_wait3A_90 = tpu.memref_slice %arg2[%dma_wait3A_88, %dma_wait3A_89] : memref<10240x128xf32, #tpu.memory_space<hbm>> -> memref<10240x128xf32, #tpu.memory_space<hbm>>
      tpu.wait_indirect_dma semaphore(%arg13 : memref<!tpu.dma_semaphore, #tpu.memory_space<semaphore_mem>>) src(%dma_wait3A_90 : memref<10240x128xf32, #tpu.memory_space<hbm>>) dst(%arg11 : memref<80x128xf32, #tpu.memory_space<vmem>>)
      %dma_start3A_91 = arith.constant 0 : i32
      %dma_start3A_92 = arith.constant 0 : i32
      %dma_start3A_93 = tpu.memref_slice %arg12[%dma_start3A_91, %dma_start3A_92] : memref<10240x128xf32, #tpu.memory_space<vmem_shared>> -> memref<10240x128xf32, #tpu.memory_space<vmem_shared>>
      tpu.enqueue_indirect_dma source(%arg11 : memref<80x128xf32, #tpu.memory_space<vmem>>) target(%dma_start3A_93 : memref<10240x128xf32, #tpu.memory_space<vmem_shared>>) offsets(%arg9 : memref<80xi32, #tpu.memory_space<vmem>>) semaphore(%arg14 : memref<!tpu.dma_semaphore, #tpu.memory_space<semaphore_mem>>) {add = true}
      %dma_start3A_94 = arith.constant 0 : i32
      %dma_start3A_95 = arith.constant 0 : i32
      %dma_start3A_96 = tpu.memref_slice %arg2[%dma_start3A_94, %dma_start3A_95] : memref<10240x128xf32, #tpu.memory_space<hbm>> -> memref<10240x128xf32, #tpu.memory_space<hbm>>
      tpu.enqueue_indirect_dma source(%dma_start3A_96 : memref<10240x128xf32, #tpu.memory_space<hbm>>) target(%arg10 : memref<80x128xf32, #tpu.memory_space<vmem>>) offsets(%arg6 : memref<80xi32, #tpu.memory_space<vmem>>) semaphore(%arg13 : memref<!tpu.dma_semaphore, #tpu.memory_space<semaphore_mem>>)
      %add3A_97 = arith.constant 1 : i32
      %add3A_98 = arith.addi %add3A_77, %add3A_97 : i32
      %lt3A = arith.constant 125 : i32
      %lt3A_99 = arith.cmpi slt, %add3A_98, %lt3A : i32
      %dma_wait3A_100 = arith.constant 0 : i32
      %dma_wait3A_101 = arith.constant 0 : i32
      %dma_wait3A_102 = tpu.memref_slice %arg12[%dma_wait3A_100, %dma_wait3A_101] : memref<10240x128xf32, #tpu.memory_space<vmem_shared>> -> memref<10240x128xf32, #tpu.memory_space<vmem_shared>>
      tpu.wait_indirect_dma semaphore(%arg14 : memref<!tpu.dma_semaphore, #tpu.memory_space<semaphore_mem>>) src(%arg11 : memref<80x128xf32, #tpu.memory_space<vmem>>) dst(%dma_wait3A_102 : memref<10240x128xf32, #tpu.memory_space<vmem_shared>>)
      %convert_element_type3A = arith.extui %lt3A_99 : i1 to i32
      %cond3A = arith.constant 0 : i32
      %cond3A_103 = arith.cmpi ne, %convert_element_type3A, %cond3A : i32
      scf.if %cond3A_103 {
        %add3A_114 = arith.constant 1 : i32
        %add3A_115 = arith.addi %add3A_77, %add3A_114 : i32
        %mul3A_116 = arith.constant 10000 : i32
        %mul3A_117 = arith.muli %add3A, %mul3A_116 : i32
        %mul3A_118 = arith.constant 80 : i32
        %mul3A_119 = arith.muli %add3A_115, %mul3A_118 : i32
        %add3A_120 = arith.addi %mul3A_117, %mul3A_119 : i32
        "tpu.region"() ({
          %run_scoped3A = tpu.sem_alloc : memref<!tpu.dma_semaphore, #tpu.memory_space<semaphore_mem>>
          %dma_start3A_121 = tpu.memref_slice %arg3[%add3A_120] : memref<320000xi32, #tpu.memory_space<hbm>> -> memref<80xi32, #tpu.memory_space<hbm>>
          %dma_start3A_122 = tpu.memref_slice %arg3[%add3A_120] : memref<320000xi32, #tpu.memory_space<hbm>> -> memref<80xi32, #tpu.memory_space<hbm>>
          tpu.enqueue_dma source(%dma_start3A_122 : memref<80xi32, #tpu.memory_space<hbm>>) target(%arg8 : memref<80xi32, #tpu.memory_space<vmem>>) target_semaphore(%run_scoped3A : memref<!tpu.dma_semaphore, #tpu.memory_space<semaphore_mem>>)
          %dma_wait3A_123 = tpu.memref_slice %arg3[%add3A_120] : memref<320000xi32, #tpu.memory_space<hbm>> -> memref<80xi32, #tpu.memory_space<hbm>>
          %dma_wait3A_124 = tpu.memref_slice %arg3[%add3A_120] : memref<320000xi32, #tpu.memory_space<hbm>> -> memref<80xi32, #tpu.memory_space<hbm>>
          tpu.wait_dma2 semaphore(%run_scoped3A : memref<!tpu.dma_semaphore, #tpu.memory_space<semaphore_mem>>) src(%dma_wait3A_124 : memref<80xi32, #tpu.memory_space<hbm>>) dst(%arg8 : memref<80xi32, #tpu.memory_space<vmem>>)
          tpu.yield
        }) : () -> ()
        "tpu.region"() ({
          %run_scoped3A = tpu.sem_alloc : memref<!tpu.dma_semaphore, #tpu.memory_space<semaphore_mem>>
          %dma_start3A_121 = tpu.memref_slice %arg4[%add3A_120] : memref<320000xi32, #tpu.memory_space<hbm>> -> memref<80xi32, #tpu.memory_space<hbm>>
          %dma_start3A_122 = tpu.memref_slice %arg4[%add3A_120] : memref<320000xi32, #tpu.memory_space<hbm>> -> memref<80xi32, #tpu.memory_space<hbm>>
          tpu.enqueue_dma source(%dma_start3A_122 : memref<80xi32, #tpu.memory_space<hbm>>) target(%arg9 : memref<80xi32, #tpu.memory_space<vmem>>) target_semaphore(%run_scoped3A : memref<!tpu.dma_semaphore, #tpu.memory_space<semaphore_mem>>)
          %dma_wait3A_123 = tpu.memref_slice %arg4[%add3A_120] : memref<320000xi32, #tpu.memory_space<hbm>> -> memref<80xi32, #tpu.memory_space<hbm>>
          %dma_wait3A_124 = tpu.memref_slice %arg4[%add3A_120] : memref<320000xi32, #tpu.memory_space<hbm>> -> memref<80xi32, #tpu.memory_space<hbm>>
          tpu.wait_dma2 semaphore(%run_scoped3A : memref<!tpu.dma_semaphore, #tpu.memory_space<semaphore_mem>>) src(%dma_wait3A_124 : memref<80xi32, #tpu.memory_space<hbm>>) dst(%arg9 : memref<80xi32, #tpu.memory_space<vmem>>)
          tpu.yield
        }) : () -> ()
      } else {
      }
      %dma_wait3A_104 = arith.constant 0 : i32
      %dma_wait3A_105 = arith.constant 0 : i32
      %dma_wait3A_106 = tpu.memref_slice %arg2[%dma_wait3A_104, %dma_wait3A_105] : memref<10240x128xf32, #tpu.memory_space<hbm>> -> memref<10240x128xf32, #tpu.memory_space<hbm>>
      tpu.wait_indirect_dma semaphore(%arg13 : memref<!tpu.dma_semaphore, #tpu.memory_space<semaphore_mem>>) src(%dma_wait3A_106 : memref<10240x128xf32, #tpu.memory_space<hbm>>) dst(%arg10 : memref<80x128xf32, #tpu.memory_space<vmem>>)
      %dma_start3A_107 = arith.constant 0 : i32
      %dma_start3A_108 = arith.constant 0 : i32
      %dma_start3A_109 = tpu.memref_slice %arg12[%dma_start3A_107, %dma_start3A_108] : memref<10240x128xf32, #tpu.memory_space<vmem_shared>> -> memref<10240x128xf32, #tpu.memory_space<vmem_shared>>
      tpu.enqueue_indirect_dma source(%arg10 : memref<80x128xf32, #tpu.memory_space<vmem>>) target(%dma_start3A_109 : memref<10240x128xf32, #tpu.memory_space<vmem_shared>>) offsets(%arg7 : memref<80xi32, #tpu.memory_space<vmem>>) semaphore(%arg14 : memref<!tpu.dma_semaphore, #tpu.memory_space<semaphore_mem>>) {add = true}
      %convert_element_type3A_110 = arith.extui %lt3A_99 : i1 to i32
      %cond3A_111 = arith.constant 0 : i32
      %cond3A_112 = arith.cmpi ne, %convert_element_type3A_110, %cond3A_111 : i32
      scf.if %cond3A_112 {
        %dma_start3A_114 = arith.constant 0 : i32
        %dma_start3A_115 = arith.constant 0 : i32
        %dma_start3A_116 = tpu.memref_slice %arg2[%dma_start3A_114, %dma_start3A_115] : memref<10240x128xf32, #tpu.memory_space<hbm>> -> memref<10240x128xf32, #tpu.memory_space<hbm>>
        tpu.enqueue_indirect_dma source(%dma_start3A_116 : memref<10240x128xf32, #tpu.memory_space<hbm>>) target(%arg11 : memref<80x128xf32, #tpu.memory_space<vmem>>) offsets(%arg8 : memref<80xi32, #tpu.memory_space<vmem>>) semaphore(%arg13 : memref<!tpu.dma_semaphore, #tpu.memory_space<semaphore_mem>>)
      } else {
      }
      %scan3A_113 = arith.constant 0 : i32
      scf.yield %scan3A_113 : i32
    }
    %scan3A_49 = arith.constant 62 : i32
    %dma_wait3A_50 = arith.constant 0 : i32
    %dma_wait3A_51 = arith.constant 0 : i32
    %dma_wait3A_52 = tpu.memref_slice %arg12[%dma_wait3A_50, %dma_wait3A_51] : memref<10240x128xf32, #tpu.memory_space<vmem_shared>> -> memref<10240x128xf32, #tpu.memory_space<vmem_shared>>
    tpu.wait_indirect_dma semaphore(%arg14 : memref<!tpu.dma_semaphore, #tpu.memory_space<semaphore_mem>>) src(%arg10 : memref<80x128xf32, #tpu.memory_space<vmem>>) dst(%dma_wait3A_52 : memref<10240x128xf32, #tpu.memory_space<vmem_shared>>)
    %barrier3A_53 = arith.constant 0 : index
    tpu.barrier barrier_id(%barrier3A_53)
    %add3A_54 = arith.constant 0 : i32
    %add3A_55 = arith.addi %mul3A_8, %add3A_54 : i32
    "tpu.region"() ({
      %run_scoped3A = tpu.sem_alloc : memref<!tpu.dma_semaphore, #tpu.memory_space<semaphore_mem>>
      %dma_start3A_70 = arith.constant 0 : i32
      %dma_start3A_71 = tpu.memref_slice %arg5[%arg0, %add3A_55, %dma_start3A_70] : memref<2x10240x128xf32, #tpu.memory_space<hbm>> -> memref<1x80x128xf32, #tpu.memory_space<hbm>>
      %dma_start3A_72 = tpu.memref_squeeze %dma_start3A_71 : memref<1x80x128xf32, #tpu.memory_space<hbm>> -> memref<80x128xf32, #tpu.memory_space<hbm>>
      %dma_start3A_73 = arith.constant 0 : i32
      %dma_start3A_74 = tpu.memref_slice %arg12[%add3A_55, %dma_start3A_73] : memref<10240x128xf32, #tpu.memory_space<vmem_shared>> -> memref<80x128xf32, #tpu.memory_space<vmem_shared>>
      tpu.enqueue_dma source(%dma_start3A_74 : memref<80x128xf32, #tpu.memory_space<vmem_shared>>) target(%dma_start3A_72 : memref<80x128xf32, #tpu.memory_space<hbm>>) target_semaphore(%run_scoped3A : memref<!tpu.dma_semaphore, #tpu.memory_space<semaphore_mem>>)
      %dma_wait3A_75 = arith.constant 0 : i32
      %dma_wait3A_76 = tpu.memref_slice %arg5[%arg0, %add3A_55, %dma_wait3A_75] : memref<2x10240x128xf32, #tpu.memory_space<hbm>> -> memref<1x80x128xf32, #tpu.memory_space<hbm>>
      %dma_wait3A_77 = tpu.memref_squeeze %dma_wait3A_76 : memref<1x80x128xf32, #tpu.memory_space<hbm>> -> memref<80x128xf32, #tpu.memory_space<hbm>>
      %dma_wait3A_78 = arith.constant 0 : i32
      %dma_wait3A_79 = tpu.memref_slice %arg12[%add3A_55, %dma_wait3A_78] : memref<10240x128xf32, #tpu.memory_space<vmem_shared>> -> memref<80x128xf32, #tpu.memory_space<vmem_shared>>
      tpu.wait_dma2 semaphore(%run_scoped3A : memref<!tpu.dma_semaphore, #tpu.memory_space<semaphore_mem>>) src(%dma_wait3A_79 : memref<80x128xf32, #tpu.memory_space<vmem_shared>>) dst(%dma_wait3A_77 : memref<80x128xf32, #tpu.memory_space<hbm>>)
      tpu.yield
    }) : () -> ()
    %add3A_56 = arith.constant 80 : i32
    %add3A_57 = arith.addi %mul3A_8, %add3A_56 : i32
    "tpu.region"() ({
      %run_scoped3A = tpu.sem_alloc : memref<!tpu.dma_semaphore, #tpu.memory_space<semaphore_mem>>
      %dma_start3A_70 = arith.constant 0 : i32
      %dma_start3A_71 = tpu.memref_slice %arg5[%arg0, %add3A_57, %dma_start3A_70] : memref<2x10240x128xf32, #tpu.memory_space<hbm>> -> memref<1x80x128xf32, #tpu.memory_space<hbm>>
      %dma_start3A_72 = tpu.memref_squeeze %dma_start3A_71 : memref<1x80x128xf32, #tpu.memory_space<hbm>> -> memref<80x128xf32, #tpu.memory_space<hbm>>
      %dma_start3A_73 = arith.constant 0 : i32
      %dma_start3A_74 = tpu.memref_slice %arg12[%add3A_57, %dma_start3A_73] : memref<10240x128xf32, #tpu.memory_space<vmem_shared>> -> memref<80x128xf32, #tpu.memory_space<vmem_shared>>
      tpu.enqueue_dma source(%dma_start3A_74 : memref<80x128xf32, #tpu.memory_space<vmem_shared>>) target(%dma_start3A_72 : memref<80x128xf32, #tpu.memory_space<hbm>>) target_semaphore(%run_scoped3A : memref<!tpu.dma_semaphore, #tpu.memory_space<semaphore_mem>>)
      %dma_wait3A_75 = arith.constant 0 : i32
      %dma_wait3A_76 = tpu.memref_slice %arg5[%arg0, %add3A_57, %dma_wait3A_75] : memref<2x10240x128xf32, #tpu.memory_space<hbm>> -> memref<1x80x128xf32, #tpu.memory_space<hbm>>
      %dma_wait3A_77 = tpu.memref_squeeze %dma_wait3A_76 : memref<1x80x128xf32, #tpu.memory_space<hbm>> -> memref<80x128xf32, #tpu.memory_space<hbm>>
      %dma_wait3A_78 = arith.constant 0 : i32
      %dma_wait3A_79 = tpu.memref_slice %arg12[%add3A_57, %dma_wait3A_78] : memref<10240x128xf32, #tpu.memory_space<vmem_shared>> -> memref<80x128xf32, #tpu.memory_space<vmem_shared>>
      tpu.wait_dma2 semaphore(%run_scoped3A : memref<!tpu.dma_semaphore, #tpu.memory_space<semaphore_mem>>) src(%dma_wait3A_79 : memref<80x128xf32, #tpu.memory_space<vmem_shared>>) dst(%dma_wait3A_77 : memref<80x128xf32, #tpu.memory_space<hbm>>)
      tpu.yield
    }) : () -> ()
    %add3A_58 = arith.constant 160 : i32
    %add3A_59 = arith.addi %mul3A_8, %add3A_58 : i32
    "tpu.region"() ({
      %run_scoped3A = tpu.sem_alloc : memref<!tpu.dma_semaphore, #tpu.memory_space<semaphore_mem>>
      %dma_start3A_70 = arith.constant 0 : i32
      %dma_start3A_71 = tpu.memref_slice %arg5[%arg0, %add3A_59, %dma_start3A_70] : memref<2x10240x128xf32, #tpu.memory_space<hbm>> -> memref<1x80x128xf32, #tpu.memory_space<hbm>>
      %dma_start3A_72 = tpu.memref_squeeze %dma_start3A_71 : memref<1x80x128xf32, #tpu.memory_space<hbm>> -> memref<80x128xf32, #tpu.memory_space<hbm>>
      %dma_start3A_73 = arith.constant 0 : i32
      %dma_start3A_74 = tpu.memref_slice %arg12[%add3A_59, %dma_start3A_73] : memref<10240x128xf32, #tpu.memory_space<vmem_shared>> -> memref<80x128xf32, #tpu.memory_space<vmem_shared>>
      tpu.enqueue_dma source(%dma_start3A_74 : memref<80x128xf32, #tpu.memory_space<vmem_shared>>) target(%dma_start3A_72 : memref<80x128xf32, #tpu.memory_space<hbm>>) target_semaphore(%run_scoped3A : memref<!tpu.dma_semaphore, #tpu.memory_space<semaphore_mem>>)
      %dma_wait3A_75 = arith.constant 0 : i32
      %dma_wait3A_76 = tpu.memref_slice %arg5[%arg0, %add3A_59, %dma_wait3A_75] : memref<2x10240x128xf32, #tpu.memory_space<hbm>> -> memref<1x80x128xf32, #tpu.memory_space<hbm>>
      %dma_wait3A_77 = tpu.memref_squeeze %dma_wait3A_76 : memref<1x80x128xf32, #tpu.memory_space<hbm>> -> memref<80x128xf32, #tpu.memory_space<hbm>>
      %dma_wait3A_78 = arith.constant 0 : i32
      %dma_wait3A_79 = tpu.memref_slice %arg12[%add3A_59, %dma_wait3A_78] : memref<10240x128xf32, #tpu.memory_space<vmem_shared>> -> memref<80x128xf32, #tpu.memory_space<vmem_shared>>
      tpu.wait_dma2 semaphore(%run_scoped3A : memref<!tpu.dma_semaphore, #tpu.memory_space<semaphore_mem>>) src(%dma_wait3A_79 : memref<80x128xf32, #tpu.memory_space<vmem_shared>>) dst(%dma_wait3A_77 : memref<80x128xf32, #tpu.memory_space<hbm>>)
      tpu.yield
    }) : () -> ()
    %add3A_60 = arith.constant 240 : i32
    %add3A_61 = arith.addi %mul3A_8, %add3A_60 : i32
    "tpu.region"() ({
      %run_scoped3A = tpu.sem_alloc : memref<!tpu.dma_semaphore, #tpu.memory_space<semaphore_mem>>
      %dma_start3A_70 = arith.constant 0 : i32
      %dma_start3A_71 = tpu.memref_slice %arg5[%arg0, %add3A_61, %dma_start3A_70] : memref<2x10240x128xf32, #tpu.memory_space<hbm>> -> memref<1x80x128xf32, #tpu.memory_space<hbm>>
      %dma_start3A_72 = tpu.memref_squeeze %dma_start3A_71 : memref<1x80x128xf32, #tpu.memory_space<hbm>> -> memref<80x128xf32, #tpu.memory_space<hbm>>
      %dma_start3A_73 = arith.constant 0 : i32
      %dma_start3A_74 = tpu.memref_slice %arg12[%add3A_61, %dma_start3A_73] : memref<10240x128xf32, #tpu.memory_space<vmem_shared>> -> memref<80x128xf32, #tpu.memory_space<vmem_shared>>
      tpu.enqueue_dma source(%dma_start3A_74 : memref<80x128xf32, #tpu.memory_space<vmem_shared>>) target(%dma_start3A_72 : memref<80x128xf32, #tpu.memory_space<hbm>>) target_semaphore(%run_scoped3A : memref<!tpu.dma_semaphore, #tpu.memory_space<semaphore_mem>>)
      %dma_wait3A_75 = arith.constant 0 : i32
      %dma_wait3A_76 = tpu.memref_slice %arg5[%arg0, %add3A_61, %dma_wait3A_75] : memref<2x10240x128xf32, #tpu.memory_space<hbm>> -> memref<1x80x128xf32, #tpu.memory_space<hbm>>
      %dma_wait3A_77 = tpu.memref_squeeze %dma_wait3A_76 : memref<1x80x128xf32, #tpu.memory_space<hbm>> -> memref<80x128xf32, #tpu.memory_space<hbm>>
      %dma_wait3A_78 = arith.constant 0 : i32
      %dma_wait3A_79 = tpu.memref_slice %arg12[%add3A_61, %dma_wait3A_78] : memref<10240x128xf32, #tpu.memory_space<vmem_shared>> -> memref<80x128xf32, #tpu.memory_space<vmem_shared>>
      tpu.wait_dma2 semaphore(%run_scoped3A : memref<!tpu.dma_semaphore, #tpu.memory_space<semaphore_mem>>) src(%dma_wait3A_79 : memref<80x128xf32, #tpu.memory_space<vmem_shared>>) dst(%dma_wait3A_77 : memref<80x128xf32, #tpu.memory_space<hbm>>)
      tpu.yield
    }) : () -> ()
    %add3A_62 = arith.constant 320 : i32
    %add3A_63 = arith.addi %mul3A_8, %add3A_62 : i32
    "tpu.region"() ({
      %run_scoped3A = tpu.sem_alloc : memref<!tpu.dma_semaphore, #tpu.memory_space<semaphore_mem>>
      %dma_start3A_70 = arith.constant 0 : i32
      %dma_start3A_71 = tpu.memref_slice %arg5[%arg0, %add3A_63, %dma_start3A_70] : memref<2x10240x128xf32, #tpu.memory_space<hbm>> -> memref<1x80x128xf32, #tpu.memory_space<hbm>>
      %dma_start3A_72 = tpu.memref_squeeze %dma_start3A_71 : memref<1x80x128xf32, #tpu.memory_space<hbm>> -> memref<80x128xf32, #tpu.memory_space<hbm>>
      %dma_start3A_73 = arith.constant 0 : i32
      %dma_start3A_74 = tpu.memref_slice %arg12[%add3A_63, %dma_start3A_73] : memref<10240x128xf32, #tpu.memory_space<vmem_shared>> -> memref<80x128xf32, #tpu.memory_space<vmem_shared>>
      tpu.enqueue_dma source(%dma_start3A_74 : memref<80x128xf32, #tpu.memory_space<vmem_shared>>) target(%dma_start3A_72 : memref<80x128xf32, #tpu.memory_space<hbm>>) target_semaphore(%run_scoped3A : memref<!tpu.dma_semaphore, #tpu.memory_space<semaphore_mem>>)
      %dma_wait3A_75 = arith.constant 0 : i32
      %dma_wait3A_76 = tpu.memref_slice %arg5[%arg0, %add3A_63, %dma_wait3A_75] : memref<2x10240x128xf32, #tpu.memory_space<hbm>> -> memref<1x80x128xf32, #tpu.memory_space<hbm>>
      %dma_wait3A_77 = tpu.memref_squeeze %dma_wait3A_76 : memref<1x80x128xf32, #tpu.memory_space<hbm>> -> memref<80x128xf32, #tpu.memory_space<hbm>>
      %dma_wait3A_78 = arith.constant 0 : i32
      %dma_wait3A_79 = tpu.memref_slice %arg12[%add3A_63, %dma_wait3A_78] : memref<10240x128xf32, #tpu.memory_space<vmem_shared>> -> memref<80x128xf32, #tpu.memory_space<vmem_shared>>
      tpu.wait_dma2 semaphore(%run_scoped3A : memref<!tpu.dma_semaphore, #tpu.memory_space<semaphore_mem>>) src(%dma_wait3A_79 : memref<80x128xf32, #tpu.memory_space<vmem_shared>>) dst(%dma_wait3A_77 : memref<80x128xf32, #tpu.memory_space<hbm>>)
      tpu.yield
    }) : () -> ()
    %add3A_64 = arith.constant 400 : i32
    %add3A_65 = arith.addi %mul3A_8, %add3A_64 : i32
    "tpu.region"() ({
      %run_scoped3A = tpu.sem_alloc : memref<!tpu.dma_semaphore, #tpu.memory_space<semaphore_mem>>
      %dma_start3A_70 = arith.constant 0 : i32
      %dma_start3A_71 = tpu.memref_slice %arg5[%arg0, %add3A_65, %dma_start3A_70] : memref<2x10240x128xf32, #tpu.memory_space<hbm>> -> memref<1x80x128xf32, #tpu.memory_space<hbm>>
      %dma_start3A_72 = tpu.memref_squeeze %dma_start3A_71 : memref<1x80x128xf32, #tpu.memory_space<hbm>> -> memref<80x128xf32, #tpu.memory_space<hbm>>
      %dma_start3A_73 = arith.constant 0 : i32
      %dma_start3A_74 = tpu.memref_slice %arg12[%add3A_65, %dma_start3A_73] : memref<10240x128xf32, #tpu.memory_space<vmem_shared>> -> memref<80x128xf32, #tpu.memory_space<vmem_shared>>
      tpu.enqueue_dma source(%dma_start3A_74 : memref<80x128xf32, #tpu.memory_space<vmem_shared>>) target(%dma_start3A_72 : memref<80x128xf32, #tpu.memory_space<hbm>>) target_semaphore(%run_scoped3A : memref<!tpu.dma_semaphore, #tpu.memory_space<semaphore_mem>>)
      %dma_wait3A_75 = arith.constant 0 : i32
      %dma_wait3A_76 = tpu.memref_slice %arg5[%arg0, %add3A_65, %dma_wait3A_75] : memref<2x10240x128xf32, #tpu.memory_space<hbm>> -> memref<1x80x128xf32, #tpu.memory_space<hbm>>
      %dma_wait3A_77 = tpu.memref_squeeze %dma_wait3A_76 : memref<1x80x128xf32, #tpu.memory_space<hbm>> -> memref<80x128xf32, #tpu.memory_space<hbm>>
      %dma_wait3A_78 = arith.constant 0 : i32
      %dma_wait3A_79 = tpu.memref_slice %arg12[%add3A_65, %dma_wait3A_78] : memref<10240x128xf32, #tpu.memory_space<vmem_shared>> -> memref<80x128xf32, #tpu.memory_space<vmem_shared>>
      tpu.wait_dma2 semaphore(%run_scoped3A : memref<!tpu.dma_semaphore, #tpu.memory_space<semaphore_mem>>) src(%dma_wait3A_79 : memref<80x128xf32, #tpu.memory_space<vmem_shared>>) dst(%dma_wait3A_77 : memref<80x128xf32, #tpu.memory_space<hbm>>)
      tpu.yield
    }) : () -> ()
    %add3A_66 = arith.constant 480 : i32
    %add3A_67 = arith.addi %mul3A_8, %add3A_66 : i32
    "tpu.region"() ({
      %run_scoped3A = tpu.sem_alloc : memref<!tpu.dma_semaphore, #tpu.memory_space<semaphore_mem>>
      %dma_start3A_70 = arith.constant 0 : i32
      %dma_start3A_71 = tpu.memref_slice %arg5[%arg0, %add3A_67, %dma_start3A_70] : memref<2x10240x128xf32, #tpu.memory_space<hbm>> -> memref<1x80x128xf32, #tpu.memory_space<hbm>>
      %dma_start3A_72 = tpu.memref_squeeze %dma_start3A_71 : memref<1x80x128xf32, #tpu.memory_space<hbm>> -> memref<80x128xf32, #tpu.memory_space<hbm>>
      %dma_start3A_73 = arith.constant 0 : i32
      %dma_start3A_74 = tpu.memref_slice %arg12[%add3A_67, %dma_start3A_73] : memref<10240x128xf32, #tpu.memory_space<vmem_shared>> -> memref<80x128xf32, #tpu.memory_space<vmem_shared>>
      tpu.enqueue_dma source(%dma_start3A_74 : memref<80x128xf32, #tpu.memory_space<vmem_shared>>) target(%dma_start3A_72 : memref<80x128xf32, #tpu.memory_space<hbm>>) target_semaphore(%run_scoped3A : memref<!tpu.dma_semaphore, #tpu.memory_space<semaphore_mem>>)
      %dma_wait3A_75 = arith.constant 0 : i32
      %dma_wait3A_76 = tpu.memref_slice %arg5[%arg0, %add3A_67, %dma_wait3A_75] : memref<2x10240x128xf32, #tpu.memory_space<hbm>> -> memref<1x80x128xf32, #tpu.memory_space<hbm>>
      %dma_wait3A_77 = tpu.memref_squeeze %dma_wait3A_76 : memref<1x80x128xf32, #tpu.memory_space<hbm>> -> memref<80x128xf32, #tpu.memory_space<hbm>>
      %dma_wait3A_78 = arith.constant 0 : i32
      %dma_wait3A_79 = tpu.memref_slice %arg12[%add3A_67, %dma_wait3A_78] : memref<10240x128xf32, #tpu.memory_space<vmem_shared>> -> memref<80x128xf32, #tpu.memory_space<vmem_shared>>
      tpu.wait_dma2 semaphore(%run_scoped3A : memref<!tpu.dma_semaphore, #tpu.memory_space<semaphore_mem>>) src(%dma_wait3A_79 : memref<80x128xf32, #tpu.memory_space<vmem_shared>>) dst(%dma_wait3A_77 : memref<80x128xf32, #tpu.memory_space<hbm>>)
      tpu.yield
    }) : () -> ()
    %add3A_68 = arith.constant 560 : i32
    %add3A_69 = arith.addi %mul3A_8, %add3A_68 : i32
    "tpu.region"() ({
      %run_scoped3A = tpu.sem_alloc : memref<!tpu.dma_semaphore, #tpu.memory_space<semaphore_mem>>
      %dma_start3A_70 = arith.constant 0 : i32
      %dma_start3A_71 = tpu.memref_slice %arg5[%arg0, %add3A_69, %dma_start3A_70] : memref<2x10240x128xf32, #tpu.memory_space<hbm>> -> memref<1x80x128xf32, #tpu.memory_space<hbm>>
      %dma_start3A_72 = tpu.memref_squeeze %dma_start3A_71 : memref<1x80x128xf32, #tpu.memory_space<hbm>> -> memref<80x128xf32, #tpu.memory_space<hbm>>
      %dma_start3A_73 = arith.constant 0 : i32
      %dma_start3A_74 = tpu.memref_slice %arg12[%add3A_69, %dma_start3A_73] : memref<10240x128xf32, #tpu.memory_space<vmem_shared>> -> memref<80x128xf32, #tpu.memory_space<vmem_shared>>
      tpu.enqueue_dma source(%dma_start3A_74 : memref<80x128xf32, #tpu.memory_space<vmem_shared>>) target(%dma_start3A_72 : memref<80x128xf32, #tpu.memory_space<hbm>>) target_semaphore(%run_scoped3A : memref<!tpu.dma_semaphore, #tpu.memory_space<semaphore_mem>>)
      %dma_wait3A_75 = arith.constant 0 : i32
      %dma_wait3A_76 = tpu.memref_slice %arg5[%arg0, %add3A_69, %dma_wait3A_75] : memref<2x10240x128xf32, #tpu.memory_space<hbm>> -> memref<1x80x128xf32, #tpu.memory_space<hbm>>
      %dma_wait3A_77 = tpu.memref_squeeze %dma_wait3A_76 : memref<1x80x128xf32, #tpu.memory_space<hbm>> -> memref<80x128xf32, #tpu.memory_space<hbm>>
      %dma_wait3A_78 = arith.constant 0 : i32
      %dma_wait3A_79 = tpu.memref_slice %arg12[%add3A_69, %dma_wait3A_78] : memref<10240x128xf32, #tpu.memory_space<vmem_shared>> -> memref<80x128xf32, #tpu.memory_space<vmem_shared>>
      tpu.wait_dma2 semaphore(%run_scoped3A : memref<!tpu.dma_semaphore, #tpu.memory_space<semaphore_mem>>) src(%dma_wait3A_79 : memref<80x128xf32, #tpu.memory_space<vmem_shared>>) dst(%dma_wait3A_77 : memref<80x128xf32, #tpu.memory_space<hbm>>)
      tpu.yield
    }) : () -> ()
    return
  }
}

#map = affine_map<(d0, d1) -> (0, 0)>
#map1 = affine_map<(d0, d1) -> (0)>
#map2 = affine_map<(d0, d1) -> (0, 0, 0)>
module attributes {stable_mosaic.version = 14 : i64} {
  func.func @_edge_pass(%arg0: i32, %arg1: i32, %arg2: memref<10240x128xf32, #tpu.memory_space<hbm>>, %arg3: memref<320000xi32, #tpu.memory_space<hbm>>, %arg4: memref<320000xi32, #tpu.memory_space<hbm>>, %arg5: memref<2x10240x128xf32, #tpu.memory_space<hbm>>, %arg6: memref<80xi32, #tpu.memory_space<vmem>>, %arg7: memref<80xi32, #tpu.memory_space<vmem>>, %arg8: memref<80xi32, #tpu.memory_space<vmem>>, %arg9: memref<80xi32, #tpu.memory_space<vmem>>, %arg10: memref<80x128xf32, #tpu.memory_space<vmem>>, %arg11: memref<80x128xf32, #tpu.memory_space<vmem>>, %arg12: memref<10240x128xf32, #tpu.memory_space<vmem_shared>>, %arg13: memref<!tpu.dma_semaphore, #tpu.memory_space<semaphore_mem>>, %arg14: memref<!tpu.dma_semaphore, #tpu.memory_space<semaphore_mem>>) attributes {dimension_semantics = [#tpu.dimension_semantics<core_parallel>, #tpu.dimension_semantics<subcore_parallel>], iteration_bounds = array<i64: 2, 16>, scalar_prefetch = 0 : i64, scratch_operands = 9 : i64, tpu.core_type = #tpu.core_type<sc_vector_subcore>, window_params = [{transform_indices = #map}, {transform_indices = #map1}, {transform_indices = #map1}, {transform_indices = #map2}]} {
    %mul3A = arith.constant 16 : i32
    %mul3A_0 = arith.muli %arg0, %mul3A : i32
    %add3A = arith.addi %mul3A_0, %arg1 : i32
    %scan3A = arith.constant 0 : i32
    %scan3A_1 = arith.constant 0 : i32
    %scan3A_2 = arith.constant 80 : i32
    %scan3A_3 = arith.addi %scan3A_1, %scan3A_2 : i32
    %scan3A_4 = arith.constant 1 : i32
    %scan3A_5 = scf.for %scan3A_70 = %scan3A_1 to %scan3A_3 step %scan3A_4 iter_args(%scan3A_71 = %scan3A) -> (i32)  : i32 {
      %broadcast_in_dim3A = arith.constant 0.000000e+00 : f32
      %broadcast_in_dim3A_72 = vector.broadcast %broadcast_in_dim3A : f32 to vector<16xf32>
      %swap3A = arith.index_cast %scan3A_70 : i32 to index
      %swap3A_73 = arith.constant 0 : index
      %swap3A_74 = tpu.vector_load %arg10[%swap3A, %swap3A_73] {strides = array<i32>} : memref<80x128xf32, #tpu.memory_space<vmem>>, vector<1x16xf32>,
      %swap3A_75 = vector.shape_cast %swap3A_74 : vector<1x16xf32> to vector<16xf32>
      %swap3A_76 = vector.shape_cast %broadcast_in_dim3A_72 : vector<16xf32> to vector<1x16xf32>
      tpu.vector_store %arg10[%swap3A, %swap3A_73], %swap3A_76 {strides = array<i32>} : memref<80x128xf32, #tpu.memory_space<vmem>>, vector<1x16xf32>,
      %broadcast_in_dim3A_77 = arith.constant 0.000000e+00 : f32
      %broadcast_in_dim3A_78 = vector.broadcast %broadcast_in_dim3A_77 : f32 to vector<16xf32>
      %swap3A_79 = arith.index_cast %scan3A_70 : i32 to index
      %swap3A_80 = arith.constant 16 : index
      %swap3A_81 = tpu.vector_load %arg10[%swap3A_79, %swap3A_80] {strides = array<i32>} : memref<80x128xf32, #tpu.memory_space<vmem>>, vector<1x16xf32>,
      %swap3A_82 = vector.shape_cast %swap3A_81 : vector<1x16xf32> to vector<16xf32>
      %swap3A_83 = vector.shape_cast %broadcast_in_dim3A_78 : vector<16xf32> to vector<1x16xf32>
      tpu.vector_store %arg10[%swap3A_79, %swap3A_80], %swap3A_83 {strides = array<i32>} : memref<80x128xf32, #tpu.memory_space<vmem>>, vector<1x16xf32>,
      %broadcast_in_dim3A_84 = arith.constant 0.000000e+00 : f32
      %broadcast_in_dim3A_85 = vector.broadcast %broadcast_in_dim3A_84 : f32 to vector<16xf32>
      %swap3A_86 = arith.index_cast %scan3A_70 : i32 to index
      %swap3A_87 = arith.constant 32 : index
      %swap3A_88 = tpu.vector_load %arg10[%swap3A_86, %swap3A_87] {strides = array<i32>} : memref<80x128xf32, #tpu.memory_space<vmem>>, vector<1x16xf32>,
      %swap3A_89 = vector.shape_cast %swap3A_88 : vector<1x16xf32> to vector<16xf32>
      %swap3A_90 = vector.shape_cast %broadcast_in_dim3A_85 : vector<16xf32> to vector<1x16xf32>
      tpu.vector_store %arg10[%swap3A_86, %swap3A_87], %swap3A_90 {strides = array<i32>} : memref<80x128xf32, #tpu.memory_space<vmem>>, vector<1x16xf32>,
      %broadcast_in_dim3A_91 = arith.constant 0.000000e+00 : f32
      %broadcast_in_dim3A_92 = vector.broadcast %broadcast_in_dim3A_91 : f32 to vector<16xf32>
      %swap3A_93 = arith.index_cast %scan3A_70 : i32 to index
      %swap3A_94 = arith.constant 48 : index
      %swap3A_95 = tpu.vector_load %arg10[%swap3A_93, %swap3A_94] {strides = array<i32>} : memref<80x128xf32, #tpu.memory_space<vmem>>, vector<1x16xf32>,
      %swap3A_96 = vector.shape_cast %swap3A_95 : vector<1x16xf32> to vector<16xf32>
      %swap3A_97 = vector.shape_cast %broadcast_in_dim3A_92 : vector<16xf32> to vector<1x16xf32>
      tpu.vector_store %arg10[%swap3A_93, %swap3A_94], %swap3A_97 {strides = array<i32>} : memref<80x128xf32, #tpu.memory_space<vmem>>, vector<1x16xf32>,
      %broadcast_in_dim3A_98 = arith.constant 0.000000e+00 : f32
      %broadcast_in_dim3A_99 = vector.broadcast %broadcast_in_dim3A_98 : f32 to vector<16xf32>
      %swap3A_100 = arith.index_cast %scan3A_70 : i32 to index
      %swap3A_101 = arith.constant 64 : index
      %swap3A_102 = tpu.vector_load %arg10[%swap3A_100, %swap3A_101] {strides = array<i32>} : memref<80x128xf32, #tpu.memory_space<vmem>>, vector<1x16xf32>,
      %swap3A_103 = vector.shape_cast %swap3A_102 : vector<1x16xf32> to vector<16xf32>
      %swap3A_104 = vector.shape_cast %broadcast_in_dim3A_99 : vector<16xf32> to vector<1x16xf32>
      tpu.vector_store %arg10[%swap3A_100, %swap3A_101], %swap3A_104 {strides = array<i32>} : memref<80x128xf32, #tpu.memory_space<vmem>>, vector<1x16xf32>,
      %broadcast_in_dim3A_105 = arith.constant 0.000000e+00 : f32
      %broadcast_in_dim3A_106 = vector.broadcast %broadcast_in_dim3A_105 : f32 to vector<16xf32>
      %swap3A_107 = arith.index_cast %scan3A_70 : i32 to index
      %swap3A_108 = arith.constant 80 : index
      %swap3A_109 = tpu.vector_load %arg10[%swap3A_107, %swap3A_108] {strides = array<i32>} : memref<80x128xf32, #tpu.memory_space<vmem>>, vector<1x16xf32>,
      %swap3A_110 = vector.shape_cast %swap3A_109 : vector<1x16xf32> to vector<16xf32>
      %swap3A_111 = vector.shape_cast %broadcast_in_dim3A_106 : vector<16xf32> to vector<1x16xf32>
      tpu.vector_store %arg10[%swap3A_107, %swap3A_108], %swap3A_111 {strides = array<i32>} : memref<80x128xf32, #tpu.memory_space<vmem>>, vector<1x16xf32>,
      %broadcast_in_dim3A_112 = arith.constant 0.000000e+00 : f32
      %broadcast_in_dim3A_113 = vector.broadcast %broadcast_in_dim3A_112 : f32 to vector<16xf32>
      %swap3A_114 = arith.index_cast %scan3A_70 : i32 to index
      %swap3A_115 = arith.constant 96 : index
      %swap3A_116 = tpu.vector_load %arg10[%swap3A_114, %swap3A_115] {strides = array<i32>} : memref<80x128xf32, #tpu.memory_space<vmem>>, vector<1x16xf32>,
      %swap3A_117 = vector.shape_cast %swap3A_116 : vector<1x16xf32> to vector<16xf32>
      %swap3A_118 = vector.shape_cast %broadcast_in_dim3A_113 : vector<16xf32> to vector<1x16xf32>
      tpu.vector_store %arg10[%swap3A_114, %swap3A_115], %swap3A_118 {strides = array<i32>} : memref<80x128xf32, #tpu.memory_space<vmem>>, vector<1x16xf32>,
      %broadcast_in_dim3A_119 = arith.constant 0.000000e+00 : f32
      %broadcast_in_dim3A_120 = vector.broadcast %broadcast_in_dim3A_119 : f32 to vector<16xf32>
      %swap3A_121 = arith.index_cast %scan3A_70 : i32 to index
      %swap3A_122 = arith.constant 112 : index
      %swap3A_123 = tpu.vector_load %arg10[%swap3A_121, %swap3A_122] {strides = array<i32>} : memref<80x128xf32, #tpu.memory_space<vmem>>, vector<1x16xf32>,
      %swap3A_124 = vector.shape_cast %swap3A_123 : vector<1x16xf32> to vector<16xf32>
      %swap3A_125 = vector.shape_cast %broadcast_in_dim3A_120 : vector<16xf32> to vector<1x16xf32>
      tpu.vector_store %arg10[%swap3A_121, %swap3A_122], %swap3A_125 {strides = array<i32>} : memref<80x128xf32, #tpu.memory_space<vmem>>, vector<1x16xf32>,
      %scan3A_126 = arith.constant 0 : i32
      scf.yield %scan3A_126 : i32
    }
    %scan3A_6 = arith.constant 80 : i32
    %mul3A_7 = arith.constant 640 : i32
    %mul3A_8 = arith.muli %arg1, %mul3A_7 : i32
    %add3A_9 = arith.constant 0 : i32
    %add3A_10 = arith.addi %mul3A_8, %add3A_9 : i32
    "tpu.region"() ({
      %run_scoped3A = tpu.sem_alloc : memref<!tpu.dma_semaphore, #tpu.memory_space<semaphore_mem>>
      %dma_start3A_70 = arith.constant 0 : i32
      %dma_start3A_71 = tpu.memref_slice %arg12[%add3A_10, %dma_start3A_70] : memref<10240x128xf32, #tpu.memory_space<vmem_shared>> -> memref<80x128xf32, #tpu.memory_space<vmem_shared>>
      %dma_start3A_72 = arith.constant 0 : i32
      %dma_start3A_73 = tpu.memref_slice %arg12[%add3A_10, %dma_start3A_72] : memref<10240x128xf32, #tpu.memory_space<vmem_shared>> -> memref<80x128xf32, #tpu.memory_space<vmem_shared>>
      tpu.enqueue_dma source(%arg10 : memref<80x128xf32, #tpu.memory_space<vmem>>) target(%dma_start3A_73 : memref<80x128xf32, #tpu.memory_space<vmem_shared>>) target_semaphore(%run_scoped3A : memref<!tpu.dma_semaphore, #tpu.memory_space<semaphore_mem>>)
      %dma_wait3A_74 = arith.constant 0 : i32
      %dma_wait3A_75 = tpu.memref_slice %arg12[%add3A_10, %dma_wait3A_74] : memref<10240x128xf32, #tpu.memory_space<vmem_shared>> -> memref<80x128xf32, #tpu.memory_space<vmem_shared>>
      %dma_wait3A_76 = arith.constant 0 : i32
      %dma_wait3A_77 = tpu.memref_slice %arg12[%add3A_10, %dma_wait3A_76] : memref<10240x128xf32, #tpu.memory_space<vmem_shared>> -> memref<80x128xf32, #tpu.memory_space<vmem_shared>>
      tpu.wait_dma2 semaphore(%run_scoped3A : memref<!tpu.dma_semaphore, #tpu.memory_space<semaphore_mem>>) src(%arg10 : memref<80x128xf32, #tpu.memory_space<vmem>>) dst(%dma_wait3A_77 : memref<80x128xf32, #tpu.memory_space<vmem_shared>>)
      tpu.yield
    }) : () -> ()
    %add3A_11 = arith.constant 80 : i32
    %add3A_12 = arith.addi %mul3A_8, %add3A_11 : i32
    "tpu.region"() ({
      %run_scoped3A = tpu.sem_alloc : memref<!tpu.dma_semaphore, #tpu.memory_space<semaphore_mem>>
      %dma_start3A_70 = arith.constant 0 : i32
      %dma_start3A_71 = tpu.memref_slice %arg12[%add3A_12, %dma_start3A_70] : memref<10240x128xf32, #tpu.memory_space<vmem_shared>> -> memref<80x128xf32, #tpu.memory_space<vmem_shared>>
      %dma_start3A_72 = arith.constant 0 : i32
      %dma_start3A_73 = tpu.memref_slice %arg12[%add3A_12, %dma_start3A_72] : memref<10240x128xf32, #tpu.memory_space<vmem_shared>> -> memref<80x128xf32, #tpu.memory_space<vmem_shared>>
      tpu.enqueue_dma source(%arg10 : memref<80x128xf32, #tpu.memory_space<vmem>>) target(%dma_start3A_73 : memref<80x128xf32, #tpu.memory_space<vmem_shared>>) target_semaphore(%run_scoped3A : memref<!tpu.dma_semaphore, #tpu.memory_space<semaphore_mem>>)
      %dma_wait3A_74 = arith.constant 0 : i32
      %dma_wait3A_75 = tpu.memref_slice %arg12[%add3A_12, %dma_wait3A_74] : memref<10240x128xf32, #tpu.memory_space<vmem_shared>> -> memref<80x128xf32, #tpu.memory_space<vmem_shared>>
      %dma_wait3A_76 = arith.constant 0 : i32
      %dma_wait3A_77 = tpu.memref_slice %arg12[%add3A_12, %dma_wait3A_76] : memref<10240x128xf32, #tpu.memory_space<vmem_shared>> -> memref<80x128xf32, #tpu.memory_space<vmem_shared>>
      tpu.wait_dma2 semaphore(%run_scoped3A : memref<!tpu.dma_semaphore, #tpu.memory_space<semaphore_mem>>) src(%arg10 : memref<80x128xf32, #tpu.memory_space<vmem>>) dst(%dma_wait3A_77 : memref<80x128xf32, #tpu.memory_space<vmem_shared>>)
      tpu.yield
    }) : () -> ()
    %add3A_13 = arith.constant 160 : i32
    %add3A_14 = arith.addi %mul3A_8, %add3A_13 : i32
    "tpu.region"() ({
      %run_scoped3A = tpu.sem_alloc : memref<!tpu.dma_semaphore, #tpu.memory_space<semaphore_mem>>
      %dma_start3A_70 = arith.constant 0 : i32
      %dma_start3A_71 = tpu.memref_slice %arg12[%add3A_14, %dma_start3A_70] : memref<10240x128xf32, #tpu.memory_space<vmem_shared>> -> memref<80x128xf32, #tpu.memory_space<vmem_shared>>
      %dma_start3A_72 = arith.constant 0 : i32
      %dma_start3A_73 = tpu.memref_slice %arg12[%add3A_14, %dma_start3A_72] : memref<10240x128xf32, #tpu.memory_space<vmem_shared>> -> memref<80x128xf32, #tpu.memory_space<vmem_shared>>
      tpu.enqueue_dma source(%arg10 : memref<80x128xf32, #tpu.memory_space<vmem>>) target(%dma_start3A_73 : memref<80x128xf32, #tpu.memory_space<vmem_shared>>) target_semaphore(%run_scoped3A : memref<!tpu.dma_semaphore, #tpu.memory_space<semaphore_mem>>)
      %dma_wait3A_74 = arith.constant 0 : i32
      %dma_wait3A_75 = tpu.memref_slice %arg12[%add3A_14, %dma_wait3A_74] : memref<10240x128xf32, #tpu.memory_space<vmem_shared>> -> memref<80x128xf32, #tpu.memory_space<vmem_shared>>
      %dma_wait3A_76 = arith.constant 0 : i32
      %dma_wait3A_77 = tpu.memref_slice %arg12[%add3A_14, %dma_wait3A_76] : memref<10240x128xf32, #tpu.memory_space<vmem_shared>> -> memref<80x128xf32, #tpu.memory_space<vmem_shared>>
      tpu.wait_dma2 semaphore(%run_scoped3A : memref<!tpu.dma_semaphore, #tpu.memory_space<semaphore_mem>>) src(%arg10 : memref<80x128xf32, #tpu.memory_space<vmem>>) dst(%dma_wait3A_77 : memref<80x128xf32, #tpu.memory_space<vmem_shared>>)
      tpu.yield
    }) : () -> ()
    %add3A_15 = arith.constant 240 : i32
    %add3A_16 = arith.addi %mul3A_8, %add3A_15 : i32
    "tpu.region"() ({
      %run_scoped3A = tpu.sem_alloc : memref<!tpu.dma_semaphore, #tpu.memory_space<semaphore_mem>>
      %dma_start3A_70 = arith.constant 0 : i32
      %dma_start3A_71 = tpu.memref_slice %arg12[%add3A_16, %dma_start3A_70] : memref<10240x128xf32, #tpu.memory_space<vmem_shared>> -> memref<80x128xf32, #tpu.memory_space<vmem_shared>>
      %dma_start3A_72 = arith.constant 0 : i32
      %dma_start3A_73 = tpu.memref_slice %arg12[%add3A_16, %dma_start3A_72] : memref<10240x128xf32, #tpu.memory_space<vmem_shared>> -> memref<80x128xf32, #tpu.memory_space<vmem_shared>>
      tpu.enqueue_dma source(%arg10 : memref<80x128xf32, #tpu.memory_space<vmem>>) target(%dma_start3A_73 : memref<80x128xf32, #tpu.memory_space<vmem_shared>>) target_semaphore(%run_scoped3A : memref<!tpu.dma_semaphore, #tpu.memory_space<semaphore_mem>>)
      %dma_wait3A_74 = arith.constant 0 : i32
      %dma_wait3A_75 = tpu.memref_slice %arg12[%add3A_16, %dma_wait3A_74] : memref<10240x128xf32, #tpu.memory_space<vmem_shared>> -> memref<80x128xf32, #tpu.memory_space<vmem_shared>>
      %dma_wait3A_76 = arith.constant 0 : i32
      %dma_wait3A_77 = tpu.memref_slice %arg12[%add3A_16, %dma_wait3A_76] : memref<10240x128xf32, #tpu.memory_space<vmem_shared>> -> memref<80x128xf32, #tpu.memory_space<vmem_shared>>
      tpu.wait_dma2 semaphore(%run_scoped3A : memref<!tpu.dma_semaphore, #tpu.memory_space<semaphore_mem>>) src(%arg10 : memref<80x128xf32, #tpu.memory_space<vmem>>) dst(%dma_wait3A_77 : memref<80x128xf32, #tpu.memory_space<vmem_shared>>)
      tpu.yield
    }) : () -> ()
    %add3A_17 = arith.constant 320 : i32
    %add3A_18 = arith.addi %mul3A_8, %add3A_17 : i32
    "tpu.region"() ({
      %run_scoped3A = tpu.sem_alloc : memref<!tpu.dma_semaphore, #tpu.memory_space<semaphore_mem>>
      %dma_start3A_70 = arith.constant 0 : i32
      %dma_start3A_71 = tpu.memref_slice %arg12[%add3A_18, %dma_start3A_70] : memref<10240x128xf32, #tpu.memory_space<vmem_shared>> -> memref<80x128xf32, #tpu.memory_space<vmem_shared>>
      %dma_start3A_72 = arith.constant 0 : i32
      %dma_start3A_73 = tpu.memref_slice %arg12[%add3A_18, %dma_start3A_72] : memref<10240x128xf32, #tpu.memory_space<vmem_shared>> -> memref<80x128xf32, #tpu.memory_space<vmem_shared>>
      tpu.enqueue_dma source(%arg10 : memref<80x128xf32, #tpu.memory_space<vmem>>) target(%dma_start3A_73 : memref<80x128xf32, #tpu.memory_space<vmem_shared>>) target_semaphore(%run_scoped3A : memref<!tpu.dma_semaphore, #tpu.memory_space<semaphore_mem>>)
      %dma_wait3A_74 = arith.constant 0 : i32
      %dma_wait3A_75 = tpu.memref_slice %arg12[%add3A_18, %dma_wait3A_74] : memref<10240x128xf32, #tpu.memory_space<vmem_shared>> -> memref<80x128xf32, #tpu.memory_space<vmem_shared>>
      %dma_wait3A_76 = arith.constant 0 : i32
      %dma_wait3A_77 = tpu.memref_slice %arg12[%add3A_18, %dma_wait3A_76] : memref<10240x128xf32, #tpu.memory_space<vmem_shared>> -> memref<80x128xf32, #tpu.memory_space<vmem_shared>>
      tpu.wait_dma2 semaphore(%run_scoped3A : memref<!tpu.dma_semaphore, #tpu.memory_space<semaphore_mem>>) src(%arg10 : memref<80x128xf32, #tpu.memory_space<vmem>>) dst(%dma_wait3A_77 : memref<80x128xf32, #tpu.memory_space<vmem_shared>>)
      tpu.yield
    }) : () -> ()
    %add3A_19 = arith.constant 400 : i32
    %add3A_20 = arith.addi %mul3A_8, %add3A_19 : i32
    "tpu.region"() ({
      %run_scoped3A = tpu.sem_alloc : memref<!tpu.dma_semaphore, #tpu.memory_space<semaphore_mem>>
      %dma_start3A_70 = arith.constant 0 : i32
      %dma_start3A_71 = tpu.memref_slice %arg12[%add3A_20, %dma_start3A_70] : memref<10240x128xf32, #tpu.memory_space<vmem_shared>> -> memref<80x128xf32, #tpu.memory_space<vmem_shared>>
      %dma_start3A_72 = arith.constant 0 : i32
      %dma_start3A_73 = tpu.memref_slice %arg12[%add3A_20, %dma_start3A_72] : memref<10240x128xf32, #tpu.memory_space<vmem_shared>> -> memref<80x128xf32, #tpu.memory_space<vmem_shared>>
      tpu.enqueue_dma source(%arg10 : memref<80x128xf32, #tpu.memory_space<vmem>>) target(%dma_start3A_73 : memref<80x128xf32, #tpu.memory_space<vmem_shared>>) target_semaphore(%run_scoped3A : memref<!tpu.dma_semaphore, #tpu.memory_space<semaphore_mem>>)
      %dma_wait3A_74 = arith.constant 0 : i32
      %dma_wait3A_75 = tpu.memref_slice %arg12[%add3A_20, %dma_wait3A_74] : memref<10240x128xf32, #tpu.memory_space<vmem_shared>> -> memref<80x128xf32, #tpu.memory_space<vmem_shared>>
      %dma_wait3A_76 = arith.constant 0 : i32
      %dma_wait3A_77 = tpu.memref_slice %arg12[%add3A_20, %dma_wait3A_76] : memref<10240x128xf32, #tpu.memory_space<vmem_shared>> -> memref<80x128xf32, #tpu.memory_space<vmem_shared>>
      tpu.wait_dma2 semaphore(%run_scoped3A : memref<!tpu.dma_semaphore, #tpu.memory_space<semaphore_mem>>) src(%arg10 : memref<80x128xf32, #tpu.memory_space<vmem>>) dst(%dma_wait3A_77 : memref<80x128xf32, #tpu.memory_space<vmem_shared>>)
      tpu.yield
    }) : () -> ()
    %add3A_21 = arith.constant 480 : i32
    %add3A_22 = arith.addi %mul3A_8, %add3A_21 : i32
    "tpu.region"() ({
      %run_scoped3A = tpu.sem_alloc : memref<!tpu.dma_semaphore, #tpu.memory_space<semaphore_mem>>
      %dma_start3A_70 = arith.constant 0 : i32
      %dma_start3A_71 = tpu.memref_slice %arg12[%add3A_22, %dma_start3A_70] : memref<10240x128xf32, #tpu.memory_space<vmem_shared>> -> memref<80x128xf32, #tpu.memory_space<vmem_shared>>
      %dma_start3A_72 = arith.constant 0 : i32
      %dma_start3A_73 = tpu.memref_slice %arg12[%add3A_22, %dma_start3A_72] : memref<10240x128xf32, #tpu.memory_space<vmem_shared>> -> memref<80x128xf32, #tpu.memory_space<vmem_shared>>
      tpu.enqueue_dma source(%arg10 : memref<80x128xf32, #tpu.memory_space<vmem>>) target(%dma_start3A_73 : memref<80x128xf32, #tpu.memory_space<vmem_shared>>) target_semaphore(%run_scoped3A : memref<!tpu.dma_semaphore, #tpu.memory_space<semaphore_mem>>)
      %dma_wait3A_74 = arith.constant 0 : i32
      %dma_wait3A_75 = tpu.memref_slice %arg12[%add3A_22, %dma_wait3A_74] : memref<10240x128xf32, #tpu.memory_space<vmem_shared>> -> memref<80x128xf32, #tpu.memory_space<vmem_shared>>
      %dma_wait3A_76 = arith.constant 0 : i32
      %dma_wait3A_77 = tpu.memref_slice %arg12[%add3A_22, %dma_wait3A_76] : memref<10240x128xf32, #tpu.memory_space<vmem_shared>> -> memref<80x128xf32, #tpu.memory_space<vmem_shared>>
      tpu.wait_dma2 semaphore(%run_scoped3A : memref<!tpu.dma_semaphore, #tpu.memory_space<semaphore_mem>>) src(%arg10 : memref<80x128xf32, #tpu.memory_space<vmem>>) dst(%dma_wait3A_77 : memref<80x128xf32, #tpu.memory_space<vmem_shared>>)
      tpu.yield
    }) : () -> ()
    %add3A_23 = arith.constant 560 : i32
    %add3A_24 = arith.addi %mul3A_8, %add3A_23 : i32
    "tpu.region"() ({
      %run_scoped3A = tpu.sem_alloc : memref<!tpu.dma_semaphore, #tpu.memory_space<semaphore_mem>>
      %dma_start3A_70 = arith.constant 0 : i32
      %dma_start3A_71 = tpu.memref_slice %arg12[%add3A_24, %dma_start3A_70] : memref<10240x128xf32, #tpu.memory_space<vmem_shared>> -> memref<80x128xf32, #tpu.memory_space<vmem_shared>>
      %dma_start3A_72 = arith.constant 0 : i32
      %dma_start3A_73 = tpu.memref_slice %arg12[%add3A_24, %dma_start3A_72] : memref<10240x128xf32, #tpu.memory_space<vmem_shared>> -> memref<80x128xf32, #tpu.memory_space<vmem_shared>>
      tpu.enqueue_dma source(%arg10 : memref<80x128xf32, #tpu.memory_space<vmem>>) target(%dma_start3A_73 : memref<80x128xf32, #tpu.memory_space<vmem_shared>>) target_semaphore(%run_scoped3A : memref<!tpu.dma_semaphore, #tpu.memory_space<semaphore_mem>>)
      %dma_wait3A_74 = arith.constant 0 : i32
      %dma_wait3A_75 = tpu.memref_slice %arg12[%add3A_24, %dma_wait3A_74] : memref<10240x128xf32, #tpu.memory_space<vmem_shared>> -> memref<80x128xf32, #tpu.memory_space<vmem_shared>>
      %dma_wait3A_76 = arith.constant 0 : i32
      %dma_wait3A_77 = tpu.memref_slice %arg12[%add3A_24, %dma_wait3A_76] : memref<10240x128xf32, #tpu.memory_space<vmem_shared>> -> memref<80x128xf32, #tpu.memory_space<vmem_shared>>
      tpu.wait_dma2 semaphore(%run_scoped3A : memref<!tpu.dma_semaphore, #tpu.memory_space<semaphore_mem>>) src(%arg10 : memref<80x128xf32, #tpu.memory_space<vmem>>) dst(%dma_wait3A_77 : memref<80x128xf32, #tpu.memory_space<vmem_shared>>)
      tpu.yield
    }) : () -> ()
    %barrier3A = arith.constant 0 : index
    tpu.barrier barrier_id(%barrier3A)
    %mul3A_25 = arith.constant 10000 : i32
    %mul3A_26 = arith.muli %add3A, %mul3A_25 : i32
    %add3A_27 = arith.constant 0 : i32
    %add3A_28 = arith.addi %mul3A_26, %add3A_27 : i32
    "tpu.region"() ({
      %run_scoped3A = tpu.sem_alloc : memref<!tpu.dma_semaphore, #tpu.memory_space<semaphore_mem>>
      %dma_start3A_70 = tpu.memref_slice %arg3[%add3A_28] : memref<320000xi32, #tpu.memory_space<hbm>> -> memref<80xi32, #tpu.memory_space<hbm>>
      %dma_start3A_71 = tpu.memref_slice %arg3[%add3A_28] : memref<320000xi32, #tpu.memory_space<hbm>> -> memref<80xi32, #tpu.memory_space<hbm>>
      tpu.enqueue_dma source(%dma_start3A_71 : memref<80xi32, #tpu.memory_space<hbm>>) target(%arg6 : memref<80xi32, #tpu.memory_space<vmem>>) target_semaphore(%run_scoped3A : memref<!tpu.dma_semaphore, #tpu.memory_space<semaphore_mem>>)
      %dma_wait3A_72 = tpu.memref_slice %arg3[%add3A_28] : memref<320000xi32, #tpu.memory_space<hbm>> -> memref<80xi32, #tpu.memory_space<hbm>>
      %dma_wait3A_73 = tpu.memref_slice %arg3[%add3A_28] : memref<320000xi32, #tpu.memory_space<hbm>> -> memref<80xi32, #tpu.memory_space<hbm>>
      tpu.wait_dma2 semaphore(%run_scoped3A : memref<!tpu.dma_semaphore, #tpu.memory_space<semaphore_mem>>) src(%dma_wait3A_73 : memref<80xi32, #tpu.memory_space<hbm>>) dst(%arg6 : memref<80xi32, #tpu.memory_space<vmem>>)
      tpu.yield
    }) : () -> ()
    "tpu.region"() ({
      %run_scoped3A = tpu.sem_alloc : memref<!tpu.dma_semaphore, #tpu.memory_space<semaphore_mem>>
      %dma_start3A_70 = tpu.memref_slice %arg4[%add3A_28] : memref<320000xi32, #tpu.memory_space<hbm>> -> memref<80xi32, #tpu.memory_space<hbm>>
      %dma_start3A_71 = tpu.memref_slice %arg4[%add3A_28] : memref<320000xi32, #tpu.memory_space<hbm>> -> memref<80xi32, #tpu.memory_space<hbm>>
      tpu.enqueue_dma source(%dma_start3A_71 : memref<80xi32, #tpu.memory_space<hbm>>) target(%arg7 : memref<80xi32, #tpu.memory_space<vmem>>) target_semaphore(%run_scoped3A : memref<!tpu.dma_semaphore, #tpu.memory_space<semaphore_mem>>)
      %dma_wait3A_72 = tpu.memref_slice %arg4[%add3A_28] : memref<320000xi32, #tpu.memory_space<hbm>> -> memref<80xi32, #tpu.memory_space<hbm>>
      %dma_wait3A_73 = tpu.memref_slice %arg4[%add3A_28] : memref<320000xi32, #tpu.memory_space<hbm>> -> memref<80xi32, #tpu.memory_space<hbm>>
      tpu.wait_dma2 semaphore(%run_scoped3A : memref<!tpu.dma_semaphore, #tpu.memory_space<semaphore_mem>>) src(%dma_wait3A_73 : memref<80xi32, #tpu.memory_space<hbm>>) dst(%arg7 : memref<80xi32, #tpu.memory_space<vmem>>)
      tpu.yield
    }) : () -> ()
    %dma_start3A = arith.constant 0 : i32
    %dma_start3A_29 = arith.constant 0 : i32
    %dma_start3A_30 = tpu.memref_slice %arg2[%dma_start3A, %dma_start3A_29] : memref<10240x128xf32, #tpu.memory_space<hbm>> -> memref<10240x128xf32, #tpu.memory_space<hbm>>
    tpu.enqueue_indirect_dma source(%dma_start3A_30 : memref<10240x128xf32, #tpu.memory_space<hbm>>) target(%arg10 : memref<80x128xf32, #tpu.memory_space<vmem>>) offsets(%arg6 : memref<80xi32, #tpu.memory_space<vmem>>) semaphore(%arg13 : memref<!tpu.dma_semaphore, #tpu.memory_space<semaphore_mem>>)
    %mul3A_31 = arith.constant 10000 : i32
    %mul3A_32 = arith.muli %add3A, %mul3A_31 : i32
    %add3A_33 = arith.constant 80 : i32
    %add3A_34 = arith.addi %mul3A_32, %add3A_33 : i32
    "tpu.region"() ({
      %run_scoped3A = tpu.sem_alloc : memref<!tpu.dma_semaphore, #tpu.memory_space<semaphore_mem>>
      %dma_start3A_70 = tpu.memref_slice %arg3[%add3A_34] : memref<320000xi32, #tpu.memory_space<hbm>> -> memref<80xi32, #tpu.memory_space<hbm>>
      %dma_start3A_71 = tpu.memref_slice %arg3[%add3A_34] : memref<320000xi32, #tpu.memory_space<hbm>> -> memref<80xi32, #tpu.memory_space<hbm>>
      tpu.enqueue_dma source(%dma_start3A_71 : memref<80xi32, #tpu.memory_space<hbm>>) target(%arg8 : memref<80xi32, #tpu.memory_space<vmem>>) target_semaphore(%run_scoped3A : memref<!tpu.dma_semaphore, #tpu.memory_space<semaphore_mem>>)
      %dma_wait3A_72 = tpu.memref_slice %arg3[%add3A_34] : memref<320000xi32, #tpu.memory_space<hbm>> -> memref<80xi32, #tpu.memory_space<hbm>>
      %dma_wait3A_73 = tpu.memref_slice %arg3[%add3A_34] : memref<320000xi32, #tpu.memory_space<hbm>> -> memref<80xi32, #tpu.memory_space<hbm>>
      tpu.wait_dma2 semaphore(%run_scoped3A : memref<!tpu.dma_semaphore, #tpu.memory_space<semaphore_mem>>) src(%dma_wait3A_73 : memref<80xi32, #tpu.memory_space<hbm>>) dst(%arg8 : memref<80xi32, #tpu.memory_space<vmem>>)
      tpu.yield
    }) : () -> ()
    "tpu.region"() ({
      %run_scoped3A = tpu.sem_alloc : memref<!tpu.dma_semaphore, #tpu.memory_space<semaphore_mem>>
      %dma_start3A_70 = tpu.memref_slice %arg4[%add3A_34] : memref<320000xi32, #tpu.memory_space<hbm>> -> memref<80xi32, #tpu.memory_space<hbm>>
      %dma_start3A_71 = tpu.memref_slice %arg4[%add3A_34] : memref<320000xi32, #tpu.memory_space<hbm>> -> memref<80xi32, #tpu.memory_space<hbm>>
      tpu.enqueue_dma source(%dma_start3A_71 : memref<80xi32, #tpu.memory_space<hbm>>) target(%arg9 : memref<80xi32, #tpu.memory_space<vmem>>) target_semaphore(%run_scoped3A : memref<!tpu.dma_semaphore, #tpu.memory_space<semaphore_mem>>)
      %dma_wait3A_72 = tpu.memref_slice %arg4[%add3A_34] : memref<320000xi32, #tpu.memory_space<hbm>> -> memref<80xi32, #tpu.memory_space<hbm>>
      %dma_wait3A_73 = tpu.memref_slice %arg4[%add3A_34] : memref<320000xi32, #tpu.memory_space<hbm>> -> memref<80xi32, #tpu.memory_space<hbm>>
      tpu.wait_dma2 semaphore(%run_scoped3A : memref<!tpu.dma_semaphore, #tpu.memory_space<semaphore_mem>>) src(%dma_wait3A_73 : memref<80xi32, #tpu.memory_space<hbm>>) dst(%arg9 : memref<80xi32, #tpu.memory_space<vmem>>)
      tpu.yield
    }) : () -> ()
    %dma_wait3A = arith.constant 0 : i32
    %dma_wait3A_35 = arith.constant 0 : i32
    %dma_wait3A_36 = tpu.memref_slice %arg2[%dma_wait3A, %dma_wait3A_35] : memref<10240x128xf32, #tpu.memory_space<hbm>> -> memref<10240x128xf32, #tpu.memory_space<hbm>>
    tpu.wait_indirect_dma semaphore(%arg13 : memref<!tpu.dma_semaphore, #tpu.memory_space<semaphore_mem>>) src(%dma_wait3A_36 : memref<10240x128xf32, #tpu.memory_space<hbm>>) dst(%arg10 : memref<80x128xf32, #tpu.memory_space<vmem>>)
    %dma_start3A_37 = arith.constant 0 : i32
    %dma_start3A_38 = arith.constant 0 : i32
    %dma_start3A_39 = tpu.memref_slice %arg12[%dma_start3A_37, %dma_start3A_38] : memref<10240x128xf32, #tpu.memory_space<vmem_shared>> -> memref<10240x128xf32, #tpu.memory_space<vmem_shared>>
    tpu.enqueue_indirect_dma source(%arg10 : memref<80x128xf32, #tpu.memory_space<vmem>>) target(%dma_start3A_39 : memref<10240x128xf32, #tpu.memory_space<vmem_shared>>) offsets(%arg7 : memref<80xi32, #tpu.memory_space<vmem>>) semaphore(%arg14 : memref<!tpu.dma_semaphore, #tpu.memory_space<semaphore_mem>>) {add = true}
    %dma_start3A_40 = arith.constant 0 : i32
    %dma_start3A_41 = arith.constant 0 : i32
    %dma_start3A_42 = tpu.memref_slice %arg2[%dma_start3A_40, %dma_start3A_41] : memref<10240x128xf32, #tpu.memory_space<hbm>> -> memref<10240x128xf32, #tpu.memory_space<hbm>>
    tpu.enqueue_indirect_dma source(%dma_start3A_42 : memref<10240x128xf32, #tpu.memory_space<hbm>>) target(%arg11 : memref<80x128xf32, #tpu.memory_space<vmem>>) offsets(%arg8 : memref<80xi32, #tpu.memory_space<vmem>>) semaphore(%arg13 : memref<!tpu.dma_semaphore, #tpu.memory_space<semaphore_mem>>)
    %scan3A_43 = arith.constant 0 : i32
    %scan3A_44 = arith.constant 0 : i32
    %scan3A_45 = arith.constant 62 : i32
    %scan3A_46 = arith.addi %scan3A_44, %scan3A_45 : i32
    %scan3A_47 = arith.constant 1 : i32
    %scan3A_48 = scf.for %scan3A_70 = %scan3A_44 to %scan3A_46 step %scan3A_47 iter_args(%scan3A_71 = %scan3A_43) -> (i32)  : i32 {
      %mul3A_72 = arith.constant 2 : i32
      %mul3A_73 = arith.muli %mul3A_72, %scan3A_70 : i32
      %add3A_74 = arith.constant 1 : i32
      %add3A_75 = arith.addi %mul3A_73, %add3A_74 : i32
      %add3A_76 = arith.constant 1 : i32
      %add3A_77 = arith.addi %add3A_75, %add3A_76 : i32
      %dma_wait3A_78 = arith.constant 0 : i32
      %dma_wait3A_79 = arith.constant 0 : i32
      %dma_wait3A_80 = tpu.memref_slice %arg12[%dma_wait3A_78, %dma_wait3A_79] : memref<10240x128xf32, #tpu.memory_space<vmem_shared>> -> memref<10240x128xf32, #tpu.memory_space<vmem_shared>>
      tpu.wait_indirect_dma semaphore(%arg14 : memref<!tpu.dma_semaphore, #tpu.memory_space<semaphore_mem>>) src(%arg10 : memref<80x128xf32, #tpu.memory_space<vmem>>) dst(%dma_wait3A_80 : memref<10240x128xf32, #tpu.memory_space<vmem_shared>>)
      %add3A_81 = arith.constant 1 : i32
      %add3A_82 = arith.addi %add3A_75, %add3A_81 : i32
      %mul3A_83 = arith.constant 10000 : i32
      %mul3A_84 = arith.muli %add3A, %mul3A_83 : i32
      %mul3A_85 = arith.constant 80 : i32
      %mul3A_86 = arith.muli %add3A_82, %mul3A_85 : i32
      %add3A_87 = arith.addi %mul3A_84, %mul3A_86 : i32
      "tpu.region"() ({
        %run_scoped3A = tpu.sem_alloc : memref<!tpu.dma_semaphore, #tpu.memory_space<semaphore_mem>>
        %dma_start3A_114 = tpu.memref_slice %arg3[%add3A_87] : memref<320000xi32, #tpu.memory_space<hbm>> -> memref<80xi32, #tpu.memory_space<hbm>>
        %dma_start3A_115 = tpu.memref_slice %arg3[%add3A_87] : memref<320000xi32, #tpu.memory_space<hbm>> -> memref<80xi32, #tpu.memory_space<hbm>>
        tpu.enqueue_dma source(%dma_start3A_115 : memref<80xi32, #tpu.memory_space<hbm>>) target(%arg6 : memref<80xi32, #tpu.memory_space<vmem>>) target_semaphore(%run_scoped3A : memref<!tpu.dma_semaphore, #tpu.memory_space<semaphore_mem>>)
        %dma_wait3A_116 = tpu.memref_slice %arg3[%add3A_87] : memref<320000xi32, #tpu.memory_space<hbm>> -> memref<80xi32, #tpu.memory_space<hbm>>
        %dma_wait3A_117 = tpu.memref_slice %arg3[%add3A_87] : memref<320000xi32, #tpu.memory_space<hbm>> -> memref<80xi32, #tpu.memory_space<hbm>>
        tpu.wait_dma2 semaphore(%run_scoped3A : memref<!tpu.dma_semaphore, #tpu.memory_space<semaphore_mem>>) src(%dma_wait3A_117 : memref<80xi32, #tpu.memory_space<hbm>>) dst(%arg6 : memref<80xi32, #tpu.memory_space<vmem>>)
        tpu.yield
      }) : () -> ()
      "tpu.region"() ({
        %run_scoped3A = tpu.sem_alloc : memref<!tpu.dma_semaphore, #tpu.memory_space<semaphore_mem>>
        %dma_start3A_114 = tpu.memref_slice %arg4[%add3A_87] : memref<320000xi32, #tpu.memory_space<hbm>> -> memref<80xi32, #tpu.memory_space<hbm>>
        %dma_start3A_115 = tpu.memref_slice %arg4[%add3A_87] : memref<320000xi32, #tpu.memory_space<hbm>> -> memref<80xi32, #tpu.memory_space<hbm>>
        tpu.enqueue_dma source(%dma_start3A_115 : memref<80xi32, #tpu.memory_space<hbm>>) target(%arg7 : memref<80xi32, #tpu.memory_space<vmem>>) target_semaphore(%run_scoped3A : memref<!tpu.dma_semaphore, #tpu.memory_space<semaphore_mem>>)
        %dma_wait3A_116 = tpu.memref_slice %arg4[%add3A_87] : memref<320000xi32, #tpu.memory_space<hbm>> -> memref<80xi32, #tpu.memory_space<hbm>>
        %dma_wait3A_117 = tpu.memref_slice %arg4[%add3A_87] : memref<320000xi32, #tpu.memory_space<hbm>> -> memref<80xi32, #tpu.memory_space<hbm>>
        tpu.wait_dma2 semaphore(%run_scoped3A : memref<!tpu.dma_semaphore, #tpu.memory_space<semaphore_mem>>) src(%dma_wait3A_117 : memref<80xi32, #tpu.memory_space<hbm>>) dst(%arg7 : memref<80xi32, #tpu.memory_space<vmem>>)
        tpu.yield
      }) : () -> ()
      %dma_wait3A_88 = arith.constant 0 : i32
      %dma_wait3A_89 = arith.constant 0 : i32
      %dma_wait3A_90 = tpu.memref_slice %arg2[%dma_wait3A_88, %dma_wait3A_89] : memref<10240x128xf32, #tpu.memory_space<hbm>> -> memref<10240x128xf32, #tpu.memory_space<hbm>>
      tpu.wait_indirect_dma semaphore(%arg13 : memref<!tpu.dma_semaphore, #tpu.memory_space<semaphore_mem>>) src(%dma_wait3A_90 : memref<10240x128xf32, #tpu.memory_space<hbm>>) dst(%arg11 : memref<80x128xf32, #tpu.memory_space<vmem>>)
      %dma_start3A_91 = arith.constant 0 : i32
      %dma_start3A_92 = arith.constant 0 : i32
      %dma_start3A_93 = tpu.memref_slice %arg12[%dma_start3A_91, %dma_start3A_92] : memref<10240x128xf32, #tpu.memory_space<vmem_shared>> -> memref<10240x128xf32, #tpu.memory_space<vmem_shared>>
      tpu.enqueue_indirect_dma source(%arg11 : memref<80x128xf32, #tpu.memory_space<vmem>>) target(%dma_start3A_93 : memref<10240x128xf32, #tpu.memory_space<vmem_shared>>) offsets(%arg9 : memref<80xi32, #tpu.memory_space<vmem>>) semaphore(%arg14 : memref<!tpu.dma_semaphore, #tpu.memory_space<semaphore_mem>>) {add = true}
      %dma_start3A_94 = arith.constant 0 : i32
      %dma_start3A_95 = arith.constant 0 : i32
      %dma_start3A_96 = tpu.memref_slice %arg2[%dma_start3A_94, %dma_start3A_95] : memref<10240x128xf32, #tpu.memory_space<hbm>> -> memref<10240x128xf32, #tpu.memory_space<hbm>>
      tpu.enqueue_indirect_dma source(%dma_start3A_96 : memref<10240x128xf32, #tpu.memory_space<hbm>>) target(%arg10 : memref<80x128xf32, #tpu.memory_space<vmem>>) offsets(%arg6 : memref<80xi32, #tpu.memory_space<vmem>>) semaphore(%arg13 : memref<!tpu.dma_semaphore, #tpu.memory_space<semaphore_mem>>)
      %add3A_97 = arith.constant 1 : i32
      %add3A_98 = arith.addi %add3A_77, %add3A_97 : i32
      %lt3A = arith.constant 125 : i32
      %lt3A_99 = arith.cmpi slt, %add3A_98, %lt3A : i32
      %dma_wait3A_100 = arith.constant 0 : i32
      %dma_wait3A_101 = arith.constant 0 : i32
      %dma_wait3A_102 = tpu.memref_slice %arg12[%dma_wait3A_100, %dma_wait3A_101] : memref<10240x128xf32, #tpu.memory_space<vmem_shared>> -> memref<10240x128xf32, #tpu.memory_space<vmem_shared>>
      tpu.wait_indirect_dma semaphore(%arg14 : memref<!tpu.dma_semaphore, #tpu.memory_space<semaphore_mem>>) src(%arg11 : memref<80x128xf32, #tpu.memory_space<vmem>>) dst(%dma_wait3A_102 : memref<10240x128xf32, #tpu.memory_space<vmem_shared>>)
      %convert_element_type3A = arith.extui %lt3A_99 : i1 to i32
      %cond3A = arith.constant 0 : i32
      %cond3A_103 = arith.cmpi ne, %convert_element_type3A, %cond3A : i32
      scf.if %cond3A_103 {
        %add3A_114 = arith.constant 1 : i32
        %add3A_115 = arith.addi %add3A_77, %add3A_114 : i32
        %mul3A_116 = arith.constant 10000 : i32
        %mul3A_117 = arith.muli %add3A, %mul3A_116 : i32
        %mul3A_118 = arith.constant 80 : i32
        %mul3A_119 = arith.muli %add3A_115, %mul3A_118 : i32
        %add3A_120 = arith.addi %mul3A_117, %mul3A_119 : i32
        "tpu.region"() ({
          %run_scoped3A = tpu.sem_alloc : memref<!tpu.dma_semaphore, #tpu.memory_space<semaphore_mem>>
          %dma_start3A_121 = tpu.memref_slice %arg3[%add3A_120] : memref<320000xi32, #tpu.memory_space<hbm>> -> memref<80xi32, #tpu.memory_space<hbm>>
          %dma_start3A_122 = tpu.memref_slice %arg3[%add3A_120] : memref<320000xi32, #tpu.memory_space<hbm>> -> memref<80xi32, #tpu.memory_space<hbm>>
          tpu.enqueue_dma source(%dma_start3A_122 : memref<80xi32, #tpu.memory_space<hbm>>) target(%arg8 : memref<80xi32, #tpu.memory_space<vmem>>) target_semaphore(%run_scoped3A : memref<!tpu.dma_semaphore, #tpu.memory_space<semaphore_mem>>)
          %dma_wait3A_123 = tpu.memref_slice %arg3[%add3A_120] : memref<320000xi32, #tpu.memory_space<hbm>> -> memref<80xi32, #tpu.memory_space<hbm>>
          %dma_wait3A_124 = tpu.memref_slice %arg3[%add3A_120] : memref<320000xi32, #tpu.memory_space<hbm>> -> memref<80xi32, #tpu.memory_space<hbm>>
          tpu.wait_dma2 semaphore(%run_scoped3A : memref<!tpu.dma_semaphore, #tpu.memory_space<semaphore_mem>>) src(%dma_wait3A_124 : memref<80xi32, #tpu.memory_space<hbm>>) dst(%arg8 : memref<80xi32, #tpu.memory_space<vmem>>)
          tpu.yield
        }) : () -> ()
        "tpu.region"() ({
          %run_scoped3A = tpu.sem_alloc : memref<!tpu.dma_semaphore, #tpu.memory_space<semaphore_mem>>
          %dma_start3A_121 = tpu.memref_slice %arg4[%add3A_120] : memref<320000xi32, #tpu.memory_space<hbm>> -> memref<80xi32, #tpu.memory_space<hbm>>
          %dma_start3A_122 = tpu.memref_slice %arg4[%add3A_120] : memref<320000xi32, #tpu.memory_space<hbm>> -> memref<80xi32, #tpu.memory_space<hbm>>
          tpu.enqueue_dma source(%dma_start3A_122 : memref<80xi32, #tpu.memory_space<hbm>>) target(%arg9 : memref<80xi32, #tpu.memory_space<vmem>>) target_semaphore(%run_scoped3A : memref<!tpu.dma_semaphore, #tpu.memory_space<semaphore_mem>>)
          %dma_wait3A_123 = tpu.memref_slice %arg4[%add3A_120] : memref<320000xi32, #tpu.memory_space<hbm>> -> memref<80xi32, #tpu.memory_space<hbm>>
          %dma_wait3A_124 = tpu.memref_slice %arg4[%add3A_120] : memref<320000xi32, #tpu.memory_space<hbm>> -> memref<80xi32, #tpu.memory_space<hbm>>
          tpu.wait_dma2 semaphore(%run_scoped3A : memref<!tpu.dma_semaphore, #tpu.memory_space<semaphore_mem>>) src(%dma_wait3A_124 : memref<80xi32, #tpu.memory_space<hbm>>) dst(%arg9 : memref<80xi32, #tpu.memory_space<vmem>>)
          tpu.yield
        }) : () -> ()
      } else {
      }
      %dma_wait3A_104 = arith.constant 0 : i32
      %dma_wait3A_105 = arith.constant 0 : i32
      %dma_wait3A_106 = tpu.memref_slice %arg2[%dma_wait3A_104, %dma_wait3A_105] : memref<10240x128xf32, #tpu.memory_space<hbm>> -> memref<10240x128xf32, #tpu.memory_space<hbm>>
      tpu.wait_indirect_dma semaphore(%arg13 : memref<!tpu.dma_semaphore, #tpu.memory_space<semaphore_mem>>) src(%dma_wait3A_106 : memref<10240x128xf32, #tpu.memory_space<hbm>>) dst(%arg10 : memref<80x128xf32, #tpu.memory_space<vmem>>)
      %dma_start3A_107 = arith.constant 0 : i32
      %dma_start3A_108 = arith.constant 0 : i32
      %dma_start3A_109 = tpu.memref_slice %arg12[%dma_start3A_107, %dma_start3A_108] : memref<10240x128xf32, #tpu.memory_space<vmem_shared>> -> memref<10240x128xf32, #tpu.memory_space<vmem_shared>>
      tpu.enqueue_indirect_dma source(%arg10 : memref<80x128xf32, #tpu.memory_space<vmem>>) target(%dma_start3A_109 : memref<10240x128xf32, #tpu.memory_space<vmem_shared>>) offsets(%arg7 : memref<80xi32, #tpu.memory_space<vmem>>) semaphore(%arg14 : memref<!tpu.dma_semaphore, #tpu.memory_space<semaphore_mem>>) {add = true}
      %convert_element_type3A_110 = arith.extui %lt3A_99 : i1 to i32
      %cond3A_111 = arith.constant 0 : i32
      %cond3A_112 = arith.cmpi ne, %convert_element_type3A_110, %cond3A_111 : i32
      scf.if %cond3A_112 {
        %dma_start3A_114 = arith.constant 0 : i32
        %dma_start3A_115 = arith.constant 0 : i32
        %dma_start3A_116 = tpu.memref_slice %arg2[%dma_start3A_114, %dma_start3A_115] : memref<10240x128xf32, #tpu.memory_space<hbm>> -> memref<10240x128xf32, #tpu.memory_space<hbm>>
        tpu.enqueue_indirect_dma source(%dma_start3A_116 : memref<10240x128xf32, #tpu.memory_space<hbm>>) target(%arg11 : memref<80x128xf32, #tpu.memory_space<vmem>>) offsets(%arg8 : memref<80xi32, #tpu.memory_space<vmem>>) semaphore(%arg13 : memref<!tpu.dma_semaphore, #tpu.memory_space<semaphore_mem>>)
      } else {
      }
      %scan3A_113 = arith.constant 0 : i32
      scf.yield %scan3A_113 : i32
    }
    %scan3A_49 = arith.constant 62 : i32
    %dma_wait3A_50 = arith.constant 0 : i32
    %dma_wait3A_51 = arith.constant 0 : i32
    %dma_wait3A_52 = tpu.memref_slice %arg12[%dma_wait3A_50, %dma_wait3A_51] : memref<10240x128xf32, #tpu.memory_space<vmem_shared>> -> memref<10240x128xf32, #tpu.memory_space<vmem_shared>>
    tpu.wait_indirect_dma semaphore(%arg14 : memref<!tpu.dma_semaphore, #tpu.memory_space<semaphore_mem>>) src(%arg10 : memref<80x128xf32, #tpu.memory_space<vmem>>) dst(%dma_wait3A_52 : memref<10240x128xf32, #tpu.memory_space<vmem_shared>>)
    %barrier3A_53 = arith.constant 0 : index
    tpu.barrier barrier_id(%barrier3A_53)
    %add3A_54 = arith.constant 0 : i32
    %add3A_55 = arith.addi %mul3A_8, %add3A_54 : i32
    "tpu.region"() ({
      %run_scoped3A = tpu.sem_alloc : memref<!tpu.dma_semaphore, #tpu.memory_space<semaphore_mem>>
      %dma_start3A_70 = arith.constant 0 : i32
      %dma_start3A_71 = tpu.memref_slice %arg5[%arg0, %add3A_55, %dma_start3A_70] : memref<2x10240x128xf32, #tpu.memory_space<hbm>> -> memref<1x80x128xf32, #tpu.memory_space<hbm>>
      %dma_start3A_72 = tpu.memref_squeeze %dma_start3A_71 : memref<1x80x128xf32, #tpu.memory_space<hbm>> -> memref<80x128xf32, #tpu.memory_space<hbm>>
      %dma_start3A_73 = arith.constant 0 : i32
      %dma_start3A_74 = tpu.memref_slice %arg12[%add3A_55, %dma_start3A_73] : memref<10240x128xf32, #tpu.memory_space<vmem_shared>> -> memref<80x128xf32, #tpu.memory_space<vmem_shared>>
      tpu.enqueue_dma source(%dma_start3A_74 : memref<80x128xf32, #tpu.memory_space<vmem_shared>>) target(%dma_start3A_72 : memref<80x128xf32, #tpu.memory_space<hbm>>) target_semaphore(%run_scoped3A : memref<!tpu.dma_semaphore, #tpu.memory_space<semaphore_mem>>)
      %dma_wait3A_75 = arith.constant 0 : i32
      %dma_wait3A_76 = tpu.memref_slice %arg5[%arg0, %add3A_55, %dma_wait3A_75] : memref<2x10240x128xf32, #tpu.memory_space<hbm>> -> memref<1x80x128xf32, #tpu.memory_space<hbm>>
      %dma_wait3A_77 = tpu.memref_squeeze %dma_wait3A_76 : memref<1x80x128xf32, #tpu.memory_space<hbm>> -> memref<80x128xf32, #tpu.memory_space<hbm>>
      %dma_wait3A_78 = arith.constant 0 : i32
      %dma_wait3A_79 = tpu.memref_slice %arg12[%add3A_55, %dma_wait3A_78] : memref<10240x128xf32, #tpu.memory_space<vmem_shared>> -> memref<80x128xf32, #tpu.memory_space<vmem_shared>>
      tpu.wait_dma2 semaphore(%run_scoped3A : memref<!tpu.dma_semaphore, #tpu.memory_space<semaphore_mem>>) src(%dma_wait3A_79 : memref<80x128xf32, #tpu.memory_space<vmem_shared>>) dst(%dma_wait3A_77 : memref<80x128xf32, #tpu.memory_space<hbm>>)
      tpu.yield
    }) : () -> ()
    %add3A_56 = arith.constant 80 : i32
    %add3A_57 = arith.addi %mul3A_8, %add3A_56 : i32
    "tpu.region"() ({
      %run_scoped3A = tpu.sem_alloc : memref<!tpu.dma_semaphore, #tpu.memory_space<semaphore_mem>>
      %dma_start3A_70 = arith.constant 0 : i32
      %dma_start3A_71 = tpu.memref_slice %arg5[%arg0, %add3A_57, %dma_start3A_70] : memref<2x10240x128xf32, #tpu.memory_space<hbm>> -> memref<1x80x128xf32, #tpu.memory_space<hbm>>
      %dma_start3A_72 = tpu.memref_squeeze %dma_start3A_71 : memref<1x80x128xf32, #tpu.memory_space<hbm>> -> memref<80x128xf32, #tpu.memory_space<hbm>>
      %dma_start3A_73 = arith.constant 0 : i32
      %dma_start3A_74 = tpu.memref_slice %arg12[%add3A_57, %dma_start3A_73] : memref<10240x128xf32, #tpu.memory_space<vmem_shared>> -> memref<80x128xf32, #tpu.memory_space<vmem_shared>>
      tpu.enqueue_dma source(%dma_start3A_74 : memref<80x128xf32, #tpu.memory_space<vmem_shared>>) target(%dma_start3A_72 : memref<80x128xf32, #tpu.memory_space<hbm>>) target_semaphore(%run_scoped3A : memref<!tpu.dma_semaphore, #tpu.memory_space<semaphore_mem>>)
      %dma_wait3A_75 = arith.constant 0 : i32
      %dma_wait3A_76 = tpu.memref_slice %arg5[%arg0, %add3A_57, %dma_wait3A_75] : memref<2x10240x128xf32, #tpu.memory_space<hbm>> -> memref<1x80x128xf32, #tpu.memory_space<hbm>>
      %dma_wait3A_77 = tpu.memref_squeeze %dma_wait3A_76 : memref<1x80x128xf32, #tpu.memory_space<hbm>> -> memref<80x128xf32, #tpu.memory_space<hbm>>
      %dma_wait3A_78 = arith.constant 0 : i32
      %dma_wait3A_79 = tpu.memref_slice %arg12[%add3A_57, %dma_wait3A_78] : memref<10240x128xf32, #tpu.memory_space<vmem_shared>> -> memref<80x128xf32, #tpu.memory_space<vmem_shared>>
      tpu.wait_dma2 semaphore(%run_scoped3A : memref<!tpu.dma_semaphore, #tpu.memory_space<semaphore_mem>>) src(%dma_wait3A_79 : memref<80x128xf32, #tpu.memory_space<vmem_shared>>) dst(%dma_wait3A_77 : memref<80x128xf32, #tpu.memory_space<hbm>>)
      tpu.yield
    }) : () -> ()
    %add3A_58 = arith.constant 160 : i32
    %add3A_59 = arith.addi %mul3A_8, %add3A_58 : i32
    "tpu.region"() ({
      %run_scoped3A = tpu.sem_alloc : memref<!tpu.dma_semaphore, #tpu.memory_space<semaphore_mem>>
      %dma_start3A_70 = arith.constant 0 : i32
      %dma_start3A_71 = tpu.memref_slice %arg5[%arg0, %add3A_59, %dma_start3A_70] : memref<2x10240x128xf32, #tpu.memory_space<hbm>> -> memref<1x80x128xf32, #tpu.memory_space<hbm>>
      %dma_start3A_72 = tpu.memref_squeeze %dma_start3A_71 : memref<1x80x128xf32, #tpu.memory_space<hbm>> -> memref<80x128xf32, #tpu.memory_space<hbm>>
      %dma_start3A_73 = arith.constant 0 : i32
      %dma_start3A_74 = tpu.memref_slice %arg12[%add3A_59, %dma_start3A_73] : memref<10240x128xf32, #tpu.memory_space<vmem_shared>> -> memref<80x128xf32, #tpu.memory_space<vmem_shared>>
      tpu.enqueue_dma source(%dma_start3A_74 : memref<80x128xf32, #tpu.memory_space<vmem_shared>>) target(%dma_start3A_72 : memref<80x128xf32, #tpu.memory_space<hbm>>) target_semaphore(%run_scoped3A : memref<!tpu.dma_semaphore, #tpu.memory_space<semaphore_mem>>)
      %dma_wait3A_75 = arith.constant 0 : i32
      %dma_wait3A_76 = tpu.memref_slice %arg5[%arg0, %add3A_59, %dma_wait3A_75] : memref<2x10240x128xf32, #tpu.memory_space<hbm>> -> memref<1x80x128xf32, #tpu.memory_space<hbm>>
      %dma_wait3A_77 = tpu.memref_squeeze %dma_wait3A_76 : memref<1x80x128xf32, #tpu.memory_space<hbm>> -> memref<80x128xf32, #tpu.memory_space<hbm>>
      %dma_wait3A_78 = arith.constant 0 : i32
      %dma_wait3A_79 = tpu.memref_slice %arg12[%add3A_59, %dma_wait3A_78] : memref<10240x128xf32, #tpu.memory_space<vmem_shared>> -> memref<80x128xf32, #tpu.memory_space<vmem_shared>>
      tpu.wait_dma2 semaphore(%run_scoped3A : memref<!tpu.dma_semaphore, #tpu.memory_space<semaphore_mem>>) src(%dma_wait3A_79 : memref<80x128xf32, #tpu.memory_space<vmem_shared>>) dst(%dma_wait3A_77 : memref<80x128xf32, #tpu.memory_space<hbm>>)
      tpu.yield
    }) : () -> ()
    %add3A_60 = arith.constant 240 : i32
    %add3A_61 = arith.addi %mul3A_8, %add3A_60 : i32
    "tpu.region"() ({
      %run_scoped3A = tpu.sem_alloc : memref<!tpu.dma_semaphore, #tpu.memory_space<semaphore_mem>>
      %dma_start3A_70 = arith.constant 0 : i32
      %dma_start3A_71 = tpu.memref_slice %arg5[%arg0, %add3A_61, %dma_start3A_70] : memref<2x10240x128xf32, #tpu.memory_space<hbm>> -> memref<1x80x128xf32, #tpu.memory_space<hbm>>
      %dma_start3A_72 = tpu.memref_squeeze %dma_start3A_71 : memref<1x80x128xf32, #tpu.memory_space<hbm>> -> memref<80x128xf32, #tpu.memory_space<hbm>>
      %dma_start3A_73 = arith.constant 0 : i32
      %dma_start3A_74 = tpu.memref_slice %arg12[%add3A_61, %dma_start3A_73] : memref<10240x128xf32, #tpu.memory_space<vmem_shared>> -> memref<80x128xf32, #tpu.memory_space<vmem_shared>>
      tpu.enqueue_dma source(%dma_start3A_74 : memref<80x128xf32, #tpu.memory_space<vmem_shared>>) target(%dma_start3A_72 : memref<80x128xf32, #tpu.memory_space<hbm>>) target_semaphore(%run_scoped3A : memref<!tpu.dma_semaphore, #tpu.memory_space<semaphore_mem>>)
      %dma_wait3A_75 = arith.constant 0 : i32
      %dma_wait3A_76 = tpu.memref_slice %arg5[%arg0, %add3A_61, %dma_wait3A_75] : memref<2x10240x128xf32, #tpu.memory_space<hbm>> -> memref<1x80x128xf32, #tpu.memory_space<hbm>>
      %dma_wait3A_77 = tpu.memref_squeeze %dma_wait3A_76 : memref<1x80x128xf32, #tpu.memory_space<hbm>> -> memref<80x128xf32, #tpu.memory_space<hbm>>
      %dma_wait3A_78 = arith.constant 0 : i32
      %dma_wait3A_79 = tpu.memref_slice %arg12[%add3A_61, %dma_wait3A_78] : memref<10240x128xf32, #tpu.memory_space<vmem_shared>> -> memref<80x128xf32, #tpu.memory_space<vmem_shared>>
      tpu.wait_dma2 semaphore(%run_scoped3A : memref<!tpu.dma_semaphore, #tpu.memory_space<semaphore_mem>>) src(%dma_wait3A_79 : memref<80x128xf32, #tpu.memory_space<vmem_shared>>) dst(%dma_wait3A_77 : memref<80x128xf32, #tpu.memory_space<hbm>>)
      tpu.yield
    }) : () -> ()
    %add3A_62 = arith.constant 320 : i32
    %add3A_63 = arith.addi %mul3A_8, %add3A_62 : i32
    "tpu.region"() ({
      %run_scoped3A = tpu.sem_alloc : memref<!tpu.dma_semaphore, #tpu.memory_space<semaphore_mem>>
      %dma_start3A_70 = arith.constant 0 : i32
      %dma_start3A_71 = tpu.memref_slice %arg5[%arg0, %add3A_63, %dma_start3A_70] : memref<2x10240x128xf32, #tpu.memory_space<hbm>> -> memref<1x80x128xf32, #tpu.memory_space<hbm>>
      %dma_start3A_72 = tpu.memref_squeeze %dma_start3A_71 : memref<1x80x128xf32, #tpu.memory_space<hbm>> -> memref<80x128xf32, #tpu.memory_space<hbm>>
      %dma_start3A_73 = arith.constant 0 : i32
      %dma_start3A_74 = tpu.memref_slice %arg12[%add3A_63, %dma_start3A_73] : memref<10240x128xf32, #tpu.memory_space<vmem_shared>> -> memref<80x128xf32, #tpu.memory_space<vmem_shared>>
      tpu.enqueue_dma source(%dma_start3A_74 : memref<80x128xf32, #tpu.memory_space<vmem_shared>>) target(%dma_start3A_72 : memref<80x128xf32, #tpu.memory_space<hbm>>) target_semaphore(%run_scoped3A : memref<!tpu.dma_semaphore, #tpu.memory_space<semaphore_mem>>)
      %dma_wait3A_75 = arith.constant 0 : i32
      %dma_wait3A_76 = tpu.memref_slice %arg5[%arg0, %add3A_63, %dma_wait3A_75] : memref<2x10240x128xf32, #tpu.memory_space<hbm>> -> memref<1x80x128xf32, #tpu.memory_space<hbm>>
      %dma_wait3A_77 = tpu.memref_squeeze %dma_wait3A_76 : memref<1x80x128xf32, #tpu.memory_space<hbm>> -> memref<80x128xf32, #tpu.memory_space<hbm>>
      %dma_wait3A_78 = arith.constant 0 : i32
      %dma_wait3A_79 = tpu.memref_slice %arg12[%add3A_63, %dma_wait3A_78] : memref<10240x128xf32, #tpu.memory_space<vmem_shared>> -> memref<80x128xf32, #tpu.memory_space<vmem_shared>>
      tpu.wait_dma2 semaphore(%run_scoped3A : memref<!tpu.dma_semaphore, #tpu.memory_space<semaphore_mem>>) src(%dma_wait3A_79 : memref<80x128xf32, #tpu.memory_space<vmem_shared>>) dst(%dma_wait3A_77 : memref<80x128xf32, #tpu.memory_space<hbm>>)
      tpu.yield
    }) : () -> ()
    %add3A_64 = arith.constant 400 : i32
    %add3A_65 = arith.addi %mul3A_8, %add3A_64 : i32
    "tpu.region"() ({
      %run_scoped3A = tpu.sem_alloc : memref<!tpu.dma_semaphore, #tpu.memory_space<semaphore_mem>>
      %dma_start3A_70 = arith.constant 0 : i32
      %dma_start3A_71 = tpu.memref_slice %arg5[%arg0, %add3A_65, %dma_start3A_70] : memref<2x10240x128xf32, #tpu.memory_space<hbm>> -> memref<1x80x128xf32, #tpu.memory_space<hbm>>
      %dma_start3A_72 = tpu.memref_squeeze %dma_start3A_71 : memref<1x80x128xf32, #tpu.memory_space<hbm>> -> memref<80x128xf32, #tpu.memory_space<hbm>>
      %dma_start3A_73 = arith.constant 0 : i32
      %dma_start3A_74 = tpu.memref_slice %arg12[%add3A_65, %dma_start3A_73] : memref<10240x128xf32, #tpu.memory_space<vmem_shared>> -> memref<80x128xf32, #tpu.memory_space<vmem_shared>>
      tpu.enqueue_dma source(%dma_start3A_74 : memref<80x128xf32, #tpu.memory_space<vmem_shared>>) target(%dma_start3A_72 : memref<80x128xf32, #tpu.memory_space<hbm>>) target_semaphore(%run_scoped3A : memref<!tpu.dma_semaphore, #tpu.memory_space<semaphore_mem>>)
      %dma_wait3A_75 = arith.constant 0 : i32
      %dma_wait3A_76 = tpu.memref_slice %arg5[%arg0, %add3A_65, %dma_wait3A_75] : memref<2x10240x128xf32, #tpu.memory_space<hbm>> -> memref<1x80x128xf32, #tpu.memory_space<hbm>>
      %dma_wait3A_77 = tpu.memref_squeeze %dma_wait3A_76 : memref<1x80x128xf32, #tpu.memory_space<hbm>> -> memref<80x128xf32, #tpu.memory_space<hbm>>
      %dma_wait3A_78 = arith.constant 0 : i32
      %dma_wait3A_79 = tpu.memref_slice %arg12[%add3A_65, %dma_wait3A_78] : memref<10240x128xf32, #tpu.memory_space<vmem_shared>> -> memref<80x128xf32, #tpu.memory_space<vmem_shared>>
      tpu.wait_dma2 semaphore(%run_scoped3A : memref<!tpu.dma_semaphore, #tpu.memory_space<semaphore_mem>>) src(%dma_wait3A_79 : memref<80x128xf32, #tpu.memory_space<vmem_shared>>) dst(%dma_wait3A_77 : memref<80x128xf32, #tpu.memory_space<hbm>>)
      tpu.yield
    }) : () -> ()
    %add3A_66 = arith.constant 480 : i32
    %add3A_67 = arith.addi %mul3A_8, %add3A_66 : i32
    "tpu.region"() ({
      %run_scoped3A = tpu.sem_alloc : memref<!tpu.dma_semaphore, #tpu.memory_space<semaphore_mem>>
      %dma_start3A_70 = arith.constant 0 : i32
      %dma_start3A_71 = tpu.memref_slice %arg5[%arg0, %add3A_67, %dma_start3A_70] : memref<2x10240x128xf32, #tpu.memory_space<hbm>> -> memref<1x80x128xf32, #tpu.memory_space<hbm>>
      %dma_start3A_72 = tpu.memref_squeeze %dma_start3A_71 : memref<1x80x128xf32, #tpu.memory_space<hbm>> -> memref<80x128xf32, #tpu.memory_space<hbm>>
      %dma_start3A_73 = arith.constant 0 : i32
      %dma_start3A_74 = tpu.memref_slice %arg12[%add3A_67, %dma_start3A_73] : memref<10240x128xf32, #tpu.memory_space<vmem_shared>> -> memref<80x128xf32, #tpu.memory_space<vmem_shared>>
      tpu.enqueue_dma source(%dma_start3A_74 : memref<80x128xf32, #tpu.memory_space<vmem_shared>>) target(%dma_start3A_72 : memref<80x128xf32, #tpu.memory_space<hbm>>) target_semaphore(%run_scoped3A : memref<!tpu.dma_semaphore, #tpu.memory_space<semaphore_mem>>)
      %dma_wait3A_75 = arith.constant 0 : i32
      %dma_wait3A_76 = tpu.memref_slice %arg5[%arg0, %add3A_67, %dma_wait3A_75] : memref<2x10240x128xf32, #tpu.memory_space<hbm>> -> memref<1x80x128xf32, #tpu.memory_space<hbm>>
      %dma_wait3A_77 = tpu.memref_squeeze %dma_wait3A_76 : memref<1x80x128xf32, #tpu.memory_space<hbm>> -> memref<80x128xf32, #tpu.memory_space<hbm>>
      %dma_wait3A_78 = arith.constant 0 : i32
      %dma_wait3A_79 = tpu.memref_slice %arg12[%add3A_67, %dma_wait3A_78] : memref<10240x128xf32, #tpu.memory_space<vmem_shared>> -> memref<80x128xf32, #tpu.memory_space<vmem_shared>>
      tpu.wait_dma2 semaphore(%run_scoped3A : memref<!tpu.dma_semaphore, #tpu.memory_space<semaphore_mem>>) src(%dma_wait3A_79 : memref<80x128xf32, #tpu.memory_space<vmem_shared>>) dst(%dma_wait3A_77 : memref<80x128xf32, #tpu.memory_space<hbm>>)
      tpu.yield
    }) : () -> ()
    %add3A_68 = arith.constant 560 : i32
    %add3A_69 = arith.addi %mul3A_8, %add3A_68 : i32
    "tpu.region"() ({
      %run_scoped3A = tpu.sem_alloc : memref<!tpu.dma_semaphore, #tpu.memory_space<semaphore_mem>>
      %dma_start3A_70 = arith.constant 0 : i32
      %dma_start3A_71 = tpu.memref_slice %arg5[%arg0, %add3A_69, %dma_start3A_70] : memref<2x10240x128xf32, #tpu.memory_space<hbm>> -> memref<1x80x128xf32, #tpu.memory_space<hbm>>
      %dma_start3A_72 = tpu.memref_squeeze %dma_start3A_71 : memref<1x80x128xf32, #tpu.memory_space<hbm>> -> memref<80x128xf32, #tpu.memory_space<hbm>>
      %dma_start3A_73 = arith.constant 0 : i32
      %dma_start3A_74 = tpu.memref_slice %arg12[%add3A_69, %dma_start3A_73] : memref<10240x128xf32, #tpu.memory_space<vmem_shared>> -> memref<80x128xf32, #tpu.memory_space<vmem_shared>>
      tpu.enqueue_dma source(%dma_start3A_74 : memref<80x128xf32, #tpu.memory_space<vmem_shared>>) target(%dma_start3A_72 : memref<80x128xf32, #tpu.memory_space<hbm>>) target_semaphore(%run_scoped3A : memref<!tpu.dma_semaphore, #tpu.memory_space<semaphore_mem>>)
      %dma_wait3A_75 = arith.constant 0 : i32
      %dma_wait3A_76 = tpu.memref_slice %arg5[%arg0, %add3A_69, %dma_wait3A_75] : memref<2x10240x128xf32, #tpu.memory_space<hbm>> -> memref<1x80x128xf32, #tpu.memory_space<hbm>>
      %dma_wait3A_77 = tpu.memref_squeeze %dma_wait3A_76 : memref<1x80x128xf32, #tpu.memory_space<hbm>> -> memref<80x128xf32, #tpu.memory_space<hbm>>
      %dma_wait3A_78 = arith.constant 0 : i32
      %dma_wait3A_79 = tpu.memref_slice %arg12[%add3A_69, %dma_wait3A_78] : memref<10240x128xf32, #tpu.memory_space<vmem_shared>> -> memref<80x128xf32, #tpu.memory_space<vmem_shared>>
      tpu.wait_dma2 semaphore(%run_scoped3A : memref<!tpu.dma_semaphore, #tpu.memory_space<semaphore_mem>>) src(%dma_wait3A_79 : memref<80x128xf32, #tpu.memory_space<vmem_shared>>) dst(%dma_wait3A_77 : memref<80x128xf32, #tpu.memory_space<hbm>>)
      tpu.yield
    }) : () -> ()
    return
  }
}

module attributes {stable_mosaic.version = 14 : i64} {
  func.func @_stage_a_body(%arg0: i32, %arg1: memref<2x2x1280x1xf32, #tpu.memory_space<vmem>>, %arg2: memref<1280x128xf32, #tpu.memory_space<vmem>>, %arg3: memref<128x128xf32, #tpu.memory_space<vmem>>, %arg4: memref<1280x1xf32, #tpu.memory_space<vmem>>, %arg5: memref<1280x1xf32, #tpu.memory_space<vmem>>, %arg6: memref<1280x128xf32, #tpu.memory_space<vmem>>) attributes {dimension_semantics = [#tpu.dimension_semantics<arbitrary>], iteration_bounds = array<i64: 8>, scalar_prefetch = 0 : i64, scratch_operands = 0 : i64, tpu.core_type = #tpu.core_type<tc>, window_params = [{transform_indices = @transform_0, window_bounds = array<i64: 2, 2, 1280, 1>}, {transform_indices = @transform_1, window_bounds = array<i64: 1280, 128>}, {pipeline_mode = #tpu.pipeline_mode<synchronous>, transform_indices = @transform_2, window_bounds = array<i64: 128, 128>}, {transform_indices = @transform_3, window_bounds = array<i64: 1280, 1>}, {transform_indices = @transform_4, window_bounds = array<i64: 1280, 1>}, {transform_indices = @transform_5, window_bounds = array<i64: 1280, 128>}]} {
    %get3A = arith.constant 0 : index
    %get3A_0 = arith.constant 0 : index
    %get3A_1 = arith.constant 0 : index
    %get3A_2 = arith.constant 0 : index
    %get3A_3 = vector.load %arg1[%get3A, %get3A_0, %get3A_1, %get3A_2] : memref<2x2x1280x1xf32, #tpu.memory_space<vmem>>, vector<2x2x1280x1xf32>
    %slice3A = vector.extract_strided_slice %get3A_3 {offsets = [0, 0, 0, 0], sizes = [1, 1, 1280, 1], strides = [1, 1, 1, 1]} : vector<2x2x1280x1xf32> to vector<1x1x1280x1xf32>
    %squeeze3A = vector.shape_cast %slice3A : vector<1x1x1280x1xf32> to vector<1280x1xf32>
    %slice3A_4 = vector.extract_strided_slice %get3A_3 {offsets = [1, 0, 0, 0], sizes = [1, 1, 1280, 1], strides = [1, 1, 1, 1]} : vector<2x2x1280x1xf32> to vector<1x1x1280x1xf32>
    %squeeze3A_5 = vector.shape_cast %slice3A_4 : vector<1x1x1280x1xf32> to vector<1280x1xf32>
    %add3A = arith.addf %squeeze3A, %squeeze3A_5 : vector<1280x1xf32>
    %slice3A_6 = vector.extract_strided_slice %get3A_3 {offsets = [0, 1, 0, 0], sizes = [1, 1, 1280, 1], strides = [1, 1, 1, 1]} : vector<2x2x1280x1xf32> to vector<1x1x1280x1xf32>
    %squeeze3A_7 = vector.shape_cast %slice3A_6 : vector<1x1x1280x1xf32> to vector<1280x1xf32>
    %slice3A_8 = vector.extract_strided_slice %get3A_3 {offsets = [1, 1, 0, 0], sizes = [1, 1, 1280, 1], strides = [1, 1, 1, 1]} : vector<2x2x1280x1xf32> to vector<1x1x1280x1xf32>
    %squeeze3A_9 = vector.shape_cast %slice3A_8 : vector<1x1x1280x1xf32> to vector<1280x1xf32>
    %add3A_10 = arith.addf %squeeze3A_7, %squeeze3A_9 : vector<1280x1xf32>
    %max3A = arith.constant 1.000000e+00 : f32
    %max3A_11 = vector.broadcast %max3A : f32 to vector<1280x1xf32>
    %max3A_12 = arith.maximumf %add3A, %max3A_11 : vector<1280x1xf32>
    %rsqrt3A = math.rsqrt %max3A_12 : vector<1280x1xf32>
    %max3A_13 = arith.constant 1.000000e+00 : f32
    %max3A_14 = vector.broadcast %max3A_13 : f32 to vector<1280x1xf32>
    %max3A_15 = arith.maximumf %add3A_10, %max3A_14 : vector<1280x1xf32>
    %rsqrt3A_16 = math.rsqrt %max3A_15 : vector<1280x1xf32>
    %swap3A = arith.constant 0 : index
    %swap3A_17 = arith.constant 0 : index
    %swap3A_18 = vector.load %arg4[%swap3A, %swap3A_17] : memref<1280x1xf32, #tpu.memory_space<vmem>>, vector<1280x1xf32>
    tpu.vector_store %arg4[%swap3A, %swap3A_17], %rsqrt3A {strides = array<i32>} : memref<1280x1xf32, #tpu.memory_space<vmem>>, vector<1280x1xf32>,
    %swap3A_19 = arith.constant 0 : index
    %swap3A_20 = arith.constant 0 : index
    %swap3A_21 = vector.load %arg5[%swap3A_19, %swap3A_20] : memref<1280x1xf32, #tpu.memory_space<vmem>>, vector<1280x1xf32>
    tpu.vector_store %arg5[%swap3A_19, %swap3A_20], %rsqrt3A_16 {strides = array<i32>} : memref<1280x1xf32, #tpu.memory_space<vmem>>, vector<1280x1xf32>,
    %get3A_22 = arith.constant 0 : index
    %get3A_23 = arith.constant 0 : index
    %get3A_24 = vector.load %arg2[%get3A_22, %get3A_23] : memref<1280x128xf32, #tpu.memory_space<vmem>>, vector<1280x128xf32>
    %mul3A = vector.broadcast %rsqrt3A : vector<1280x1xf32> to vector<1280x128xf32>
    %mul3A_25 = arith.mulf %get3A_24, %mul3A : vector<1280x128xf32>
    %get3A_26 = arith.constant 0 : index
    %get3A_27 = arith.constant 0 : index
    %get3A_28 = vector.load %arg3[%get3A_26, %get3A_27] : memref<128x128xf32, #tpu.memory_space<vmem>>, vector<128x128xf32>
    %dot_general3A = arith.constant dense<0.000000e+00> : vector<1280x128xf32>
    %dot_general3A_29 = tpu.matmul %mul3A_25, %get3A_28, %dot_general3A {dimension_numbers = #tpu.dot_dimension_numbers<[1], [0], [0], [1], [0, 0, 1, 1], [], []>, transpose_lhs_hint = false} : vector<1280x128xf32>, vector<128x128xf32>, vector<1280x128xf32> -> vector<1280x128xf32>
    %swap3A_30 = arith.constant 0 : index
    %swap3A_31 = arith.constant 0 : index
    %swap3A_32 = vector.load %arg6[%swap3A_30, %swap3A_31] : memref<1280x128xf32, #tpu.memory_space<vmem>>, vector<1280x128xf32>
    tpu.vector_store %arg6[%swap3A_30, %swap3A_31], %dot_general3A_29 {strides = array<i32>} : memref<1280x128xf32, #tpu.memory_space<vmem>>, vector<1280x128xf32>,
    return
  }
  func.func @transform_0(%arg0: i32) -> (i32, i32, i32, i32) {
    %c0_i32 = arith.constant 0 : i32
    %c0_i32_0 = arith.constant 0 : i32
    %c0_i32_1 = arith.constant 0 : i32
    %c0_i32_2 = arith.constant 0 : i32
    return %c0_i32, %c0_i32_0, %arg0, %c0_i32_1 : i32, i32, i32, i32
  }
  func.func @transform_1(%arg0: i32) -> (i32, i32) {
    %c0_i32 = arith.constant 0 : i32
    %c0_i32_0 = arith.constant 0 : i32
    return %arg0, %c0_i32 : i32, i32
  }
  func.func @transform_2(%arg0: i32) -> (i32, i32) {
    %c0_i32 = arith.constant 0 : i32
    %c0_i32_0 = arith.constant 0 : i32
    %c0_i32_1 = arith.constant 0 : i32
    return %c0_i32, %c0_i32_0 : i32, i32
  }
  func.func @transform_3(%arg0: i32) -> (i32, i32) {
    %c0_i32 = arith.constant 0 : i32
    %c0_i32_0 = arith.constant 0 : i32
    return %arg0, %c0_i32 : i32, i32
  }
  func.func @transform_4(%arg0: i32) -> (i32, i32) {
    %c0_i32 = arith.constant 0 : i32
    %c0_i32_0 = arith.constant 0 : i32
    return %arg0, %c0_i32 : i32, i32
  }
  func.func @transform_5(%arg0: i32) -> (i32, i32) {
    %c0_i32 = arith.constant 0 : i32
    %c0_i32_0 = arith.constant 0 : i32
    return %arg0, %c0_i32 : i32, i32
  }
}

module attributes {stable_mosaic.version = 14 : i64} {
  func.func @_stage_mid_body(%arg0: i32, %arg1: memref<2x1280x128xf32, #tpu.memory_space<vmem>>, %arg2: memref<1280x1xf32, #tpu.memory_space<vmem>>, %arg3: memref<1x128xf32, #tpu.memory_space<vmem>>, %arg4: memref<1280x128xf32, #tpu.memory_space<vmem>>, %arg5: memref<1280x1xf32, #tpu.memory_space<vmem>>, %arg6: memref<128x128xf32, #tpu.memory_space<vmem>>, %arg7: memref<1280x128xf32, #tpu.memory_space<vmem>>, %arg8: memref<1280x128xf32, #tpu.memory_space<vmem>>) attributes {dimension_semantics = [#tpu.dimension_semantics<arbitrary>], iteration_bounds = array<i64: 8>, scalar_prefetch = 0 : i64, scratch_operands = 0 : i64, tpu.core_type = #tpu.core_type<tc>, window_params = [{transform_indices = @transform_0, window_bounds = array<i64: 2, 1280, 128>}, {transform_indices = @transform_1, window_bounds = array<i64: 1280, 1>}, {pipeline_mode = #tpu.pipeline_mode<synchronous>, transform_indices = @transform_2, window_bounds = array<i64: 1, 128>}, {transform_indices = @transform_3, window_bounds = array<i64: 1280, 128>}, {transform_indices = @transform_4, window_bounds = array<i64: 1280, 1>}, {pipeline_mode = #tpu.pipeline_mode<synchronous>, transform_indices = @transform_5, window_bounds = array<i64: 128, 128>}, {transform_indices = @transform_6, window_bounds = array<i64: 1280, 128>}, {transform_indices = @transform_7, window_bounds = array<i64: 1280, 128>}]} {
    %get3A = arith.constant 0 : index
    %get3A_0 = arith.constant 0 : index
    %get3A_1 = arith.constant 0 : index
    %get3A_2 = vector.load %arg1[%get3A, %get3A_0, %get3A_1] : memref<2x1280x128xf32, #tpu.memory_space<vmem>>, vector<2x1280x128xf32>
    %slice3A = vector.extract_strided_slice %get3A_2 {offsets = [0, 0, 0], sizes = [1, 1280, 128], strides = [1, 1, 1]} : vector<2x1280x128xf32> to vector<1x1280x128xf32>
    %squeeze3A = vector.shape_cast %slice3A : vector<1x1280x128xf32> to vector<1280x128xf32>
    %slice3A_3 = vector.extract_strided_slice %get3A_2 {offsets = [1, 0, 0], sizes = [1, 1280, 128], strides = [1, 1, 1]} : vector<2x1280x128xf32> to vector<1x1280x128xf32>
    %squeeze3A_4 = vector.shape_cast %slice3A_3 : vector<1x1280x128xf32> to vector<1280x128xf32>
    %add3A = arith.addf %squeeze3A, %squeeze3A_4 : vector<1280x128xf32>
    %get3A_5 = arith.constant 0 : index
    %get3A_6 = arith.constant 0 : index
    %get3A_7 = vector.load %arg2[%get3A_5, %get3A_6] : memref<1280x1xf32, #tpu.memory_space<vmem>>, vector<1280x1xf32>
    %mul3A = vector.broadcast %get3A_7 : vector<1280x1xf32> to vector<1280x128xf32>
    %mul3A_8 = arith.mulf %add3A, %mul3A : vector<1280x128xf32>
    %get3A_9 = arith.constant 0 : index
    %get3A_10 = arith.constant 0 : index
    %get3A_11 = vector.load %arg3[%get3A_9, %get3A_10] : memref<1x128xf32, #tpu.memory_space<vmem>>, vector<1x128xf32>
    %add3A_12 = vector.broadcast %get3A_11 : vector<1x128xf32> to vector<1280x128xf32>
    %add3A_13 = arith.addf %mul3A_8, %add3A_12 : vector<1280x128xf32>
    %max3A = arith.constant 0.000000e+00 : f32
    %max3A_14 = vector.broadcast %max3A : f32 to vector<1280x128xf32>
    %max3A_15 = arith.maximumf %add3A_13, %max3A_14 : vector<1280x128xf32>
    %get3A_16 = arith.constant 0 : index
    %get3A_17 = arith.constant 0 : index
    %get3A_18 = vector.load %arg4[%get3A_16, %get3A_17] : memref<1280x128xf32, #tpu.memory_space<vmem>>, vector<1280x128xf32>
    %add3A_19 = arith.addf %max3A_15, %get3A_18 : vector<1280x128xf32>
    %swap3A = arith.constant 0 : index
    %swap3A_20 = arith.constant 0 : index
    %swap3A_21 = vector.load %arg7[%swap3A, %swap3A_20] : memref<1280x128xf32, #tpu.memory_space<vmem>>, vector<1280x128xf32>
    tpu.vector_store %arg7[%swap3A, %swap3A_20], %add3A_19 {strides = array<i32>} : memref<1280x128xf32, #tpu.memory_space<vmem>>, vector<1280x128xf32>,
    %get3A_22 = arith.constant 0 : index
    %get3A_23 = arith.constant 0 : index
    %get3A_24 = vector.load %arg5[%get3A_22, %get3A_23] : memref<1280x1xf32, #tpu.memory_space<vmem>>, vector<1280x1xf32>
    %mul3A_25 = vector.broadcast %get3A_24 : vector<1280x1xf32> to vector<1280x128xf32>
    %mul3A_26 = arith.mulf %add3A_19, %mul3A_25 : vector<1280x128xf32>
    %get3A_27 = arith.constant 0 : index
    %get3A_28 = arith.constant 0 : index
    %get3A_29 = vector.load %arg6[%get3A_27, %get3A_28] : memref<128x128xf32, #tpu.memory_space<vmem>>, vector<128x128xf32>
    %dot_general3A = arith.constant dense<0.000000e+00> : vector<1280x128xf32>
    %dot_general3A_30 = tpu.matmul %mul3A_26, %get3A_29, %dot_general3A {dimension_numbers = #tpu.dot_dimension_numbers<[1], [0], [0], [1], [0, 0, 1, 1], [], []>, transpose_lhs_hint = false} : vector<1280x128xf32>, vector<128x128xf32>, vector<1280x128xf32> -> vector<1280x128xf32>
    %swap3A_31 = arith.constant 0 : index
    %swap3A_32 = arith.constant 0 : index
    %swap3A_33 = vector.load %arg8[%swap3A_31, %swap3A_32] : memref<1280x128xf32, #tpu.memory_space<vmem>>, vector<1280x128xf32>
    tpu.vector_store %arg8[%swap3A_31, %swap3A_32], %dot_general3A_30 {strides = array<i32>} : memref<1280x128xf32, #tpu.memory_space<vmem>>, vector<1280x128xf32>,
    return
  }
  func.func @transform_0(%arg0: i32) -> (i32, i32, i32) {
    %c0_i32 = arith.constant 0 : i32
    %c0_i32_0 = arith.constant 0 : i32
    %c0_i32_1 = arith.constant 0 : i32
    return %c0_i32, %arg0, %c0_i32_0 : i32, i32, i32
  }
  func.func @transform_1(%arg0: i32) -> (i32, i32) {
    %c0_i32 = arith.constant 0 : i32
    %c0_i32_0 = arith.constant 0 : i32
    return %arg0, %c0_i32 : i32, i32
  }
  func.func @transform_2(%arg0: i32) -> (i32, i32) {
    %c0_i32 = arith.constant 0 : i32
    %c0_i32_0 = arith.constant 0 : i32
    %c0_i32_1 = arith.constant 0 : i32
    return %c0_i32, %c0_i32_0 : i32, i32
  }
  func.func @transform_3(%arg0: i32) -> (i32, i32) {
    %c0_i32 = arith.constant 0 : i32
    %c0_i32_0 = arith.constant 0 : i32
    return %arg0, %c0_i32 : i32, i32
  }
  func.func @transform_4(%arg0: i32) -> (i32, i32) {
    %c0_i32 = arith.constant 0 : i32
    %c0_i32_0 = arith.constant 0 : i32
    return %arg0, %c0_i32 : i32, i32
  }
  func.func @transform_5(%arg0: i32) -> (i32, i32) {
    %c0_i32 = arith.constant 0 : i32
    %c0_i32_0 = arith.constant 0 : i32
    %c0_i32_1 = arith.constant 0 : i32
    return %c0_i32, %c0_i32_0 : i32, i32
  }
  func.func @transform_6(%arg0: i32) -> (i32, i32) {
    %c0_i32 = arith.constant 0 : i32
    %c0_i32_0 = arith.constant 0 : i32
    return %arg0, %c0_i32 : i32, i32
  }
  func.func @transform_7(%arg0: i32) -> (i32, i32) {
    %c0_i32 = arith.constant 0 : i32
    %c0_i32_0 = arith.constant 0 : i32
    return %arg0, %c0_i32 : i32, i32
  }
}

module attributes {stable_mosaic.version = 14 : i64} {
  func.func @_stage_mid_body(%arg0: i32, %arg1: memref<2x1280x128xf32, #tpu.memory_space<vmem>>, %arg2: memref<1280x1xf32, #tpu.memory_space<vmem>>, %arg3: memref<1x128xf32, #tpu.memory_space<vmem>>, %arg4: memref<1280x128xf32, #tpu.memory_space<vmem>>, %arg5: memref<1280x1xf32, #tpu.memory_space<vmem>>, %arg6: memref<128x128xf32, #tpu.memory_space<vmem>>, %arg7: memref<1280x128xf32, #tpu.memory_space<vmem>>, %arg8: memref<1280x128xf32, #tpu.memory_space<vmem>>) attributes {dimension_semantics = [#tpu.dimension_semantics<arbitrary>], iteration_bounds = array<i64: 8>, scalar_prefetch = 0 : i64, scratch_operands = 0 : i64, tpu.core_type = #tpu.core_type<tc>, window_params = [{transform_indices = @transform_0, window_bounds = array<i64: 2, 1280, 128>}, {transform_indices = @transform_1, window_bounds = array<i64: 1280, 1>}, {pipeline_mode = #tpu.pipeline_mode<synchronous>, transform_indices = @transform_2, window_bounds = array<i64: 1, 128>}, {transform_indices = @transform_3, window_bounds = array<i64: 1280, 128>}, {transform_indices = @transform_4, window_bounds = array<i64: 1280, 1>}, {pipeline_mode = #tpu.pipeline_mode<synchronous>, transform_indices = @transform_5, window_bounds = array<i64: 128, 128>}, {transform_indices = @transform_6, window_bounds = array<i64: 1280, 128>}, {transform_indices = @transform_7, window_bounds = array<i64: 1280, 128>}]} {
    %get3A = arith.constant 0 : index
    %get3A_0 = arith.constant 0 : index
    %get3A_1 = arith.constant 0 : index
    %get3A_2 = vector.load %arg1[%get3A, %get3A_0, %get3A_1] : memref<2x1280x128xf32, #tpu.memory_space<vmem>>, vector<2x1280x128xf32>
    %slice3A = vector.extract_strided_slice %get3A_2 {offsets = [0, 0, 0], sizes = [1, 1280, 128], strides = [1, 1, 1]} : vector<2x1280x128xf32> to vector<1x1280x128xf32>
    %squeeze3A = vector.shape_cast %slice3A : vector<1x1280x128xf32> to vector<1280x128xf32>
    %slice3A_3 = vector.extract_strided_slice %get3A_2 {offsets = [1, 0, 0], sizes = [1, 1280, 128], strides = [1, 1, 1]} : vector<2x1280x128xf32> to vector<1x1280x128xf32>
    %squeeze3A_4 = vector.shape_cast %slice3A_3 : vector<1x1280x128xf32> to vector<1280x128xf32>
    %add3A = arith.addf %squeeze3A, %squeeze3A_4 : vector<1280x128xf32>
    %get3A_5 = arith.constant 0 : index
    %get3A_6 = arith.constant 0 : index
    %get3A_7 = vector.load %arg2[%get3A_5, %get3A_6] : memref<1280x1xf32, #tpu.memory_space<vmem>>, vector<1280x1xf32>
    %mul3A = vector.broadcast %get3A_7 : vector<1280x1xf32> to vector<1280x128xf32>
    %mul3A_8 = arith.mulf %add3A, %mul3A : vector<1280x128xf32>
    %get3A_9 = arith.constant 0 : index
    %get3A_10 = arith.constant 0 : index
    %get3A_11 = vector.load %arg3[%get3A_9, %get3A_10] : memref<1x128xf32, #tpu.memory_space<vmem>>, vector<1x128xf32>
    %add3A_12 = vector.broadcast %get3A_11 : vector<1x128xf32> to vector<1280x128xf32>
    %add3A_13 = arith.addf %mul3A_8, %add3A_12 : vector<1280x128xf32>
    %max3A = arith.constant 0.000000e+00 : f32
    %max3A_14 = vector.broadcast %max3A : f32 to vector<1280x128xf32>
    %max3A_15 = arith.maximumf %add3A_13, %max3A_14 : vector<1280x128xf32>
    %get3A_16 = arith.constant 0 : index
    %get3A_17 = arith.constant 0 : index
    %get3A_18 = vector.load %arg4[%get3A_16, %get3A_17] : memref<1280x128xf32, #tpu.memory_space<vmem>>, vector<1280x128xf32>
    %add3A_19 = arith.addf %max3A_15, %get3A_18 : vector<1280x128xf32>
    %swap3A = arith.constant 0 : index
    %swap3A_20 = arith.constant 0 : index
    %swap3A_21 = vector.load %arg7[%swap3A, %swap3A_20] : memref<1280x128xf32, #tpu.memory_space<vmem>>, vector<1280x128xf32>
    tpu.vector_store %arg7[%swap3A, %swap3A_20], %add3A_19 {strides = array<i32>} : memref<1280x128xf32, #tpu.memory_space<vmem>>, vector<1280x128xf32>,
    %get3A_22 = arith.constant 0 : index
    %get3A_23 = arith.constant 0 : index
    %get3A_24 = vector.load %arg5[%get3A_22, %get3A_23] : memref<1280x1xf32, #tpu.memory_space<vmem>>, vector<1280x1xf32>
    %mul3A_25 = vector.broadcast %get3A_24 : vector<1280x1xf32> to vector<1280x128xf32>
    %mul3A_26 = arith.mulf %add3A_19, %mul3A_25 : vector<1280x128xf32>
    %get3A_27 = arith.constant 0 : index
    %get3A_28 = arith.constant 0 : index
    %get3A_29 = vector.load %arg6[%get3A_27, %get3A_28] : memref<128x128xf32, #tpu.memory_space<vmem>>, vector<128x128xf32>
    %dot_general3A = arith.constant dense<0.000000e+00> : vector<1280x128xf32>
    %dot_general3A_30 = tpu.matmul %mul3A_26, %get3A_29, %dot_general3A {dimension_numbers = #tpu.dot_dimension_numbers<[1], [0], [0], [1], [0, 0, 1, 1], [], []>, transpose_lhs_hint = false} : vector<1280x128xf32>, vector<128x128xf32>, vector<1280x128xf32> -> vector<1280x128xf32>
    %swap3A_31 = arith.constant 0 : index
    %swap3A_32 = arith.constant 0 : index
    %swap3A_33 = vector.load %arg8[%swap3A_31, %swap3A_32] : memref<1280x128xf32, #tpu.memory_space<vmem>>, vector<1280x128xf32>
    tpu.vector_store %arg8[%swap3A_31, %swap3A_32], %dot_general3A_30 {strides = array<i32>} : memref<1280x128xf32, #tpu.memory_space<vmem>>, vector<1280x128xf32>,
    return
  }
  func.func @transform_0(%arg0: i32) -> (i32, i32, i32) {
    %c0_i32 = arith.constant 0 : i32
    %c0_i32_0 = arith.constant 0 : i32
    %c0_i32_1 = arith.constant 0 : i32
    return %c0_i32, %arg0, %c0_i32_0 : i32, i32, i32
  }
  func.func @transform_1(%arg0: i32) -> (i32, i32) {
    %c0_i32 = arith.constant 0 : i32
    %c0_i32_0 = arith.constant 0 : i32
    return %arg0, %c0_i32 : i32, i32
  }
  func.func @transform_2(%arg0: i32) -> (i32, i32) {
    %c0_i32 = arith.constant 0 : i32
    %c0_i32_0 = arith.constant 0 : i32
    %c0_i32_1 = arith.constant 0 : i32
    return %c0_i32, %c0_i32_0 : i32, i32
  }
  func.func @transform_3(%arg0: i32) -> (i32, i32) {
    %c0_i32 = arith.constant 0 : i32
    %c0_i32_0 = arith.constant 0 : i32
    return %arg0, %c0_i32 : i32, i32
  }
  func.func @transform_4(%arg0: i32) -> (i32, i32) {
    %c0_i32 = arith.constant 0 : i32
    %c0_i32_0 = arith.constant 0 : i32
    return %arg0, %c0_i32 : i32, i32
  }
  func.func @transform_5(%arg0: i32) -> (i32, i32) {
    %c0_i32 = arith.constant 0 : i32
    %c0_i32_0 = arith.constant 0 : i32
    %c0_i32_1 = arith.constant 0 : i32
    return %c0_i32, %c0_i32_0 : i32, i32
  }
  func.func @transform_6(%arg0: i32) -> (i32, i32) {
    %c0_i32 = arith.constant 0 : i32
    %c0_i32_0 = arith.constant 0 : i32
    return %arg0, %c0_i32 : i32, i32
  }
  func.func @transform_7(%arg0: i32) -> (i32, i32) {
    %c0_i32 = arith.constant 0 : i32
    %c0_i32_0 = arith.constant 0 : i32
    return %arg0, %c0_i32 : i32, i32
  }
}

module attributes {stable_mosaic.version = 14 : i64} {
  func.func @_stage_d_body(%arg0: i32, %arg1: memref<2x1280x128xf32, #tpu.memory_space<vmem>>, %arg2: memref<1280x1xf32, #tpu.memory_space<vmem>>, %arg3: memref<1x40xf32, #tpu.memory_space<vmem>>, %arg4: memref<1280x40xf32, #tpu.memory_space<vmem>>) attributes {dimension_semantics = [#tpu.dimension_semantics<arbitrary>], iteration_bounds = array<i64: 8>, scalar_prefetch = 0 : i64, scratch_operands = 0 : i64, tpu.core_type = #tpu.core_type<tc>, window_params = [{transform_indices = @transform_0, window_bounds = array<i64: 2, 1280, 128>}, {transform_indices = @transform_1, window_bounds = array<i64: 1280, 1>}, {pipeline_mode = #tpu.pipeline_mode<synchronous>, transform_indices = @transform_2, window_bounds = array<i64: 1, 40>}, {transform_indices = @transform_3, window_bounds = array<i64: 1280, 40>}]} {
    %get3A = arith.constant 0 : index
    %get3A_0 = arith.constant 0 : index
    %get3A_1 = arith.constant 0 : index
    %get3A_2 = vector.load %arg1[%get3A, %get3A_0, %get3A_1] : memref<2x1280x128xf32, #tpu.memory_space<vmem>>, vector<2x1280x128xf32>
    %slice3A = vector.extract_strided_slice %get3A_2 {offsets = [0, 0, 0], sizes = [1, 1280, 40], strides = [1, 1, 1]} : vector<2x1280x128xf32> to vector<1x1280x40xf32>
    %squeeze3A = vector.shape_cast %slice3A : vector<1x1280x40xf32> to vector<1280x40xf32>
    %slice3A_3 = vector.extract_strided_slice %get3A_2 {offsets = [1, 0, 0], sizes = [1, 1280, 40], strides = [1, 1, 1]} : vector<2x1280x128xf32> to vector<1x1280x40xf32>
    %squeeze3A_4 = vector.shape_cast %slice3A_3 : vector<1x1280x40xf32> to vector<1280x40xf32>
    %add3A = arith.addf %squeeze3A, %squeeze3A_4 : vector<1280x40xf32>
    %get3A_5 = arith.constant 0 : index
    %get3A_6 = arith.constant 0 : index
    %get3A_7 = vector.load %arg2[%get3A_5, %get3A_6] : memref<1280x1xf32, #tpu.memory_space<vmem>>, vector<1280x1xf32>
    %mul3A = vector.broadcast %get3A_7 : vector<1280x1xf32> to vector<1280x40xf32>
    %mul3A_8 = arith.mulf %add3A, %mul3A : vector<1280x40xf32>
    %get3A_9 = arith.constant 0 : index
    %get3A_10 = arith.constant 0 : index
    %get3A_11 = vector.load %arg3[%get3A_9, %get3A_10] : memref<1x40xf32, #tpu.memory_space<vmem>>, vector<1x40xf32>
    %add3A_12 = vector.broadcast %get3A_11 : vector<1x40xf32> to vector<1280x40xf32>
    %add3A_13 = arith.addf %mul3A_8, %add3A_12 : vector<1280x40xf32>
    %swap3A = arith.constant 0 : index
    %swap3A_14 = arith.constant 0 : index
    %swap3A_15 = vector.load %arg4[%swap3A, %swap3A_14] : memref<1280x40xf32, #tpu.memory_space<vmem>>, vector<1280x40xf32>
    tpu.vector_store %arg4[%swap3A, %swap3A_14], %add3A_13 {strides = array<i32>} : memref<1280x40xf32, #tpu.memory_space<vmem>>, vector<1280x40xf32>,
    return
  }
  func.func @transform_0(%arg0: i32) -> (i32, i32, i32) {
    %c0_i32 = arith.constant 0 : i32
    %c0_i32_0 = arith.constant 0 : i32
    %c0_i32_1 = arith.constant 0 : i32
    return %c0_i32, %arg0, %c0_i32_0 : i32, i32, i32
  }
  func.func @transform_1(%arg0: i32) -> (i32, i32) {
    %c0_i32 = arith.constant 0 : i32
    %c0_i32_0 = arith.constant 0 : i32
    return %arg0, %c0_i32 : i32, i32
  }
  func.func @transform_2(%arg0: i32) -> (i32, i32) {
    %c0_i32 = arith.constant 0 : i32
    %c0_i32_0 = arith.constant 0 : i32
    %c0_i32_1 = arith.constant 0 : i32
    return %c0_i32, %c0_i32_0 : i32, i32
  }
  func.func @transform_3(%arg0: i32) -> (i32, i32) {
    %c0_i32 = arith.constant 0 : i32
    %c0_i32_0 = arith.constant 0 : i32
    return %arg0, %c0_i32 : i32, i32
  }
}

</mosaic_0001>

<sc_bundles>
// kernel: kernel.10.cloned.1.call-start
scs
__scs_entry_jumppad:
0x0: {  	(pc) =	sbr.rel $0x88, $3  }
0x1: {  	(tag) =	ssettag $0x0;
	lr =	simm.s32 $0x1  }
0x2: {  	[smem:$0x3F99] =	sst lr;
	_ =	strace $0xD0000000  }
0x3: {  	_ = 	snop  }
0x4: {  	_ = 	snop  }
0x5: {  	_ = 	snop  }
0x6: {  	_ = 	snop  }
0x7: {  	_ = 	snop  }
__scs_overlays_trampoline_lowered:
0x8: {  	[smem:$0x3FA8] =	sst s0  }
0x9: {  	[smem:$0x3FA9] =	sst s1  }
0xa: {  	[smem:$0x3FAA] =	sst s2  }
0xb: {  	[smem:$0x3FAB] =	sst s3  }
0xc: {  	[smem:$0x3FAC] =	sst s4  }
0xd: {  	[smem:$0x3FAD] =	sst s5  }
0xe: {  	[smem:$0x3FAE] =	sst s6  }
0xf: {  	[smem:$0x3FAF] =	sst s7  }
0x10: {  	[smem:$0x3FB0] =	sst s8  }
0x11: {  	[smem:$0x3FB1] =	sst s9;
	s0 =	simm.s32 @!p0 $0x0  }
0x12: {  	s1 =	sld [smem:$0x3F97];
	s0 =	simm.s32 @p0 $0x1  }
0x13: {  	[smem:$0x3FB2] =	sst s0;
	s0 =	simm.s32 @!p1 $0x0  }
0x14: {  	s2 =	sld [smem:$0x3F96];
	s0 =	simm.s32 @p1 $0x1  }
0x15: {  	[smem:$0x3FB3] =	sst s0;
	s0 =	simm.s32 @!p2 $0x0  }
0x16: {  	s3 =	sld [smem:$0x3FDB];
	s0 =	simm.s32 @p2 $0x1  }
0x17: {  	s4 =	simm.s32 $0x1BF5;
	[smem:$0x3FB5] =	sst s0  }
0x18: {  	s0 =	sld [smem:$0x3F98];
	_ =	swait.ge [sflag:s4], $0x0  }
0x19: {  	s7 =	sld [smem:$0x3F99]  }
0x1a: {  	s8 =	sadd.s32 $0xFFFFE003, lr  }
0x1b: {  	s9 =	sadd.s32 $0xFFFFFEF7, lr;
	s5 =	simm.s32 $0xFFFFFFFF;
	p2 =	slt.u32 s8, $0xFFFFF086  }
0x1c: {  	p1 =	slt.u32 s9, $0xF7A;
	s5 =	simm.s32 @!p2 $0x0  }
0x1d: {  	s5 =	simm.s32 @p1 $0x1;
	p0 =	seq.s32 s7, s2  }
0x1e: {  	s7 =	smul.u32 @!p0 $0xF7A, s2;
	p2 =	seq.s32 @!p0 s5, $0x0  }
0x1f: {  	s9 =	smul.u32 $0xF7A, s1;
	s8 =	simm.s32 @!p0 $0x1BF5;
	p2 =	por !p2, p0  }
0x20: {  	[sflag:s8] =	ssyncset.s32 @!p0 $0xFFFFF086;
	s6 =	sadd.s32 @!p0 s3, s7;
	s7 =	simm.s32 @!p0 $0x108  }
0x21: {  	s3 =	sadd.s32 s3, s9;
	s6 =	sadd.s32 @!p0 $0x88, s6;
	s7 =	simm.s32 @p2 $0x1082  }
0x22: {  	[simem:s7], [sflag:s8] =	dma.local @!p0 [hbm:s6], $0xF7A  }
0x23: {  	s9 =	sor.u32 $0xD0000000, s2;
	s6 =	simm.s32 $0x108;
	_ =	swait.ge @!p0 [sflag:s8], $0x0  }
0x24: {  	s3 =	sadd.s32 $0x88, s3;
	s6 =	simm.s32 @!p1 $0x1082;
	[sflag:s4] =	ssyncset.s32 $0xFFFFF086  }
0x25: {  	[simem:s6], [sflag:s4] =	dma.local [hbm:s3], $0xF7A  }
0x26: {  	[smem:$0x3F99] =	sst s1;
	(tag) =	ssettag s2;
	_ =	strace s9  }
0x27: {  	s1 =	sld [smem:$0x3FA9]  }
0x28: {  	s2 =	sld [smem:$0x3FAA]  }
0x29: {  	s4 =	sld [smem:$0x3FAC]  }
0x2a: {  	p0 =	seq.s32 s5, $0x0;
	s5 =	sld [smem:$0x3FAD]  }
0x2b: {  	s6 =	sld [smem:$0x3FAE]  }
0x2c: {  	s7 =	sld [smem:$0x3FAF]  }
0x2d: {  	s3 =	simm.s32 $0x108;
	s8 =	sld [smem:$0x3FB0]  }
0x2e: {  	s3 =	simm.s32 @!p0 $0x1082;
	s9 =	sld [smem:$0x3FB1]  }
0x2f: {  	lr =	sadd.s32 s0, s3;
	s0 =	sld [smem:$0x3FA8]  }
0x30: {  	s3 =	sld [smem:$0x3FAB]  }
0x31: {  	[smem:$0x3FB4] =	sst s10  }
0x32: {  	s10 =	sld [smem:$0x3FB2];
	_ =	sdelay $0x3  }
0x33: {  	p0 =	seq.s32 s10, $0x1;
	s10 =	sld [smem:$0x3FB4];
	_ =	sdelay $0x3  }
0x34: {  	[smem:$0x3FB4] =	sst s10  }
0x35: {  	s10 =	sld [smem:$0x3FB3];
	_ =	sdelay $0x3  }
0x36: {  	p1 =	seq.s32 s10, $0x1;
	s10 =	sld [smem:$0x3FB4];
	_ =	sdelay $0x3  }
0x37: {  	[smem:$0x3FB4] =	sst s10  }
0x38: {  	s10 =	sld [smem:$0x3FB5]  }
0x39: {  	_ = 	snop;
	(pc) =	sbr.ind lr, $3  }
0x3a: {  	_ = 	snop  }
0x3b: {  	_ = 	snop  }
0x3c: {  	p2 =	seq.s32 s10, $0x1;
	s10 =	sld [smem:$0x3FB4]  }
0x3d: {  	_ =	shalt  }
0x3e: {  	_ =	shalt  }
0x3f: {  	_ =	shalt  }
0x40: {  	_ =	shalt  }
0x41: {  	_ =	shalt  }
0x42: {  	_ =	shalt  }
0x43: {  	_ =	shalt  }
0x44: {  	_ =	shalt  }
0x45: {  	_ =	shalt  }
0x46: {  	_ =	shalt  }
0x47: {  	_ =	shalt  }
0x48: {  	_ =	shalt  }
0x49: {  	_ =	shalt  }
0x4a: {  	_ =	shalt  }
0x4b: {  	_ =	shalt  }
0x4c: {  	_ =	shalt  }
0x4d: {  	_ =	shalt  }
0x4e: {  	_ =	shalt  }
0x4f: {  	_ =	shalt  }
0x50: {  	_ =	shalt  }
0x51: {  	_ =	shalt  }
0x52: {  	_ =	shalt  }
0x53: {  	_ =	shalt  }
0x54: {  	_ =	shalt  }
0x55: {  	_ =	shalt  }
0x56: {  	_ =	shalt  }
0x57: {  	_ =	shalt  }
0x58: {  	_ =	shalt  }
0x59: {  	_ =	shalt  }
0x5a: {  	_ =	shalt  }
0x5b: {  	_ =	shalt  }
0x5c: {  	_ =	shalt  }
0x5d: {  	_ =	shalt  }
0x5e: {  	_ =	shalt  }
0x5f: {  	_ =	shalt  }
0x60: {  	_ =	shalt  }
0x61: {  	_ =	shalt  }
0x62: {  	_ =	shalt  }
0x63: {  	_ =	shalt  }
0x64: {  	_ =	shalt  }
0x65: {  	_ =	shalt  }
0x66: {  	_ =	shalt  }
0x67: {  	_ =	shalt  }
0x68: {  	_ =	shalt  }
0x69: {  	_ =	shalt  }
0x6a: {  	_ =	shalt  }
0x6b: {  	_ =	shalt  }
0x6c: {  	_ =	shalt  }
0x6d: {  	_ =	shalt  }
0x6e: {  	_ =	shalt  }
0x6f: {  	_ =	shalt  }
0x70: {  	_ =	shalt  }
0x71: {  	_ =	shalt  }
0x72: {  	_ =	shalt  }
0x73: {  	_ =	shalt  }
0x74: {  	_ =	shalt  }
0x75: {  	_ =	shalt  }
0x76: {  	_ =	shalt  }
0x77: {  	_ =	shalt  }
0x78: {  	_ =	shalt  }
0x79: {  	_ =	shalt  }
0x7a: {  	_ =	shalt  }
0x7b: {  	_ =	shalt  }
0x7c: {  	_ =	shalt  }
0x7d: {  	_ =	shalt  }
0x7e: {  	_ =	shalt  }
0x7f: {  	_ =	shalt  }
0x80: {  	_ =	shalt  }
0x81: {  	_ =	shalt  }
0x82: {  	_ =	shalt  }
0x83: {  	_ =	shalt  }
0x84: {  	_ =	shalt  }
0x85: {  	_ =	shalt  }
0x86: {  	_ =	shalt  }
0x87: {  	_ =	shalt  }
.Lfunc_end0:
.L_simem_size_0:
called_computation_lowered:
.L_overlay_start_0:
0x88: {  	s2 =	sld [smem:$0x3FD9]  }
0x89: {  	s3 =	sld [smem:$0x3FFE];
	_ =	sdelay $0x1  }
0x8a: {  	s1 =	srdreg.scid  }
0x8b: {  	s0 =	sand.u32 $0x1, s1  }
0x8c: {  	s17 =	sshll.u32 s0, $0xA;
	s2 =	sadd.s32 s3, s2  }
0x8d: {  	s2 =	sadd.s32 s2, s17  }
0x8e: {  	[smem:$0x3FC0] =	sst s2  }
0x8f: {  	_ = 	snop  }
0x90: {  	s2 =	sld [smem:$0x3FD0];
	(tm) =	ssettm $0x1  }
0x91: {  	s18 =	sld [smem:$0x3FFB];
	_ =	sdelay $0x3  }
0x92: {  	_ =	strace s18  }
0x93: {  	s3 =	sld [smem:$0x3FFC];
	_ =	sdelay $0x3  }
0x94: {  	_ =	strace s3  }
0x95: {  	s3 =	sld [smem:$0x3FFD];
	_ =	sdelay $0x3  }
0x96: {  	_ =	strace s3  }
0x97: {  	_ =	strace $0x8FFFFFFF  }
0x98: {  	s19 =	sld [smem:$0x3FDB];
	_ =	sdelay $0x1  }
0x99: {  	s4 =	simm.s32 $_scs_section_size  }
0x9a: {  	s5 =	simm.s32 $_size__tile_overlayer_lowered;
	s6 =	simm.s32 $_tile_overlayer_lowered  }
0x9b: {  	s22 =	simm.s32 $0x1BFF;
	s21 =	sshll.u32 s6, $0x1;
	s3 =	sadd.s32 s4, s19  }
0x9c: {  	s7 =	simm.s32 $0x0;
	s20 =	sshll.u32 s5, $0x1;
	s5 =	sadd.s32 s21, s3  }
0x9d: {  	[timem:s7], [sflag:s22] =	dma.local [hbm:s5], s20  }
0x9e: {  	_ =	swait.ge [sflag:s22], s20  }
0x9f: {  	s4 =	ssub.s32 $0x0, s20;
	[sflag:s22] =	ssyncset.done $0x0  }
0xa0: {  	[sflag:s22] =	ssyncadd.s32 s4;
	_ =	sdelay $0x1  }
0xa1: {  	s23 =	simm.s32 $0x1B8B  }
0xa2: {  	_ =	swait.ge [sflag:s23], $0x1  }
0xa3: {  	[sflag:s23] =	ssyncset.done $0x0  }
0xa4: {  	s25 =	simm.s32 $0x1B8E;
	s24 =	sld [smem:$0x3FFE];
	[sflag:s23] =	ssyncadd.s32 $0xFFFFFFFF  }
0xa5: {  	s26 =	simm.s32 $execute0_lowered;
	[smem:$0x3FD2] =	sst s25  }
0xa6: {  	s5 =	sshll.u32 s26, $0x1;
	_ =	strace $0x80000046;
	[dreg:$0x1] =	wrdreg $0xFFFFFFFF  }
0xa7: {  	s28 =	simm.s32 $_size_execute0_lowered;
	s3 =	sadd.s32 s3, s5;
	[dreg:$0x0] =	wrdreg $0x0  }
0xa8: {  	s5 =	sshll.u32 s28, $0x1;
	[dreg:$0x2] =	wrdreg s3  }
0xa9: {  	[dreg:$0x3] =	wrdreg s5  }
0xaa: {  	[dreg:$0x4] =	wrdreg $0xC0  }
0xab: {  	_ =	task [dreg:s7], $0x5FFFF  }
0xac: {  	[dreg:$0x1] =	wrdreg $0xFFFFFFFF  }
0xad: {  	[dreg:$0x0] =	wrdreg $0x60  }
0xae: {  	[dreg:$0x2] =	wrdreg s24  }
0xaf: {  	[dreg:$0x3] =	wrdreg s2  }
0xb0: {  	[dreg:$0x4] =	wrdreg $0x3800  }
0xb1: {  	[dreg:$0x5] =	wrdreg $0x6000  }
0xb2: {  	[dreg:$0x6] =	wrdreg $0x9  }
0xb3: {  	_ =	task.clear_ibuf [dreg:s7], $0x7FFFF;
	_ =	strace $0x90000046  }
0xb4: {  	s29 =	simm.s32 $0x9;
	_ =	strace $0x80000048  }
0xb5: {  	_ =	swait.ge [sflag:s29], $0x1  }
0xb6: {  	[sflag:s29] =	ssyncadd.s32 $0xFFFFFFFF  }
0xb7: {  	_ =	strace $0x90000048  }
0xb8: {  	_ =	sfence  }
0xb9: {  	s30 =	sld [smem:$0x0];
	_ =	sdelay $0x2  }
0xba: {  	s31 =	sshll.u32 s1, $0xD;
	s1 =	sshrl.u32 s1, $0x2  }
0xbb: {  	s3 =	sand.u32 $0x4000, s31;
	s1 =	sadd.s32 s1, s30  }
0xbc: {  	s0 =	sor.u32 s3, s0;
	s1 =	sshll.u32 s1, $0x11  }
0xbd: {  	s0 =	sor.u32 s1, s0  }
0xbe: {  	s0 =	sadd.s32 $0x8F2B, s0  }
0xbf: {  	[sflag:s0] =	ssyncadd.remote.s32 $0x1  }
0xc0: {  	_ =	sfence.sel $0xFFFF  }
0xc1: {  	[dreg:$0x0] =	wrdreg $0xFFFFFFFF;
	(pc) =	sbr.abs _section_cstart, $3  }
0xc2: {  	[dreg:$0x1] =	wrdreg $0xFFFFFFFF  }
0xc3: {  	_ =	task.clear_ibuf [dreg:s7], $0x2FFFF;
	_ =	strace $0x9FFFFFFF  }
0xc4: {  	(tm) =	ssettm $0x7FFFFFFF  }
0xc5: {  	_ =	shalt  }
tec
execute0_lowered:
.L_overlay_start_1:
0x0: {  	(tag) =	ssettag $0x1  }
0x1: {  	s5 =	rddreg [dreg:$0x0]  }
0x2: {  	s10 =	rddreg [dreg:$0x1]  }
0x3: {  	s2 =	rddreg [dreg:$0x2]  }
0x4: {  	s0 =	srdreg.scid;
	s3 =	rddreg [dreg:$0x3]  }
0x5: {  	s1 =	rddreg [dreg:$0x4];
	s6 =	sand.u32 $0x1, s0  }
0x6: {  	s4 =	simm.s32 $0x0;
	s0 =	stileid.u32;
	s7 =	smul.u32 $0x27100, s6  }
0x7: {  	s15 =	simm.s32 $0x80;
	s18 =	simm.s32 $0x20;
	s8 =	smul.u32 $0x2710, s0  }
0x8: {  	s19 =	simm.s32 $0x10;
	[smem:$0x7FF] =	sst s4;
	s9 =	smul.u32 $0x5000, s6  }
0x9: {  	s21 =	simm.s32 $0x0;
	s11 =	smul.u32 $0x500, s0;
	_ =	strace $0x80000047  }
0xa: {  	s6 =	ssub.s32 $0x2, s6;
	s30 =	smul.u32 $0x280, s0;
	s16 =	sshll.u32 s0, $0x6  }
0xb: {  	s29 =	sshrl.u32 s6, $0x1;
	s16 =	sor.u32 $0x1C01, s16;
	s7 =	sadd.s32 s8, s7  }
0xc: {  	s28 =	sadd.s32 s11, s9;
	s14 =	ssub.s32 s6, s29;
	s6 =	sadd.s32 s30, s3  }
0xd: {  	s12 =	sshrl.u32 s7, $0x3;
	s7 =	sshrl.u32 s28, $0x3;
	s9 =	smax.u32 s14, $0x1  }
0xe: {  	s14 =	simm.s32 $0x50;
	s20 =	sshrl.u32 s6, $0x3;
	s31 =	sadd.s32 s12, s5  }
0xf: {  	s13 =	sadd.s32 s7, s5;
	s5 =	sadd.s32 s30, s2;
	s10 =	sadd.s32 s12, s10  }
0x10: {  	s12 =	simm.s32 $0x100;
	s7 =	sadd.s32 $0xCA00, s13;
	s8 =	sadd.s32 $0xCA10, s13  }
0x11: {  	v0 =	vimm.f32 $0.0e+00;
	v1 =	vimm.f32 $1.000000000e+00;
	s11 =	sadd.s32 $0x2C00, s31;
	s13 =	simm.s32 $0x1;
	s17 =	sshrl.u32 s5, $0x3  }
.LBB2_1:
0x12: {  	[tilespmem:$0x100] =	vst v0  }
0x13: {  	[tilespmem:$0x110] =	vst v0  }
0x14: {  	[tilespmem:$0x120] =	vst v0  }
0x15: {  	[tilespmem:$0x130] =	vst v0  }
0x16: {  	[tilespmem:$0x140] =	vst v0  }
0x17: {  	[tilespmem:$0x150] =	vst v0  }
0x18: {  	[tilespmem:$0x160] =	vst v0  }
0x19: {  	[tilespmem:$0x170] =	vst v0  }
0x1a: {  	[tilespmem:$0x180] =	vst v0  }
0x1b: {  	[tilespmem:$0x190] =	vst v0  }
0x1c: {  	[tilespmem:$0x1A0] =	vst v0  }
0x1d: {  	[tilespmem:$0x1B0] =	vst v0  }
0x1e: {  	[tilespmem:$0x1C0] =	vst v0  }
0x1f: {  	[tilespmem:$0x1D0] =	vst v0  }
0x20: {  	[tilespmem:$0x1E0] =	vst v0  }
0x21: {  	[tilespmem:$0x1F0] =	vst v0  }
0x22: {  	[tilespmem:$0x200] =	vst v0  }
0x23: {  	[tilespmem:$0x210] =	vst v0  }
0x24: {  	[tilespmem:$0x220] =	vst v0  }
0x25: {  	[tilespmem:$0x230] =	vst v0  }
0x26: {  	[tilespmem:$0x240] =	vst v0  }
0x27: {  	[tilespmem:$0x250] =	vst v0  }
0x28: {  	[tilespmem:$0x260] =	vst v0  }
0x29: {  	[tilespmem:$0x270] =	vst v0  }
0x2a: {  	[tilespmem:$0x280] =	vst v0  }
0x2b: {  	[tilespmem:$0x290] =	vst v0  }
0x2c: {  	[tilespmem:$0x2A0] =	vst v0  }
0x2d: {  	[tilespmem:$0x2B0] =	vst v0  }
0x2e: {  	[tilespmem:$0x2C0] =	vst v0  }
0x2f: {  	[tilespmem:$0x2D0] =	vst v0  }
0x30: {  	[tilespmem:$0x2E0] =	vst v0  }
0x31: {  	[tilespmem:$0x2F0] =	vst v0  }
0x32: {  	[tilespmem:$0x300] =	vst v0  }
0x33: {  	[tilespmem:$0x310] =	vst v0  }
0x34: {  	[tilespmem:$0x320] =	vst v0  }
0x35: {  	[tilespmem:$0x330] =	vst v0  }
0x36: {  	[tilespmem:$0x340] =	vst v0  }
0x37: {  	[tilespmem:$0x350] =	vst v0  }
0x38: {  	[tilespmem:$0x360] =	vst v0  }
0x39: {  	[tilespmem:$0x370] =	vst v0  }
0x3a: {  	[tilespmem:$0x80] =	vst v1  }
0x3b: {  	[tilespmem:$0x90] =	vst v1  }
0x3c: {  	[tilespmem:$0xA0] =	vst v1  }
0x3d: {  	[tilespmem:$0xB0] =	vst v1  }
0x3e: {  	[tilespmem:$0xC0] =	vst v1  }
0x3f: {  	[spmem:s5] =	stream.linear.scatter [tilespmem:s12], [sflag:$0x1], $0x280, $0x38;
	[tilespmem:$0x880] =	vst v63  }
0x40: {  	_ =	swait.ge [sflag:s13], $0x280  }
0x41: {  	[sflag:s13] =	ssyncset.done $0x0  }
0x42: {  	[sflag:s13] =	ssyncadd.s32 $0xFFFFFD80  }
0x43: {  	[spmem:s6] =	stream.linear.scatter [tilespmem:s12], [sflag:$0x1], $0x280, $0x38;
	[tilespmem:$0x880] =	vst v63  }
0x44: {  	_ =	swait.ge [sflag:s13], $0x280  }
0x45: {  	[sflag:s13] =	ssyncset.done $0x0  }
0x46: {  	[sflag:s13] =	ssyncadd.s32 $0xFFFFFD80  }
0x47: {  	s22 =	sadd.s32 $0x0, s11;
	[bflag:$0x0] =	sbarrier.arrive $0xFFFF  }
0x48: {  	[tilespmem:s4], [sflag:$0x1] =	stream.linear.gather [hbm4b:s22+s4], $0x50, $0x38;
	[tilespmem:$0x880] =	vst v63  }
0x49: {  	_ =	swait.ge [sflag:s13], $0x50  }
0x4a: {  	[sflag:s13] =	ssyncset.done $0x0  }
0x4b: {  	[sflag:s13] =	ssyncadd.s32 $0xFFFFFFB0  }
0x4c: {  	[spmem:s2] =	stream.indirect.scatter.add.f32 [tilespmem:s15], [sflag:$0x1], $0x1, s4, s14, $0xb8;
	[tilespmem:$0x880] =	vst v63  }
0x4d: {  	_ =	swait.ge [sflag:s13], $0x50  }
0x4e: {  	[sflag:s13] =	ssyncset.done $0x0  }
0x4f: {  	s31 =	sadd.s32 $0x0, s10;
	[sflag:s13] =	ssyncadd.s32 $0xFFFFFFB0  }
0x50: {  	[tilespmem:s4], [sflag:$0x1] =	stream.linear.gather [hbm4b:s31+s4], $0x50, $0x38;
	[tilespmem:$0x880] =	vst v63  }
0x51: {  	_ =	swait.ge [sflag:s13], $0x50  }
0x52: {  	[sflag:s13] =	ssyncset.done $0x0  }
0x53: {  	[sflag:s13] =	ssyncadd.s32 $0xFFFFFFB0  }
0x54: {  	[spmem:s3] =	stream.indirect.scatter.add.f32 [tilespmem:s15], [sflag:$0x1], $0x1, s4, s14, $0xb8;
	[tilespmem:$0x880] =	vst v63  }
0x55: {  	_ =	swait.ge [sflag:s13], $0x50  }
0x56: {  	s23 =	simm.s32 $0x14;
	s22 =	simm.s32 $0xA;
	[sflag:s13] =	ssyncset.done $0x0  }
.LBB2_2:
0x57: {  	s24 =	sadd.s32 s22, s11  }
0x58: {  	[sflag:s13] =	ssyncadd.s32 $0xFFFFFFB0;
	s25 =	smov.u32 s23;
	s26 =	sadd.s32 $0xA, s23  }
0x59: {  	[tilespmem:s4], [sflag:$0x1] =	stream.linear.gather [hbm4b:s24+s4], $0x50, $0x38;
	[tilespmem:$0x880] =	vst v63  }
0x5a: {  	p0 =	sne.s32 s23, $0x4D8;
	_ =	swait.ge [sflag:s13], $0x50  }
0x5b: {  	[sflag:s13] =	ssyncset.done $0x0  }
0x5c: {  	[sflag:s13] =	ssyncadd.s32 $0xFFFFFFB0  }
0x5d: {  	[spmem:s2] =	stream.indirect.scatter.add.f32 [tilespmem:s15], [sflag:$0x1], $0x1, s4, s14, $0xb8;
	[tilespmem:$0x880] =	vst v63  }
0x5e: {  	_ =	swait.ge [sflag:s13], $0x50  }
0x5f: {  	[sflag:s13] =	ssyncset.done $0x0  }
0x60: {  	s23 =	sadd.s32 s22, s10;
	s22 =	smov.u32 s25;
	[sflag:s13] =	ssyncadd.s32 $0xFFFFFFB0  }
0x61: {  	[tilespmem:s4], [sflag:$0x1] =	stream.linear.gather [hbm4b:s23+s4], $0x50, $0x38;
	[tilespmem:$0x880] =	vst v63  }
0x62: {  	_ =	swait.ge [sflag:s13], $0x50  }
.Ltmp0:
0x63: {  	[sflag:s13] =	ssyncset.done $0x0;
	(pc) =	sbr.rel @p0 .LBB2_2-.Ltmp0, $4  }
0x64: {  	[sflag:s13] =	ssyncadd.s32 $0xFFFFFFB0  }
0x65: {  	[spmem:s3] =	stream.indirect.scatter.add.f32 [tilespmem:s15], [sflag:$0x1], $0x1, s4, s14, $0xb8;
	[tilespmem:$0x880] =	vst v63  }
0x66: {  	_ =	swait.ge [sflag:s13], $0x50  }
0x67: {  	s23 =	smov.u32 s26;
	[sflag:s13] =	ssyncset.done $0x0  }
0x68: {  	s23 =	sadd.s32 s22, s11;
	[sflag:s13] =	ssyncadd.s32 $0xFFFFFFB0  }
0x69: {  	[tilespmem:s4], [sflag:$0x1] =	stream.linear.gather [hbm4b:s23+s4], $0x50, $0x38;
	[tilespmem:$0x880] =	vst v63  }
0x6a: {  	_ =	swait.ge [sflag:s13], $0x50  }
0x6b: {  	[sflag:s13] =	ssyncset.done $0x0  }
0x6c: {  	[sflag:s13] =	ssyncadd.s32 $0xFFFFFFB0  }
0x6d: {  	[spmem:s2] =	stream.indirect.scatter.add.f32 [tilespmem:s15], [sflag:$0x1], $0x1, s4, s14, $0xb8;
	[tilespmem:$0x880] =	vst v63  }
0x6e: {  	_ =	swait.ge [sflag:s13], $0x50  }
0x6f: {  	[sflag:s13] =	ssyncset.done $0x0  }
0x70: {  	s31 =	sadd.s32 s22, s10;
	[sflag:s13] =	ssyncadd.s32 $0xFFFFFFB0  }
0x71: {  	[tilespmem:s4], [sflag:$0x1] =	stream.linear.gather [hbm4b:s31+s4], $0x50, $0x38;
	[tilespmem:$0x880] =	vst v63  }
0x72: {  	_ =	swait.ge [sflag:s13], $0x50  }
0x73: {  	[sflag:s13] =	ssyncset.done $0x0  }
0x74: {  	[sflag:s13] =	ssyncadd.s32 $0xFFFFFFB0  }
0x75: {  	[spmem:s3] =	stream.indirect.scatter.add.f32 [tilespmem:s15], [sflag:$0x1], $0x1, s4, s14, $0xb8;
	[tilespmem:$0x880] =	vst v63  }
0x76: {  	_ =	swait.ge [sflag:s13], $0x50  }
0x77: {  	[sflag:s13] =	ssyncset.done $0x0  }
0x78: {  	[sflag:s13] =	ssyncadd.s32 $0xFFFFFFB0  }
0x79: {  	[bflag:$0x0] =	sbarrier.arrive $0xFFFF  }
0x7a: {  	[hbm:s7@s18], [sflag:s16] =	dma.strided [spmem:s17@s19], $0x50, s13, $0x10   }
0x7b: {  	s21 =	sadd.s32 $0x1, s21;
	_ =	swait.ge [sflag:s13], $0x50  }
0x7c: {  	p0 =	sne.s32 s21, s9;
	[sflag:s13] =	ssyncset.done $0x0  }
.Ltmp1:
0x7d: {  	[sflag:s13] =	ssyncadd.s32 $0xFFFFFFB0;
	(pc) =	sbr.rel @p0 .LBB2_1-.Ltmp1, $4  }
0x7e: {  	[hbm:s8@s18], [sflag:s16] =	dma.strided [spmem:s20@s19], $0x50, s13, $0x10   }
0x7f: {  	_ =	swait.ge [sflag:s13], $0x50  }
0x80: {  	[sflag:s13] =	ssyncset.done $0x0  }
0x81: {  	[sflag:s13] =	ssyncadd.s32 $0xFFFFFFB0  }
0x82: {  	_ =	sfence.sel $0x180000  }
0x83: {  	[bflag:$0x0] =	sbarrier.arrive $0xFFFF  }
0x84: {  	p0 =	sne.s32 s0, $0x0;
	_ =	strace $0x90000047  }
0x85: {  	s0 =	sadd.s32 @!p0 $0x100000, s1;
	[bflag:$0x2] =	sbarrier.arrive $0xFFFF  }
0x86: {  	[sflag:s0] =	ssyncadd.tile.s32 @!p0 $0x1;
	_ =	shalt  }
.Lfunc_end2:
_tile_overlayer_lowered:
.L_overlay_start_2:
0x87: {  	(tag) =	ssettag $0x2  }
0x88: {  	s0 =	rddreg [dreg:$0x0];
	s2 =	stileid.u32  }
0x89: {  	s1 =	rddreg [dreg:$0x1];
	p0 =	sne.s32 s2, $0x0  }
0x8a: {  	s3 =	rddreg [dreg:$0x2];
	[bflag:$0x3] =	sbarrier.arrive $0xFFFF;
	s2 =	simm.s32 @!p0 $0x1C01  }
0x8b: {  	[timem:s3], [sflag:s2] =	dma.local @!p0 [hbm:s0], s1  }
0x8c: {  	s0 =	simm.s32 @!p0 $0x1  }
0x8d: {  	_ =	swait.ge @!p0 [sflag:s0], s1  }
0x8e: {  	s1 =	ssub.s32 @!p0 $0x0, s1;
	[sflag:s0] =	ssyncset.done @!p0 $0x0  }
0x8f: {  	[sflag:s0] =	ssyncadd.s32 @!p0 s1  }
0x90: {  	[bflag:$0x3] =	sbarrier.arrive $0xFFFF  }
0x91: {  	_ =	shalt  }

// kernel: kernel.13.cloned.1.call-start
scs
__scs_entry_jumppad:
0x0: {  	(pc) =	sbr.rel $0x88, $3  }
0x1: {  	(tag) =	ssettag $0x0;
	lr =	simm.s32 $0x1  }
0x2: {  	[smem:$0x3F99] =	sst lr;
	_ =	strace $0xD0000000  }
0x3: {  	_ = 	snop  }
0x4: {  	_ = 	snop  }
0x5: {  	_ = 	snop  }
0x6: {  	_ = 	snop  }
0x7: {  	_ = 	snop  }
__scs_overlays_trampoline_lowered:
0x8: {  	[smem:$0x3FA8] =	sst s0  }
0x9: {  	[smem:$0x3FA9] =	sst s1  }
0xa: {  	[smem:$0x3FAA] =	sst s2  }
0xb: {  	[smem:$0x3FAB] =	sst s3  }
0xc: {  	[smem:$0x3FAC] =	sst s4  }
0xd: {  	[smem:$0x3FAD] =	sst s5  }
0xe: {  	[smem:$0x3FAE] =	sst s6  }
0xf: {  	[smem:$0x3FAF] =	sst s7  }
0x10: {  	[smem:$0x3FB0] =	sst s8  }
0x11: {  	[smem:$0x3FB1] =	sst s9;
	s0 =	simm.s32 @!p0 $0x0  }
0x12: {  	s1 =	sld [smem:$0x3F97];
	s0 =	simm.s32 @p0 $0x1  }
0x13: {  	[smem:$0x3FB2] =	sst s0;
	s0 =	simm.s32 @!p1 $0x0  }
0x14: {  	s2 =	sld [smem:$0x3F96];
	s0 =	simm.s32 @p1 $0x1  }
0x15: {  	[smem:$0x3FB3] =	sst s0;
	s0 =	simm.s32 @!p2 $0x0  }
0x16: {  	s3 =	sld [smem:$0x3FDB];
	s0 =	simm.s32 @p2 $0x1  }
0x17: {  	s4 =	simm.s32 $0x1BF5;
	[smem:$0x3FB5] =	sst s0  }
0x18: {  	s0 =	sld [smem:$0x3F98];
	_ =	swait.ge [sflag:s4], $0x0  }
0x19: {  	s7 =	sld [smem:$0x3F99]  }
0x1a: {  	s8 =	sadd.s32 $0xFFFFE003, lr  }
0x1b: {  	s9 =	sadd.s32 $0xFFFFFEF7, lr;
	s5 =	simm.s32 $0xFFFFFFFF;
	p2 =	slt.u32 s8, $0xFFFFF086  }
0x1c: {  	p1 =	slt.u32 s9, $0xF7A;
	s5 =	simm.s32 @!p2 $0x0  }
0x1d: {  	s5 =	simm.s32 @p1 $0x1;
	p0 =	seq.s32 s7, s2  }
0x1e: {  	s7 =	smul.u32 @!p0 $0xF7A, s2;
	p2 =	seq.s32 @!p0 s5, $0x0  }
0x1f: {  	s9 =	smul.u32 $0xF7A, s1;
	s8 =	simm.s32 @!p0 $0x1BF5;
	p2 =	por !p2, p0  }
0x20: {  	[sflag:s8] =	ssyncset.s32 @!p0 $0xFFFFF086;
	s6 =	sadd.s32 @!p0 s3, s7;
	s7 =	simm.s32 @!p0 $0x108  }
0x21: {  	s3 =	sadd.s32 s3, s9;
	s6 =	sadd.s32 @!p0 $0x88, s6;
	s7 =	simm.s32 @p2 $0x1082  }
0x22: {  	[simem:s7], [sflag:s8] =	dma.local @!p0 [hbm:s6], $0xF7A  }
0x23: {  	s9 =	sor.u32 $0xD0000000, s2;
	s6 =	simm.s32 $0x108;
	_ =	swait.ge @!p0 [sflag:s8], $0x0  }
0x24: {  	s3 =	sadd.s32 $0x88, s3;
	s6 =	simm.s32 @!p1 $0x1082;
	[sflag:s4] =	ssyncset.s32 $0xFFFFF086  }
0x25: {  	[simem:s6], [sflag:s4] =	dma.local [hbm:s3], $0xF7A  }
0x26: {  	[smem:$0x3F99] =	sst s1;
	(tag) =	ssettag s2;
	_ =	strace s9  }
0x27: {  	s1 =	sld [smem:$0x3FA9]  }
0x28: {  	s2 =	sld [smem:$0x3FAA]  }
0x29: {  	s4 =	sld [smem:$0x3FAC]  }
0x2a: {  	p0 =	seq.s32 s5, $0x0;
	s5 =	sld [smem:$0x3FAD]  }
0x2b: {  	s6 =	sld [smem:$0x3FAE]  }
0x2c: {  	s7 =	sld [smem:$0x3FAF]  }
0x2d: {  	s3 =	simm.s32 $0x108;
	s8 =	sld [smem:$0x3FB0]  }
0x2e: {  	s3 =	simm.s32 @!p0 $0x1082;
	s9 =	sld [smem:$0x3FB1]  }
0x2f: {  	lr =	sadd.s32 s0, s3;
	s0 =	sld [smem:$0x3FA8]  }
0x30: {  	s3 =	sld [smem:$0x3FAB]  }
0x31: {  	[smem:$0x3FB4] =	sst s10  }
0x32: {  	s10 =	sld [smem:$0x3FB2];
	_ =	sdelay $0x3  }
0x33: {  	p0 =	seq.s32 s10, $0x1;
	s10 =	sld [smem:$0x3FB4];
	_ =	sdelay $0x3  }
0x34: {  	[smem:$0x3FB4] =	sst s10  }
0x35: {  	s10 =	sld [smem:$0x3FB3];
	_ =	sdelay $0x3  }
0x36: {  	p1 =	seq.s32 s10, $0x1;
	s10 =	sld [smem:$0x3FB4];
	_ =	sdelay $0x3  }
0x37: {  	[smem:$0x3FB4] =	sst s10  }
0x38: {  	s10 =	sld [smem:$0x3FB5]  }
0x39: {  	_ = 	snop;
	(pc) =	sbr.ind lr, $3  }
0x3a: {  	_ = 	snop  }
0x3b: {  	_ = 	snop  }
0x3c: {  	p2 =	seq.s32 s10, $0x1;
	s10 =	sld [smem:$0x3FB4]  }
0x3d: {  	_ =	shalt  }
0x3e: {  	_ =	shalt  }
0x3f: {  	_ =	shalt  }
0x40: {  	_ =	shalt  }
0x41: {  	_ =	shalt  }
0x42: {  	_ =	shalt  }
0x43: {  	_ =	shalt  }
0x44: {  	_ =	shalt  }
0x45: {  	_ =	shalt  }
0x46: {  	_ =	shalt  }
0x47: {  	_ =	shalt  }
0x48: {  	_ =	shalt  }
0x49: {  	_ =	shalt  }
0x4a: {  	_ =	shalt  }
0x4b: {  	_ =	shalt  }
0x4c: {  	_ =	shalt  }
0x4d: {  	_ =	shalt  }
0x4e: {  	_ =	shalt  }
0x4f: {  	_ =	shalt  }
0x50: {  	_ =	shalt  }
0x51: {  	_ =	shalt  }
0x52: {  	_ =	shalt  }
0x53: {  	_ =	shalt  }
0x54: {  	_ =	shalt  }
0x55: {  	_ =	shalt  }
0x56: {  	_ =	shalt  }
0x57: {  	_ =	shalt  }
0x58: {  	_ =	shalt  }
0x59: {  	_ =	shalt  }
0x5a: {  	_ =	shalt  }
0x5b: {  	_ =	shalt  }
0x5c: {  	_ =	shalt  }
0x5d: {  	_ =	shalt  }
0x5e: {  	_ =	shalt  }
0x5f: {  	_ =	shalt  }
0x60: {  	_ =	shalt  }
0x61: {  	_ =	shalt  }
0x62: {  	_ =	shalt  }
0x63: {  	_ =	shalt  }
0x64: {  	_ =	shalt  }
0x65: {  	_ =	shalt  }
0x66: {  	_ =	shalt  }
0x67: {  	_ =	shalt  }
0x68: {  	_ =	shalt  }
0x69: {  	_ =	shalt  }
0x6a: {  	_ =	shalt  }
0x6b: {  	_ =	shalt  }
0x6c: {  	_ =	shalt  }
0x6d: {  	_ =	shalt  }
0x6e: {  	_ =	shalt  }
0x6f: {  	_ =	shalt  }
0x70: {  	_ =	shalt  }
0x71: {  	_ =	shalt  }
0x72: {  	_ =	shalt  }
0x73: {  	_ =	shalt  }
0x74: {  	_ =	shalt  }
0x75: {  	_ =	shalt  }
0x76: {  	_ =	shalt  }
0x77: {  	_ =	shalt  }
0x78: {  	_ =	shalt  }
0x79: {  	_ =	shalt  }
0x7a: {  	_ =	shalt  }
0x7b: {  	_ =	shalt  }
0x7c: {  	_ =	shalt  }
0x7d: {  	_ =	shalt  }
0x7e: {  	_ =	shalt  }
0x7f: {  	_ =	shalt  }
0x80: {  	_ =	shalt  }
0x81: {  	_ =	shalt  }
0x82: {  	_ =	shalt  }
0x83: {  	_ =	shalt  }
0x84: {  	_ =	shalt  }
0x85: {  	_ =	shalt  }
0x86: {  	_ =	shalt  }
0x87: {  	_ =	shalt  }
.Lfunc_end0:
.L_simem_size_0:
called_computation.1_lowered:
.L_overlay_start_0:
0x88: {  	s2 =	sld [smem:$0x3FD9]  }
0x89: {  	s3 =	sld [smem:$0x3FFE];
	_ =	sdelay $0x1  }
0x8a: {  	s1 =	srdreg.scid  }
0x8b: {  	s0 =	sand.u32 $0x1, s1  }
0x8c: {  	s17 =	sshll.u32 s0, $0xA;
	s2 =	sadd.s32 s3, s2  }
0x8d: {  	s2 =	sadd.s32 s2, s17  }
0x8e: {  	[smem:$0x3FC0] =	sst s2  }
0x8f: {  	_ = 	snop  }
0x90: {  	s2 =	sld [smem:$0x3FD0];
	(tm) =	ssettm $0x1  }
0x91: {  	s18 =	sld [smem:$0x3FFB];
	_ =	sdelay $0x3  }
0x92: {  	_ =	strace s18  }
0x93: {  	s3 =	sld [smem:$0x3FFC];
	_ =	sdelay $0x3  }
0x94: {  	_ =	strace s3  }
0x95: {  	s3 =	sld [smem:$0x3FFD];
	_ =	sdelay $0x3  }
0x96: {  	_ =	strace s3  }
0x97: {  	_ =	strace $0x8FFFFFFF  }
0x98: {  	s19 =	sld [smem:$0x3FDB];
	_ =	sdelay $0x1  }
0x99: {  	s4 =	simm.s32 $_scs_section_size  }
0x9a: {  	s5 =	simm.s32 $_size__tile_overlayer_lowered;
	s6 =	simm.s32 $_tile_overlayer_lowered  }
0x9b: {  	s22 =	simm.s32 $0x1BFF;
	s21 =	sshll.u32 s6, $0x1;
	s3 =	sadd.s32 s4, s19  }
0x9c: {  	s7 =	simm.s32 $0x0;
	s20 =	sshll.u32 s5, $0x1;
	s5 =	sadd.s32 s21, s3  }
0x9d: {  	[timem:s7], [sflag:s22] =	dma.local [hbm:s5], s20  }
0x9e: {  	_ =	swait.ge [sflag:s22], s20  }
0x9f: {  	s4 =	ssub.s32 $0x0, s20;
	[sflag:s22] =	ssyncset.done $0x0  }
0xa0: {  	[sflag:s22] =	ssyncadd.s32 s4;
	_ =	sdelay $0x1  }
0xa1: {  	s23 =	simm.s32 $0x1B8B  }
0xa2: {  	_ =	swait.ge [sflag:s23], $0x1  }
0xa3: {  	[sflag:s23] =	ssyncset.done $0x0  }
0xa4: {  	s25 =	simm.s32 $0x1B8E;
	s24 =	sld [smem:$0x3FFE];
	[sflag:s23] =	ssyncadd.s32 $0xFFFFFFFF  }
0xa5: {  	s26 =	simm.s32 $execute0_lowered;
	[smem:$0x3FD2] =	sst s25  }
0xa6: {  	s5 =	sshll.u32 s26, $0x1;
	_ =	strace $0x80000049;
	[dreg:$0x1] =	wrdreg $0xFFFFFFFF  }
0xa7: {  	s28 =	simm.s32 $_size_execute0_lowered;
	s3 =	sadd.s32 s3, s5;
	[dreg:$0x0] =	wrdreg $0x0  }
0xa8: {  	s5 =	sshll.u32 s28, $0x1;
	[dreg:$0x2] =	wrdreg s3  }
0xa9: {  	[dreg:$0x3] =	wrdreg s5  }
0xaa: {  	[dreg:$0x4] =	wrdreg $0xC0  }
0xab: {  	_ =	task [dreg:s7], $0x5FFFF  }
0xac: {  	[dreg:$0x1] =	wrdreg $0xFFFFFFFF  }
0xad: {  	[dreg:$0x0] =	wrdreg $0x60  }
0xae: {  	[dreg:$0x2] =	wrdreg s24  }
0xaf: {  	[dreg:$0x3] =	wrdreg s2  }
0xb0: {  	[dreg:$0x4] =	wrdreg $0x52000  }
0xb1: {  	[dreg:$0x5] =	wrdreg $0x9  }
0xb2: {  	_ =	task.clear_ibuf [dreg:s7], $0x6FFFF;
	_ =	strace $0x90000049  }
0xb3: {  	s29 =	simm.s32 $0x9;
	_ =	strace $0x8000004B  }
0xb4: {  	_ =	swait.ge [sflag:s29], $0x1  }
0xb5: {  	[sflag:s29] =	ssyncadd.s32 $0xFFFFFFFF  }
0xb6: {  	_ =	strace $0x9000004B  }
0xb7: {  	_ =	sfence  }
0xb8: {  	s30 =	sld [smem:$0x0];
	_ =	sdelay $0x2  }
0xb9: {  	s31 =	sshll.u32 s1, $0xD;
	s1 =	sshrl.u32 s1, $0x2  }
0xba: {  	s3 =	sand.u32 $0x4000, s31;
	s1 =	sadd.s32 s1, s30  }
0xbb: {  	s0 =	sor.u32 s3, s0;
	s1 =	sshll.u32 s1, $0x11  }
0xbc: {  	s0 =	sor.u32 s1, s0  }
0xbd: {  	s0 =	sadd.s32 $0x8F2B, s0  }
0xbe: {  	[sflag:s0] =	ssyncadd.remote.s32 $0x1  }
0xbf: {  	_ =	sfence.sel $0xFFFF  }
0xc0: {  	[dreg:$0x0] =	wrdreg $0xFFFFFFFF;
	(pc) =	sbr.abs _section_cstart, $3  }
0xc1: {  	[dreg:$0x1] =	wrdreg $0xFFFFFFFF  }
0xc2: {  	_ =	task.clear_ibuf [dreg:s7], $0x2FFFF;
	_ =	strace $0x9FFFFFFF  }
0xc3: {  	(tm) =	ssettm $0x7FFFFFFF  }
tec
execute0_lowered:
.L_overlay_start_1:
0x0: {  	(tag) =	ssettag $0x1  }
0x1: {  	s0 =	rddreg [dreg:$0x0]  }
0x2: {  	s1 =	rddreg [dreg:$0x1];
	s16 =	stileid.u32  }
0x3: {  	s2 =	rddreg [dreg:$0x2];
	s7 =	smul.u32 $0x14000, s16  }
0x4: {  	s3 =	srdreg.scid;
	s4 =	simm.s32 $0x0;
	s17 =	smul.u32 $0x2710, s16  }
0x5: {  	s3 =	sand.u32 $0x1, s3;
	[smem:$0x7FF] =	sst s4;
	s19 =	smul.u32 $0x50000, s16  }
0x6: {  	s8 =	sadd.s32 $0x5CA00, s0;
	s5 =	ssub.s32 $0x2, s3;
	s13 =	smul.u32 $0x140000, s3  }
0x7: {  	_ =	strace $0x8000004A;
	s23 =	sshll.u32 s3, $0x4;
	s3 =	smul.u32 $0x27100, s3  }
0x8: {  	s6 =	sshrl.u32 s5, $0x1;
	s9 =	sor.u32 $0x2800, s7;
	s10 =	sadd.s32 $0x5000, s7  }
0x9: {  	s11 =	sadd.s32 $0x7800, s7;
	s12 =	sadd.s32 $0xA000, s7;
	s20 =	sadd.s32 $0xC800, s7  }
0xa: {  	s21 =	sadd.s32 $0xF000, s7;
	s22 =	sadd.s32 $0x11800, s7;
	s5 =	ssub.s32 s5, s6  }
0xb: {  	s7 =	sadd.s32 s7, s13;
	s14 =	sadd.s32 s13, s9;
	s15 =	sadd.s32 s13, s10  }
0xc: {  	s26 =	sadd.s32 s13, s11;
	s28 =	sadd.s32 s13, s12;
	s29 =	sadd.s32 s13, s20  }
0xd: {  	s3 =	sadd.s32 s17, s3;
	s6 =	sor.u32 s16, s23;
	s23 =	sshrl.u32 s19, $0x2  }
0xe: {  	s16 =	sadd.s32 s9, s2;
	s17 =	sadd.s32 s10, s2;
	s19 =	sadd.s32 s12, s2  }
0xf: {  	s20 =	sadd.s32 s20, s2;
	s9 =	simm.s32 $0x100;
	s10 =	simm.s32 $0x180  }
0x10: {  	s12 =	simm.s32 $0x2A00;
	s7 =	sshrl.u32 s7, $0x3;
	s14 =	sshrl.u32 s14, $0x3  }
0x11: {  	s15 =	sshrl.u32 s15, $0x3;
	s6 =	smul.u32 $0x2710, s6;
	s5 =	smax.u32 s5, $0x1  }
0x12: {  	s7 =	sadd.s32 s8, s7;
	s24 =	sadd.s32 s8, s14;
	[dreg:$0xe] =	wrdreg s5  }
0x13: {  	s25 =	sadd.s32 s8, s15;
	s14 =	sshrl.u32 s28, $0x3;
	[dreg:$0x4] =	wrdreg s7  }
0x14: {  	s15 =	sshrl.u32 s29, $0x3;
	s28 =	sadd.s32 $0xF0, s3;
	[dreg:$0x5] =	wrdreg s24  }
0x15: {  	s3 =	sadd.s32 $0xA0, s3;
	[dreg:$0x6] =	wrdreg s25;
	s7 =	sshrl.u32 s26, $0x3  }
0x16: {  	s30 =	sadd.s32 s8, s14;
	s14 =	sadd.s32 s8, s15;
	s15 =	sadd.s32 s13, s21  }
0x17: {  	s13 =	sadd.s32 s13, s22;
	s24 =	sshrl.u32 s6, $0x3;
	s21 =	sadd.s32 s21, s2  }
0x18: {  	s22 =	sadd.s32 s22, s2;
	s5 =	sshrl.u32 s28, $0x3;
	[dreg:$0x8] =	wrdreg s30  }
0x19: {  	s7 =	sadd.s32 s8, s7;
	[dreg:$0x9] =	wrdreg s14;
	s13 =	sshrl.u32 s13, $0x3  }
0x1a: {  	s14 =	sadd.s32 $0x2C00, s0;
	s6 =	sadd.s32 $0xA, s24;
	s29 =	sadd.s32 s1, s24  }
0x1b: {  	s31 =	sadd.s32 s5, s1;
	[dreg:$0x7] =	wrdreg s7;
	s7 =	sshrl.u32 s15, $0x3  }
0x1c: {  	s18 =	sadd.s32 s8, s13;
	s13 =	sadd.s32 $0xCA00, s0;
	[dreg:$0x10] =	wrdreg s29  }
0x1d: {  	s15 =	sadd.s32 s23, s2;
	s25 =	sadd.s32 s14, s6;
	[dreg:$0xb] =	wrdreg s18  }
0x1e: {  	s6 =	sadd.s32 s1, s6;
	s26 =	sadd.s32 s14, s24;
	[dreg:$0xc] =	wrdreg s25  }
0x1f: {  	s0 =	sadd.s32 $0x4D8, s24;
	s23 =	simm.s32 $0x2;
	[dreg:$0xd] =	wrdreg s6  }
0x20: {  	s24 =	simm.s32 $0x0;
	s7 =	sadd.s32 s8, s7;
	[dreg:$0xf] =	wrdreg s26  }
0x21: {  	s18 =	sadd.s32 s11, s2;
	s30 =	sadd.s32 s14, s0;
	[dreg:$0xa] =	wrdreg s7  }
0x22: {  	s0 =	sadd.s32 s1, s0;
	s6 =	simm.s32 $0x3;
	[dreg:$0x11] =	wrdreg s30  }
0x23: {  	s8 =	simm.s32 $0x50;
	s11 =	simm.s32 $0x1;
	[dreg:$0x12] =	wrdreg s0  }
0x24: {  	v0 =	vimm.f32 $0.0e+00;
	s0 =	sadd.s32 s5, s14;
	s5 =	simm.s32 $0x200;
	s7 =	simm.s32 $0x80  }
.LBB2_1:
0x25: {  	s25 =	simm.s32 $0x0;
	s26 =	simm.s32 $0x200  }
.LBB2_2:
0x26: {  	p0 =	sne.s32 s26, $0x9E00;
	[tilespmem:s25+$0x270] =	vst v0  }
0x27: {  	[tilespmem:s25+$0x200] =	vst v0  }
0x28: {  	[tilespmem:s25+$0x210] =	vst v0  }
.Ltmp0:
0x29: {  	[tilespmem:s25+$0x220] =	vst v0;
	(pc) =	sbr.rel @p0 .LBB2_2-.Ltmp0, $4  }
0x2a: {  	[tilespmem:s25+$0x230] =	vst v0  }
0x2b: {  	[tilespmem:s25+$0x240] =	vst v0  }
0x2c: {  	[tilespmem:s25+$0x250] =	vst v0  }
0x2d: {  	[tilespmem:s25+$0x260] =	vst v0;
	s25 =	sshra.s32 s26, $0x2;
	s26 =	sadd.s32 $0x200, s26  }
0x2e: {  	[tilespmem:s25+$0x270] =	vst v0  }
0x2f: {  	[tilespmem:s25+$0x200] =	vst v0  }
0x30: {  	[tilespmem:s25+$0x210] =	vst v0  }
0x31: {  	[tilespmem:s25+$0x220] =	vst v0  }
0x32: {  	[tilespmem:s25+$0x230] =	vst v0  }
0x33: {  	[tilespmem:s25+$0x240] =	vst v0  }
0x34: {  	[tilespmem:s25+$0x250] =	vst v0  }
0x35: {  	[tilespmem:s25+$0x260] =	vst v0  }
0x36: {  	[spmem:s15] =	stream.linear.scatter [tilespmem:s5], [sflag:$0x3], $0x2800, $0x38;
	[tilespmem:$0x19200] =	vst v63  }
0x37: {  	_ =	swait.ge [sflag:s6], $0x2800  }
0x38: {  	[sflag:s6] =	ssyncset.done $0x0  }
0x39: {  	[sflag:s6] =	ssyncadd.s32 $0xFFFFD800  }
0x3a: {  	[spmem:s16] =	stream.linear.scatter [tilespmem:s5], [sflag:$0x3], $0x2800, $0x38;
	[tilespmem:$0x19200] =	vst v63  }
0x3b: {  	_ =	swait.ge [sflag:s6], $0x2800  }
0x3c: {  	[sflag:s6] =	ssyncset.done $0x0  }
0x3d: {  	[sflag:s6] =	ssyncadd.s32 $0xFFFFD800  }
0x3e: {  	[spmem:s17] =	stream.linear.scatter [tilespmem:s5], [sflag:$0x3], $0x2800, $0x38;
	[tilespmem:$0x19200] =	vst v63  }
0x3f: {  	_ =	swait.ge [sflag:s6], $0x2800  }
0x40: {  	[sflag:s6] =	ssyncset.done $0x0  }
0x41: {  	[sflag:s6] =	ssyncadd.s32 $0xFFFFD800  }
0x42: {  	[spmem:s18] =	stream.linear.scatter [tilespmem:s5], [sflag:$0x3], $0x2800, $0x38;
	[tilespmem:$0x19200] =	vst v63  }
0x43: {  	_ =	swait.ge [sflag:s6], $0x2800  }
0x44: {  	[sflag:s6] =	ssyncset.done $0x0  }
0x45: {  	[sflag:s6] =	ssyncadd.s32 $0xFFFFD800  }
0x46: {  	[spmem:s19] =	stream.linear.scatter [tilespmem:s5], [sflag:$0x3], $0x2800, $0x38;
	[tilespmem:$0x19200] =	vst v63  }
0x47: {  	_ =	swait.ge [sflag:s6], $0x2800  }
0x48: {  	[sflag:s6] =	ssyncset.done $0x0  }
0x49: {  	[sflag:s6] =	ssyncadd.s32 $0xFFFFD800  }
0x4a: {  	[spmem:s20] =	stream.linear.scatter [tilespmem:s5], [sflag:$0x3], $0x2800, $0x38;
	[tilespmem:$0x19200] =	vst v63  }
0x4b: {  	_ =	swait.ge [sflag:s6], $0x2800  }
0x4c: {  	[sflag:s6] =	ssyncset.done $0x0  }
0x4d: {  	[sflag:s6] =	ssyncadd.s32 $0xFFFFD800  }
0x4e: {  	[spmem:s21] =	stream.linear.scatter [tilespmem:s5], [sflag:$0x3], $0x2800, $0x38;
	[tilespmem:$0x19200] =	vst v63  }
0x4f: {  	_ =	swait.ge [sflag:s6], $0x2800  }
0x50: {  	[sflag:s6] =	ssyncset.done $0x0  }
0x51: {  	[sflag:s6] =	ssyncadd.s32 $0xFFFFD800  }
0x52: {  	[spmem:s22] =	stream.linear.scatter [tilespmem:s5], [sflag:$0x3], $0x2800, $0x38;
	[tilespmem:$0x19200] =	vst v63  }
0x53: {  	_ =	swait.ge [sflag:s6], $0x2800  }
0x54: {  	[sflag:s6] =	ssyncset.done $0x0  }
0x55: {  	[sflag:s6] =	ssyncadd.s32 $0xFFFFD800  }
0x56: {  	[bflag:$0x0] =	sbarrier.arrive $0xFFFF  }
0x57: {  	s25 =	simm.s32 $0x0;
	s26 =	rddreg [dreg:$0xf]  }
0x58: {  	[tilespmem:s25], [sflag:$0x3] =	stream.linear.gather [hbm4b:s26+s25], $0x50, $0x38;
	[tilespmem:$0x19200] =	vst v63  }
0x59: {  	_ =	swait.ge [sflag:s6], $0x50  }
0x5a: {  	[sflag:s6] =	ssyncset.done $0x0  }
0x5b: {  	s30 =	rddreg [dreg:$0x10];
	[sflag:s6] =	ssyncadd.s32 $0xFFFFFFB0  }
0x5c: {  	[tilespmem:s7], [sflag:$0x3] =	stream.linear.gather [hbm4b:s30+s25], $0x50, $0x38;
	[tilespmem:$0x19200] =	vst v63  }
0x5d: {  	_ =	swait.ge [sflag:s6], $0x50  }
0x5e: {  	[sflag:s6] =	ssyncset.done $0x0  }
0x5f: {  	[sflag:s6] =	ssyncadd.s32 $0xFFFFFFB0  }
0x60: {  	[tilespmem:s5], [sflag:$0x1] =	stream.indirect.gather [hbm4b:s13+s8], $0x80, s25, s8, $0xb8;
	[tilespmem:$0x19200] =	vst v63  }
0x61: {  	s28 =	rddreg [dreg:$0xc]  }
0x62: {  	[tilespmem:s9], [sflag:$0x3] =	stream.linear.gather [hbm4b:s28+s25], $0x50, $0x38;
	[tilespmem:$0x19200] =	vst v63  }
0x63: {  	_ =	swait.ge [sflag:s6], $0x50  }
0x64: {  	[sflag:s6] =	ssyncset.done $0x0  }
0x65: {  	s29 =	rddreg [dreg:$0xd];
	[sflag:s6] =	ssyncadd.s32 $0xFFFFFFB0  }
0x66: {  	[tilespmem:s10], [sflag:$0x3] =	stream.linear.gather [hbm4b:s29+s25], $0x50, $0x38;
	[tilespmem:$0x19200] =	vst v63  }
0x67: {  	_ =	swait.ge [sflag:s6], $0x50  }
0x68: {  	[sflag:s6] =	ssyncset.done $0x0  }
0x69: {  	[sflag:s6] =	ssyncadd.s32 $0xFFFFFFB0  }
0x6a: {  	_ =	swait.ge [sflag:s11], $0x2800  }
0x6b: {  	[sflag:s11] =	ssyncset.done $0x0  }
0x6c: {  	[sflag:s11] =	ssyncadd.s32 $0xFFFFD800  }
0x6d: {  	[spmem:s2] =	stream.indirect.scatter.add.f32 [tilespmem:s5], [sflag:$0x2], $0x80, s7, s8, $0xb8;
	[tilespmem:$0x19200] =	vst v63  }
0x6e: {  	_ = 	snop  }
0x6f: {  	[tilespmem:s12], [sflag:$0x1] =	stream.indirect.gather [hbm4b:s13+s8], $0x80, s9, s8, $0xb8;
	[tilespmem:$0x19200] =	vst v63  }
0x70: {  	_ =	swait.ge [sflag:s23], $0x2800  }
0x71: {  	s30 =	sshrl.u32 s3, $0x3;
	[sflag:s23] =	ssyncset.done $0x0  }
0x72: {  	s28 =	sadd.s32 s14, s30;
	[sflag:s23] =	ssyncadd.s32 $0xFFFFD800  }
0x73: {  	[tilespmem:s4], [sflag:$0x3] =	stream.linear.gather [hbm4b:s28+s4], $0x50, $0x38;
	[tilespmem:$0x19200] =	vst v63  }
0x74: {  	_ =	swait.ge [sflag:s6], $0x50  }
0x75: {  	[sflag:s6] =	ssyncset.done $0x0  }
0x76: {  	s25 =	sadd.s32 s1, s30;
	[sflag:s6] =	ssyncadd.s32 $0xFFFFFFB0  }
0x77: {  	[tilespmem:s7], [sflag:$0x3] =	stream.linear.gather [hbm4b:s25+s4], $0x50, $0x38;
	[tilespmem:$0x19200] =	vst v63  }
0x78: {  	_ =	swait.ge [sflag:s6], $0x50  }
0x79: {  	[sflag:s6] =	ssyncset.done $0x0  }
0x7a: {  	[sflag:s6] =	ssyncadd.s32 $0xFFFFFFB0  }
0x7b: {  	_ =	swait.ge [sflag:s11], $0x2800  }
0x7c: {  	[sflag:s11] =	ssyncset.done $0x0  }
0x7d: {  	[sflag:s11] =	ssyncadd.s32 $0xFFFFD800  }
0x7e: {  	[spmem:s2] =	stream.indirect.scatter.add.f32 [tilespmem:s12], [sflag:$0x2], $0x80, s10, s8, $0xb8;
	[tilespmem:$0x19200] =	vst v63  }
0x7f: {  	_ = 	snop  }
0x80: {  	[tilespmem:s5], [sflag:$0x1] =	stream.indirect.gather [hbm4b:s13+s8], $0x80, s4, s8, $0xb8;
	[tilespmem:$0x19200] =	vst v63  }
0x81: {  	_ =	swait.ge [sflag:s23], $0x2800  }
0x82: {  	[sflag:s23] =	ssyncset.done $0x0  }
0x83: {  	s29 =	sadd.s32 $0x0, s0;
	[sflag:s23] =	ssyncadd.s32 $0xFFFFD800  }
0x84: {  	[tilespmem:s9], [sflag:$0x3] =	stream.linear.gather [hbm4b:s29+s4], $0x50, $0x38;
	[tilespmem:$0x19200] =	vst v63  }
0x85: {  	_ =	swait.ge [sflag:s6], $0x50  }
0x86: {  	[sflag:s6] =	ssyncset.done $0x0  }
0x87: {  	s30 =	sadd.s32 $0x0, s31;
	[sflag:s6] =	ssyncadd.s32 $0xFFFFFFB0  }
0x88: {  	[tilespmem:s10], [sflag:$0x3] =	stream.linear.gather [hbm4b:s30+s4], $0x50, $0x38;
	[tilespmem:$0x19200] =	vst v63  }
0x89: {  	_ =	swait.ge [sflag:s6], $0x50  }
0x8a: {  	[sflag:s6] =	ssyncset.done $0x0  }
0x8b: {  	[sflag:s6] =	ssyncadd.s32 $0xFFFFFFB0  }
0x8c: {  	_ =	swait.ge [sflag:s11], $0x2800  }
0x8d: {  	[sflag:s11] =	ssyncset.done $0x0  }
0x8e: {  	s26 =	sadd.s32 $0xA0, s3;
	s25 =	simm.s32 $0x14;
	[sflag:s11] =	ssyncadd.s32 $0xFFFFD800  }
0x8f: {  	[spmem:s2] =	stream.indirect.scatter.add.f32 [tilespmem:s5], [sflag:$0x2], $0x80, s7, s8, $0xb8;
	[tilespmem:$0x19200] =	vst v63  }
.LBB2_4:
0x90: {  	[tilespmem:s12], [sflag:$0x1] =	stream.indirect.gather [hbm4b:s13+s8], $0x80, s9, s8, $0xb8;
	[tilespmem:$0x19200] =	vst v63  }
0x91: {  	s28 =	smov.u32 s25  }
0x92: {  	p0 =	sne.s32 s25, $0x4B0;
	s25 =	sadd.s32 $0x14, s25;
	_ =	swait.ge [sflag:s23], $0x2800  }
0x93: {  	s29 =	sshrl.u32 s26, $0x3;
	[sflag:s23] =	ssyncset.done $0x0  }
0x94: {  	s30 =	sadd.s32 s14, s29;
	[sflag:s23] =	ssyncadd.s32 $0xFFFFD800  }
0x95: {  	[tilespmem:s4], [sflag:$0x3] =	stream.linear.gather [hbm4b:s30+s4], $0x50, $0x38;
	[tilespmem:$0x19200] =	vst v63  }
0x96: {  	_ =	swait.ge [sflag:s6], $0x50  }
0x97: {  	[sflag:s6] =	ssyncset.done $0x0  }
0x98: {  	s29 =	sadd.s32 s1, s29;
	[sflag:s6] =	ssyncadd.s32 $0xFFFFFFB0  }
0x99: {  	[tilespmem:s7], [sflag:$0x3] =	stream.linear.gather [hbm4b:s29+s4], $0x50, $0x38;
	[tilespmem:$0x19200] =	vst v63  }
0x9a: {  	_ =	swait.ge [sflag:s6], $0x50  }
0x9b: {  	[sflag:s6] =	ssyncset.done $0x0  }
0x9c: {  	[sflag:s6] =	ssyncadd.s32 $0xFFFFFFB0  }
0x9d: {  	_ =	swait.ge [sflag:s11], $0x2800  }
0x9e: {  	[sflag:s11] =	ssyncset.done $0x0  }
0x9f: {  	[sflag:s11] =	ssyncadd.s32 $0xFFFFD800  }
0xa0: {  	[spmem:s2] =	stream.indirect.scatter.add.f32 [tilespmem:s12], [sflag:$0x2], $0x80, s10, s8, $0xb8;
	[tilespmem:$0x19200] =	vst v63  }
0xa1: {  	_ = 	snop  }
0xa2: {  	[tilespmem:s5], [sflag:$0x1] =	stream.indirect.gather [hbm4b:s13+s8], $0x80, s4, s8, $0xb8;
	[tilespmem:$0x19200] =	vst v63  }
0xa3: {  	_ =	swait.ge [sflag:s23], $0x2800  }
0xa4: {  	[sflag:s23] =	ssyncset.done $0x0  }
0xa5: {  	s29 =	sadd.s32 s28, s0;
	[sflag:s23] =	ssyncadd.s32 $0xFFFFD800  }
0xa6: {  	[tilespmem:s9], [sflag:$0x3] =	stream.linear.gather [hbm4b:s29+s4], $0x50, $0x38;
	[tilespmem:$0x19200] =	vst v63  }
0xa7: {  	_ =	swait.ge [sflag:s6], $0x50  }
0xa8: {  	[sflag:s6] =	ssyncset.done $0x0  }
0xa9: {  	s28 =	sadd.s32 s28, s31;
	[sflag:s6] =	ssyncadd.s32 $0xFFFFFFB0  }
0xaa: {  	[tilespmem:s10], [sflag:$0x3] =	stream.linear.gather [hbm4b:s28+s4], $0x50, $0x38;
	[tilespmem:$0x19200] =	vst v63  }
0xab: {  	_ =	swait.ge [sflag:s6], $0x50  }
0xac: {  	[sflag:s6] =	ssyncset.done $0x0  }
0xad: {  	[sflag:s6] =	ssyncadd.s32 $0xFFFFFFB0  }
.Ltmp1:
0xae: {  	_ =	swait.ge [sflag:s11], $0x2800;
	(pc) =	sbr.rel @p0 .LBB2_4-.Ltmp1, $4  }
0xaf: {  	[sflag:s11] =	ssyncset.done $0x0  }
0xb0: {  	[sflag:s11] =	ssyncadd.s32 $0xFFFFD800  }
0xb1: {  	[spmem:s2] =	stream.indirect.scatter.add.f32 [tilespmem:s5], [sflag:$0x2], $0x80, s7, s8, $0xb8;
	[tilespmem:$0x19200] =	vst v63  }
0xb2: {  	s26 =	sadd.s32 $0xA0, s26  }
0xb3: {  	[tilespmem:s12], [sflag:$0x1] =	stream.indirect.gather [hbm4b:s13+s8], $0x80, s9, s8, $0xb8;
	[tilespmem:$0x19200] =	vst v63  }
0xb4: {  	_ =	swait.ge [sflag:s23], $0x2800  }
0xb5: {  	[sflag:s23] =	ssyncset.done $0x0  }
0xb6: {  	s25 =	rddreg [dreg:$0x11];
	[sflag:s23] =	ssyncadd.s32 $0xFFFFD800  }
0xb7: {  	[tilespmem:s4], [sflag:$0x3] =	stream.linear.gather [hbm4b:s25+s4], $0x50, $0x38;
	[tilespmem:$0x19200] =	vst v63  }
0xb8: {  	_ =	swait.ge [sflag:s6], $0x50  }
0xb9: {  	[sflag:s6] =	ssyncset.done $0x0  }
0xba: {  	s28 =	rddreg [dreg:$0x12];
	[sflag:s6] =	ssyncadd.s32 $0xFFFFFFB0  }
0xbb: {  	[tilespmem:s7], [sflag:$0x3] =	stream.linear.gather [hbm4b:s28+s4], $0x50, $0x38;
	[tilespmem:$0x19200] =	vst v63  }
0xbc: {  	_ =	swait.ge [sflag:s6], $0x50  }
0xbd: {  	[sflag:s6] =	ssyncset.done $0x0  }
0xbe: {  	[sflag:s6] =	ssyncadd.s32 $0xFFFFFFB0  }
0xbf: {  	_ =	swait.ge [sflag:s11], $0x2800  }
0xc0: {  	[sflag:s11] =	ssyncset.done $0x0  }
0xc1: {  	[sflag:s11] =	ssyncadd.s32 $0xFFFFD800  }
0xc2: {  	[spmem:s2] =	stream.indirect.scatter.add.f32 [tilespmem:s12], [sflag:$0x2], $0x80, s10, s8, $0xb8;
	[tilespmem:$0x19200] =	vst v63  }
0xc3: {  	_ = 	snop  }
0xc4: {  	[tilespmem:s5], [sflag:$0x1] =	stream.indirect.gather [hbm4b:s13+s8], $0x80, s4, s8, $0xb8;
	[tilespmem:$0x19200] =	vst v63  }
0xc5: {  	_ =	swait.ge [sflag:s23], $0x2800  }
0xc6: {  	[sflag:s23] =	ssyncset.done $0x0  }
0xc7: {  	[sflag:s23] =	ssyncadd.s32 $0xFFFFD800  }
0xc8: {  	_ =	swait.ge [sflag:s11], $0x2800  }
0xc9: {  	[sflag:s11] =	ssyncset.done $0x0  }
0xca: {  	[sflag:s11] =	ssyncadd.s32 $0xFFFFD800  }
0xcb: {  	[spmem:s2] =	stream.indirect.scatter.add.f32 [tilespmem:s5], [sflag:$0x2], $0x80, s7, s8, $0xb8;
	[tilespmem:$0x19200] =	vst v63  }
0xcc: {  	_ =	swait.ge [sflag:s23], $0x2800  }
0xcd: {  	[sflag:s23] =	ssyncset.done $0x0  }
0xce: {  	s29 =	stileid.u32;
	[sflag:s23] =	ssyncadd.s32 $0xFFFFD800  }
0xcf: {  	s25 =	sshll.u32 s29, $0x6;
	[bflag:$0x0] =	sbarrier.arrive $0xFFFF  }
0xd0: {  	s26 =	sshrl.u32 s15, $0x3;
	s25 =	sor.u32 $0x1C03, s25;
	s28 =	rddreg [dreg:$0x4]  }
0xd1: {  	[hbm:s28], [sflag:s25] =	dma.local [spmem:s26], $0x500  }
0xd2: {  	_ =	swait.ge [sflag:s6], $0x500  }
0xd3: {  	[sflag:s6] =	ssyncset.done $0x0  }
0xd4: {  	s30 =	sshrl.u32 s16, $0x3;
	s29 =	rddreg [dreg:$0x5];
	[sflag:s6] =	ssyncadd.s32 $0xFFFFFB00  }
0xd5: {  	[hbm:s29], [sflag:s25] =	dma.local [spmem:s30], $0x500  }
0xd6: {  	_ =	swait.ge [sflag:s6], $0x500  }
0xd7: {  	[sflag:s6] =	ssyncset.done $0x0  }
0xd8: {  	s30 =	sshrl.u32 s17, $0x3;
	s29 =	rddreg [dreg:$0x6];
	[sflag:s6] =	ssyncadd.s32 $0xFFFFFB00  }
0xd9: {  	[hbm:s29], [sflag:s25] =	dma.local [spmem:s30], $0x500  }
0xda: {  	_ =	swait.ge [sflag:s6], $0x500  }
0xdb: {  	[sflag:s6] =	ssyncset.done $0x0  }
0xdc: {  	s30 =	sshrl.u32 s18, $0x3;
	s29 =	rddreg [dreg:$0x7];
	[sflag:s6] =	ssyncadd.s32 $0xFFFFFB00  }
0xdd: {  	[hbm:s29], [sflag:s25] =	dma.local [spmem:s30], $0x500  }
0xde: {  	_ =	swait.ge [sflag:s6], $0x500  }
0xdf: {  	[sflag:s6] =	ssyncset.done $0x0  }
0xe0: {  	s30 =	sshrl.u32 s19, $0x3;
	s29 =	rddreg [dreg:$0x8];
	[sflag:s6] =	ssyncadd.s32 $0xFFFFFB00  }
0xe1: {  	[hbm:s29], [sflag:s25] =	dma.local [spmem:s30], $0x500  }
0xe2: {  	_ =	swait.ge [sflag:s6], $0x500  }
0xe3: {  	[sflag:s6] =	ssyncset.done $0x0  }
0xe4: {  	s30 =	sshrl.u32 s20, $0x3;
	s29 =	rddreg [dreg:$0x9];
	[sflag:s6] =	ssyncadd.s32 $0xFFFFFB00  }
0xe5: {  	[hbm:s29], [sflag:s25] =	dma.local [spmem:s30], $0x500  }
0xe6: {  	_ =	swait.ge [sflag:s6], $0x500  }
0xe7: {  	[sflag:s6] =	ssyncset.done $0x0  }
0xe8: {  	s30 =	sshrl.u32 s21, $0x3;
	s29 =	rddreg [dreg:$0xa];
	[sflag:s6] =	ssyncadd.s32 $0xFFFFFB00  }
0xe9: {  	[hbm:s29], [sflag:s25] =	dma.local [spmem:s30], $0x500  }
0xea: {  	_ =	swait.ge [sflag:s6], $0x500  }
0xeb: {  	[sflag:s6] =	ssyncset.done $0x0  }
0xec: {  	s30 =	sshrl.u32 s22, $0x3;
	s29 =	rddreg [dreg:$0xb];
	[sflag:s6] =	ssyncadd.s32 $0xFFFFFB00  }
0xed: {  	[hbm:s29], [sflag:s25] =	dma.local [spmem:s30], $0x500  }
0xee: {  	_ =	swait.ge [sflag:s6], $0x500  }
0xef: {  	s24 =	sadd.s32 $0x1, s24;
	s30 =	rddreg [dreg:$0xe]  }
0xf0: {  	p0 =	sne.s32 s24, s30  }
.Ltmp2:
0xf1: {  	_ = 	snop;
	(pc) =	sbr.rel @p0 .LBB2_1-.Ltmp2, $3  }
0xf2: {  	_ =	sdelay $0x1  }
0xf3: {  	[sflag:s6] =	ssyncset.done $0x0  }
0xf4: {  	[sflag:s6] =	ssyncadd.s32 $0xFFFFFB00  }
0xf5: {  	_ =	sfence.sel $0x180000  }
0xf6: {  	[bflag:$0x0] =	sbarrier.arrive $0xFFFF  }
0xf7: {  	_ =	strace $0x9000004A  }
0xf8: {  	s0 =	stileid.u32;
	[bflag:$0x2] =	sbarrier.arrive $0xFFFF  }
0xf9: {  	p0 =	sne.s32 s0, $0x0;
	s0 =	rddreg [dreg:$0x3]  }
0xfa: {  	s0 =	sadd.s32 @!p0 $0x100000, s0  }
0xfb: {  	[sflag:s0] =	ssyncadd.tile.s32 @!p0 $0x1;
	_ =	shalt  }
.Lfunc_end2:
_tile_overlayer_lowered:
.L_overlay_start_2:
0xfc: {  	(tag) =	ssettag $0x2  }
0xfd: {  	s0 =	rddreg [dreg:$0x0];
	s2 =	stileid.u32  }
0xfe: {  	s1 =	rddreg [dreg:$0x1];
	p0 =	sne.s32 s2, $0x0  }
0xff: {  	s3 =	rddreg [dreg:$0x2];
	[bflag:$0x3] =	sbarrier.arrive $0xFFFF;
	s2 =	simm.s32 @!p0 $0x1C03  }
0x100: {  	[timem:s3], [sflag:s2] =	dma.local @!p0 [hbm:s0], s1  }
0x101: {  	s0 =	simm.s32 @!p0 $0x3  }
0x102: {  	_ =	swait.ge @!p0 [sflag:s0], s1  }
0x103: {  	s1 =	ssub.s32 @!p0 $0x0, s1;
	[sflag:s0] =	ssyncset.done @!p0 $0x0  }
0x104: {  	[sflag:s0] =	ssyncadd.s32 @!p0 s1  }
0x105: {  	[bflag:$0x3] =	sbarrier.arrive $0xFFFF  }
0x106: {  	_ =	shalt  }

// kernel: kernel.16.cloned.1.call-start
scs
__scs_entry_jumppad:
0x0: {  	(pc) =	sbr.rel $0x88, $3  }
0x1: {  	(tag) =	ssettag $0x0;
	lr =	simm.s32 $0x1  }
0x2: {  	[smem:$0x3F99] =	sst lr;
	_ =	strace $0xD0000000  }
0x3: {  	_ = 	snop  }
0x4: {  	_ = 	snop  }
0x5: {  	_ = 	snop  }
0x6: {  	_ = 	snop  }
0x7: {  	_ = 	snop  }
__scs_overlays_trampoline_lowered:
0x8: {  	[smem:$0x3FA8] =	sst s0  }
0x9: {  	[smem:$0x3FA9] =	sst s1  }
0xa: {  	[smem:$0x3FAA] =	sst s2  }
0xb: {  	[smem:$0x3FAB] =	sst s3  }
0xc: {  	[smem:$0x3FAC] =	sst s4  }
0xd: {  	[smem:$0x3FAD] =	sst s5  }
0xe: {  	[smem:$0x3FAE] =	sst s6  }
0xf: {  	[smem:$0x3FAF] =	sst s7  }
0x10: {  	[smem:$0x3FB0] =	sst s8  }
0x11: {  	[smem:$0x3FB1] =	sst s9;
	s0 =	simm.s32 @!p0 $0x0  }
0x12: {  	s1 =	sld [smem:$0x3F97];
	s0 =	simm.s32 @p0 $0x1  }
0x13: {  	[smem:$0x3FB2] =	sst s0;
	s0 =	simm.s32 @!p1 $0x0  }
0x14: {  	s2 =	sld [smem:$0x3F96];
	s0 =	simm.s32 @p1 $0x1  }
0x15: {  	[smem:$0x3FB3] =	sst s0;
	s0 =	simm.s32 @!p2 $0x0  }
0x16: {  	s3 =	sld [smem:$0x3FDB];
	s0 =	simm.s32 @p2 $0x1  }
0x17: {  	s4 =	simm.s32 $0x1BF5;
	[smem:$0x3FB5] =	sst s0  }
0x18: {  	s0 =	sld [smem:$0x3F98];
	_ =	swait.ge [sflag:s4], $0x0  }
0x19: {  	s7 =	sld [smem:$0x3F99]  }
0x1a: {  	s8 =	sadd.s32 $0xFFFFE003, lr  }
0x1b: {  	s9 =	sadd.s32 $0xFFFFFEF7, lr;
	s5 =	simm.s32 $0xFFFFFFFF;
	p2 =	slt.u32 s8, $0xFFFFF086  }
0x1c: {  	p1 =	slt.u32 s9, $0xF7A;
	s5 =	simm.s32 @!p2 $0x0  }
0x1d: {  	s5 =	simm.s32 @p1 $0x1;
	p0 =	seq.s32 s7, s2  }
0x1e: {  	s7 =	smul.u32 @!p0 $0xF7A, s2;
	p2 =	seq.s32 @!p0 s5, $0x0  }
0x1f: {  	s9 =	smul.u32 $0xF7A, s1;
	s8 =	simm.s32 @!p0 $0x1BF5;
	p2 =	por !p2, p0  }
0x20: {  	[sflag:s8] =	ssyncset.s32 @!p0 $0xFFFFF086;
	s6 =	sadd.s32 @!p0 s3, s7;
	s7 =	simm.s32 @!p0 $0x108  }
0x21: {  	s3 =	sadd.s32 s3, s9;
	s6 =	sadd.s32 @!p0 $0x88, s6;
	s7 =	simm.s32 @p2 $0x1082  }
0x22: {  	[simem:s7], [sflag:s8] =	dma.local @!p0 [hbm:s6], $0xF7A  }
0x23: {  	s9 =	sor.u32 $0xD0000000, s2;
	s6 =	simm.s32 $0x108;
	_ =	swait.ge @!p0 [sflag:s8], $0x0  }
0x24: {  	s3 =	sadd.s32 $0x88, s3;
	s6 =	simm.s32 @!p1 $0x1082;
	[sflag:s4] =	ssyncset.s32 $0xFFFFF086  }
0x25: {  	[simem:s6], [sflag:s4] =	dma.local [hbm:s3], $0xF7A  }
0x26: {  	[smem:$0x3F99] =	sst s1;
	(tag) =	ssettag s2;
	_ =	strace s9  }
0x27: {  	s1 =	sld [smem:$0x3FA9]  }
0x28: {  	s2 =	sld [smem:$0x3FAA]  }
0x29: {  	s4 =	sld [smem:$0x3FAC]  }
0x2a: {  	p0 =	seq.s32 s5, $0x0;
	s5 =	sld [smem:$0x3FAD]  }
0x2b: {  	s6 =	sld [smem:$0x3FAE]  }
0x2c: {  	s7 =	sld [smem:$0x3FAF]  }
0x2d: {  	s3 =	simm.s32 $0x108;
	s8 =	sld [smem:$0x3FB0]  }
0x2e: {  	s3 =	simm.s32 @!p0 $0x1082;
	s9 =	sld [smem:$0x3FB1]  }
0x2f: {  	lr =	sadd.s32 s0, s3;
	s0 =	sld [smem:$0x3FA8]  }
0x30: {  	s3 =	sld [smem:$0x3FAB]  }
0x31: {  	[smem:$0x3FB4] =	sst s10  }
0x32: {  	s10 =	sld [smem:$0x3FB2];
	_ =	sdelay $0x3  }
0x33: {  	p0 =	seq.s32 s10, $0x1;
	s10 =	sld [smem:$0x3FB4];
	_ =	sdelay $0x3  }
0x34: {  	[smem:$0x3FB4] =	sst s10  }
0x35: {  	s10 =	sld [smem:$0x3FB3];
	_ =	sdelay $0x3  }
0x36: {  	p1 =	seq.s32 s10, $0x1;
	s10 =	sld [smem:$0x3FB4];
	_ =	sdelay $0x3  }
0x37: {  	[smem:$0x3FB4] =	sst s10  }
0x38: {  	s10 =	sld [smem:$0x3FB5]  }
0x39: {  	_ = 	snop;
	(pc) =	sbr.ind lr, $3  }
0x3a: {  	_ = 	snop  }
0x3b: {  	_ = 	snop  }
0x3c: {  	p2 =	seq.s32 s10, $0x1;
	s10 =	sld [smem:$0x3FB4]  }
0x3d: {  	_ =	shalt  }
0x3e: {  	_ =	shalt  }
0x3f: {  	_ =	shalt  }
0x40: {  	_ =	shalt  }
0x41: {  	_ =	shalt  }
0x42: {  	_ =	shalt  }
0x43: {  	_ =	shalt  }
0x44: {  	_ =	shalt  }
0x45: {  	_ =	shalt  }
0x46: {  	_ =	shalt  }
0x47: {  	_ =	shalt  }
0x48: {  	_ =	shalt  }
0x49: {  	_ =	shalt  }
0x4a: {  	_ =	shalt  }
0x4b: {  	_ =	shalt  }
0x4c: {  	_ =	shalt  }
0x4d: {  	_ =	shalt  }
0x4e: {  	_ =	shalt  }
0x4f: {  	_ =	shalt  }
0x50: {  	_ =	shalt  }
0x51: {  	_ =	shalt  }
0x52: {  	_ =	shalt  }
0x53: {  	_ =	shalt  }
0x54: {  	_ =	shalt  }
0x55: {  	_ =	shalt  }
0x56: {  	_ =	shalt  }
0x57: {  	_ =	shalt  }
0x58: {  	_ =	shalt  }
0x59: {  	_ =	shalt  }
0x5a: {  	_ =	shalt  }
0x5b: {  	_ =	shalt  }
0x5c: {  	_ =	shalt  }
0x5d: {  	_ =	shalt  }
0x5e: {  	_ =	shalt  }
0x5f: {  	_ =	shalt  }
0x60: {  	_ =	shalt  }
0x61: {  	_ =	shalt  }
0x62: {  	_ =	shalt  }
0x63: {  	_ =	shalt  }
0x64: {  	_ =	shalt  }
0x65: {  	_ =	shalt  }
0x66: {  	_ =	shalt  }
0x67: {  	_ =	shalt  }
0x68: {  	_ =	shalt  }
0x69: {  	_ =	shalt  }
0x6a: {  	_ =	shalt  }
0x6b: {  	_ =	shalt  }
0x6c: {  	_ =	shalt  }
0x6d: {  	_ =	shalt  }
0x6e: {  	_ =	shalt  }
0x6f: {  	_ =	shalt  }
0x70: {  	_ =	shalt  }
0x71: {  	_ =	shalt  }
0x72: {  	_ =	shalt  }
0x73: {  	_ =	shalt  }
0x74: {  	_ =	shalt  }
0x75: {  	_ =	shalt  }
0x76: {  	_ =	shalt  }
0x77: {  	_ =	shalt  }
0x78: {  	_ =	shalt  }
0x79: {  	_ =	shalt  }
0x7a: {  	_ =	shalt  }
0x7b: {  	_ =	shalt  }
0x7c: {  	_ =	shalt  }
0x7d: {  	_ =	shalt  }
0x7e: {  	_ =	shalt  }
0x7f: {  	_ =	shalt  }
0x80: {  	_ =	shalt  }
0x81: {  	_ =	shalt  }
0x82: {  	_ =	shalt  }
0x83: {  	_ =	shalt  }
0x84: {  	_ =	shalt  }
0x85: {  	_ =	shalt  }
0x86: {  	_ =	shalt  }
0x87: {  	_ =	shalt  }
.Lfunc_end0:
.L_simem_size_0:
called_computation.2_lowered:
.L_overlay_start_0:
0x88: {  	s2 =	sld [smem:$0x3FD9]  }
0x89: {  	s3 =	sld [smem:$0x3FFE];
	_ =	sdelay $0x1  }
0x8a: {  	s1 =	srdreg.scid  }
0x8b: {  	s0 =	sand.u32 $0x1, s1  }
0x8c: {  	s17 =	sshll.u32 s0, $0xA;
	s2 =	sadd.s32 s3, s2  }
0x8d: {  	s2 =	sadd.s32 s2, s17  }
0x8e: {  	[smem:$0x3FC0] =	sst s2  }
0x8f: {  	_ = 	snop  }
0x90: {  	s2 =	sld [smem:$0x3FD0];
	(tm) =	ssettm $0x1  }
0x91: {  	s18 =	sld [smem:$0x3FFB];
	_ =	sdelay $0x3  }
0x92: {  	_ =	strace s18  }
0x93: {  	s3 =	sld [smem:$0x3FFC];
	_ =	sdelay $0x3  }
0x94: {  	_ =	strace s3  }
0x95: {  	s3 =	sld [smem:$0x3FFD];
	_ =	sdelay $0x3  }
0x96: {  	_ =	strace s3  }
0x97: {  	_ =	strace $0x8FFFFFFF  }
0x98: {  	s19 =	sld [smem:$0x3FDB];
	_ =	sdelay $0x1  }
0x99: {  	s4 =	simm.s32 $_scs_section_size  }
0x9a: {  	s5 =	simm.s32 $_size__tile_overlayer_lowered;
	s6 =	simm.s32 $_tile_overlayer_lowered  }
0x9b: {  	s22 =	simm.s32 $0x1BFF;
	s21 =	sshll.u32 s6, $0x1;
	s3 =	sadd.s32 s4, s19  }
0x9c: {  	s7 =	simm.s32 $0x0;
	s20 =	sshll.u32 s5, $0x1;
	s5 =	sadd.s32 s21, s3  }
0x9d: {  	[timem:s7], [sflag:s22] =	dma.local [hbm:s5], s20  }
0x9e: {  	_ =	swait.ge [sflag:s22], s20  }
0x9f: {  	s4 =	ssub.s32 $0x0, s20;
	[sflag:s22] =	ssyncset.done $0x0  }
0xa0: {  	[sflag:s22] =	ssyncadd.s32 s4;
	_ =	sdelay $0x1  }
0xa1: {  	s23 =	simm.s32 $0x1B8B  }
0xa2: {  	_ =	swait.ge [sflag:s23], $0x1  }
0xa3: {  	[sflag:s23] =	ssyncset.done $0x0  }
0xa4: {  	s25 =	simm.s32 $0x1B8E;
	s24 =	sld [smem:$0x3FFE];
	[sflag:s23] =	ssyncadd.s32 $0xFFFFFFFF  }
0xa5: {  	s26 =	simm.s32 $execute0_lowered;
	[smem:$0x3FD2] =	sst s25  }
0xa6: {  	s5 =	sshll.u32 s26, $0x1;
	_ =	strace $0x8000004C;
	[dreg:$0x1] =	wrdreg $0xFFFFFFFF  }
0xa7: {  	s28 =	simm.s32 $_size_execute0_lowered;
	s3 =	sadd.s32 s3, s5;
	[dreg:$0x0] =	wrdreg $0x0  }
0xa8: {  	s5 =	sshll.u32 s28, $0x1;
	[dreg:$0x2] =	wrdreg s3  }
0xa9: {  	[dreg:$0x3] =	wrdreg s5  }
0xaa: {  	[dreg:$0x4] =	wrdreg $0xC0  }
0xab: {  	_ =	task [dreg:s7], $0x5FFFF  }
0xac: {  	[dreg:$0x1] =	wrdreg $0xFFFFFFFF  }
0xad: {  	[dreg:$0x0] =	wrdreg $0x60  }
0xae: {  	[dreg:$0x2] =	wrdreg s24  }
0xaf: {  	[dreg:$0x3] =	wrdreg s2  }
0xb0: {  	[dreg:$0x4] =	wrdreg $0x52000  }
0xb1: {  	[dreg:$0x5] =	wrdreg $0x9  }
0xb2: {  	_ =	task.clear_ibuf [dreg:s7], $0x6FFFF;
	_ =	strace $0x9000004C  }
0xb3: {  	s29 =	simm.s32 $0x9;
	_ =	strace $0x8000004E  }
0xb4: {  	_ =	swait.ge [sflag:s29], $0x1  }
0xb5: {  	[sflag:s29] =	ssyncadd.s32 $0xFFFFFFFF  }
0xb6: {  	_ =	strace $0x9000004E  }
0xb7: {  	_ =	sfence  }
0xb8: {  	s30 =	sld [smem:$0x0];
	_ =	sdelay $0x2  }
0xb9: {  	s31 =	sshll.u32 s1, $0xD;
	s1 =	sshrl.u32 s1, $0x2  }
0xba: {  	s3 =	sand.u32 $0x4000, s31;
	s1 =	sadd.s32 s1, s30  }
0xbb: {  	s0 =	sor.u32 s3, s0;
	s1 =	sshll.u32 s1, $0x11  }
0xbc: {  	s0 =	sor.u32 s1, s0  }
0xbd: {  	s0 =	sadd.s32 $0x8F2B, s0  }
0xbe: {  	[sflag:s0] =	ssyncadd.remote.s32 $0x1  }
0xbf: {  	_ =	sfence.sel $0xFFFF  }
0xc0: {  	[dreg:$0x0] =	wrdreg $0xFFFFFFFF;
	(pc) =	sbr.abs _section_cstart, $3  }
0xc1: {  	[dreg:$0x1] =	wrdreg $0xFFFFFFFF  }
0xc2: {  	_ =	task.clear_ibuf [dreg:s7], $0x2FFFF;
	_ =	strace $0x9FFFFFFF  }
0xc3: {  	(tm) =	ssettm $0x7FFFFFFF  }
tec
execute0_lowered:
.L_overlay_start_1:
0x0: {  	(tag) =	ssettag $0x1  }
0x1: {  	s0 =	rddreg [dreg:$0x0]  }
0x2: {  	s1 =	rddreg [dreg:$0x1];
	s16 =	stileid.u32  }
0x3: {  	s2 =	rddreg [dreg:$0x2];
	s7 =	smul.u32 $0x14000, s16  }
0x4: {  	s3 =	srdreg.scid;
	s4 =	simm.s32 $0x0;
	s17 =	smul.u32 $0x2710, s16  }
0x5: {  	s3 =	sand.u32 $0x1, s3;
	[smem:$0x7FF] =	sst s4;
	s19 =	smul.u32 $0x50000, s16  }
0x6: {  	s8 =	sadd.s32 $0x5CA00, s0;
	s5 =	ssub.s32 $0x2, s3;
	s13 =	smul.u32 $0x140000, s3  }
0x7: {  	_ =	strace $0x8000004D;
	s23 =	sshll.u32 s3, $0x4;
	s3 =	smul.u32 $0x27100, s3  }
0x8: {  	s6 =	sshrl.u32 s5, $0x1;
	s9 =	sor.u32 $0x2800, s7;
	s10 =	sadd.s32 $0x5000, s7  }
0x9: {  	s11 =	sadd.s32 $0x7800, s7;
	s12 =	sadd.s32 $0xA000, s7;
	s20 =	sadd.s32 $0xC800, s7  }
0xa: {  	s21 =	sadd.s32 $0xF000, s7;
	s22 =	sadd.s32 $0x11800, s7;
	s5 =	ssub.s32 s5, s6  }
0xb: {  	s7 =	sadd.s32 s7, s13;
	s14 =	sadd.s32 s13, s9;
	s15 =	sadd.s32 s13, s10  }
0xc: {  	s26 =	sadd.s32 s13, s11;
	s28 =	sadd.s32 s13, s12;
	s29 =	sadd.s32 s13, s20  }
0xd: {  	s3 =	sadd.s32 s17, s3;
	s6 =	sor.u32 s16, s23;
	s23 =	sshrl.u32 s19, $0x2  }
0xe: {  	s16 =	sadd.s32 s9, s2;
	s17 =	sadd.s32 s10, s2;
	s19 =	sadd.s32 s12, s2  }
0xf: {  	s20 =	sadd.s32 s20, s2;
	s9 =	simm.s32 $0x100;
	s10 =	simm.s32 $0x180  }
0x10: {  	s12 =	simm.s32 $0x2A00;
	s7 =	sshrl.u32 s7, $0x3;
	s14 =	sshrl.u32 s14, $0x3  }
0x11: {  	s15 =	sshrl.u32 s15, $0x3;
	s6 =	smul.u32 $0x2710, s6;
	s5 =	smax.u32 s5, $0x1  }
0x12: {  	s7 =	sadd.s32 s8, s7;
	s24 =	sadd.s32 s8, s14;
	[dreg:$0xe] =	wrdreg s5  }
0x13: {  	s25 =	sadd.s32 s8, s15;
	s14 =	sshrl.u32 s28, $0x3;
	[dreg:$0x4] =	wrdreg s7  }
0x14: {  	s15 =	sshrl.u32 s29, $0x3;
	s28 =	sadd.s32 $0xF0, s3;
	[dreg:$0x5] =	wrdreg s24  }
0x15: {  	s3 =	sadd.s32 $0xA0, s3;
	[dreg:$0x6] =	wrdreg s25;
	s7 =	sshrl.u32 s26, $0x3  }
0x16: {  	s30 =	sadd.s32 s8, s14;
	s14 =	sadd.s32 s8, s15;
	s15 =	sadd.s32 s13, s21  }
0x17: {  	s13 =	sadd.s32 s13, s22;
	s24 =	sshrl.u32 s6, $0x3;
	s21 =	sadd.s32 s21, s2  }
0x18: {  	s22 =	sadd.s32 s22, s2;
	s5 =	sshrl.u32 s28, $0x3;
	[dreg:$0x8] =	wrdreg s30  }
0x19: {  	s7 =	sadd.s32 s8, s7;
	[dreg:$0x9] =	wrdreg s14;
	s13 =	sshrl.u32 s13, $0x3  }
0x1a: {  	s14 =	sadd.s32 $0x2C00, s0;
	s6 =	sadd.s32 $0xA, s24;
	s29 =	sadd.s32 s1, s24  }
0x1b: {  	s31 =	sadd.s32 s5, s1;
	[dreg:$0x7] =	wrdreg s7;
	s7 =	sshrl.u32 s15, $0x3  }
0x1c: {  	s18 =	sadd.s32 s8, s13;
	s13 =	sadd.s32 $0xCA00, s0;
	[dreg:$0x10] =	wrdreg s29  }
0x1d: {  	s15 =	sadd.s32 s23, s2;
	s25 =	sadd.s32 s14, s6;
	[dreg:$0xb] =	wrdreg s18  }
0x1e: {  	s6 =	sadd.s32 s1, s6;
	s26 =	sadd.s32 s14, s24;
	[dreg:$0xc] =	wrdreg s25  }
0x1f: {  	s0 =	sadd.s32 $0x4D8, s24;
	s23 =	simm.s32 $0x2;
	[dreg:$0xd] =	wrdreg s6  }
0x20: {  	s24 =	simm.s32 $0x0;
	s7 =	sadd.s32 s8, s7;
	[dreg:$0xf] =	wrdreg s26  }
0x21: {  	s18 =	sadd.s32 s11, s2;
	s30 =	sadd.s32 s14, s0;
	[dreg:$0xa] =	wrdreg s7  }
0x22: {  	s0 =	sadd.s32 s1, s0;
	s6 =	simm.s32 $0x3;
	[dreg:$0x11] =	wrdreg s30  }
0x23: {  	s8 =	simm.s32 $0x50;
	s11 =	simm.s32 $0x1;
	[dreg:$0x12] =	wrdreg s0  }
0x24: {  	v0 =	vimm.f32 $0.0e+00;
	s0 =	sadd.s32 s5, s14;
	s5 =	simm.s32 $0x200;
	s7 =	simm.s32 $0x80  }
.LBB2_1:
0x25: {  	s25 =	simm.s32 $0x0;
	s26 =	simm.s32 $0x200  }
.LBB2_2:
0x26: {  	p0 =	sne.s32 s26, $0x9E00;
	[tilespmem:s25+$0x270] =	vst v0  }
0x27: {  	[tilespmem:s25+$0x200] =	vst v0  }
0x28: {  	[tilespmem:s25+$0x210] =	vst v0  }
.Ltmp0:
0x29: {  	[tilespmem:s25+$0x220] =	vst v0;
	(pc) =	sbr.rel @p0 .LBB2_2-.Ltmp0, $4  }
0x2a: {  	[tilespmem:s25+$0x230] =	vst v0  }
0x2b: {  	[tilespmem:s25+$0x240] =	vst v0  }
0x2c: {  	[tilespmem:s25+$0x250] =	vst v0  }
0x2d: {  	[tilespmem:s25+$0x260] =	vst v0;
	s25 =	sshra.s32 s26, $0x2;
	s26 =	sadd.s32 $0x200, s26  }
0x2e: {  	[tilespmem:s25+$0x270] =	vst v0  }
0x2f: {  	[tilespmem:s25+$0x200] =	vst v0  }
0x30: {  	[tilespmem:s25+$0x210] =	vst v0  }
0x31: {  	[tilespmem:s25+$0x220] =	vst v0  }
0x32: {  	[tilespmem:s25+$0x230] =	vst v0  }
0x33: {  	[tilespmem:s25+$0x240] =	vst v0  }
0x34: {  	[tilespmem:s25+$0x250] =	vst v0  }
0x35: {  	[tilespmem:s25+$0x260] =	vst v0  }
0x36: {  	[spmem:s15] =	stream.linear.scatter [tilespmem:s5], [sflag:$0x3], $0x2800, $0x38;
	[tilespmem:$0x19200] =	vst v63  }
0x37: {  	_ =	swait.ge [sflag:s6], $0x2800  }
0x38: {  	[sflag:s6] =	ssyncset.done $0x0  }
0x39: {  	[sflag:s6] =	ssyncadd.s32 $0xFFFFD800  }
0x3a: {  	[spmem:s16] =	stream.linear.scatter [tilespmem:s5], [sflag:$0x3], $0x2800, $0x38;
	[tilespmem:$0x19200] =	vst v63  }
0x3b: {  	_ =	swait.ge [sflag:s6], $0x2800  }
0x3c: {  	[sflag:s6] =	ssyncset.done $0x0  }
0x3d: {  	[sflag:s6] =	ssyncadd.s32 $0xFFFFD800  }
0x3e: {  	[spmem:s17] =	stream.linear.scatter [tilespmem:s5], [sflag:$0x3], $0x2800, $0x38;
	[tilespmem:$0x19200] =	vst v63  }
0x3f: {  	_ =	swait.ge [sflag:s6], $0x2800  }
0x40: {  	[sflag:s6] =	ssyncset.done $0x0  }
0x41: {  	[sflag:s6] =	ssyncadd.s32 $0xFFFFD800  }
0x42: {  	[spmem:s18] =	stream.linear.scatter [tilespmem:s5], [sflag:$0x3], $0x2800, $0x38;
	[tilespmem:$0x19200] =	vst v63  }
0x43: {  	_ =	swait.ge [sflag:s6], $0x2800  }
0x44: {  	[sflag:s6] =	ssyncset.done $0x0  }
0x45: {  	[sflag:s6] =	ssyncadd.s32 $0xFFFFD800  }
0x46: {  	[spmem:s19] =	stream.linear.scatter [tilespmem:s5], [sflag:$0x3], $0x2800, $0x38;
	[tilespmem:$0x19200] =	vst v63  }
0x47: {  	_ =	swait.ge [sflag:s6], $0x2800  }
0x48: {  	[sflag:s6] =	ssyncset.done $0x0  }
0x49: {  	[sflag:s6] =	ssyncadd.s32 $0xFFFFD800  }
0x4a: {  	[spmem:s20] =	stream.linear.scatter [tilespmem:s5], [sflag:$0x3], $0x2800, $0x38;
	[tilespmem:$0x19200] =	vst v63  }
0x4b: {  	_ =	swait.ge [sflag:s6], $0x2800  }
0x4c: {  	[sflag:s6] =	ssyncset.done $0x0  }
0x4d: {  	[sflag:s6] =	ssyncadd.s32 $0xFFFFD800  }
0x4e: {  	[spmem:s21] =	stream.linear.scatter [tilespmem:s5], [sflag:$0x3], $0x2800, $0x38;
	[tilespmem:$0x19200] =	vst v63  }
0x4f: {  	_ =	swait.ge [sflag:s6], $0x2800  }
0x50: {  	[sflag:s6] =	ssyncset.done $0x0  }
0x51: {  	[sflag:s6] =	ssyncadd.s32 $0xFFFFD800  }
0x52: {  	[spmem:s22] =	stream.linear.scatter [tilespmem:s5], [sflag:$0x3], $0x2800, $0x38;
	[tilespmem:$0x19200] =	vst v63  }
0x53: {  	_ =	swait.ge [sflag:s6], $0x2800  }
0x54: {  	[sflag:s6] =	ssyncset.done $0x0  }
0x55: {  	[sflag:s6] =	ssyncadd.s32 $0xFFFFD800  }
0x56: {  	[bflag:$0x0] =	sbarrier.arrive $0xFFFF  }
0x57: {  	s25 =	simm.s32 $0x0;
	s26 =	rddreg [dreg:$0xf]  }
0x58: {  	[tilespmem:s25], [sflag:$0x3] =	stream.linear.gather [hbm4b:s26+s25], $0x50, $0x38;
	[tilespmem:$0x19200] =	vst v63  }
0x59: {  	_ =	swait.ge [sflag:s6], $0x50  }
0x5a: {  	[sflag:s6] =	ssyncset.done $0x0  }
0x5b: {  	s30 =	rddreg [dreg:$0x10];
	[sflag:s6] =	ssyncadd.s32 $0xFFFFFFB0  }
0x5c: {  	[tilespmem:s7], [sflag:$0x3] =	stream.linear.gather [hbm4b:s30+s25], $0x50, $0x38;
	[tilespmem:$0x19200] =	vst v63  }
0x5d: {  	_ =	swait.ge [sflag:s6], $0x50  }
0x5e: {  	[sflag:s6] =	ssyncset.done $0x0  }
0x5f: {  	[sflag:s6] =	ssyncadd.s32 $0xFFFFFFB0  }
0x60: {  	[tilespmem:s5], [sflag:$0x1] =	stream.indirect.gather [hbm4b:s13+s8], $0x80, s25, s8, $0xb8;
	[tilespmem:$0x19200] =	vst v63  }
0x61: {  	s28 =	rddreg [dreg:$0xc]  }
0x62: {  	[tilespmem:s9], [sflag:$0x3] =	stream.linear.gather [hbm4b:s28+s25], $0x50, $0x38;
	[tilespmem:$0x19200] =	vst v63  }
0x63: {  	_ =	swait.ge [sflag:s6], $0x50  }
0x64: {  	[sflag:s6] =	ssyncset.done $0x0  }
0x65: {  	s29 =	rddreg [dreg:$0xd];
	[sflag:s6] =	ssyncadd.s32 $0xFFFFFFB0  }
0x66: {  	[tilespmem:s10], [sflag:$0x3] =	stream.linear.gather [hbm4b:s29+s25], $0x50, $0x38;
	[tilespmem:$0x19200] =	vst v63  }
0x67: {  	_ =	swait.ge [sflag:s6], $0x50  }
0x68: {  	[sflag:s6] =	ssyncset.done $0x0  }
0x69: {  	[sflag:s6] =	ssyncadd.s32 $0xFFFFFFB0  }
0x6a: {  	_ =	swait.ge [sflag:s11], $0x2800  }
0x6b: {  	[sflag:s11] =	ssyncset.done $0x0  }
0x6c: {  	[sflag:s11] =	ssyncadd.s32 $0xFFFFD800  }
0x6d: {  	[spmem:s2] =	stream.indirect.scatter.add.f32 [tilespmem:s5], [sflag:$0x2], $0x80, s7, s8, $0xb8;
	[tilespmem:$0x19200] =	vst v63  }
0x6e: {  	_ = 	snop  }
0x6f: {  	[tilespmem:s12], [sflag:$0x1] =	stream.indirect.gather [hbm4b:s13+s8], $0x80, s9, s8, $0xb8;
	[tilespmem:$0x19200] =	vst v63  }
0x70: {  	_ =	swait.ge [sflag:s23], $0x2800  }
0x71: {  	s30 =	sshrl.u32 s3, $0x3;
	[sflag:s23] =	ssyncset.done $0x0  }
0x72: {  	s28 =	sadd.s32 s14, s30;
	[sflag:s23] =	ssyncadd.s32 $0xFFFFD800  }
0x73: {  	[tilespmem:s4], [sflag:$0x3] =	stream.linear.gather [hbm4b:s28+s4], $0x50, $0x38;
	[tilespmem:$0x19200] =	vst v63  }
0x74: {  	_ =	swait.ge [sflag:s6], $0x50  }
0x75: {  	[sflag:s6] =	ssyncset.done $0x0  }
0x76: {  	s25 =	sadd.s32 s1, s30;
	[sflag:s6] =	ssyncadd.s32 $0xFFFFFFB0  }
0x77: {  	[tilespmem:s7], [sflag:$0x3] =	stream.linear.gather [hbm4b:s25+s4], $0x50, $0x38;
	[tilespmem:$0x19200] =	vst v63  }
0x78: {  	_ =	swait.ge [sflag:s6], $0x50  }
0x79: {  	[sflag:s6] =	ssyncset.done $0x0  }
0x7a: {  	[sflag:s6] =	ssyncadd.s32 $0xFFFFFFB0  }
0x7b: {  	_ =	swait.ge [sflag:s11], $0x2800  }
0x7c: {  	[sflag:s11] =	ssyncset.done $0x0  }
0x7d: {  	[sflag:s11] =	ssyncadd.s32 $0xFFFFD800  }
0x7e: {  	[spmem:s2] =	stream.indirect.scatter.add.f32 [tilespmem:s12], [sflag:$0x2], $0x80, s10, s8, $0xb8;
	[tilespmem:$0x19200] =	vst v63  }
0x7f: {  	_ = 	snop  }
0x80: {  	[tilespmem:s5], [sflag:$0x1] =	stream.indirect.gather [hbm4b:s13+s8], $0x80, s4, s8, $0xb8;
	[tilespmem:$0x19200] =	vst v63  }
0x81: {  	_ =	swait.ge [sflag:s23], $0x2800  }
0x82: {  	[sflag:s23] =	ssyncset.done $0x0  }
0x83: {  	s29 =	sadd.s32 $0x0, s0;
	[sflag:s23] =	ssyncadd.s32 $0xFFFFD800  }
0x84: {  	[tilespmem:s9], [sflag:$0x3] =	stream.linear.gather [hbm4b:s29+s4], $0x50, $0x38;
	[tilespmem:$0x19200] =	vst v63  }
0x85: {  	_ =	swait.ge [sflag:s6], $0x50  }
0x86: {  	[sflag:s6] =	ssyncset.done $0x0  }
0x87: {  	s30 =	sadd.s32 $0x0, s31;
	[sflag:s6] =	ssyncadd.s32 $0xFFFFFFB0  }
0x88: {  	[tilespmem:s10], [sflag:$0x3] =	stream.linear.gather [hbm4b:s30+s4], $0x50, $0x38;
	[tilespmem:$0x19200] =	vst v63  }
0x89: {  	_ =	swait.ge [sflag:s6], $0x50  }
0x8a: {  	[sflag:s6] =	ssyncset.done $0x0  }
0x8b: {  	[sflag:s6] =	ssyncadd.s32 $0xFFFFFFB0  }
0x8c: {  	_ =	swait.ge [sflag:s11], $0x2800  }
0x8d: {  	[sflag:s11] =	ssyncset.done $0x0  }
0x8e: {  	s26 =	sadd.s32 $0xA0, s3;
	s25 =	simm.s32 $0x14;
	[sflag:s11] =	ssyncadd.s32 $0xFFFFD800  }
0x8f: {  	[spmem:s2] =	stream.indirect.scatter.add.f32 [tilespmem:s5], [sflag:$0x2], $0x80, s7, s8, $0xb8;
	[tilespmem:$0x19200] =	vst v63  }
.LBB2_4:
0x90: {  	[tilespmem:s12], [sflag:$0x1] =	stream.indirect.gather [hbm4b:s13+s8], $0x80, s9, s8, $0xb8;
	[tilespmem:$0x19200] =	vst v63  }
0x91: {  	s28 =	smov.u32 s25  }
0x92: {  	p0 =	sne.s32 s25, $0x4B0;
	s25 =	sadd.s32 $0x14, s25;
	_ =	swait.ge [sflag:s23], $0x2800  }
0x93: {  	s29 =	sshrl.u32 s26, $0x3;
	[sflag:s23] =	ssyncset.done $0x0  }
0x94: {  	s30 =	sadd.s32 s14, s29;
	[sflag:s23] =	ssyncadd.s32 $0xFFFFD800  }
0x95: {  	[tilespmem:s4], [sflag:$0x3] =	stream.linear.gather [hbm4b:s30+s4], $0x50, $0x38;
	[tilespmem:$0x19200] =	vst v63  }
0x96: {  	_ =	swait.ge [sflag:s6], $0x50  }
0x97: {  	[sflag:s6] =	ssyncset.done $0x0  }
0x98: {  	s29 =	sadd.s32 s1, s29;
	[sflag:s6] =	ssyncadd.s32 $0xFFFFFFB0  }
0x99: {  	[tilespmem:s7], [sflag:$0x3] =	stream.linear.gather [hbm4b:s29+s4], $0x50, $0x38;
	[tilespmem:$0x19200] =	vst v63  }
0x9a: {  	_ =	swait.ge [sflag:s6], $0x50  }
0x9b: {  	[sflag:s6] =	ssyncset.done $0x0  }
0x9c: {  	[sflag:s6] =	ssyncadd.s32 $0xFFFFFFB0  }
0x9d: {  	_ =	swait.ge [sflag:s11], $0x2800  }
0x9e: {  	[sflag:s11] =	ssyncset.done $0x0  }
0x9f: {  	[sflag:s11] =	ssyncadd.s32 $0xFFFFD800  }
0xa0: {  	[spmem:s2] =	stream.indirect.scatter.add.f32 [tilespmem:s12], [sflag:$0x2], $0x80, s10, s8, $0xb8;
	[tilespmem:$0x19200] =	vst v63  }
0xa1: {  	_ = 	snop  }
0xa2: {  	[tilespmem:s5], [sflag:$0x1] =	stream.indirect.gather [hbm4b:s13+s8], $0x80, s4, s8, $0xb8;
	[tilespmem:$0x19200] =	vst v63  }
0xa3: {  	_ =	swait.ge [sflag:s23], $0x2800  }
0xa4: {  	[sflag:s23] =	ssyncset.done $0x0  }
0xa5: {  	s29 =	sadd.s32 s28, s0;
	[sflag:s23] =	ssyncadd.s32 $0xFFFFD800  }
0xa6: {  	[tilespmem:s9], [sflag:$0x3] =	stream.linear.gather [hbm4b:s29+s4], $0x50, $0x38;
	[tilespmem:$0x19200] =	vst v63  }
0xa7: {  	_ =	swait.ge [sflag:s6], $0x50  }
0xa8: {  	[sflag:s6] =	ssyncset.done $0x0  }
0xa9: {  	s28 =	sadd.s32 s28, s31;
	[sflag:s6] =	ssyncadd.s32 $0xFFFFFFB0  }
0xaa: {  	[tilespmem:s10], [sflag:$0x3] =	stream.linear.gather [hbm4b:s28+s4], $0x50, $0x38;
	[tilespmem:$0x19200] =	vst v63  }
0xab: {  	_ =	swait.ge [sflag:s6], $0x50  }
0xac: {  	[sflag:s6] =	ssyncset.done $0x0  }
0xad: {  	[sflag:s6] =	ssyncadd.s32 $0xFFFFFFB0  }
.Ltmp1:
0xae: {  	_ =	swait.ge [sflag:s11], $0x2800;
	(pc) =	sbr.rel @p0 .LBB2_4-.Ltmp1, $4  }
0xaf: {  	[sflag:s11] =	ssyncset.done $0x0  }
0xb0: {  	[sflag:s11] =	ssyncadd.s32 $0xFFFFD800  }
0xb1: {  	[spmem:s2] =	stream.indirect.scatter.add.f32 [tilespmem:s5], [sflag:$0x2], $0x80, s7, s8, $0xb8;
	[tilespmem:$0x19200] =	vst v63  }
0xb2: {  	s26 =	sadd.s32 $0xA0, s26  }
0xb3: {  	[tilespmem:s12], [sflag:$0x1] =	stream.indirect.gather [hbm4b:s13+s8], $0x80, s9, s8, $0xb8;
	[tilespmem:$0x19200] =	vst v63  }
0xb4: {  	_ =	swait.ge [sflag:s23], $0x2800  }
0xb5: {  	[sflag:s23] =	ssyncset.done $0x0  }
0xb6: {  	s25 =	rddreg [dreg:$0x11];
	[sflag:s23] =	ssyncadd.s32 $0xFFFFD800  }
0xb7: {  	[tilespmem:s4], [sflag:$0x3] =	stream.linear.gather [hbm4b:s25+s4], $0x50, $0x38;
	[tilespmem:$0x19200] =	vst v63  }
0xb8: {  	_ =	swait.ge [sflag:s6], $0x50  }
0xb9: {  	[sflag:s6] =	ssyncset.done $0x0  }
0xba: {  	s28 =	rddreg [dreg:$0x12];
	[sflag:s6] =	ssyncadd.s32 $0xFFFFFFB0  }
0xbb: {  	[tilespmem:s7], [sflag:$0x3] =	stream.linear.gather [hbm4b:s28+s4], $0x50, $0x38;
	[tilespmem:$0x19200] =	vst v63  }
0xbc: {  	_ =	swait.ge [sflag:s6], $0x50  }
0xbd: {  	[sflag:s6] =	ssyncset.done $0x0  }
0xbe: {  	[sflag:s6] =	ssyncadd.s32 $0xFFFFFFB0  }
0xbf: {  	_ =	swait.ge [sflag:s11], $0x2800  }
0xc0: {  	[sflag:s11] =	ssyncset.done $0x0  }
0xc1: {  	[sflag:s11] =	ssyncadd.s32 $0xFFFFD800  }
0xc2: {  	[spmem:s2] =	stream.indirect.scatter.add.f32 [tilespmem:s12], [sflag:$0x2], $0x80, s10, s8, $0xb8;
	[tilespmem:$0x19200] =	vst v63  }
0xc3: {  	_ = 	snop  }
0xc4: {  	[tilespmem:s5], [sflag:$0x1] =	stream.indirect.gather [hbm4b:s13+s8], $0x80, s4, s8, $0xb8;
	[tilespmem:$0x19200] =	vst v63  }
0xc5: {  	_ =	swait.ge [sflag:s23], $0x2800  }
0xc6: {  	[sflag:s23] =	ssyncset.done $0x0  }
0xc7: {  	[sflag:s23] =	ssyncadd.s32 $0xFFFFD800  }
0xc8: {  	_ =	swait.ge [sflag:s11], $0x2800  }
0xc9: {  	[sflag:s11] =	ssyncset.done $0x0  }
0xca: {  	[sflag:s11] =	ssyncadd.s32 $0xFFFFD800  }
0xcb: {  	[spmem:s2] =	stream.indirect.scatter.add.f32 [tilespmem:s5], [sflag:$0x2], $0x80, s7, s8, $0xb8;
	[tilespmem:$0x19200] =	vst v63  }
0xcc: {  	_ =	swait.ge [sflag:s23], $0x2800  }
0xcd: {  	[sflag:s23] =	ssyncset.done $0x0  }
0xce: {  	s29 =	stileid.u32;
	[sflag:s23] =	ssyncadd.s32 $0xFFFFD800  }
0xcf: {  	s25 =	sshll.u32 s29, $0x6;
	[bflag:$0x0] =	sbarrier.arrive $0xFFFF  }
0xd0: {  	s26 =	sshrl.u32 s15, $0x3;
	s25 =	sor.u32 $0x1C03, s25;
	s28 =	rddreg [dreg:$0x4]  }
0xd1: {  	[hbm:s28], [sflag:s25] =	dma.local [spmem:s26], $0x500  }
0xd2: {  	_ =	swait.ge [sflag:s6], $0x500  }
0xd3: {  	[sflag:s6] =	ssyncset.done $0x0  }
0xd4: {  	s30 =	sshrl.u32 s16, $0x3;
	s29 =	rddreg [dreg:$0x5];
	[sflag:s6] =	ssyncadd.s32 $0xFFFFFB00  }
0xd5: {  	[hbm:s29], [sflag:s25] =	dma.local [spmem:s30], $0x500  }
0xd6: {  	_ =	swait.ge [sflag:s6], $0x500  }
0xd7: {  	[sflag:s6] =	ssyncset.done $0x0  }
0xd8: {  	s30 =	sshrl.u32 s17, $0x3;
	s29 =	rddreg [dreg:$0x6];
	[sflag:s6] =	ssyncadd.s32 $0xFFFFFB00  }
0xd9: {  	[hbm:s29], [sflag:s25] =	dma.local [spmem:s30], $0x500  }
0xda: {  	_ =	swait.ge [sflag:s6], $0x500  }
0xdb: {  	[sflag:s6] =	ssyncset.done $0x0  }
0xdc: {  	s30 =	sshrl.u32 s18, $0x3;
	s29 =	rddreg [dreg:$0x7];
	[sflag:s6] =	ssyncadd.s32 $0xFFFFFB00  }
0xdd: {  	[hbm:s29], [sflag:s25] =	dma.local [spmem:s30], $0x500  }
0xde: {  	_ =	swait.ge [sflag:s6], $0x500  }
0xdf: {  	[sflag:s6] =	ssyncset.done $0x0  }
0xe0: {  	s30 =	sshrl.u32 s19, $0x3;
	s29 =	rddreg [dreg:$0x8];
	[sflag:s6] =	ssyncadd.s32 $0xFFFFFB00  }
0xe1: {  	[hbm:s29], [sflag:s25] =	dma.local [spmem:s30], $0x500  }
0xe2: {  	_ =	swait.ge [sflag:s6], $0x500  }
0xe3: {  	[sflag:s6] =	ssyncset.done $0x0  }
0xe4: {  	s30 =	sshrl.u32 s20, $0x3;
	s29 =	rddreg [dreg:$0x9];
	[sflag:s6] =	ssyncadd.s32 $0xFFFFFB00  }
0xe5: {  	[hbm:s29], [sflag:s25] =	dma.local [spmem:s30], $0x500  }
0xe6: {  	_ =	swait.ge [sflag:s6], $0x500  }
0xe7: {  	[sflag:s6] =	ssyncset.done $0x0  }
0xe8: {  	s30 =	sshrl.u32 s21, $0x3;
	s29 =	rddreg [dreg:$0xa];
	[sflag:s6] =	ssyncadd.s32 $0xFFFFFB00  }
0xe9: {  	[hbm:s29], [sflag:s25] =	dma.local [spmem:s30], $0x500  }
0xea: {  	_ =	swait.ge [sflag:s6], $0x500  }
0xeb: {  	[sflag:s6] =	ssyncset.done $0x0  }
0xec: {  	s30 =	sshrl.u32 s22, $0x3;
	s29 =	rddreg [dreg:$0xb];
	[sflag:s6] =	ssyncadd.s32 $0xFFFFFB00  }
0xed: {  	[hbm:s29], [sflag:s25] =	dma.local [spmem:s30], $0x500  }
0xee: {  	_ =	swait.ge [sflag:s6], $0x500  }
0xef: {  	s24 =	sadd.s32 $0x1, s24;
	s30 =	rddreg [dreg:$0xe]  }
0xf0: {  	p0 =	sne.s32 s24, s30  }
.Ltmp2:
0xf1: {  	_ = 	snop;
	(pc) =	sbr.rel @p0 .LBB2_1-.Ltmp2, $3  }
0xf2: {  	_ =	sdelay $0x1  }
0xf3: {  	[sflag:s6] =	ssyncset.done $0x0  }
0xf4: {  	[sflag:s6] =	ssyncadd.s32 $0xFFFFFB00  }
0xf5: {  	_ =	sfence.sel $0x180000  }
0xf6: {  	[bflag:$0x0] =	sbarrier.arrive $0xFFFF  }
0xf7: {  	_ =	strace $0x9000004D  }
0xf8: {  	s0 =	stileid.u32;
	[bflag:$0x2] =	sbarrier.arrive $0xFFFF  }
0xf9: {  	p0 =	sne.s32 s0, $0x0;
	s0 =	rddreg [dreg:$0x3]  }
0xfa: {  	s0 =	sadd.s32 @!p0 $0x100000, s0  }
0xfb: {  	[sflag:s0] =	ssyncadd.tile.s32 @!p0 $0x1;
	_ =	shalt  }
.Lfunc_end2:
_tile_overlayer_lowered:
.L_overlay_start_2:
0xfc: {  	(tag) =	ssettag $0x2  }
0xfd: {  	s0 =	rddreg [dreg:$0x0];
	s2 =	stileid.u32  }
0xfe: {  	s1 =	rddreg [dreg:$0x1];
	p0 =	sne.s32 s2, $0x0  }
0xff: {  	s3 =	rddreg [dreg:$0x2];
	[bflag:$0x3] =	sbarrier.arrive $0xFFFF;
	s2 =	simm.s32 @!p0 $0x1C03  }
0x100: {  	[timem:s3], [sflag:s2] =	dma.local @!p0 [hbm:s0], s1  }
0x101: {  	s0 =	simm.s32 @!p0 $0x3  }
0x102: {  	_ =	swait.ge @!p0 [sflag:s0], s1  }
0x103: {  	s1 =	ssub.s32 @!p0 $0x0, s1;
	[sflag:s0] =	ssyncset.done @!p0 $0x0  }
0x104: {  	[sflag:s0] =	ssyncadd.s32 @!p0 s1  }
0x105: {  	[bflag:$0x3] =	sbarrier.arrive $0xFFFF  }
0x106: {  	_ =	shalt  }

// kernel: kernel.19.cloned.1.call-start
scs
__scs_entry_jumppad:
0x0: {  	(pc) =	sbr.rel $0x88, $3  }
0x1: {  	(tag) =	ssettag $0x0;
	lr =	simm.s32 $0x1  }
0x2: {  	[smem:$0x3F99] =	sst lr;
	_ =	strace $0xD0000000  }
0x3: {  	_ = 	snop  }
0x4: {  	_ = 	snop  }
0x5: {  	_ = 	snop  }
0x6: {  	_ = 	snop  }
0x7: {  	_ = 	snop  }
__scs_overlays_trampoline_lowered:
0x8: {  	[smem:$0x3FA8] =	sst s0  }
0x9: {  	[smem:$0x3FA9] =	sst s1  }
0xa: {  	[smem:$0x3FAA] =	sst s2  }
0xb: {  	[smem:$0x3FAB] =	sst s3  }
0xc: {  	[smem:$0x3FAC] =	sst s4  }
0xd: {  	[smem:$0x3FAD] =	sst s5  }
0xe: {  	[smem:$0x3FAE] =	sst s6  }
0xf: {  	[smem:$0x3FAF] =	sst s7  }
0x10: {  	[smem:$0x3FB0] =	sst s8  }
0x11: {  	[smem:$0x3FB1] =	sst s9;
	s0 =	simm.s32 @!p0 $0x0  }
0x12: {  	s1 =	sld [smem:$0x3F97];
	s0 =	simm.s32 @p0 $0x1  }
0x13: {  	[smem:$0x3FB2] =	sst s0;
	s0 =	simm.s32 @!p1 $0x0  }
0x14: {  	s2 =	sld [smem:$0x3F96];
	s0 =	simm.s32 @p1 $0x1  }
0x15: {  	[smem:$0x3FB3] =	sst s0;
	s0 =	simm.s32 @!p2 $0x0  }
0x16: {  	s3 =	sld [smem:$0x3FDB];
	s0 =	simm.s32 @p2 $0x1  }
0x17: {  	s4 =	simm.s32 $0x1BF5;
	[smem:$0x3FB5] =	sst s0  }
0x18: {  	s0 =	sld [smem:$0x3F98];
	_ =	swait.ge [sflag:s4], $0x0  }
0x19: {  	s7 =	sld [smem:$0x3F99]  }
0x1a: {  	s8 =	sadd.s32 $0xFFFFE003, lr  }
0x1b: {  	s9 =	sadd.s32 $0xFFFFFEF7, lr;
	s5 =	simm.s32 $0xFFFFFFFF;
	p2 =	slt.u32 s8, $0xFFFFF086  }
0x1c: {  	p1 =	slt.u32 s9, $0xF7A;
	s5 =	simm.s32 @!p2 $0x0  }
0x1d: {  	s5 =	simm.s32 @p1 $0x1;
	p0 =	seq.s32 s7, s2  }
0x1e: {  	s7 =	smul.u32 @!p0 $0xF7A, s2;
	p2 =	seq.s32 @!p0 s5, $0x0  }
0x1f: {  	s9 =	smul.u32 $0xF7A, s1;
	s8 =	simm.s32 @!p0 $0x1BF5;
	p2 =	por !p2, p0  }
0x20: {  	[sflag:s8] =	ssyncset.s32 @!p0 $0xFFFFF086;
	s6 =	sadd.s32 @!p0 s3, s7;
	s7 =	simm.s32 @!p0 $0x108  }
0x21: {  	s3 =	sadd.s32 s3, s9;
	s6 =	sadd.s32 @!p0 $0x88, s6;
	s7 =	simm.s32 @p2 $0x1082  }
0x22: {  	[simem:s7], [sflag:s8] =	dma.local @!p0 [hbm:s6], $0xF7A  }
0x23: {  	s9 =	sor.u32 $0xD0000000, s2;
	s6 =	simm.s32 $0x108;
	_ =	swait.ge @!p0 [sflag:s8], $0x0  }
0x24: {  	s3 =	sadd.s32 $0x88, s3;
	s6 =	simm.s32 @!p1 $0x1082;
	[sflag:s4] =	ssyncset.s32 $0xFFFFF086  }
0x25: {  	[simem:s6], [sflag:s4] =	dma.local [hbm:s3], $0xF7A  }
0x26: {  	[smem:$0x3F99] =	sst s1;
	(tag) =	ssettag s2;
	_ =	strace s9  }
0x27: {  	s1 =	sld [smem:$0x3FA9]  }
0x28: {  	s2 =	sld [smem:$0x3FAA]  }
0x29: {  	s4 =	sld [smem:$0x3FAC]  }
0x2a: {  	p0 =	seq.s32 s5, $0x0;
	s5 =	sld [smem:$0x3FAD]  }
0x2b: {  	s6 =	sld [smem:$0x3FAE]  }
0x2c: {  	s7 =	sld [smem:$0x3FAF]  }
0x2d: {  	s3 =	simm.s32 $0x108;
	s8 =	sld [smem:$0x3FB0]  }
0x2e: {  	s3 =	simm.s32 @!p0 $0x1082;
	s9 =	sld [smem:$0x3FB1]  }
0x2f: {  	lr =	sadd.s32 s0, s3;
	s0 =	sld [smem:$0x3FA8]  }
0x30: {  	s3 =	sld [smem:$0x3FAB]  }
0x31: {  	[smem:$0x3FB4] =	sst s10  }
0x32: {  	s10 =	sld [smem:$0x3FB2];
	_ =	sdelay $0x3  }
0x33: {  	p0 =	seq.s32 s10, $0x1;
	s10 =	sld [smem:$0x3FB4];
	_ =	sdelay $0x3  }
0x34: {  	[smem:$0x3FB4] =	sst s10  }
0x35: {  	s10 =	sld [smem:$0x3FB3];
	_ =	sdelay $0x3  }
0x36: {  	p1 =	seq.s32 s10, $0x1;
	s10 =	sld [smem:$0x3FB4];
	_ =	sdelay $0x3  }
0x37: {  	[smem:$0x3FB4] =	sst s10  }
0x38: {  	s10 =	sld [smem:$0x3FB5]  }
0x39: {  	_ = 	snop;
	(pc) =	sbr.ind lr, $3  }
0x3a: {  	_ = 	snop  }
0x3b: {  	_ = 	snop  }
0x3c: {  	p2 =	seq.s32 s10, $0x1;
	s10 =	sld [smem:$0x3FB4]  }
0x3d: {  	_ =	shalt  }
0x3e: {  	_ =	shalt  }
0x3f: {  	_ =	shalt  }
0x40: {  	_ =	shalt  }
0x41: {  	_ =	shalt  }
0x42: {  	_ =	shalt  }
0x43: {  	_ =	shalt  }
0x44: {  	_ =	shalt  }
0x45: {  	_ =	shalt  }
0x46: {  	_ =	shalt  }
0x47: {  	_ =	shalt  }
0x48: {  	_ =	shalt  }
0x49: {  	_ =	shalt  }
0x4a: {  	_ =	shalt  }
0x4b: {  	_ =	shalt  }
0x4c: {  	_ =	shalt  }
0x4d: {  	_ =	shalt  }
0x4e: {  	_ =	shalt  }
0x4f: {  	_ =	shalt  }
0x50: {  	_ =	shalt  }
0x51: {  	_ =	shalt  }
0x52: {  	_ =	shalt  }
0x53: {  	_ =	shalt  }
0x54: {  	_ =	shalt  }
0x55: {  	_ =	shalt  }
0x56: {  	_ =	shalt  }
0x57: {  	_ =	shalt  }
0x58: {  	_ =	shalt  }
0x59: {  	_ =	shalt  }
0x5a: {  	_ =	shalt  }
0x5b: {  	_ =	shalt  }
0x5c: {  	_ =	shalt  }
0x5d: {  	_ =	shalt  }
0x5e: {  	_ =	shalt  }
0x5f: {  	_ =	shalt  }
0x60: {  	_ =	shalt  }
0x61: {  	_ =	shalt  }
0x62: {  	_ =	shalt  }
0x63: {  	_ =	shalt  }
0x64: {  	_ =	shalt  }
0x65: {  	_ =	shalt  }
0x66: {  	_ =	shalt  }
0x67: {  	_ =	shalt  }
0x68: {  	_ =	shalt  }
0x69: {  	_ =	shalt  }
0x6a: {  	_ =	shalt  }
0x6b: {  	_ =	shalt  }
0x6c: {  	_ =	shalt  }
0x6d: {  	_ =	shalt  }
0x6e: {  	_ =	shalt  }
0x6f: {  	_ =	shalt  }
0x70: {  	_ =	shalt  }
0x71: {  	_ =	shalt  }
0x72: {  	_ =	shalt  }
0x73: {  	_ =	shalt  }
0x74: {  	_ =	shalt  }
0x75: {  	_ =	shalt  }
0x76: {  	_ =	shalt  }
0x77: {  	_ =	shalt  }
0x78: {  	_ =	shalt  }
0x79: {  	_ =	shalt  }
0x7a: {  	_ =	shalt  }
0x7b: {  	_ =	shalt  }
0x7c: {  	_ =	shalt  }
0x7d: {  	_ =	shalt  }
0x7e: {  	_ =	shalt  }
0x7f: {  	_ =	shalt  }
0x80: {  	_ =	shalt  }
0x81: {  	_ =	shalt  }
0x82: {  	_ =	shalt  }
0x83: {  	_ =	shalt  }
0x84: {  	_ =	shalt  }
0x85: {  	_ =	shalt  }
0x86: {  	_ =	shalt  }
0x87: {  	_ =	shalt  }
.Lfunc_end0:
.L_simem_size_0:
called_computation.3_lowered:
.L_overlay_start_0:
0x88: {  	s2 =	sld [smem:$0x3FD9]  }
0x89: {  	s3 =	sld [smem:$0x3FFE];
	_ =	sdelay $0x1  }
0x8a: {  	s1 =	srdreg.scid  }
0x8b: {  	s0 =	sand.u32 $0x1, s1  }
0x8c: {  	s17 =	sshll.u32 s0, $0xA;
	s2 =	sadd.s32 s3, s2  }
0x8d: {  	s2 =	sadd.s32 s2, s17  }
0x8e: {  	[smem:$0x3FC0] =	sst s2  }
0x8f: {  	_ = 	snop  }
0x90: {  	s2 =	sld [smem:$0x3FD0];
	(tm) =	ssettm $0x1  }
0x91: {  	s18 =	sld [smem:$0x3FFB];
	_ =	sdelay $0x3  }
0x92: {  	_ =	strace s18  }
0x93: {  	s3 =	sld [smem:$0x3FFC];
	_ =	sdelay $0x3  }
0x94: {  	_ =	strace s3  }
0x95: {  	s3 =	sld [smem:$0x3FFD];
	_ =	sdelay $0x3  }
0x96: {  	_ =	strace s3  }
0x97: {  	_ =	strace $0x8FFFFFFF  }
0x98: {  	s19 =	sld [smem:$0x3FDB];
	_ =	sdelay $0x1  }
0x99: {  	s4 =	simm.s32 $_scs_section_size  }
0x9a: {  	s5 =	simm.s32 $_size__tile_overlayer_lowered;
	s6 =	simm.s32 $_tile_overlayer_lowered  }
0x9b: {  	s22 =	simm.s32 $0x1BFF;
	s21 =	sshll.u32 s6, $0x1;
	s3 =	sadd.s32 s4, s19  }
0x9c: {  	s7 =	simm.s32 $0x0;
	s20 =	sshll.u32 s5, $0x1;
	s5 =	sadd.s32 s21, s3  }
0x9d: {  	[timem:s7], [sflag:s22] =	dma.local [hbm:s5], s20  }
0x9e: {  	_ =	swait.ge [sflag:s22], s20  }
0x9f: {  	s4 =	ssub.s32 $0x0, s20;
	[sflag:s22] =	ssyncset.done $0x0  }
0xa0: {  	[sflag:s22] =	ssyncadd.s32 s4;
	_ =	sdelay $0x1  }
0xa1: {  	s23 =	simm.s32 $0x1B8B  }
0xa2: {  	_ =	swait.ge [sflag:s23], $0x1  }
0xa3: {  	[sflag:s23] =	ssyncset.done $0x0  }
0xa4: {  	s25 =	simm.s32 $0x1B8E;
	s24 =	sld [smem:$0x3FFE];
	[sflag:s23] =	ssyncadd.s32 $0xFFFFFFFF  }
0xa5: {  	s26 =	simm.s32 $execute0_lowered;
	[smem:$0x3FD2] =	sst s25  }
0xa6: {  	s5 =	sshll.u32 s26, $0x1;
	_ =	strace $0x8000004F;
	[dreg:$0x1] =	wrdreg $0xFFFFFFFF  }
0xa7: {  	s28 =	simm.s32 $_size_execute0_lowered;
	s3 =	sadd.s32 s3, s5;
	[dreg:$0x0] =	wrdreg $0x0  }
0xa8: {  	s5 =	sshll.u32 s28, $0x1;
	[dreg:$0x2] =	wrdreg s3  }
0xa9: {  	[dreg:$0x3] =	wrdreg s5  }
0xaa: {  	[dreg:$0x4] =	wrdreg $0xC0  }
0xab: {  	_ =	task [dreg:s7], $0x5FFFF  }
0xac: {  	[dreg:$0x1] =	wrdreg $0xFFFFFFFF  }
0xad: {  	[dreg:$0x0] =	wrdreg $0x60  }
0xae: {  	[dreg:$0x2] =	wrdreg s24  }
0xaf: {  	[dreg:$0x3] =	wrdreg s2  }
0xb0: {  	[dreg:$0x4] =	wrdreg $0x52000  }
0xb1: {  	[dreg:$0x5] =	wrdreg $0x9  }
0xb2: {  	_ =	task.clear_ibuf [dreg:s7], $0x6FFFF;
	_ =	strace $0x9000004F  }
0xb3: {  	s29 =	simm.s32 $0x9;
	_ =	strace $0x80000051  }
0xb4: {  	_ =	swait.ge [sflag:s29], $0x1  }
0xb5: {  	[sflag:s29] =	ssyncadd.s32 $0xFFFFFFFF  }
0xb6: {  	_ =	strace $0x90000051  }
0xb7: {  	_ =	sfence  }
0xb8: {  	s30 =	sld [smem:$0x0];
	_ =	sdelay $0x2  }
0xb9: {  	s31 =	sshll.u32 s1, $0xD;
	s1 =	sshrl.u32 s1, $0x2  }
0xba: {  	s3 =	sand.u32 $0x4000, s31;
	s1 =	sadd.s32 s1, s30  }
0xbb: {  	s0 =	sor.u32 s3, s0;
	s1 =	sshll.u32 s1, $0x11  }
0xbc: {  	s0 =	sor.u32 s1, s0  }
0xbd: {  	s0 =	sadd.s32 $0x8F2B, s0  }
0xbe: {  	[sflag:s0] =	ssyncadd.remote.s32 $0x1  }
0xbf: {  	_ =	sfence.sel $0xFFFF  }
0xc0: {  	[dreg:$0x0] =	wrdreg $0xFFFFFFFF;
	(pc) =	sbr.abs _section_cstart, $3  }
0xc1: {  	[dreg:$0x1] =	wrdreg $0xFFFFFFFF  }
0xc2: {  	_ =	task.clear_ibuf [dreg:s7], $0x2FFFF;
	_ =	strace $0x9FFFFFFF  }
0xc3: {  	(tm) =	ssettm $0x7FFFFFFF  }
tec
execute0_lowered:
.L_overlay_start_1:
0x0: {  	(tag) =	ssettag $0x1  }
0x1: {  	s0 =	rddreg [dreg:$0x0]  }
0x2: {  	s1 =	rddreg [dreg:$0x1];
	s16 =	stileid.u32  }
0x3: {  	s2 =	rddreg [dreg:$0x2];
	s7 =	smul.u32 $0x14000, s16  }
0x4: {  	s3 =	srdreg.scid;
	s4 =	simm.s32 $0x0;
	s17 =	smul.u32 $0x2710, s16  }
0x5: {  	s3 =	sand.u32 $0x1, s3;
	[smem:$0x7FF] =	sst s4;
	s19 =	smul.u32 $0x50000, s16  }
0x6: {  	s8 =	sadd.s32 $0x34A00, s0;
	s5 =	ssub.s32 $0x2, s3;
	s13 =	smul.u32 $0x140000, s3  }
0x7: {  	_ =	strace $0x80000050;
	s23 =	sshll.u32 s3, $0x4;
	s3 =	smul.u32 $0x27100, s3  }
0x8: {  	s6 =	sshrl.u32 s5, $0x1;
	s9 =	sor.u32 $0x2800, s7;
	s10 =	sadd.s32 $0x5000, s7  }
0x9: {  	s11 =	sadd.s32 $0x7800, s7;
	s12 =	sadd.s32 $0xA000, s7;
	s20 =	sadd.s32 $0xC800, s7  }
0xa: {  	s21 =	sadd.s32 $0xF000, s7;
	s22 =	sadd.s32 $0x11800, s7;
	s5 =	ssub.s32 s5, s6  }
0xb: {  	s7 =	sadd.s32 s7, s13;
	s14 =	sadd.s32 s13, s9;
	s15 =	sadd.s32 s13, s10  }
0xc: {  	s26 =	sadd.s32 s13, s11;
	s28 =	sadd.s32 s13, s12;
	s29 =	sadd.s32 s13, s20  }
0xd: {  	s3 =	sadd.s32 s17, s3;
	s6 =	sor.u32 s16, s23;
	s23 =	sshrl.u32 s19, $0x2  }
0xe: {  	s16 =	sadd.s32 s9, s2;
	s17 =	sadd.s32 s10, s2;
	s19 =	sadd.s32 s12, s2  }
0xf: {  	s20 =	sadd.s32 s20, s2;
	s9 =	simm.s32 $0x100;
	s10 =	simm.s32 $0x180  }
0x10: {  	s12 =	simm.s32 $0x2A00;
	s7 =	sshrl.u32 s7, $0x3;
	s14 =	sshrl.u32 s14, $0x3  }
0x11: {  	s15 =	sshrl.u32 s15, $0x3;
	s6 =	smul.u32 $0x2710, s6;
	s5 =	smax.u32 s5, $0x1  }
0x12: {  	s7 =	sadd.s32 s8, s7;
	s24 =	sadd.s32 s8, s14;
	[dreg:$0xe] =	wrdreg s5  }
0x13: {  	s25 =	sadd.s32 s8, s15;
	s14 =	sshrl.u32 s28, $0x3;
	[dreg:$0x4] =	wrdreg s7  }
0x14: {  	s15 =	sshrl.u32 s29, $0x3;
	s28 =	sadd.s32 $0xF0, s3;
	[dreg:$0x5] =	wrdreg s24  }
0x15: {  	s3 =	sadd.s32 $0xA0, s3;
	[dreg:$0x6] =	wrdreg s25;
	s7 =	sshrl.u32 s26, $0x3  }
0x16: {  	s30 =	sadd.s32 s8, s14;
	s14 =	sadd.s32 s8, s15;
	s15 =	sadd.s32 s13, s21  }
0x17: {  	s13 =	sadd.s32 s13, s22;
	s24 =	sshrl.u32 s6, $0x3;
	s21 =	sadd.s32 s21, s2  }
0x18: {  	s22 =	sadd.s32 s22, s2;
	s5 =	sshrl.u32 s28, $0x3;
	[dreg:$0x8] =	wrdreg s30  }
0x19: {  	s7 =	sadd.s32 s8, s7;
	[dreg:$0x9] =	wrdreg s14;
	s13 =	sshrl.u32 s13, $0x3  }
0x1a: {  	s14 =	sadd.s32 $0x2C00, s0;
	s6 =	sadd.s32 $0xA, s24;
	s29 =	sadd.s32 s1, s24  }
0x1b: {  	s31 =	sadd.s32 s5, s1;
	[dreg:$0x7] =	wrdreg s7;
	s7 =	sshrl.u32 s15, $0x3  }
0x1c: {  	s18 =	sadd.s32 s8, s13;
	s13 =	sadd.s32 $0xCA00, s0;
	[dreg:$0x10] =	wrdreg s29  }
0x1d: {  	s15 =	sadd.s32 s23, s2;
	s25 =	sadd.s32 s14, s6;
	[dreg:$0xb] =	wrdreg s18  }
0x1e: {  	s6 =	sadd.s32 s1, s6;
	s26 =	sadd.s32 s14, s24;
	[dreg:$0xc] =	wrdreg s25  }
0x1f: {  	s0 =	sadd.s32 $0x4D8, s24;
	s23 =	simm.s32 $0x2;
	[dreg:$0xd] =	wrdreg s6  }
0x20: {  	s24 =	simm.s32 $0x0;
	s7 =	sadd.s32 s8, s7;
	[dreg:$0xf] =	wrdreg s26  }
0x21: {  	s18 =	sadd.s32 s11, s2;
	s30 =	sadd.s32 s14, s0;
	[dreg:$0xa] =	wrdreg s7  }
0x22: {  	s0 =	sadd.s32 s1, s0;
	s6 =	simm.s32 $0x3;
	[dreg:$0x11] =	wrdreg s30  }
0x23: {  	s8 =	simm.s32 $0x50;
	s11 =	simm.s32 $0x1;
	[dreg:$0x12] =	wrdreg s0  }
0x24: {  	v0 =	vimm.f32 $0.0e+00;
	s0 =	sadd.s32 s5, s14;
	s5 =	simm.s32 $0x200;
	s7 =	simm.s32 $0x80  }
.LBB2_1:
0x25: {  	s25 =	simm.s32 $0x0;
	s26 =	simm.s32 $0x200  }
.LBB2_2:
0x26: {  	p0 =	sne.s32 s26, $0x9E00;
	[tilespmem:s25+$0x270] =	vst v0  }
0x27: {  	[tilespmem:s25+$0x200] =	vst v0  }
0x28: {  	[tilespmem:s25+$0x210] =	vst v0  }
.Ltmp0:
0x29: {  	[tilespmem:s25+$0x220] =	vst v0;
	(pc) =	sbr.rel @p0 .LBB2_2-.Ltmp0, $4  }
0x2a: {  	[tilespmem:s25+$0x230] =	vst v0  }
0x2b: {  	[tilespmem:s25+$0x240] =	vst v0  }
0x2c: {  	[tilespmem:s25+$0x250] =	vst v0  }
0x2d: {  	[tilespmem:s25+$0x260] =	vst v0;
	s25 =	sshra.s32 s26, $0x2;
	s26 =	sadd.s32 $0x200, s26  }
0x2e: {  	[tilespmem:s25+$0x270] =	vst v0  }
0x2f: {  	[tilespmem:s25+$0x200] =	vst v0  }
0x30: {  	[tilespmem:s25+$0x210] =	vst v0  }
0x31: {  	[tilespmem:s25+$0x220] =	vst v0  }
0x32: {  	[tilespmem:s25+$0x230] =	vst v0  }
0x33: {  	[tilespmem:s25+$0x240] =	vst v0  }
0x34: {  	[tilespmem:s25+$0x250] =	vst v0  }
0x35: {  	[tilespmem:s25+$0x260] =	vst v0  }
0x36: {  	[spmem:s15] =	stream.linear.scatter [tilespmem:s5], [sflag:$0x3], $0x2800, $0x38;
	[tilespmem:$0x19200] =	vst v63  }
0x37: {  	_ =	swait.ge [sflag:s6], $0x2800  }
0x38: {  	[sflag:s6] =	ssyncset.done $0x0  }
0x39: {  	[sflag:s6] =	ssyncadd.s32 $0xFFFFD800  }
0x3a: {  	[spmem:s16] =	stream.linear.scatter [tilespmem:s5], [sflag:$0x3], $0x2800, $0x38;
	[tilespmem:$0x19200] =	vst v63  }
0x3b: {  	_ =	swait.ge [sflag:s6], $0x2800  }
0x3c: {  	[sflag:s6] =	ssyncset.done $0x0  }
0x3d: {  	[sflag:s6] =	ssyncadd.s32 $0xFFFFD800  }
0x3e: {  	[spmem:s17] =	stream.linear.scatter [tilespmem:s5], [sflag:$0x3], $0x2800, $0x38;
	[tilespmem:$0x19200] =	vst v63  }
0x3f: {  	_ =	swait.ge [sflag:s6], $0x2800  }
0x40: {  	[sflag:s6] =	ssyncset.done $0x0  }
0x41: {  	[sflag:s6] =	ssyncadd.s32 $0xFFFFD800  }
0x42: {  	[spmem:s18] =	stream.linear.scatter [tilespmem:s5], [sflag:$0x3], $0x2800, $0x38;
	[tilespmem:$0x19200] =	vst v63  }
0x43: {  	_ =	swait.ge [sflag:s6], $0x2800  }
0x44: {  	[sflag:s6] =	ssyncset.done $0x0  }
0x45: {  	[sflag:s6] =	ssyncadd.s32 $0xFFFFD800  }
0x46: {  	[spmem:s19] =	stream.linear.scatter [tilespmem:s5], [sflag:$0x3], $0x2800, $0x38;
	[tilespmem:$0x19200] =	vst v63  }
0x47: {  	_ =	swait.ge [sflag:s6], $0x2800  }
0x48: {  	[sflag:s6] =	ssyncset.done $0x0  }
0x49: {  	[sflag:s6] =	ssyncadd.s32 $0xFFFFD800  }
0x4a: {  	[spmem:s20] =	stream.linear.scatter [tilespmem:s5], [sflag:$0x3], $0x2800, $0x38;
	[tilespmem:$0x19200] =	vst v63  }
0x4b: {  	_ =	swait.ge [sflag:s6], $0x2800  }
0x4c: {  	[sflag:s6] =	ssyncset.done $0x0  }
0x4d: {  	[sflag:s6] =	ssyncadd.s32 $0xFFFFD800  }
0x4e: {  	[spmem:s21] =	stream.linear.scatter [tilespmem:s5], [sflag:$0x3], $0x2800, $0x38;
	[tilespmem:$0x19200] =	vst v63  }
0x4f: {  	_ =	swait.ge [sflag:s6], $0x2800  }
0x50: {  	[sflag:s6] =	ssyncset.done $0x0  }
0x51: {  	[sflag:s6] =	ssyncadd.s32 $0xFFFFD800  }
0x52: {  	[spmem:s22] =	stream.linear.scatter [tilespmem:s5], [sflag:$0x3], $0x2800, $0x38;
	[tilespmem:$0x19200] =	vst v63  }
0x53: {  	_ =	swait.ge [sflag:s6], $0x2800  }
0x54: {  	[sflag:s6] =	ssyncset.done $0x0  }
0x55: {  	[sflag:s6] =	ssyncadd.s32 $0xFFFFD800  }
0x56: {  	[bflag:$0x0] =	sbarrier.arrive $0xFFFF  }
0x57: {  	s25 =	simm.s32 $0x0;
	s26 =	rddreg [dreg:$0xf]  }
0x58: {  	[tilespmem:s25], [sflag:$0x3] =	stream.linear.gather [hbm4b:s26+s25], $0x50, $0x38;
	[tilespmem:$0x19200] =	vst v63  }
0x59: {  	_ =	swait.ge [sflag:s6], $0x50  }
0x5a: {  	[sflag:s6] =	ssyncset.done $0x0  }
0x5b: {  	s30 =	rddreg [dreg:$0x10];
	[sflag:s6] =	ssyncadd.s32 $0xFFFFFFB0  }
0x5c: {  	[tilespmem:s7], [sflag:$0x3] =	stream.linear.gather [hbm4b:s30+s25], $0x50, $0x38;
	[tilespmem:$0x19200] =	vst v63  }
0x5d: {  	_ =	swait.ge [sflag:s6], $0x50  }
0x5e: {  	[sflag:s6] =	ssyncset.done $0x0  }
0x5f: {  	[sflag:s6] =	ssyncadd.s32 $0xFFFFFFB0  }
0x60: {  	[tilespmem:s5], [sflag:$0x1] =	stream.indirect.gather [hbm4b:s13+s8], $0x80, s25, s8, $0xb8;
	[tilespmem:$0x19200] =	vst v63  }
0x61: {  	s28 =	rddreg [dreg:$0xc]  }
0x62: {  	[tilespmem:s9], [sflag:$0x3] =	stream.linear.gather [hbm4b:s28+s25], $0x50, $0x38;
	[tilespmem:$0x19200] =	vst v63  }
0x63: {  	_ =	swait.ge [sflag:s6], $0x50  }
0x64: {  	[sflag:s6] =	ssyncset.done $0x0  }
0x65: {  	s29 =	rddreg [dreg:$0xd];
	[sflag:s6] =	ssyncadd.s32 $0xFFFFFFB0  }
0x66: {  	[tilespmem:s10], [sflag:$0x3] =	stream.linear.gather [hbm4b:s29+s25], $0x50, $0x38;
	[tilespmem:$0x19200] =	vst v63  }
0x67: {  	_ =	swait.ge [sflag:s6], $0x50  }
0x68: {  	[sflag:s6] =	ssyncset.done $0x0  }
0x69: {  	[sflag:s6] =	ssyncadd.s32 $0xFFFFFFB0  }
0x6a: {  	_ =	swait.ge [sflag:s11], $0x2800  }
0x6b: {  	[sflag:s11] =	ssyncset.done $0x0  }
0x6c: {  	[sflag:s11] =	ssyncadd.s32 $0xFFFFD800  }
0x6d: {  	[spmem:s2] =	stream.indirect.scatter.add.f32 [tilespmem:s5], [sflag:$0x2], $0x80, s7, s8, $0xb8;
	[tilespmem:$0x19200] =	vst v63  }
0x6e: {  	_ = 	snop  }
0x6f: {  	[tilespmem:s12], [sflag:$0x1] =	stream.indirect.gather [hbm4b:s13+s8], $0x80, s9, s8, $0xb8;
	[tilespmem:$0x19200] =	vst v63  }
0x70: {  	_ =	swait.ge [sflag:s23], $0x2800  }
0x71: {  	s30 =	sshrl.u32 s3, $0x3;
	[sflag:s23] =	ssyncset.done $0x0  }
0x72: {  	s28 =	sadd.s32 s14, s30;
	[sflag:s23] =	ssyncadd.s32 $0xFFFFD800  }
0x73: {  	[tilespmem:s4], [sflag:$0x3] =	stream.linear.gather [hbm4b:s28+s4], $0x50, $0x38;
	[tilespmem:$0x19200] =	vst v63  }
0x74: {  	_ =	swait.ge [sflag:s6], $0x50  }
0x75: {  	[sflag:s6] =	ssyncset.done $0x0  }
0x76: {  	s25 =	sadd.s32 s1, s30;
	[sflag:s6] =	ssyncadd.s32 $0xFFFFFFB0  }
0x77: {  	[tilespmem:s7], [sflag:$0x3] =	stream.linear.gather [hbm4b:s25+s4], $0x50, $0x38;
	[tilespmem:$0x19200] =	vst v63  }
0x78: {  	_ =	swait.ge [sflag:s6], $0x50  }
0x79: {  	[sflag:s6] =	ssyncset.done $0x0  }
0x7a: {  	[sflag:s6] =	ssyncadd.s32 $0xFFFFFFB0  }
0x7b: {  	_ =	swait.ge [sflag:s11], $0x2800  }
0x7c: {  	[sflag:s11] =	ssyncset.done $0x0  }
0x7d: {  	[sflag:s11] =	ssyncadd.s32 $0xFFFFD800  }
0x7e: {  	[spmem:s2] =	stream.indirect.scatter.add.f32 [tilespmem:s12], [sflag:$0x2], $0x80, s10, s8, $0xb8;
	[tilespmem:$0x19200] =	vst v63  }
0x7f: {  	_ = 	snop  }
0x80: {  	[tilespmem:s5], [sflag:$0x1] =	stream.indirect.gather [hbm4b:s13+s8], $0x80, s4, s8, $0xb8;
	[tilespmem:$0x19200] =	vst v63  }
0x81: {  	_ =	swait.ge [sflag:s23], $0x2800  }
0x82: {  	[sflag:s23] =	ssyncset.done $0x0  }
0x83: {  	s29 =	sadd.s32 $0x0, s0;
	[sflag:s23] =	ssyncadd.s32 $0xFFFFD800  }
0x84: {  	[tilespmem:s9], [sflag:$0x3] =	stream.linear.gather [hbm4b:s29+s4], $0x50, $0x38;
	[tilespmem:$0x19200] =	vst v63  }
0x85: {  	_ =	swait.ge [sflag:s6], $0x50  }
0x86: {  	[sflag:s6] =	ssyncset.done $0x0  }
0x87: {  	s30 =	sadd.s32 $0x0, s31;
	[sflag:s6] =	ssyncadd.s32 $0xFFFFFFB0  }
0x88: {  	[tilespmem:s10], [sflag:$0x3] =	stream.linear.gather [hbm4b:s30+s4], $0x50, $0x38;
	[tilespmem:$0x19200] =	vst v63  }
0x89: {  	_ =	swait.ge [sflag:s6], $0x50  }
0x8a: {  	[sflag:s6] =	ssyncset.done $0x0  }
0x8b: {  	[sflag:s6] =	ssyncadd.s32 $0xFFFFFFB0  }
0x8c: {  	_ =	swait.ge [sflag:s11], $0x2800  }
0x8d: {  	[sflag:s11] =	ssyncset.done $0x0  }
0x8e: {  	s26 =	sadd.s32 $0xA0, s3;
	s25 =	simm.s32 $0x14;
	[sflag:s11] =	ssyncadd.s32 $0xFFFFD800  }
0x8f: {  	[spmem:s2] =	stream.indirect.scatter.add.f32 [tilespmem:s5], [sflag:$0x2], $0x80, s7, s8, $0xb8;
	[tilespmem:$0x19200] =	vst v63  }
.LBB2_4:
0x90: {  	[tilespmem:s12], [sflag:$0x1] =	stream.indirect.gather [hbm4b:s13+s8], $0x80, s9, s8, $0xb8;
	[tilespmem:$0x19200] =	vst v63  }
0x91: {  	s28 =	smov.u32 s25  }
0x92: {  	p0 =	sne.s32 s25, $0x4B0;
	s25 =	sadd.s32 $0x14, s25;
	_ =	swait.ge [sflag:s23], $0x2800  }
0x93: {  	s29 =	sshrl.u32 s26, $0x3;
	[sflag:s23] =	ssyncset.done $0x0  }
0x94: {  	s30 =	sadd.s32 s14, s29;
	[sflag:s23] =	ssyncadd.s32 $0xFFFFD800  }
0x95: {  	[tilespmem:s4], [sflag:$0x3] =	stream.linear.gather [hbm4b:s30+s4], $0x50, $0x38;
	[tilespmem:$0x19200] =	vst v63  }
0x96: {  	_ =	swait.ge [sflag:s6], $0x50  }
0x97: {  	[sflag:s6] =	ssyncset.done $0x0  }
0x98: {  	s29 =	sadd.s32 s1, s29;
	[sflag:s6] =	ssyncadd.s32 $0xFFFFFFB0  }
0x99: {  	[tilespmem:s7], [sflag:$0x3] =	stream.linear.gather [hbm4b:s29+s4], $0x50, $0x38;
	[tilespmem:$0x19200] =	vst v63  }
0x9a: {  	_ =	swait.ge [sflag:s6], $0x50  }
0x9b: {  	[sflag:s6] =	ssyncset.done $0x0  }
0x9c: {  	[sflag:s6] =	ssyncadd.s32 $0xFFFFFFB0  }
0x9d: {  	_ =	swait.ge [sflag:s11], $0x2800  }
0x9e: {  	[sflag:s11] =	ssyncset.done $0x0  }
0x9f: {  	[sflag:s11] =	ssyncadd.s32 $0xFFFFD800  }
0xa0: {  	[spmem:s2] =	stream.indirect.scatter.add.f32 [tilespmem:s12], [sflag:$0x2], $0x80, s10, s8, $0xb8;
	[tilespmem:$0x19200] =	vst v63  }
0xa1: {  	_ = 	snop  }
0xa2: {  	[tilespmem:s5], [sflag:$0x1] =	stream.indirect.gather [hbm4b:s13+s8], $0x80, s4, s8, $0xb8;
	[tilespmem:$0x19200] =	vst v63  }
0xa3: {  	_ =	swait.ge [sflag:s23], $0x2800  }
0xa4: {  	[sflag:s23] =	ssyncset.done $0x0  }
0xa5: {  	s29 =	sadd.s32 s28, s0;
	[sflag:s23] =	ssyncadd.s32 $0xFFFFD800  }
0xa6: {  	[tilespmem:s9], [sflag:$0x3] =	stream.linear.gather [hbm4b:s29+s4], $0x50, $0x38;
	[tilespmem:$0x19200] =	vst v63  }
0xa7: {  	_ =	swait.ge [sflag:s6], $0x50  }
0xa8: {  	[sflag:s6] =	ssyncset.done $0x0  }
0xa9: {  	s28 =	sadd.s32 s28, s31;
	[sflag:s6] =	ssyncadd.s32 $0xFFFFFFB0  }
0xaa: {  	[tilespmem:s10], [sflag:$0x3] =	stream.linear.gather [hbm4b:s28+s4], $0x50, $0x38;
	[tilespmem:$0x19200] =	vst v63  }
0xab: {  	_ =	swait.ge [sflag:s6], $0x50  }
0xac: {  	[sflag:s6] =	ssyncset.done $0x0  }
0xad: {  	[sflag:s6] =	ssyncadd.s32 $0xFFFFFFB0  }
.Ltmp1:
0xae: {  	_ =	swait.ge [sflag:s11], $0x2800;
	(pc) =	sbr.rel @p0 .LBB2_4-.Ltmp1, $4  }
0xaf: {  	[sflag:s11] =	ssyncset.done $0x0  }
0xb0: {  	[sflag:s11] =	ssyncadd.s32 $0xFFFFD800  }
0xb1: {  	[spmem:s2] =	stream.indirect.scatter.add.f32 [tilespmem:s5], [sflag:$0x2], $0x80, s7, s8, $0xb8;
	[tilespmem:$0x19200] =	vst v63  }
0xb2: {  	s26 =	sadd.s32 $0xA0, s26  }
0xb3: {  	[tilespmem:s12], [sflag:$0x1] =	stream.indirect.gather [hbm4b:s13+s8], $0x80, s9, s8, $0xb8;
	[tilespmem:$0x19200] =	vst v63  }
0xb4: {  	_ =	swait.ge [sflag:s23], $0x2800  }
0xb5: {  	[sflag:s23] =	ssyncset.done $0x0  }
0xb6: {  	s25 =	rddreg [dreg:$0x11];
	[sflag:s23] =	ssyncadd.s32 $0xFFFFD800  }
0xb7: {  	[tilespmem:s4], [sflag:$0x3] =	stream.linear.gather [hbm4b:s25+s4], $0x50, $0x38;
	[tilespmem:$0x19200] =	vst v63  }
0xb8: {  	_ =	swait.ge [sflag:s6], $0x50  }
0xb9: {  	[sflag:s6] =	ssyncset.done $0x0  }
0xba: {  	s28 =	rddreg [dreg:$0x12];
	[sflag:s6] =	ssyncadd.s32 $0xFFFFFFB0  }
0xbb: {  	[tilespmem:s7], [sflag:$0x3] =	stream.linear.gather [hbm4b:s28+s4], $0x50, $0x38;
	[tilespmem:$0x19200] =	vst v63  }
0xbc: {  	_ =	swait.ge [sflag:s6], $0x50  }
0xbd: {  	[sflag:s6] =	ssyncset.done $0x0  }
0xbe: {  	[sflag:s6] =	ssyncadd.s32 $0xFFFFFFB0  }
0xbf: {  	_ =	swait.ge [sflag:s11], $0x2800  }
0xc0: {  	[sflag:s11] =	ssyncset.done $0x0  }
0xc1: {  	[sflag:s11] =	ssyncadd.s32 $0xFFFFD800  }
0xc2: {  	[spmem:s2] =	stream.indirect.scatter.add.f32 [tilespmem:s12], [sflag:$0x2], $0x80, s10, s8, $0xb8;
	[tilespmem:$0x19200] =	vst v63  }
0xc3: {  	_ = 	snop  }
0xc4: {  	[tilespmem:s5], [sflag:$0x1] =	stream.indirect.gather [hbm4b:s13+s8], $0x80, s4, s8, $0xb8;
	[tilespmem:$0x19200] =	vst v63  }
0xc5: {  	_ =	swait.ge [sflag:s23], $0x2800  }
0xc6: {  	[sflag:s23] =	ssyncset.done $0x0  }
0xc7: {  	[sflag:s23] =	ssyncadd.s32 $0xFFFFD800  }
0xc8: {  	_ =	swait.ge [sflag:s11], $0x2800  }
0xc9: {  	[sflag:s11] =	ssyncset.done $0x0  }
0xca: {  	[sflag:s11] =	ssyncadd.s32 $0xFFFFD800  }
0xcb: {  	[spmem:s2] =	stream.indirect.scatter.add.f32 [tilespmem:s5], [sflag:$0x2], $0x80, s7, s8, $0xb8;
	[tilespmem:$0x19200] =	vst v63  }
0xcc: {  	_ =	swait.ge [sflag:s23], $0x2800  }
0xcd: {  	[sflag:s23] =	ssyncset.done $0x0  }
0xce: {  	s29 =	stileid.u32;
	[sflag:s23] =	ssyncadd.s32 $0xFFFFD800  }
0xcf: {  	s25 =	sshll.u32 s29, $0x6;
	[bflag:$0x0] =	sbarrier.arrive $0xFFFF  }
0xd0: {  	s26 =	sshrl.u32 s15, $0x3;
	s25 =	sor.u32 $0x1C03, s25;
	s28 =	rddreg [dreg:$0x4]  }
0xd1: {  	[hbm:s28], [sflag:s25] =	dma.local [spmem:s26], $0x500  }
0xd2: {  	_ =	swait.ge [sflag:s6], $0x500  }
0xd3: {  	[sflag:s6] =	ssyncset.done $0x0  }
0xd4: {  	s30 =	sshrl.u32 s16, $0x3;
	s29 =	rddreg [dreg:$0x5];
	[sflag:s6] =	ssyncadd.s32 $0xFFFFFB00  }
0xd5: {  	[hbm:s29], [sflag:s25] =	dma.local [spmem:s30], $0x500  }
0xd6: {  	_ =	swait.ge [sflag:s6], $0x500  }
0xd7: {  	[sflag:s6] =	ssyncset.done $0x0  }
0xd8: {  	s30 =	sshrl.u32 s17, $0x3;
	s29 =	rddreg [dreg:$0x6];
	[sflag:s6] =	ssyncadd.s32 $0xFFFFFB00  }
0xd9: {  	[hbm:s29], [sflag:s25] =	dma.local [spmem:s30], $0x500  }
0xda: {  	_ =	swait.ge [sflag:s6], $0x500  }
0xdb: {  	[sflag:s6] =	ssyncset.done $0x0  }
0xdc: {  	s30 =	sshrl.u32 s18, $0x3;
	s29 =	rddreg [dreg:$0x7];
	[sflag:s6] =	ssyncadd.s32 $0xFFFFFB00  }
0xdd: {  	[hbm:s29], [sflag:s25] =	dma.local [spmem:s30], $0x500  }
0xde: {  	_ =	swait.ge [sflag:s6], $0x500  }
0xdf: {  	[sflag:s6] =	ssyncset.done $0x0  }
0xe0: {  	s30 =	sshrl.u32 s19, $0x3;
	s29 =	rddreg [dreg:$0x8];
	[sflag:s6] =	ssyncadd.s32 $0xFFFFFB00  }
0xe1: {  	[hbm:s29], [sflag:s25] =	dma.local [spmem:s30], $0x500  }
0xe2: {  	_ =	swait.ge [sflag:s6], $0x500  }
0xe3: {  	[sflag:s6] =	ssyncset.done $0x0  }
0xe4: {  	s30 =	sshrl.u32 s20, $0x3;
	s29 =	rddreg [dreg:$0x9];
	[sflag:s6] =	ssyncadd.s32 $0xFFFFFB00  }
0xe5: {  	[hbm:s29], [sflag:s25] =	dma.local [spmem:s30], $0x500  }
0xe6: {  	_ =	swait.ge [sflag:s6], $0x500  }
0xe7: {  	[sflag:s6] =	ssyncset.done $0x0  }
0xe8: {  	s30 =	sshrl.u32 s21, $0x3;
	s29 =	rddreg [dreg:$0xa];
	[sflag:s6] =	ssyncadd.s32 $0xFFFFFB00  }
0xe9: {  	[hbm:s29], [sflag:s25] =	dma.local [spmem:s30], $0x500  }
0xea: {  	_ =	swait.ge [sflag:s6], $0x500  }
0xeb: {  	[sflag:s6] =	ssyncset.done $0x0  }
0xec: {  	s30 =	sshrl.u32 s22, $0x3;
	s29 =	rddreg [dreg:$0xb];
	[sflag:s6] =	ssyncadd.s32 $0xFFFFFB00  }
0xed: {  	[hbm:s29], [sflag:s25] =	dma.local [spmem:s30], $0x500  }
0xee: {  	_ =	swait.ge [sflag:s6], $0x500  }
0xef: {  	s24 =	sadd.s32 $0x1, s24;
	s30 =	rddreg [dreg:$0xe]  }
0xf0: {  	p0 =	sne.s32 s24, s30  }
.Ltmp2:
0xf1: {  	_ = 	snop;
	(pc) =	sbr.rel @p0 .LBB2_1-.Ltmp2, $3  }
0xf2: {  	_ =	sdelay $0x1  }
0xf3: {  	[sflag:s6] =	ssyncset.done $0x0  }
0xf4: {  	[sflag:s6] =	ssyncadd.s32 $0xFFFFFB00  }
0xf5: {  	_ =	sfence.sel $0x180000  }
0xf6: {  	[bflag:$0x0] =	sbarrier.arrive $0xFFFF  }
0xf7: {  	_ =	strace $0x90000050  }
0xf8: {  	s0 =	stileid.u32;
	[bflag:$0x2] =	sbarrier.arrive $0xFFFF  }
0xf9: {  	p0 =	sne.s32 s0, $0x0;
	s0 =	rddreg [dreg:$0x3]  }
0xfa: {  	s0 =	sadd.s32 @!p0 $0x100000, s0  }
0xfb: {  	[sflag:s0] =	ssyncadd.tile.s32 @!p0 $0x1;
	_ =	shalt  }
.Lfunc_end2:
_tile_overlayer_lowered:
.L_overlay_start_2:
0xfc: {  	(tag) =	ssettag $0x2  }
0xfd: {  	s0 =	rddreg [dreg:$0x0];
	s2 =	stileid.u32  }
0xfe: {  	s1 =	rddreg [dreg:$0x1];
	p0 =	sne.s32 s2, $0x0  }
0xff: {  	s3 =	rddreg [dreg:$0x2];
	[bflag:$0x3] =	sbarrier.arrive $0xFFFF;
	s2 =	simm.s32 @!p0 $0x1C03  }
0x100: {  	[timem:s3], [sflag:s2] =	dma.local @!p0 [hbm:s0], s1  }
0x101: {  	s0 =	simm.s32 @!p0 $0x3  }
0x102: {  	_ =	swait.ge @!p0 [sflag:s0], s1  }
0x103: {  	s1 =	ssub.s32 @!p0 $0x0, s1;
	[sflag:s0] =	ssyncset.done @!p0 $0x0  }
0x104: {  	[sflag:s0] =	ssyncadd.s32 @!p0 s1  }
0x105: {  	[bflag:$0x3] =	sbarrier.arrive $0xFFFF  }
0x106: {  	_ =	shalt  }

</sc_bundles>
